<compile_context>
chip_gen: v7x
topology: tpu7x:2x2x1
jax: 0.10.2.dev20260603
libtpu: 0.0.44.dev20260713+nightly
codegen_flags: <defaults>
</compile_context>

<pallas_src>
import functools

import jax
import jax.numpy as jnp
from jax import lax
from jax.experimental import pallas as pl
from jax.experimental.pallas import tpu as pltpu
from jax.experimental.pallas import tpu_sc as plsc

_NC = 2
_NS = 16
_NW = _NC * _NS
_L = 16
_CH = 80
_NB = 5
_ZCH = 200


def _att_body(f_ref, w1_ref, b1_ref, w2_ref, b2_ref, o1_ref, o2_ref):
    f = f_ref[...]
    o1_ref[...] = jnp.dot(f, w1_ref[...], preferred_element_type=jnp.float32) + b1_ref[...]
    o2_ref[...] = jnp.dot(f, w2_ref[...], preferred_element_type=jnp.float32) + b2_ref[...]


def _comb_body(p_ref, o_ref):
    n = o_ref.shape[0]
    o_ref[...] = 1.0 / (p_ref[:n, :] + p_ref[n:, :])


def _k1_body(src_hbm, dst_hbm, att1_hbm, att2_hbm, e_hbm, part_hbm,
             sidx, didx, r1s, r2s, zbuf, denom_sh, semi, semg, semw):
    n_nodes = att1_hbm.shape[0]
    ch = sidx[0].shape[0]
    n_edges = e_hbm.shape[0]
    epw = n_edges // _NW
    nch = epw // ch
    nchunks = n_nodes // _ZCH
    per_tile = -(-nchunks // _NS)

    c = lax.axis_index("c")
    s = lax.axis_index("s")
    w = c * _NS + s
    ebase = w * epw

    def _zrow(i, _):
        zbuf[i, pl.ds(0, _L)] = jnp.zeros((_L,), jnp.float32)
        zbuf[i, pl.ds(_L, _L)] = jnp.zeros((_L,), jnp.float32)
        return 0
    lax.fori_loop(0, _ZCH, _zrow, 0)

    for j in range(per_tile):
        cid = s + _NS * j

        @pl.when(cid < nchunks)
        def _():
            pltpu.sync_copy(zbuf, denom_sh.at[pl.ds(cid * _ZCH, _ZCH)])
    plsc.subcore_barrier()

    def compute(b):
        r1x, r2x = r1s[b], r2s[b]

        @plsc.parallel_loop(0, ch, unroll=8)
        def _row(i):
            for off in (0, _L):
                a = r1x[i, pl.ds(off, _L)] + r2x[i, pl.ds(off, _L)]
                r1x[i, pl.ds(off, _L)] = jnp.exp(a / (1.0 + jnp.exp(-a)))

    def _batch(t, _):
        k0 = t * _NB
        idd = []
        for b in range(_NB):
            base = ebase + (k0 + b) * ch
            idd.append(pltpu.async_copy(src_hbm.at[pl.ds(base, ch)], sidx[b], semi[b]))
            idd.append(pltpu.async_copy(dst_hbm.at[pl.ds(base, ch)], didx[b], semi[b]))
        gd = []
        for b in range(_NB):
            idd[2 * b].wait()
            idd[2 * b + 1].wait()
            gd.append(pltpu.async_copy(att1_hbm.at[sidx[b]], r1s[b], semg[b]))
            gd.append(pltpu.async_copy(att2_hbm.at[didx[b]], r2s[b], semg[b]))
        wd = []
        for b in range(_NB):
            gd[2 * b].wait()
            gd[2 * b + 1].wait()
            compute(b)
            wd.append(pltpu.async_copy(
                r1s[b], e_hbm.at[pl.ds(ebase + (k0 + b) * ch, ch)], semw))
            pltpu.sync_copy(r1s[b], denom_sh.at[didx[b]], add=True)
        for d in wd:
            d.wait()
        return 0
    lax.fori_loop(0, nch // _NB, _batch, 0)
    plsc.subcore_barrier()

    for j in range(per_tile):
        cid = s + _NS * j

        @pl.when(cid < nchunks)
        def _():
            pltpu.sync_copy(denom_sh.at[pl.ds(cid * _ZCH, _ZCH)], zbuf)
            pltpu.sync_copy(
                zbuf, part_hbm.at[pl.ds(c * n_nodes + cid * _ZCH, _ZCH)])


def _k2_body(dst_hbm, e_hbm, den_hbm, out_hbm, didx, evs, dvs,
             semi, semg, semw):
    ch = didx[0].shape[0]
    n_edges = e_hbm.shape[0]
    epw = n_edges // _NW
    nch = epw // ch

    c = lax.axis_index("c")
    s = lax.axis_index("s")
    w = c * _NS + s
    ebase = w * epw

    def compute(b):
        evx, dvx = evs[b], dvs[b]

        @plsc.parallel_loop(0, ch, unroll=8)
        def _row(i):
            for off in (0, _L):
                evx[i, pl.ds(off, _L)] = (
                    evx[i, pl.ds(off, _L)] * dvx[i, pl.ds(off, _L)])

    def _batch(t, _):
        k0 = t * _NB
        idd = []
        for b in range(_NB):
            base = ebase + (k0 + b) * ch
            idd.append(pltpu.async_copy(dst_hbm.at[pl.ds(base, ch)], didx[b], semi[b]))
        gd = []
        for b in range(_NB):
            base = ebase + (k0 + b) * ch
            idd[b].wait()
            gd.append(pltpu.async_copy(e_hbm.at[pl.ds(base, ch)], evs[b], semg[b]))
            gd.append(pltpu.async_copy(den_hbm.at[didx[b]], dvs[b], semg[b]))
        wd = []
        for b in range(_NB):
            gd[2 * b].wait()
            gd[2 * b + 1].wait()
            compute(b)
            wd.append(pltpu.async_copy(
                evs[b], out_hbm.at[pl.ds(ebase + (k0 + b) * ch, ch)], semw))
        for d in wd:
            d.wait()
        return 0
    lax.fori_loop(0, nch // _NB, _batch, 0)


def kernel(feat, edge_index, W1, b1, W2, b2):
    n, f = feat.shape
    d = W1.shape[1]
    e = edge_index.shape[1]
    nch = e // (_NW * _CH)
    assert e % (_NW * _CH) == 0 and n % _ZCH == 0
    assert nch % _NB == 0

    src = edge_index[0].astype(jnp.int32)
    dst = edge_index[1].astype(jnp.int32)

    blk = n // 10
    att1, att2 = pl.pallas_call(
        _att_body,
        grid=(10,),
        in_specs=[
            pl.BlockSpec((blk, f), lambda i: (i, 0)),
            pl.BlockSpec((f, d), lambda i: (0, 0)),
            pl.BlockSpec((1, d), lambda i: (0, 0)),
            pl.BlockSpec((f, d), lambda i: (0, 0)),
            pl.BlockSpec((1, d), lambda i: (0, 0)),
        ],
        out_specs=[pl.BlockSpec((blk, d), lambda i: (i, 0)),
                   pl.BlockSpec((blk, d), lambda i: (i, 0))],
        out_shape=[jax.ShapeDtypeStruct((n, d), jnp.float32)] * 2,
    )(feat, W1, b1.reshape(1, d), W2, b2.reshape(1, d))

    mesh = plsc.VectorSubcoreMesh(core_axis_name="c", subcore_axis_name="s")

    e_buf, part = pl.kernel(
        _k1_body,
        out_type=[jax.ShapeDtypeStruct((e, d), jnp.float32),
                  jax.ShapeDtypeStruct((_NC * n, d), jnp.float32)],
        mesh=mesh,
        compiler_params=pltpu.CompilerParams(use_tc_tiling_on_sc=False),
        scratch_types=[
            [pltpu.VMEM((_CH,), jnp.int32) for _ in range(_NB)],
            [pltpu.VMEM((_CH,), jnp.int32) for _ in range(_NB)],
            [pltpu.VMEM((_CH, d), jnp.float32) for _ in range(_NB)],
            [pltpu.VMEM((_CH, d), jnp.float32) for _ in range(_NB)],
            pltpu.VMEM((_ZCH, d), jnp.float32),
            pltpu.VMEM_SHARED((n, d), jnp.float32),
            [pltpu.SemaphoreType.DMA for _ in range(_NB)],
            [pltpu.SemaphoreType.DMA for _ in range(_NB)],
            pltpu.SemaphoreType.DMA,
        ],
    )(src, dst, att1, att2)

    denom = pl.pallas_call(
        _comb_body,
        out_shape=jax.ShapeDtypeStruct((n, d), jnp.float32),
    )(part)

    out = pl.kernel(
        _k2_body,
        out_type=jax.ShapeDtypeStruct((e, d), jnp.float32),
        mesh=mesh,
        compiler_params=pltpu.CompilerParams(use_tc_tiling_on_sc=False),
        scratch_types=[
            [pltpu.VMEM((_CH,), jnp.int32) for _ in range(_NB)],
            [pltpu.VMEM((_CH, d), jnp.float32) for _ in range(_NB)],
            [pltpu.VMEM((_CH, d), jnp.float32) for _ in range(_NB)],
            [pltpu.SemaphoreType.DMA for _ in range(_NB)],
            [pltpu.SemaphoreType.DMA for _ in range(_NB)],
            pltpu.SemaphoreType.DMA,
        ],
    )(dst, e_buf, denom)

    return out

# --- scband reference (transcript-rebuilt; emitter-appended) ---
"""Pipeline reference for scband-attension-9216999817566 (READ-ONLY COPY).

The authoritative reference and input builder live on the scoring server;
editing this copy changes nothing except your own understanding.
"""

import jax, jax.numpy as jnp
import numpy as np

N_NODES = 10000
N_EDGES = 320000
D_FEAT = 128
D_ATT = 32


def swish(x):
    return x * jax.nn.sigmoid(x)


def setup_inputs(seed: int = 0) -> dict:
    key = jax.random.key(seed)
    k1, k2, k3, k4, k5, k6, k7 = jax.random.split(key, 7)
    feat = jax.random.normal(k1, (N_NODES, D_FEAT), dtype=jnp.float32)
    edge_index = jax.random.randint(k2, (2, N_EDGES), 0, N_NODES, dtype=jnp.int64)
    # Dense layer parameters (linear with bias)
    W1 = jax.random.normal(k3, (D_FEAT, D_ATT), dtype=jnp.float32) / np.sqrt(D_FEAT)
    b1 = jax.random.normal(k4, (D_ATT,), dtype=jnp.float32) * 0.01
    W2 = jax.random.normal(k5, (D_FEAT, D_ATT), dtype=jnp.float32) / np.sqrt(D_FEAT)
    b2 = jax.random.normal(k6, (D_ATT,), dtype=jnp.float32) * 0.01
    return {"feat": feat, "edge_index": edge_index, "W1": W1, "b1": b1, "W2": W2, "b2": b2}


def reference(feat, edge_index, W1, b1, W2, b2):
    # g.ndata['att1'] = dense1(feat); g.ndata['att2'] = dense2(feat)
    att1 = feat @ W1 + b1
    att2 = feat @ W2 + b2
    src = edge_index[0]
    dst = edge_index[1]
    # fn.u_add_v('att1', 'att2', 'alpha') -> alpha[e] = att1[src[e]] + att2[dst[e]]
    alpha = att1[src] + att2[dst]
    s = swish(alpha)
    # edge_softmax(g, s, norm_by='dst'): softmax over incoming edges of each dst node, per channel
    n = feat.shape[0]
    seg_max = jax.ops.segment_max(s, dst, num_segments=n)
    # guard against -inf for nodes with no incoming edges
    seg_max = jnp.where(jnp.isfinite(seg_max), seg_max, 0.0)
    e = jnp.exp(s - seg_max[dst])
    denom = jax.ops.segment_sum(e, dst, num_segments=n)
    return e / denom[dst]

if __name__ == "__main__":
    import jax
    _d = setup_inputs()
    print(jax.jit(kernel)(*tuple(_d.values())))

</pallas_src>

<mosaic_0001>
#map = affine_map<(d0, d1) -> (0)>
#map1 = affine_map<(d0, d1) -> (0, 0)>
module attributes {stable_mosaic.version = 14 : i64} {
  func.func @_k1_body(%arg0: i32, %arg1: i32, %arg2: memref<320000xi32, #tpu.memory_space<hbm>>, %arg3: memref<320000xi32, #tpu.memory_space<hbm>>, %arg4: memref<10000x32xf32, #tpu.memory_space<hbm>>, %arg5: memref<10000x32xf32, #tpu.memory_space<hbm>>, %arg6: memref<320000x32xf32, #tpu.memory_space<hbm>>, %arg7: memref<20000x32xf32, #tpu.memory_space<hbm>>, %arg8: memref<80xi32, #tpu.memory_space<vmem>>, %arg9: memref<80xi32, #tpu.memory_space<vmem>>, %arg10: memref<80xi32, #tpu.memory_space<vmem>>, %arg11: memref<80xi32, #tpu.memory_space<vmem>>, %arg12: memref<80xi32, #tpu.memory_space<vmem>>, %arg13: memref<80xi32, #tpu.memory_space<vmem>>, %arg14: memref<80xi32, #tpu.memory_space<vmem>>, %arg15: memref<80xi32, #tpu.memory_space<vmem>>, %arg16: memref<80xi32, #tpu.memory_space<vmem>>, %arg17: memref<80xi32, #tpu.memory_space<vmem>>, %arg18: memref<80x32xf32, #tpu.memory_space<vmem>>, %arg19: memref<80x32xf32, #tpu.memory_space<vmem>>, %arg20: memref<80x32xf32, #tpu.memory_space<vmem>>, %arg21: memref<80x32xf32, #tpu.memory_space<vmem>>, %arg22: memref<80x32xf32, #tpu.memory_space<vmem>>, %arg23: memref<80x32xf32, #tpu.memory_space<vmem>>, %arg24: memref<80x32xf32, #tpu.memory_space<vmem>>, %arg25: memref<80x32xf32, #tpu.memory_space<vmem>>, %arg26: memref<80x32xf32, #tpu.memory_space<vmem>>, %arg27: memref<80x32xf32, #tpu.memory_space<vmem>>, %arg28: memref<200x32xf32, #tpu.memory_space<vmem>>, %arg29: memref<10000x32xf32, #tpu.memory_space<vmem_shared>>, %arg30: memref<!tpu.dma_semaphore, #tpu.memory_space<semaphore_mem>>, %arg31: memref<!tpu.dma_semaphore, #tpu.memory_space<semaphore_mem>>, %arg32: memref<!tpu.dma_semaphore, #tpu.memory_space<semaphore_mem>>, %arg33: memref<!tpu.dma_semaphore, #tpu.memory_space<semaphore_mem>>, %arg34: memref<!tpu.dma_semaphore, #tpu.memory_space<semaphore_mem>>, %arg35: memref<!tpu.dma_semaphore, #tpu.memory_space<semaphore_mem>>, %arg36: memref<!tpu.dma_semaphore, #tpu.memory_space<semaphore_mem>>, %arg37: memref<!tpu.dma_semaphore, #tpu.memory_space<semaphore_mem>>, %arg38: memref<!tpu.dma_semaphore, #tpu.memory_space<semaphore_mem>>, %arg39: memref<!tpu.dma_semaphore, #tpu.memory_space<semaphore_mem>>, %arg40: memref<!tpu.dma_semaphore, #tpu.memory_space<semaphore_mem>>) attributes {dimension_semantics = [#tpu.dimension_semantics<core_parallel>, #tpu.dimension_semantics<subcore_parallel>], iteration_bounds = array<i64: 2, 16>, scalar_prefetch = 0 : i64, scratch_operands = 33 : i64, tpu.core_type = #tpu.core_type<sc_vector_subcore>, window_params = [{transform_indices = #map}, {transform_indices = #map}, {transform_indices = #map1}, {transform_indices = #map1}, {transform_indices = #map1}, {transform_indices = #map1}]} {
    %mul3A = arith.constant 16 : i32
    %mul3A_0 = arith.muli %arg0, %mul3A : i32
    %add3A = arith.addi %mul3A_0, %arg1 : i32
    %mul3A_1 = arith.constant 10000 : i32
    %mul3A_2 = arith.muli %add3A, %mul3A_1 : i32
    %scan3A = arith.constant 0 : i32
    %scan3A_3 = arith.constant 0 : i32
    %scan3A_4 = arith.constant 200 : i32
    %scan3A_5 = arith.addi %scan3A_3, %scan3A_4 : i32
    %scan3A_6 = arith.constant 1 : i32
    %scan3A_7 = scf.for %scan3A_70 = %scan3A_3 to %scan3A_5 step %scan3A_6 iter_args(%scan3A_71 = %scan3A) -> (i32)  : i32 {
      %broadcast_in_dim3A = arith.constant 0.000000e+00 : f32
      %broadcast_in_dim3A_72 = vector.broadcast %broadcast_in_dim3A : f32 to vector<16xf32>
      %swap3A = arith.index_cast %scan3A_70 : i32 to index
      %swap3A_73 = arith.constant 0 : index
      %swap3A_74 = tpu.vector_load %arg28[%swap3A, %swap3A_73] {strides = array<i32>} : memref<200x32xf32, #tpu.memory_space<vmem>>, vector<1x16xf32>,
      %swap3A_75 = vector.shape_cast %swap3A_74 : vector<1x16xf32> to vector<16xf32>
      %swap3A_76 = vector.shape_cast %broadcast_in_dim3A_72 : vector<16xf32> to vector<1x16xf32>
      tpu.vector_store %arg28[%swap3A, %swap3A_73], %swap3A_76 {strides = array<i32>} : memref<200x32xf32, #tpu.memory_space<vmem>>, vector<1x16xf32>,
      %broadcast_in_dim3A_77 = arith.constant 0.000000e+00 : f32
      %broadcast_in_dim3A_78 = vector.broadcast %broadcast_in_dim3A_77 : f32 to vector<16xf32>
      %swap3A_79 = arith.index_cast %scan3A_70 : i32 to index
      %swap3A_80 = arith.constant 16 : index
      %swap3A_81 = tpu.vector_load %arg28[%swap3A_79, %swap3A_80] {strides = array<i32>} : memref<200x32xf32, #tpu.memory_space<vmem>>, vector<1x16xf32>,
      %swap3A_82 = vector.shape_cast %swap3A_81 : vector<1x16xf32> to vector<16xf32>
      %swap3A_83 = vector.shape_cast %broadcast_in_dim3A_78 : vector<16xf32> to vector<1x16xf32>
      tpu.vector_store %arg28[%swap3A_79, %swap3A_80], %swap3A_83 {strides = array<i32>} : memref<200x32xf32, #tpu.memory_space<vmem>>, vector<1x16xf32>,
      %scan3A_84 = arith.constant 0 : i32
      scf.yield %scan3A_84 : i32
    }
    %scan3A_8 = arith.constant 200 : i32
    %add3A_9 = arith.constant 0 : i32
    %add3A_10 = arith.addi %arg1, %add3A_9 : i32
    %lt3A = arith.constant 50 : i32
    %lt3A_11 = arith.cmpi slt, %add3A_10, %lt3A : i32
    %convert_element_type3A = arith.extui %lt3A_11 : i1 to i32
    %cond3A = arith.constant 0 : i32
    %cond3A_12 = arith.cmpi ne, %convert_element_type3A, %cond3A : i32
    scf.if %cond3A_12 {
      %mul3A_70 = arith.constant 200 : i32
      %mul3A_71 = arith.muli %add3A_10, %mul3A_70 : i32
      "tpu.region"() ({
        %run_scoped3A = tpu.sem_alloc : memref<!tpu.dma_semaphore, #tpu.memory_space<semaphore_mem>>
        %dma_start3A = arith.constant 0 : i32
        %dma_start3A_72 = tpu.memref_slice %arg29[%mul3A_71, %dma_start3A] : memref<10000x32xf32, #tpu.memory_space<vmem_shared>> -> memref<200x32xf32, #tpu.memory_space<vmem_shared>>
        %dma_start3A_73 = arith.constant 0 : i32
        %dma_start3A_74 = tpu.memref_slice %arg29[%mul3A_71, %dma_start3A_73] : memref<10000x32xf32, #tpu.memory_space<vmem_shared>> -> memref<200x32xf32, #tpu.memory_space<vmem_shared>>
        tpu.enqueue_dma source(%arg28 : memref<200x32xf32, #tpu.memory_space<vmem>>) target(%dma_start3A_74 : memref<200x32xf32, #tpu.memory_space<vmem_shared>>) target_semaphore(%run_scoped3A : memref<!tpu.dma_semaphore, #tpu.memory_space<semaphore_mem>>)
        %dma_wait3A = arith.constant 0 : i32
        %dma_wait3A_75 = tpu.memref_slice %arg29[%mul3A_71, %dma_wait3A] : memref<10000x32xf32, #tpu.memory_space<vmem_shared>> -> memref<200x32xf32, #tpu.memory_space<vmem_shared>>
        %dma_wait3A_76 = arith.constant 0 : i32
        %dma_wait3A_77 = tpu.memref_slice %arg29[%mul3A_71, %dma_wait3A_76] : memref<10000x32xf32, #tpu.memory_space<vmem_shared>> -> memref<200x32xf32, #tpu.memory_space<vmem_shared>>
        tpu.wait_dma2 semaphore(%run_scoped3A : memref<!tpu.dma_semaphore, #tpu.memory_space<semaphore_mem>>) src(%arg28 : memref<200x32xf32, #tpu.memory_space<vmem>>) dst(%dma_wait3A_77 : memref<200x32xf32, #tpu.memory_space<vmem_shared>>)
        tpu.yield
      }) : () -> ()
    } else {
    }
    %add3A_13 = arith.constant 16 : i32
    %add3A_14 = arith.addi %arg1, %add3A_13 : i32
    %lt3A_15 = arith.constant 50 : i32
    %lt3A_16 = arith.cmpi slt, %add3A_14, %lt3A_15 : i32
    %convert_element_type3A_17 = arith.extui %lt3A_16 : i1 to i32
    %cond3A_18 = arith.constant 0 : i32
    %cond3A_19 = arith.cmpi ne, %convert_element_type3A_17, %cond3A_18 : i32
    scf.if %cond3A_19 {
      %mul3A_70 = arith.constant 200 : i32
      %mul3A_71 = arith.muli %add3A_14, %mul3A_70 : i32
      "tpu.region"() ({
        %run_scoped3A = tpu.sem_alloc : memref<!tpu.dma_semaphore, #tpu.memory_space<semaphore_mem>>
        %dma_start3A = arith.constant 0 : i32
        %dma_start3A_72 = tpu.memref_slice %arg29[%mul3A_71, %dma_start3A] : memref<10000x32xf32, #tpu.memory_space<vmem_shared>> -> memref<200x32xf32, #tpu.memory_space<vmem_shared>>
        %dma_start3A_73 = arith.constant 0 : i32
        %dma_start3A_74 = tpu.memref_slice %arg29[%mul3A_71, %dma_start3A_73] : memref<10000x32xf32, #tpu.memory_space<vmem_shared>> -> memref<200x32xf32, #tpu.memory_space<vmem_shared>>
        tpu.enqueue_dma source(%arg28 : memref<200x32xf32, #tpu.memory_space<vmem>>) target(%dma_start3A_74 : memref<200x32xf32, #tpu.memory_space<vmem_shared>>) target_semaphore(%run_scoped3A : memref<!tpu.dma_semaphore, #tpu.memory_space<semaphore_mem>>)
        %dma_wait3A = arith.constant 0 : i32
        %dma_wait3A_75 = tpu.memref_slice %arg29[%mul3A_71, %dma_wait3A] : memref<10000x32xf32, #tpu.memory_space<vmem_shared>> -> memref<200x32xf32, #tpu.memory_space<vmem_shared>>
        %dma_wait3A_76 = arith.constant 0 : i32
        %dma_wait3A_77 = tpu.memref_slice %arg29[%mul3A_71, %dma_wait3A_76] : memref<10000x32xf32, #tpu.memory_space<vmem_shared>> -> memref<200x32xf32, #tpu.memory_space<vmem_shared>>
        tpu.wait_dma2 semaphore(%run_scoped3A : memref<!tpu.dma_semaphore, #tpu.memory_space<semaphore_mem>>) src(%arg28 : memref<200x32xf32, #tpu.memory_space<vmem>>) dst(%dma_wait3A_77 : memref<200x32xf32, #tpu.memory_space<vmem_shared>>)
        tpu.yield
      }) : () -> ()
    } else {
    }
    %add3A_20 = arith.constant 32 : i32
    %add3A_21 = arith.addi %arg1, %add3A_20 : i32
    %lt3A_22 = arith.constant 50 : i32
    %lt3A_23 = arith.cmpi slt, %add3A_21, %lt3A_22 : i32
    %convert_element_type3A_24 = arith.extui %lt3A_23 : i1 to i32
    %cond3A_25 = arith.constant 0 : i32
    %cond3A_26 = arith.cmpi ne, %convert_element_type3A_24, %cond3A_25 : i32
    scf.if %cond3A_26 {
      %mul3A_70 = arith.constant 200 : i32
      %mul3A_71 = arith.muli %add3A_21, %mul3A_70 : i32
      "tpu.region"() ({
        %run_scoped3A = tpu.sem_alloc : memref<!tpu.dma_semaphore, #tpu.memory_space<semaphore_mem>>
        %dma_start3A = arith.constant 0 : i32
        %dma_start3A_72 = tpu.memref_slice %arg29[%mul3A_71, %dma_start3A] : memref<10000x32xf32, #tpu.memory_space<vmem_shared>> -> memref<200x32xf32, #tpu.memory_space<vmem_shared>>
        %dma_start3A_73 = arith.constant 0 : i32
        %dma_start3A_74 = tpu.memref_slice %arg29[%mul3A_71, %dma_start3A_73] : memref<10000x32xf32, #tpu.memory_space<vmem_shared>> -> memref<200x32xf32, #tpu.memory_space<vmem_shared>>
        tpu.enqueue_dma source(%arg28 : memref<200x32xf32, #tpu.memory_space<vmem>>) target(%dma_start3A_74 : memref<200x32xf32, #tpu.memory_space<vmem_shared>>) target_semaphore(%run_scoped3A : memref<!tpu.dma_semaphore, #tpu.memory_space<semaphore_mem>>)
        %dma_wait3A = arith.constant 0 : i32
        %dma_wait3A_75 = tpu.memref_slice %arg29[%mul3A_71, %dma_wait3A] : memref<10000x32xf32, #tpu.memory_space<vmem_shared>> -> memref<200x32xf32, #tpu.memory_space<vmem_shared>>
        %dma_wait3A_76 = arith.constant 0 : i32
        %dma_wait3A_77 = tpu.memref_slice %arg29[%mul3A_71, %dma_wait3A_76] : memref<10000x32xf32, #tpu.memory_space<vmem_shared>> -> memref<200x32xf32, #tpu.memory_space<vmem_shared>>
        tpu.wait_dma2 semaphore(%run_scoped3A : memref<!tpu.dma_semaphore, #tpu.memory_space<semaphore_mem>>) src(%arg28 : memref<200x32xf32, #tpu.memory_space<vmem>>) dst(%dma_wait3A_77 : memref<200x32xf32, #tpu.memory_space<vmem_shared>>)
        tpu.yield
      }) : () -> ()
    } else {
    }
    %add3A_27 = arith.constant 48 : i32
    %add3A_28 = arith.addi %arg1, %add3A_27 : i32
    %lt3A_29 = arith.constant 50 : i32
    %lt3A_30 = arith.cmpi slt, %add3A_28, %lt3A_29 : i32
    %convert_element_type3A_31 = arith.extui %lt3A_30 : i1 to i32
    %cond3A_32 = arith.constant 0 : i32
    %cond3A_33 = arith.cmpi ne, %convert_element_type3A_31, %cond3A_32 : i32
    scf.if %cond3A_33 {
      %mul3A_70 = arith.constant 200 : i32
      %mul3A_71 = arith.muli %add3A_28, %mul3A_70 : i32
      "tpu.region"() ({
        %run_scoped3A = tpu.sem_alloc : memref<!tpu.dma_semaphore, #tpu.memory_space<semaphore_mem>>
        %dma_start3A = arith.constant 0 : i32
        %dma_start3A_72 = tpu.memref_slice %arg29[%mul3A_71, %dma_start3A] : memref<10000x32xf32, #tpu.memory_space<vmem_shared>> -> memref<200x32xf32, #tpu.memory_space<vmem_shared>>
        %dma_start3A_73 = arith.constant 0 : i32
        %dma_start3A_74 = tpu.memref_slice %arg29[%mul3A_71, %dma_start3A_73] : memref<10000x32xf32, #tpu.memory_space<vmem_shared>> -> memref<200x32xf32, #tpu.memory_space<vmem_shared>>
        tpu.enqueue_dma source(%arg28 : memref<200x32xf32, #tpu.memory_space<vmem>>) target(%dma_start3A_74 : memref<200x32xf32, #tpu.memory_space<vmem_shared>>) target_semaphore(%run_scoped3A : memref<!tpu.dma_semaphore, #tpu.memory_space<semaphore_mem>>)
        %dma_wait3A = arith.constant 0 : i32
        %dma_wait3A_75 = tpu.memref_slice %arg29[%mul3A_71, %dma_wait3A] : memref<10000x32xf32, #tpu.memory_space<vmem_shared>> -> memref<200x32xf32, #tpu.memory_space<vmem_shared>>
        %dma_wait3A_76 = arith.constant 0 : i32
        %dma_wait3A_77 = tpu.memref_slice %arg29[%mul3A_71, %dma_wait3A_76] : memref<10000x32xf32, #tpu.memory_space<vmem_shared>> -> memref<200x32xf32, #tpu.memory_space<vmem_shared>>
        tpu.wait_dma2 semaphore(%run_scoped3A : memref<!tpu.dma_semaphore, #tpu.memory_space<semaphore_mem>>) src(%arg28 : memref<200x32xf32, #tpu.memory_space<vmem>>) dst(%dma_wait3A_77 : memref<200x32xf32, #tpu.memory_space<vmem_shared>>)
        tpu.yield
      }) : () -> ()
    } else {
    }
    %barrier3A = arith.constant 0 : index
    tpu.barrier barrier_id(%barrier3A)
    %scan3A_34 = arith.constant 0 : i32
    %scan3A_35 = arith.constant 0 : i32
    %scan3A_36 = arith.constant 25 : i32
    %scan3A_37 = arith.addi %scan3A_35, %scan3A_36 : i32
    %scan3A_38 = arith.constant 1 : i32
    %scan3A_39 = scf.for %scan3A_70 = %scan3A_35 to %scan3A_37 step %scan3A_38 iter_args(%scan3A_71 = %scan3A_34) -> (i32)  : i32 {
      %mul3A_72 = arith.constant 5 : i32
      %mul3A_73 = arith.muli %scan3A_70, %mul3A_72 : i32
      %add3A_74 = arith.constant 0 : i32
      %add3A_75 = arith.addi %mul3A_73, %add3A_74 : i32
      %mul3A_76 = arith.constant 80 : i32
      %mul3A_77 = arith.muli %add3A_75, %mul3A_76 : i32
      %add3A_78 = arith.addi %mul3A_2, %mul3A_77 : i32
      %dma_start3A = tpu.memref_slice %arg2[%add3A_78] : memref<320000xi32, #tpu.memory_space<hbm>> -> memref<80xi32, #tpu.memory_space<hbm>>
      %dma_start3A_79 = tpu.memref_slice %arg2[%add3A_78] : memref<320000xi32, #tpu.memory_space<hbm>> -> memref<80xi32, #tpu.memory_space<hbm>>
      tpu.enqueue_dma source(%dma_start3A_79 : memref<80xi32, #tpu.memory_space<hbm>>) target(%arg8 : memref<80xi32, #tpu.memory_space<vmem>>) target_semaphore(%arg30 : memref<!tpu.dma_semaphore, #tpu.memory_space<semaphore_mem>>)
      %dma_start3A_80 = tpu.memref_slice %arg3[%add3A_78] : memref<320000xi32, #tpu.memory_space<hbm>> -> memref<80xi32, #tpu.memory_space<hbm>>
      %dma_start3A_81 = tpu.memref_slice %arg3[%add3A_78] : memref<320000xi32, #tpu.memory_space<hbm>> -> memref<80xi32, #tpu.memory_space<hbm>>
      tpu.enqueue_dma source(%dma_start3A_81 : memref<80xi32, #tpu.memory_space<hbm>>) target(%arg13 : memref<80xi32, #tpu.memory_space<vmem>>) target_semaphore(%arg30 : memref<!tpu.dma_semaphore, #tpu.memory_space<semaphore_mem>>)
      %add3A_82 = arith.constant 1 : i32
      %add3A_83 = arith.addi %mul3A_73, %add3A_82 : i32
      %mul3A_84 = arith.constant 80 : i32
      %mul3A_85 = arith.muli %add3A_83, %mul3A_84 : i32
      %add3A_86 = arith.addi %mul3A_2, %mul3A_85 : i32
      %dma_start3A_87 = tpu.memref_slice %arg2[%add3A_86] : memref<320000xi32, #tpu.memory_space<hbm>> -> memref<80xi32, #tpu.memory_space<hbm>>
      %dma_start3A_88 = tpu.memref_slice %arg2[%add3A_86] : memref<320000xi32, #tpu.memory_space<hbm>> -> memref<80xi32, #tpu.memory_space<hbm>>
      tpu.enqueue_dma source(%dma_start3A_88 : memref<80xi32, #tpu.memory_space<hbm>>) target(%arg9 : memref<80xi32, #tpu.memory_space<vmem>>) target_semaphore(%arg31 : memref<!tpu.dma_semaphore, #tpu.memory_space<semaphore_mem>>)
      %dma_start3A_89 = tpu.memref_slice %arg3[%add3A_86] : memref<320000xi32, #tpu.memory_space<hbm>> -> memref<80xi32, #tpu.memory_space<hbm>>
      %dma_start3A_90 = tpu.memref_slice %arg3[%add3A_86] : memref<320000xi32, #tpu.memory_space<hbm>> -> memref<80xi32, #tpu.memory_space<hbm>>
      tpu.enqueue_dma source(%dma_start3A_90 : memref<80xi32, #tpu.memory_space<hbm>>) target(%arg14 : memref<80xi32, #tpu.memory_space<vmem>>) target_semaphore(%arg31 : memref<!tpu.dma_semaphore, #tpu.memory_space<semaphore_mem>>)
      %add3A_91 = arith.constant 2 : i32
      %add3A_92 = arith.addi %mul3A_73, %add3A_91 : i32
      %mul3A_93 = arith.constant 80 : i32
      %mul3A_94 = arith.muli %add3A_92, %mul3A_93 : i32
      %add3A_95 = arith.addi %mul3A_2, %mul3A_94 : i32
      %dma_start3A_96 = tpu.memref_slice %arg2[%add3A_95] : memref<320000xi32, #tpu.memory_space<hbm>> -> memref<80xi32, #tpu.memory_space<hbm>>
      %dma_start3A_97 = tpu.memref_slice %arg2[%add3A_95] : memref<320000xi32, #tpu.memory_space<hbm>> -> memref<80xi32, #tpu.memory_space<hbm>>
      tpu.enqueue_dma source(%dma_start3A_97 : memref<80xi32, #tpu.memory_space<hbm>>) target(%arg10 : memref<80xi32, #tpu.memory_space<vmem>>) target_semaphore(%arg32 : memref<!tpu.dma_semaphore, #tpu.memory_space<semaphore_mem>>)
      %dma_start3A_98 = tpu.memref_slice %arg3[%add3A_95] : memref<320000xi32, #tpu.memory_space<hbm>> -> memref<80xi32, #tpu.memory_space<hbm>>
      %dma_start3A_99 = tpu.memref_slice %arg3[%add3A_95] : memref<320000xi32, #tpu.memory_space<hbm>> -> memref<80xi32, #tpu.memory_space<hbm>>
      tpu.enqueue_dma source(%dma_start3A_99 : memref<80xi32, #tpu.memory_space<hbm>>) target(%arg15 : memref<80xi32, #tpu.memory_space<vmem>>) target_semaphore(%arg32 : memref<!tpu.dma_semaphore, #tpu.memory_space<semaphore_mem>>)
      %add3A_100 = arith.constant 3 : i32
      %add3A_101 = arith.addi %mul3A_73, %add3A_100 : i32
      %mul3A_102 = arith.constant 80 : i32
      %mul3A_103 = arith.muli %add3A_101, %mul3A_102 : i32
      %add3A_104 = arith.addi %mul3A_2, %mul3A_103 : i32
      %dma_start3A_105 = tpu.memref_slice %arg2[%add3A_104] : memref<320000xi32, #tpu.memory_space<hbm>> -> memref<80xi32, #tpu.memory_space<hbm>>
      %dma_start3A_106 = tpu.memref_slice %arg2[%add3A_104] : memref<320000xi32, #tpu.memory_space<hbm>> -> memref<80xi32, #tpu.memory_space<hbm>>
      tpu.enqueue_dma source(%dma_start3A_106 : memref<80xi32, #tpu.memory_space<hbm>>) target(%arg11 : memref<80xi32, #tpu.memory_space<vmem>>) target_semaphore(%arg33 : memref<!tpu.dma_semaphore, #tpu.memory_space<semaphore_mem>>)
      %dma_start3A_107 = tpu.memref_slice %arg3[%add3A_104] : memref<320000xi32, #tpu.memory_space<hbm>> -> memref<80xi32, #tpu.memory_space<hbm>>
      %dma_start3A_108 = tpu.memref_slice %arg3[%add3A_104] : memref<320000xi32, #tpu.memory_space<hbm>> -> memref<80xi32, #tpu.memory_space<hbm>>
      tpu.enqueue_dma source(%dma_start3A_108 : memref<80xi32, #tpu.memory_space<hbm>>) target(%arg16 : memref<80xi32, #tpu.memory_space<vmem>>) target_semaphore(%arg33 : memref<!tpu.dma_semaphore, #tpu.memory_space<semaphore_mem>>)
      %add3A_109 = arith.constant 4 : i32
      %add3A_110 = arith.addi %mul3A_73, %add3A_109 : i32
      %mul3A_111 = arith.constant 80 : i32
      %mul3A_112 = arith.muli %add3A_110, %mul3A_111 : i32
      %add3A_113 = arith.addi %mul3A_2, %mul3A_112 : i32
      %dma_start3A_114 = tpu.memref_slice %arg2[%add3A_113] : memref<320000xi32, #tpu.memory_space<hbm>> -> memref<80xi32, #tpu.memory_space<hbm>>
      %dma_start3A_115 = tpu.memref_slice %arg2[%add3A_113] : memref<320000xi32, #tpu.memory_space<hbm>> -> memref<80xi32, #tpu.memory_space<hbm>>
      tpu.enqueue_dma source(%dma_start3A_115 : memref<80xi32, #tpu.memory_space<hbm>>) target(%arg12 : memref<80xi32, #tpu.memory_space<vmem>>) target_semaphore(%arg34 : memref<!tpu.dma_semaphore, #tpu.memory_space<semaphore_mem>>)
      %dma_start3A_116 = tpu.memref_slice %arg3[%add3A_113] : memref<320000xi32, #tpu.memory_space<hbm>> -> memref<80xi32, #tpu.memory_space<hbm>>
      %dma_start3A_117 = tpu.memref_slice %arg3[%add3A_113] : memref<320000xi32, #tpu.memory_space<hbm>> -> memref<80xi32, #tpu.memory_space<hbm>>
      tpu.enqueue_dma source(%dma_start3A_117 : memref<80xi32, #tpu.memory_space<hbm>>) target(%arg17 : memref<80xi32, #tpu.memory_space<vmem>>) target_semaphore(%arg34 : memref<!tpu.dma_semaphore, #tpu.memory_space<semaphore_mem>>)
      %dma_wait3A = tpu.memref_slice %arg2[%add3A_78] : memref<320000xi32, #tpu.memory_space<hbm>> -> memref<80xi32, #tpu.memory_space<hbm>>
      %dma_wait3A_118 = tpu.memref_slice %arg2[%add3A_78] : memref<320000xi32, #tpu.memory_space<hbm>> -> memref<80xi32, #tpu.memory_space<hbm>>
      tpu.wait_dma2 semaphore(%arg30 : memref<!tpu.dma_semaphore, #tpu.memory_space<semaphore_mem>>) src(%dma_wait3A_118 : memref<80xi32, #tpu.memory_space<hbm>>) dst(%arg8 : memref<80xi32, #tpu.memory_space<vmem>>)
      %dma_wait3A_119 = tpu.memref_slice %arg3[%add3A_78] : memref<320000xi32, #tpu.memory_space<hbm>> -> memref<80xi32, #tpu.memory_space<hbm>>
      %dma_wait3A_120 = tpu.memref_slice %arg3[%add3A_78] : memref<320000xi32, #tpu.memory_space<hbm>> -> memref<80xi32, #tpu.memory_space<hbm>>
      tpu.wait_dma2 semaphore(%arg30 : memref<!tpu.dma_semaphore, #tpu.memory_space<semaphore_mem>>) src(%dma_wait3A_120 : memref<80xi32, #tpu.memory_space<hbm>>) dst(%arg13 : memref<80xi32, #tpu.memory_space<vmem>>)
      %dma_start3A_121 = arith.constant 0 : i32
      %dma_start3A_122 = arith.constant 0 : i32
      %dma_start3A_123 = tpu.memref_slice %arg4[%dma_start3A_121, %dma_start3A_122] : memref<10000x32xf32, #tpu.memory_space<hbm>> -> memref<10000x32xf32, #tpu.memory_space<hbm>>
      tpu.enqueue_indirect_dma source(%dma_start3A_123 : memref<10000x32xf32, #tpu.memory_space<hbm>>) target(%arg18 : memref<80x32xf32, #tpu.memory_space<vmem>>) offsets(%arg8 : memref<80xi32, #tpu.memory_space<vmem>>) semaphore(%arg35 : memref<!tpu.dma_semaphore, #tpu.memory_space<semaphore_mem>>)
      %dma_start3A_124 = arith.constant 0 : i32
      %dma_start3A_125 = arith.constant 0 : i32
      %dma_start3A_126 = tpu.memref_slice %arg5[%dma_start3A_124, %dma_start3A_125] : memref<10000x32xf32, #tpu.memory_space<hbm>> -> memref<10000x32xf32, #tpu.memory_space<hbm>>
      tpu.enqueue_indirect_dma source(%dma_start3A_126 : memref<10000x32xf32, #tpu.memory_space<hbm>>) target(%arg23 : memref<80x32xf32, #tpu.memory_space<vmem>>) offsets(%arg13 : memref<80xi32, #tpu.memory_space<vmem>>) semaphore(%arg35 : memref<!tpu.dma_semaphore, #tpu.memory_space<semaphore_mem>>)
      %dma_wait3A_127 = tpu.memref_slice %arg2[%add3A_86] : memref<320000xi32, #tpu.memory_space<hbm>> -> memref<80xi32, #tpu.memory_space<hbm>>
      %dma_wait3A_128 = tpu.memref_slice %arg2[%add3A_86] : memref<320000xi32, #tpu.memory_space<hbm>> -> memref<80xi32, #tpu.memory_space<hbm>>
      tpu.wait_dma2 semaphore(%arg31 : memref<!tpu.dma_semaphore, #tpu.memory_space<semaphore_mem>>) src(%dma_wait3A_128 : memref<80xi32, #tpu.memory_space<hbm>>) dst(%arg9 : memref<80xi32, #tpu.memory_space<vmem>>)
      %dma_wait3A_129 = tpu.memref_slice %arg3[%add3A_86] : memref<320000xi32, #tpu.memory_space<hbm>> -> memref<80xi32, #tpu.memory_space<hbm>>
      %dma_wait3A_130 = tpu.memref_slice %arg3[%add3A_86] : memref<320000xi32, #tpu.memory_space<hbm>> -> memref<80xi32, #tpu.memory_space<hbm>>
      tpu.wait_dma2 semaphore(%arg31 : memref<!tpu.dma_semaphore, #tpu.memory_space<semaphore_mem>>) src(%dma_wait3A_130 : memref<80xi32, #tpu.memory_space<hbm>>) dst(%arg14 : memref<80xi32, #tpu.memory_space<vmem>>)
      %dma_start3A_131 = arith.constant 0 : i32
      %dma_start3A_132 = arith.constant 0 : i32
      %dma_start3A_133 = tpu.memref_slice %arg4[%dma_start3A_131, %dma_start3A_132] : memref<10000x32xf32, #tpu.memory_space<hbm>> -> memref<10000x32xf32, #tpu.memory_space<hbm>>
      tpu.enqueue_indirect_dma source(%dma_start3A_133 : memref<10000x32xf32, #tpu.memory_space<hbm>>) target(%arg19 : memref<80x32xf32, #tpu.memory_space<vmem>>) offsets(%arg9 : memref<80xi32, #tpu.memory_space<vmem>>) semaphore(%arg36 : memref<!tpu.dma_semaphore, #tpu.memory_space<semaphore_mem>>)
      %dma_start3A_134 = arith.constant 0 : i32
      %dma_start3A_135 = arith.constant 0 : i32
      %dma_start3A_136 = tpu.memref_slice %arg5[%dma_start3A_134, %dma_start3A_135] : memref<10000x32xf32, #tpu.memory_space<hbm>> -> memref<10000x32xf32, #tpu.memory_space<hbm>>
      tpu.enqueue_indirect_dma source(%dma_start3A_136 : memref<10000x32xf32, #tpu.memory_space<hbm>>) target(%arg24 : memref<80x32xf32, #tpu.memory_space<vmem>>) offsets(%arg14 : memref<80xi32, #tpu.memory_space<vmem>>) semaphore(%arg36 : memref<!tpu.dma_semaphore, #tpu.memory_space<semaphore_mem>>)
      %dma_wait3A_137 = tpu.memref_slice %arg2[%add3A_95] : memref<320000xi32, #tpu.memory_space<hbm>> -> memref<80xi32, #tpu.memory_space<hbm>>
      %dma_wait3A_138 = tpu.memref_slice %arg2[%add3A_95] : memref<320000xi32, #tpu.memory_space<hbm>> -> memref<80xi32, #tpu.memory_space<hbm>>
      tpu.wait_dma2 semaphore(%arg32 : memref<!tpu.dma_semaphore, #tpu.memory_space<semaphore_mem>>) src(%dma_wait3A_138 : memref<80xi32, #tpu.memory_space<hbm>>) dst(%arg10 : memref<80xi32, #tpu.memory_space<vmem>>)
      %dma_wait3A_139 = tpu.memref_slice %arg3[%add3A_95] : memref<320000xi32, #tpu.memory_space<hbm>> -> memref<80xi32, #tpu.memory_space<hbm>>
      %dma_wait3A_140 = tpu.memref_slice %arg3[%add3A_95] : memref<320000xi32, #tpu.memory_space<hbm>> -> memref<80xi32, #tpu.memory_space<hbm>>
      tpu.wait_dma2 semaphore(%arg32 : memref<!tpu.dma_semaphore, #tpu.memory_space<semaphore_mem>>) src(%dma_wait3A_140 : memref<80xi32, #tpu.memory_space<hbm>>) dst(%arg15 : memref<80xi32, #tpu.memory_space<vmem>>)
      %dma_start3A_141 = arith.constant 0 : i32
      %dma_start3A_142 = arith.constant 0 : i32
      %dma_start3A_143 = tpu.memref_slice %arg4[%dma_start3A_141, %dma_start3A_142] : memref<10000x32xf32, #tpu.memory_space<hbm>> -> memref<10000x32xf32, #tpu.memory_space<hbm>>
      tpu.enqueue_indirect_dma source(%dma_start3A_143 : memref<10000x32xf32, #tpu.memory_space<hbm>>) target(%arg20 : memref<80x32xf32, #tpu.memory_space<vmem>>) offsets(%arg10 : memref<80xi32, #tpu.memory_space<vmem>>) semaphore(%arg37 : memref<!tpu.dma_semaphore, #tpu.memory_space<semaphore_mem>>)
      %dma_start3A_144 = arith.constant 0 : i32
      %dma_start3A_145 = arith.constant 0 : i32
      %dma_start3A_146 = tpu.memref_slice %arg5[%dma_start3A_144, %dma_start3A_145] : memref<10000x32xf32, #tpu.memory_space<hbm>> -> memref<10000x32xf32, #tpu.memory_space<hbm>>
      tpu.enqueue_indirect_dma source(%dma_start3A_146 : memref<10000x32xf32, #tpu.memory_space<hbm>>) target(%arg25 : memref<80x32xf32, #tpu.memory_space<vmem>>) offsets(%arg15 : memref<80xi32, #tpu.memory_space<vmem>>) semaphore(%arg37 : memref<!tpu.dma_semaphore, #tpu.memory_space<semaphore_mem>>)
      %dma_wait3A_147 = tpu.memref_slice %arg2[%add3A_104] : memref<320000xi32, #tpu.memory_space<hbm>> -> memref<80xi32, #tpu.memory_space<hbm>>
      %dma_wait3A_148 = tpu.memref_slice %arg2[%add3A_104] : memref<320000xi32, #tpu.memory_space<hbm>> -> memref<80xi32, #tpu.memory_space<hbm>>
      tpu.wait_dma2 semaphore(%arg33 : memref<!tpu.dma_semaphore, #tpu.memory_space<semaphore_mem>>) src(%dma_wait3A_148 : memref<80xi32, #tpu.memory_space<hbm>>) dst(%arg11 : memref<80xi32, #tpu.memory_space<vmem>>)
      %dma_wait3A_149 = tpu.memref_slice %arg3[%add3A_104] : memref<320000xi32, #tpu.memory_space<hbm>> -> memref<80xi32, #tpu.memory_space<hbm>>
      %dma_wait3A_150 = tpu.memref_slice %arg3[%add3A_104] : memref<320000xi32, #tpu.memory_space<hbm>> -> memref<80xi32, #tpu.memory_space<hbm>>
      tpu.wait_dma2 semaphore(%arg33 : memref<!tpu.dma_semaphore, #tpu.memory_space<semaphore_mem>>) src(%dma_wait3A_150 : memref<80xi32, #tpu.memory_space<hbm>>) dst(%arg16 : memref<80xi32, #tpu.memory_space<vmem>>)
      %dma_start3A_151 = arith.constant 0 : i32
      %dma_start3A_152 = arith.constant 0 : i32
      %dma_start3A_153 = tpu.memref_slice %arg4[%dma_start3A_151, %dma_start3A_152] : memref<10000x32xf32, #tpu.memory_space<hbm>> -> memref<10000x32xf32, #tpu.memory_space<hbm>>
      tpu.enqueue_indirect_dma source(%dma_start3A_153 : memref<10000x32xf32, #tpu.memory_space<hbm>>) target(%arg21 : memref<80x32xf32, #tpu.memory_space<vmem>>) offsets(%arg11 : memref<80xi32, #tpu.memory_space<vmem>>) semaphore(%arg38 : memref<!tpu.dma_semaphore, #tpu.memory_space<semaphore_mem>>)
      %dma_start3A_154 = arith.constant 0 : i32
      %dma_start3A_155 = arith.constant 0 : i32
      %dma_start3A_156 = tpu.memref_slice %arg5[%dma_start3A_154, %dma_start3A_155] : memref<10000x32xf32, #tpu.memory_space<hbm>> -> memref<10000x32xf32, #tpu.memory_space<hbm>>
      tpu.enqueue_indirect_dma source(%dma_start3A_156 : memref<10000x32xf32, #tpu.memory_space<hbm>>) target(%arg26 : memref<80x32xf32, #tpu.memory_space<vmem>>) offsets(%arg16 : memref<80xi32, #tpu.memory_space<vmem>>) semaphore(%arg38 : memref<!tpu.dma_semaphore, #tpu.memory_space<semaphore_mem>>)
      %dma_wait3A_157 = tpu.memref_slice %arg2[%add3A_113] : memref<320000xi32, #tpu.memory_space<hbm>> -> memref<80xi32, #tpu.memory_space<hbm>>
      %dma_wait3A_158 = tpu.memref_slice %arg2[%add3A_113] : memref<320000xi32, #tpu.memory_space<hbm>> -> memref<80xi32, #tpu.memory_space<hbm>>
      tpu.wait_dma2 semaphore(%arg34 : memref<!tpu.dma_semaphore, #tpu.memory_space<semaphore_mem>>) src(%dma_wait3A_158 : memref<80xi32, #tpu.memory_space<hbm>>) dst(%arg12 : memref<80xi32, #tpu.memory_space<vmem>>)
      %dma_wait3A_159 = tpu.memref_slice %arg3[%add3A_113] : memref<320000xi32, #tpu.memory_space<hbm>> -> memref<80xi32, #tpu.memory_space<hbm>>
      %dma_wait3A_160 = tpu.memref_slice %arg3[%add3A_113] : memref<320000xi32, #tpu.memory_space<hbm>> -> memref<80xi32, #tpu.memory_space<hbm>>
      tpu.wait_dma2 semaphore(%arg34 : memref<!tpu.dma_semaphore, #tpu.memory_space<semaphore_mem>>) src(%dma_wait3A_160 : memref<80xi32, #tpu.memory_space<hbm>>) dst(%arg17 : memref<80xi32, #tpu.memory_space<vmem>>)
      %dma_start3A_161 = arith.constant 0 : i32
      %dma_start3A_162 = arith.constant 0 : i32
      %dma_start3A_163 = tpu.memref_slice %arg4[%dma_start3A_161, %dma_start3A_162] : memref<10000x32xf32, #tpu.memory_space<hbm>> -> memref<10000x32xf32, #tpu.memory_space<hbm>>
      tpu.enqueue_indirect_dma source(%dma_start3A_163 : memref<10000x32xf32, #tpu.memory_space<hbm>>) target(%arg22 : memref<80x32xf32, #tpu.memory_space<vmem>>) offsets(%arg12 : memref<80xi32, #tpu.memory_space<vmem>>) semaphore(%arg39 : memref<!tpu.dma_semaphore, #tpu.memory_space<semaphore_mem>>)
      %dma_start3A_164 = arith.constant 0 : i32
      %dma_start3A_165 = arith.constant 0 : i32
      %dma_start3A_166 = tpu.memref_slice %arg5[%dma_start3A_164, %dma_start3A_165] : memref<10000x32xf32, #tpu.memory_space<hbm>> -> memref<10000x32xf32, #tpu.memory_space<hbm>>
      tpu.enqueue_indirect_dma source(%dma_start3A_166 : memref<10000x32xf32, #tpu.memory_space<hbm>>) target(%arg27 : memref<80x32xf32, #tpu.memory_space<vmem>>) offsets(%arg17 : memref<80xi32, #tpu.memory_space<vmem>>) semaphore(%arg39 : memref<!tpu.dma_semaphore, #tpu.memory_space<semaphore_mem>>)
      %dma_wait3A_167 = arith.constant 0 : i32
      %dma_wait3A_168 = arith.constant 0 : i32
      %dma_wait3A_169 = tpu.memref_slice %arg4[%dma_wait3A_167, %dma_wait3A_168] : memref<10000x32xf32, #tpu.memory_space<hbm>> -> memref<10000x32xf32, #tpu.memory_space<hbm>>
      tpu.wait_indirect_dma semaphore(%arg35 : memref<!tpu.dma_semaphore, #tpu.memory_space<semaphore_mem>>) src(%dma_wait3A_169 : memref<10000x32xf32, #tpu.memory_space<hbm>>) dst(%arg18 : memref<80x32xf32, #tpu.memory_space<vmem>>)
      %dma_wait3A_170 = arith.constant 0 : i32
      %dma_wait3A_171 = arith.constant 0 : i32
      %dma_wait3A_172 = tpu.memref_slice %arg5[%dma_wait3A_170, %dma_wait3A_171] : memref<10000x32xf32, #tpu.memory_space<hbm>> -> memref<10000x32xf32, #tpu.memory_space<hbm>>
      tpu.wait_indirect_dma semaphore(%arg35 : memref<!tpu.dma_semaphore, #tpu.memory_space<semaphore_mem>>) src(%dma_wait3A_172 : memref<10000x32xf32, #tpu.memory_space<hbm>>) dst(%arg23 : memref<80x32xf32, #tpu.memory_space<vmem>>)
      %parallel_loop3A = arith.constant 0 : i32
      %parallel_loop3A_173 = arith.constant 80 : i32
      %parallel_loop3A_174 = arith.constant 1 : i32
      scf.for %parallel_loop3A_277 = %parallel_loop3A to %parallel_loop3A_173 step %parallel_loop3A_174  : i32 {
        %parallel_loop3A_278 = arith.index_cast %parallel_loop3A_277 : i32 to index
        %parallel_loop3A_279 = arith.constant 0 : index
        %parallel_loop3A_280 = tpu.vector_load %arg18[%parallel_loop3A_278, %parallel_loop3A_279] {strides = array<i32>} : memref<80x32xf32, #tpu.memory_space<vmem>>, vector<1x16xf32>,
        %parallel_loop3A_281 = vector.shape_cast %parallel_loop3A_280 : vector<1x16xf32> to vector<16xf32>
        %parallel_loop3A_282 = arith.index_cast %parallel_loop3A_277 : i32 to index
        %parallel_loop3A_283 = arith.constant 0 : index
        %parallel_loop3A_284 = tpu.vector_load %arg23[%parallel_loop3A_282, %parallel_loop3A_283] {strides = array<i32>} : memref<80x32xf32, #tpu.memory_space<vmem>>, vector<1x16xf32>,
        %parallel_loop3A_285 = vector.shape_cast %parallel_loop3A_284 : vector<1x16xf32> to vector<16xf32>
        %parallel_loop3A_286 = arith.addf %parallel_loop3A_281, %parallel_loop3A_285 : vector<16xf32>
        %parallel_loop3A_287 = arith.constant 0.000000e+00 : f32
        %parallel_loop3A_288 = vector.broadcast %parallel_loop3A_287 : f32 to vector<16xf32>
        %parallel_loop3A_289 = arith.subf %parallel_loop3A_288, %parallel_loop3A_286 : vector<16xf32>
        %parallel_loop3A_290 = math.exp %parallel_loop3A_289 : vector<16xf32>
        %parallel_loop3A_291 = arith.constant 1.000000e+00 : f32
        %parallel_loop3A_292 = vector.broadcast %parallel_loop3A_291 : f32 to vector<16xf32>
        %parallel_loop3A_293 = arith.addf %parallel_loop3A_292, %parallel_loop3A_290 : vector<16xf32>
        %parallel_loop3A_294 = arith.divf %parallel_loop3A_286, %parallel_loop3A_293 : vector<16xf32>
        %parallel_loop3A_295 = math.exp %parallel_loop3A_294 : vector<16xf32>
        %parallel_loop3A_296 = arith.index_cast %parallel_loop3A_277 : i32 to index
        %parallel_loop3A_297 = arith.constant 0 : index
        %parallel_loop3A_298 = tpu.vector_load %arg18[%parallel_loop3A_296, %parallel_loop3A_297] {strides = array<i32>} : memref<80x32xf32, #tpu.memory_space<vmem>>, vector<1x16xf32>,
        %parallel_loop3A_299 = vector.shape_cast %parallel_loop3A_298 : vector<1x16xf32> to vector<16xf32>
        %parallel_loop3A_300 = vector.shape_cast %parallel_loop3A_295 : vector<16xf32> to vector<1x16xf32>
        tpu.vector_store %arg18[%parallel_loop3A_296, %parallel_loop3A_297], %parallel_loop3A_300 {strides = array<i32>} : memref<80x32xf32, #tpu.memory_space<vmem>>, vector<1x16xf32>,
        %parallel_loop3A_301 = arith.index_cast %parallel_loop3A_277 : i32 to index
        %parallel_loop3A_302 = arith.constant 16 : index
        %parallel_loop3A_303 = tpu.vector_load %arg18[%parallel_loop3A_301, %parallel_loop3A_302] {strides = array<i32>} : memref<80x32xf32, #tpu.memory_space<vmem>>, vector<1x16xf32>,
        %parallel_loop3A_304 = vector.shape_cast %parallel_loop3A_303 : vector<1x16xf32> to vector<16xf32>
        %parallel_loop3A_305 = arith.index_cast %parallel_loop3A_277 : i32 to index
        %parallel_loop3A_306 = arith.constant 16 : index
        %parallel_loop3A_307 = tpu.vector_load %arg23[%parallel_loop3A_305, %parallel_loop3A_306] {strides = array<i32>} : memref<80x32xf32, #tpu.memory_space<vmem>>, vector<1x16xf32>,
        %parallel_loop3A_308 = vector.shape_cast %parallel_loop3A_307 : vector<1x16xf32> to vector<16xf32>
        %parallel_loop3A_309 = arith.addf %parallel_loop3A_304, %parallel_loop3A_308 : vector<16xf32>
        %parallel_loop3A_310 = arith.constant 0.000000e+00 : f32
        %parallel_loop3A_311 = vector.broadcast %parallel_loop3A_310 : f32 to vector<16xf32>
        %parallel_loop3A_312 = arith.subf %parallel_loop3A_311, %parallel_loop3A_309 : vector<16xf32>
        %parallel_loop3A_313 = math.exp %parallel_loop3A_312 : vector<16xf32>
        %parallel_loop3A_314 = arith.constant 1.000000e+00 : f32
        %parallel_loop3A_315 = vector.broadcast %parallel_loop3A_314 : f32 to vector<16xf32>
        %parallel_loop3A_316 = arith.addf %parallel_loop3A_315, %parallel_loop3A_313 : vector<16xf32>
        %parallel_loop3A_317 = arith.divf %parallel_loop3A_309, %parallel_loop3A_316 : vector<16xf32>
        %parallel_loop3A_318 = math.exp %parallel_loop3A_317 : vector<16xf32>
        %parallel_loop3A_319 = arith.index_cast %parallel_loop3A_277 : i32 to index
        %parallel_loop3A_320 = arith.constant 16 : index
        %parallel_loop3A_321 = tpu.vector_load %arg18[%parallel_loop3A_319, %parallel_loop3A_320] {strides = array<i32>} : memref<80x32xf32, #tpu.memory_space<vmem>>, vector<1x16xf32>,
        %parallel_loop3A_322 = vector.shape_cast %parallel_loop3A_321 : vector<1x16xf32> to vector<16xf32>
        %parallel_loop3A_323 = vector.shape_cast %parallel_loop3A_318 : vector<16xf32> to vector<1x16xf32>
        tpu.vector_store %arg18[%parallel_loop3A_319, %parallel_loop3A_320], %parallel_loop3A_323 {strides = array<i32>} : memref<80x32xf32, #tpu.memory_space<vmem>>, vector<1x16xf32>,
      } {sc.loop_unroll_factor = 8 : i64, sc.parallel_access}
      %add3A_175 = arith.constant 0 : i32
      %add3A_176 = arith.addi %mul3A_73, %add3A_175 : i32
      %mul3A_177 = arith.constant 80 : i32
      %mul3A_178 = arith.muli %add3A_176, %mul3A_177 : i32
      %add3A_179 = arith.addi %mul3A_2, %mul3A_178 : i32
      %dma_start3A_180 = arith.constant 0 : i32
      %dma_start3A_181 = tpu.memref_slice %arg6[%add3A_179, %dma_start3A_180] : memref<320000x32xf32, #tpu.memory_space<hbm>> -> memref<80x32xf32, #tpu.memory_space<hbm>>
      %dma_start3A_182 = arith.constant 0 : i32
      %dma_start3A_183 = tpu.memref_slice %arg6[%add3A_179, %dma_start3A_182] : memref<320000x32xf32, #tpu.memory_space<hbm>> -> memref<80x32xf32, #tpu.memory_space<hbm>>
      tpu.enqueue_dma source(%arg18 : memref<80x32xf32, #tpu.memory_space<vmem>>) target(%dma_start3A_183 : memref<80x32xf32, #tpu.memory_space<hbm>>) target_semaphore(%arg40 : memref<!tpu.dma_semaphore, #tpu.memory_space<semaphore_mem>>)
      "tpu.region"() ({
        %run_scoped3A = tpu.sem_alloc : memref<!tpu.dma_semaphore, #tpu.memory_space<semaphore_mem>>
        %dma_start3A_277 = arith.constant 0 : i32
        %dma_start3A_278 = arith.constant 0 : i32
        %dma_start3A_279 = tpu.memref_slice %arg29[%dma_start3A_277, %dma_start3A_278] : memref<10000x32xf32, #tpu.memory_space<vmem_shared>> -> memref<10000x32xf32, #tpu.memory_space<vmem_shared>>
        tpu.enqueue_indirect_dma source(%arg18 : memref<80x32xf32, #tpu.memory_space<vmem>>) target(%dma_start3A_279 : memref<10000x32xf32, #tpu.memory_space<vmem_shared>>) offsets(%arg13 : memref<80xi32, #tpu.memory_space<vmem>>) semaphore(%run_scoped3A : memref<!tpu.dma_semaphore, #tpu.memory_space<semaphore_mem>>) {add = true}
        %dma_wait3A_280 = arith.constant 0 : i32
        %dma_wait3A_281 = arith.constant 0 : i32
        %dma_wait3A_282 = tpu.memref_slice %arg29[%dma_wait3A_280, %dma_wait3A_281] : memref<10000x32xf32, #tpu.memory_space<vmem_shared>> -> memref<10000x32xf32, #tpu.memory_space<vmem_shared>>
        tpu.wait_indirect_dma semaphore(%run_scoped3A : memref<!tpu.dma_semaphore, #tpu.memory_space<semaphore_mem>>) src(%arg18 : memref<80x32xf32, #tpu.memory_space<vmem>>) dst(%dma_wait3A_282 : memref<10000x32xf32, #tpu.memory_space<vmem_shared>>)
        tpu.yield
      }) : () -> ()
      %dma_wait3A_184 = arith.constant 0 : i32
      %dma_wait3A_185 = arith.constant 0 : i32
      %dma_wait3A_186 = tpu.memref_slice %arg4[%dma_wait3A_184, %dma_wait3A_185] : memref<10000x32xf32, #tpu.memory_space<hbm>> -> memref<10000x32xf32, #tpu.memory_space<hbm>>
      tpu.wait_indirect_dma semaphore(%arg36 : memref<!tpu.dma_semaphore, #tpu.memory_space<semaphore_mem>>) src(%dma_wait3A_186 : memref<10000x32xf32, #tpu.memory_space<hbm>>) dst(%arg19 : memref<80x32xf32, #tpu.memory_space<vmem>>)
      %dma_wait3A_187 = arith.constant 0 : i32
      %dma_wait3A_188 = arith.constant 0 : i32
      %dma_wait3A_189 = tpu.memref_slice %arg5[%dma_wait3A_187, %dma_wait3A_188] : memref<10000x32xf32, #tpu.memory_space<hbm>> -> memref<10000x32xf32, #tpu.memory_space<hbm>>
      tpu.wait_indirect_dma semaphore(%arg36 : memref<!tpu.dma_semaphore, #tpu.memory_space<semaphore_mem>>) src(%dma_wait3A_189 : memref<10000x32xf32, #tpu.memory_space<hbm>>) dst(%arg24 : memref<80x32xf32, #tpu.memory_space<vmem>>)
      %parallel_loop3A_190 = arith.constant 0 : i32
      %parallel_loop3A_191 = arith.constant 80 : i32
      %parallel_loop3A_192 = arith.constant 1 : i32
      scf.for %parallel_loop3A_277 = %parallel_loop3A_190 to %parallel_loop3A_191 step %parallel_loop3A_192  : i32 {
        %parallel_loop3A_278 = arith.index_cast %parallel_loop3A_277 : i32 to index
        %parallel_loop3A_279 = arith.constant 0 : index
        %parallel_loop3A_280 = tpu.vector_load %arg19[%parallel_loop3A_278, %parallel_loop3A_279] {strides = array<i32>} : memref<80x32xf32, #tpu.memory_space<vmem>>, vector<1x16xf32>,
        %parallel_loop3A_281 = vector.shape_cast %parallel_loop3A_280 : vector<1x16xf32> to vector<16xf32>
        %parallel_loop3A_282 = arith.index_cast %parallel_loop3A_277 : i32 to index
        %parallel_loop3A_283 = arith.constant 0 : index
        %parallel_loop3A_284 = tpu.vector_load %arg24[%parallel_loop3A_282, %parallel_loop3A_283] {strides = array<i32>} : memref<80x32xf32, #tpu.memory_space<vmem>>, vector<1x16xf32>,
        %parallel_loop3A_285 = vector.shape_cast %parallel_loop3A_284 : vector<1x16xf32> to vector<16xf32>
        %parallel_loop3A_286 = arith.addf %parallel_loop3A_281, %parallel_loop3A_285 : vector<16xf32>
        %parallel_loop3A_287 = arith.constant 0.000000e+00 : f32
        %parallel_loop3A_288 = vector.broadcast %parallel_loop3A_287 : f32 to vector<16xf32>
        %parallel_loop3A_289 = arith.subf %parallel_loop3A_288, %parallel_loop3A_286 : vector<16xf32>
        %parallel_loop3A_290 = math.exp %parallel_loop3A_289 : vector<16xf32>
        %parallel_loop3A_291 = arith.constant 1.000000e+00 : f32
        %parallel_loop3A_292 = vector.broadcast %parallel_loop3A_291 : f32 to vector<16xf32>
        %parallel_loop3A_293 = arith.addf %parallel_loop3A_292, %parallel_loop3A_290 : vector<16xf32>
        %parallel_loop3A_294 = arith.divf %parallel_loop3A_286, %parallel_loop3A_293 : vector<16xf32>
        %parallel_loop3A_295 = math.exp %parallel_loop3A_294 : vector<16xf32>
        %parallel_loop3A_296 = arith.index_cast %parallel_loop3A_277 : i32 to index
        %parallel_loop3A_297 = arith.constant 0 : index
        %parallel_loop3A_298 = tpu.vector_load %arg19[%parallel_loop3A_296, %parallel_loop3A_297] {strides = array<i32>} : memref<80x32xf32, #tpu.memory_space<vmem>>, vector<1x16xf32>,
        %parallel_loop3A_299 = vector.shape_cast %parallel_loop3A_298 : vector<1x16xf32> to vector<16xf32>
        %parallel_loop3A_300 = vector.shape_cast %parallel_loop3A_295 : vector<16xf32> to vector<1x16xf32>
        tpu.vector_store %arg19[%parallel_loop3A_296, %parallel_loop3A_297], %parallel_loop3A_300 {strides = array<i32>} : memref<80x32xf32, #tpu.memory_space<vmem>>, vector<1x16xf32>,
        %parallel_loop3A_301 = arith.index_cast %parallel_loop3A_277 : i32 to index
        %parallel_loop3A_302 = arith.constant 16 : index
        %parallel_loop3A_303 = tpu.vector_load %arg19[%parallel_loop3A_301, %parallel_loop3A_302] {strides = array<i32>} : memref<80x32xf32, #tpu.memory_space<vmem>>, vector<1x16xf32>,
        %parallel_loop3A_304 = vector.shape_cast %parallel_loop3A_303 : vector<1x16xf32> to vector<16xf32>
        %parallel_loop3A_305 = arith.index_cast %parallel_loop3A_277 : i32 to index
        %parallel_loop3A_306 = arith.constant 16 : index
        %parallel_loop3A_307 = tpu.vector_load %arg24[%parallel_loop3A_305, %parallel_loop3A_306] {strides = array<i32>} : memref<80x32xf32, #tpu.memory_space<vmem>>, vector<1x16xf32>,
        %parallel_loop3A_308 = vector.shape_cast %parallel_loop3A_307 : vector<1x16xf32> to vector<16xf32>
        %parallel_loop3A_309 = arith.addf %parallel_loop3A_304, %parallel_loop3A_308 : vector<16xf32>
        %parallel_loop3A_310 = arith.constant 0.000000e+00 : f32
        %parallel_loop3A_311 = vector.broadcast %parallel_loop3A_310 : f32 to vector<16xf32>
        %parallel_loop3A_312 = arith.subf %parallel_loop3A_311, %parallel_loop3A_309 : vector<16xf32>
        %parallel_loop3A_313 = math.exp %parallel_loop3A_312 : vector<16xf32>
        %parallel_loop3A_314 = arith.constant 1.000000e+00 : f32
        %parallel_loop3A_315 = vector.broadcast %parallel_loop3A_314 : f32 to vector<16xf32>
        %parallel_loop3A_316 = arith.addf %parallel_loop3A_315, %parallel_loop3A_313 : vector<16xf32>
        %parallel_loop3A_317 = arith.divf %parallel_loop3A_309, %parallel_loop3A_316 : vector<16xf32>
        %parallel_loop3A_318 = math.exp %parallel_loop3A_317 : vector<16xf32>
        %parallel_loop3A_319 = arith.index_cast %parallel_loop3A_277 : i32 to index
        %parallel_loop3A_320 = arith.constant 16 : index
        %parallel_loop3A_321 = tpu.vector_load %arg19[%parallel_loop3A_319, %parallel_loop3A_320] {strides = array<i32>} : memref<80x32xf32, #tpu.memory_space<vmem>>, vector<1x16xf32>,
        %parallel_loop3A_322 = vector.shape_cast %parallel_loop3A_321 : vector<1x16xf32> to vector<16xf32>
        %parallel_loop3A_323 = vector.shape_cast %parallel_loop3A_318 : vector<16xf32> to vector<1x16xf32>
        tpu.vector_store %arg19[%parallel_loop3A_319, %parallel_loop3A_320], %parallel_loop3A_323 {strides = array<i32>} : memref<80x32xf32, #tpu.memory_space<vmem>>, vector<1x16xf32>,
      } {sc.loop_unroll_factor = 8 : i64, sc.parallel_access}
      %add3A_193 = arith.constant 1 : i32
      %add3A_194 = arith.addi %mul3A_73, %add3A_193 : i32
      %mul3A_195 = arith.constant 80 : i32
      %mul3A_196 = arith.muli %add3A_194, %mul3A_195 : i32
      %add3A_197 = arith.addi %mul3A_2, %mul3A_196 : i32
      %dma_start3A_198 = arith.constant 0 : i32
      %dma_start3A_199 = tpu.memref_slice %arg6[%add3A_197, %dma_start3A_198] : memref<320000x32xf32, #tpu.memory_space<hbm>> -> memref<80x32xf32, #tpu.memory_space<hbm>>
      %dma_start3A_200 = arith.constant 0 : i32
      %dma_start3A_201 = tpu.memref_slice %arg6[%add3A_197, %dma_start3A_200] : memref<320000x32xf32, #tpu.memory_space<hbm>> -> memref<80x32xf32, #tpu.memory_space<hbm>>
      tpu.enqueue_dma source(%arg19 : memref<80x32xf32, #tpu.memory_space<vmem>>) target(%dma_start3A_201 : memref<80x32xf32, #tpu.memory_space<hbm>>) target_semaphore(%arg40 : memref<!tpu.dma_semaphore, #tpu.memory_space<semaphore_mem>>)
      "tpu.region"() ({
        %run_scoped3A = tpu.sem_alloc : memref<!tpu.dma_semaphore, #tpu.memory_space<semaphore_mem>>
        %dma_start3A_277 = arith.constant 0 : i32
        %dma_start3A_278 = arith.constant 0 : i32
        %dma_start3A_279 = tpu.memref_slice %arg29[%dma_start3A_277, %dma_start3A_278] : memref<10000x32xf32, #tpu.memory_space<vmem_shared>> -> memref<10000x32xf32, #tpu.memory_space<vmem_shared>>
        tpu.enqueue_indirect_dma source(%arg19 : memref<80x32xf32, #tpu.memory_space<vmem>>) target(%dma_start3A_279 : memref<10000x32xf32, #tpu.memory_space<vmem_shared>>) offsets(%arg14 : memref<80xi32, #tpu.memory_space<vmem>>) semaphore(%run_scoped3A : memref<!tpu.dma_semaphore, #tpu.memory_space<semaphore_mem>>) {add = true}
        %dma_wait3A_280 = arith.constant 0 : i32
        %dma_wait3A_281 = arith.constant 0 : i32
        %dma_wait3A_282 = tpu.memref_slice %arg29[%dma_wait3A_280, %dma_wait3A_281] : memref<10000x32xf32, #tpu.memory_space<vmem_shared>> -> memref<10000x32xf32, #tpu.memory_space<vmem_shared>>
        tpu.wait_indirect_dma semaphore(%run_scoped3A : memref<!tpu.dma_semaphore, #tpu.memory_space<semaphore_mem>>) src(%arg19 : memref<80x32xf32, #tpu.memory_space<vmem>>) dst(%dma_wait3A_282 : memref<10000x32xf32, #tpu.memory_space<vmem_shared>>)
        tpu.yield
      }) : () -> ()
      %dma_wait3A_202 = arith.constant 0 : i32
      %dma_wait3A_203 = arith.constant 0 : i32
      %dma_wait3A_204 = tpu.memref_slice %arg4[%dma_wait3A_202, %dma_wait3A_203] : memref<10000x32xf32, #tpu.memory_space<hbm>> -> memref<10000x32xf32, #tpu.memory_space<hbm>>
      tpu.wait_indirect_dma semaphore(%arg37 : memref<!tpu.dma_semaphore, #tpu.memory_space<semaphore_mem>>) src(%dma_wait3A_204 : memref<10000x32xf32, #tpu.memory_space<hbm>>) dst(%arg20 : memref<80x32xf32, #tpu.memory_space<vmem>>)
      %dma_wait3A_205 = arith.constant 0 : i32
      %dma_wait3A_206 = arith.constant 0 : i32
      %dma_wait3A_207 = tpu.memref_slice %arg5[%dma_wait3A_205, %dma_wait3A_206] : memref<10000x32xf32, #tpu.memory_space<hbm>> -> memref<10000x32xf32, #tpu.memory_space<hbm>>
      tpu.wait_indirect_dma semaphore(%arg37 : memref<!tpu.dma_semaphore, #tpu.memory_space<semaphore_mem>>) src(%dma_wait3A_207 : memref<10000x32xf32, #tpu.memory_space<hbm>>) dst(%arg25 : memref<80x32xf32, #tpu.memory_space<vmem>>)
      %parallel_loop3A_208 = arith.constant 0 : i32
      %parallel_loop3A_209 = arith.constant 80 : i32
      %parallel_loop3A_210 = arith.constant 1 : i32
      scf.for %parallel_loop3A_277 = %parallel_loop3A_208 to %parallel_loop3A_209 step %parallel_loop3A_210  : i32 {
        %parallel_loop3A_278 = arith.index_cast %parallel_loop3A_277 : i32 to index
        %parallel_loop3A_279 = arith.constant 0 : index
        %parallel_loop3A_280 = tpu.vector_load %arg20[%parallel_loop3A_278, %parallel_loop3A_279] {strides = array<i32>} : memref<80x32xf32, #tpu.memory_space<vmem>>, vector<1x16xf32>,
        %parallel_loop3A_281 = vector.shape_cast %parallel_loop3A_280 : vector<1x16xf32> to vector<16xf32>
        %parallel_loop3A_282 = arith.index_cast %parallel_loop3A_277 : i32 to index
        %parallel_loop3A_283 = arith.constant 0 : index
        %parallel_loop3A_284 = tpu.vector_load %arg25[%parallel_loop3A_282, %parallel_loop3A_283] {strides = array<i32>} : memref<80x32xf32, #tpu.memory_space<vmem>>, vector<1x16xf32>,
        %parallel_loop3A_285 = vector.shape_cast %parallel_loop3A_284 : vector<1x16xf32> to vector<16xf32>
        %parallel_loop3A_286 = arith.addf %parallel_loop3A_281, %parallel_loop3A_285 : vector<16xf32>
        %parallel_loop3A_287 = arith.constant 0.000000e+00 : f32
        %parallel_loop3A_288 = vector.broadcast %parallel_loop3A_287 : f32 to vector<16xf32>
        %parallel_loop3A_289 = arith.subf %parallel_loop3A_288, %parallel_loop3A_286 : vector<16xf32>
        %parallel_loop3A_290 = math.exp %parallel_loop3A_289 : vector<16xf32>
        %parallel_loop3A_291 = arith.constant 1.000000e+00 : f32
        %parallel_loop3A_292 = vector.broadcast %parallel_loop3A_291 : f32 to vector<16xf32>
        %parallel_loop3A_293 = arith.addf %parallel_loop3A_292, %parallel_loop3A_290 : vector<16xf32>
        %parallel_loop3A_294 = arith.divf %parallel_loop3A_286, %parallel_loop3A_293 : vector<16xf32>
        %parallel_loop3A_295 = math.exp %parallel_loop3A_294 : vector<16xf32>
        %parallel_loop3A_296 = arith.index_cast %parallel_loop3A_277 : i32 to index
        %parallel_loop3A_297 = arith.constant 0 : index
        %parallel_loop3A_298 = tpu.vector_load %arg20[%parallel_loop3A_296, %parallel_loop3A_297] {strides = array<i32>} : memref<80x32xf32, #tpu.memory_space<vmem>>, vector<1x16xf32>,
        %parallel_loop3A_299 = vector.shape_cast %parallel_loop3A_298 : vector<1x16xf32> to vector<16xf32>
        %parallel_loop3A_300 = vector.shape_cast %parallel_loop3A_295 : vector<16xf32> to vector<1x16xf32>
        tpu.vector_store %arg20[%parallel_loop3A_296, %parallel_loop3A_297], %parallel_loop3A_300 {strides = array<i32>} : memref<80x32xf32, #tpu.memory_space<vmem>>, vector<1x16xf32>,
        %parallel_loop3A_301 = arith.index_cast %parallel_loop3A_277 : i32 to index
        %parallel_loop3A_302 = arith.constant 16 : index
        %parallel_loop3A_303 = tpu.vector_load %arg20[%parallel_loop3A_301, %parallel_loop3A_302] {strides = array<i32>} : memref<80x32xf32, #tpu.memory_space<vmem>>, vector<1x16xf32>,
        %parallel_loop3A_304 = vector.shape_cast %parallel_loop3A_303 : vector<1x16xf32> to vector<16xf32>
        %parallel_loop3A_305 = arith.index_cast %parallel_loop3A_277 : i32 to index
        %parallel_loop3A_306 = arith.constant 16 : index
        %parallel_loop3A_307 = tpu.vector_load %arg25[%parallel_loop3A_305, %parallel_loop3A_306] {strides = array<i32>} : memref<80x32xf32, #tpu.memory_space<vmem>>, vector<1x16xf32>,
        %parallel_loop3A_308 = vector.shape_cast %parallel_loop3A_307 : vector<1x16xf32> to vector<16xf32>
        %parallel_loop3A_309 = arith.addf %parallel_loop3A_304, %parallel_loop3A_308 : vector<16xf32>
        %parallel_loop3A_310 = arith.constant 0.000000e+00 : f32
        %parallel_loop3A_311 = vector.broadcast %parallel_loop3A_310 : f32 to vector<16xf32>
        %parallel_loop3A_312 = arith.subf %parallel_loop3A_311, %parallel_loop3A_309 : vector<16xf32>
        %parallel_loop3A_313 = math.exp %parallel_loop3A_312 : vector<16xf32>
        %parallel_loop3A_314 = arith.constant 1.000000e+00 : f32
        %parallel_loop3A_315 = vector.broadcast %parallel_loop3A_314 : f32 to vector<16xf32>
        %parallel_loop3A_316 = arith.addf %parallel_loop3A_315, %parallel_loop3A_313 : vector<16xf32>
        %parallel_loop3A_317 = arith.divf %parallel_loop3A_309, %parallel_loop3A_316 : vector<16xf32>
        %parallel_loop3A_318 = math.exp %parallel_loop3A_317 : vector<16xf32>
        %parallel_loop3A_319 = arith.index_cast %parallel_loop3A_277 : i32 to index
        %parallel_loop3A_320 = arith.constant 16 : index
        %parallel_loop3A_321 = tpu.vector_load %arg20[%parallel_loop3A_319, %parallel_loop3A_320] {strides = array<i32>} : memref<80x32xf32, #tpu.memory_space<vmem>>, vector<1x16xf32>,
        %parallel_loop3A_322 = vector.shape_cast %parallel_loop3A_321 : vector<1x16xf32> to vector<16xf32>
        %parallel_loop3A_323 = vector.shape_cast %parallel_loop3A_318 : vector<16xf32> to vector<1x16xf32>
        tpu.vector_store %arg20[%parallel_loop3A_319, %parallel_loop3A_320], %parallel_loop3A_323 {strides = array<i32>} : memref<80x32xf32, #tpu.memory_space<vmem>>, vector<1x16xf32>,
      } {sc.loop_unroll_factor = 8 : i64, sc.parallel_access}
      %add3A_211 = arith.constant 2 : i32
      %add3A_212 = arith.addi %mul3A_73, %add3A_211 : i32
      %mul3A_213 = arith.constant 80 : i32
      %mul3A_214 = arith.muli %add3A_212, %mul3A_213 : i32
      %add3A_215 = arith.addi %mul3A_2, %mul3A_214 : i32
      %dma_start3A_216 = arith.constant 0 : i32
      %dma_start3A_217 = tpu.memref_slice %arg6[%add3A_215, %dma_start3A_216] : memref<320000x32xf32, #tpu.memory_space<hbm>> -> memref<80x32xf32, #tpu.memory_space<hbm>>
      %dma_start3A_218 = arith.constant 0 : i32
      %dma_start3A_219 = tpu.memref_slice %arg6[%add3A_215, %dma_start3A_218] : memref<320000x32xf32, #tpu.memory_space<hbm>> -> memref<80x32xf32, #tpu.memory_space<hbm>>
      tpu.enqueue_dma source(%arg20 : memref<80x32xf32, #tpu.memory_space<vmem>>) target(%dma_start3A_219 : memref<80x32xf32, #tpu.memory_space<hbm>>) target_semaphore(%arg40 : memref<!tpu.dma_semaphore, #tpu.memory_space<semaphore_mem>>)
      "tpu.region"() ({
        %run_scoped3A = tpu.sem_alloc : memref<!tpu.dma_semaphore, #tpu.memory_space<semaphore_mem>>
        %dma_start3A_277 = arith.constant 0 : i32
        %dma_start3A_278 = arith.constant 0 : i32
        %dma_start3A_279 = tpu.memref_slice %arg29[%dma_start3A_277, %dma_start3A_278] : memref<10000x32xf32, #tpu.memory_space<vmem_shared>> -> memref<10000x32xf32, #tpu.memory_space<vmem_shared>>
        tpu.enqueue_indirect_dma source(%arg20 : memref<80x32xf32, #tpu.memory_space<vmem>>) target(%dma_start3A_279 : memref<10000x32xf32, #tpu.memory_space<vmem_shared>>) offsets(%arg15 : memref<80xi32, #tpu.memory_space<vmem>>) semaphore(%run_scoped3A : memref<!tpu.dma_semaphore, #tpu.memory_space<semaphore_mem>>) {add = true}
        %dma_wait3A_280 = arith.constant 0 : i32
        %dma_wait3A_281 = arith.constant 0 : i32
        %dma_wait3A_282 = tpu.memref_slice %arg29[%dma_wait3A_280, %dma_wait3A_281] : memref<10000x32xf32, #tpu.memory_space<vmem_shared>> -> memref<10000x32xf32, #tpu.memory_space<vmem_shared>>
        tpu.wait_indirect_dma semaphore(%run_scoped3A : memref<!tpu.dma_semaphore, #tpu.memory_space<semaphore_mem>>) src(%arg20 : memref<80x32xf32, #tpu.memory_space<vmem>>) dst(%dma_wait3A_282 : memref<10000x32xf32, #tpu.memory_space<vmem_shared>>)
        tpu.yield
      }) : () -> ()
      %dma_wait3A_220 = arith.constant 0 : i32
      %dma_wait3A_221 = arith.constant 0 : i32
      %dma_wait3A_222 = tpu.memref_slice %arg4[%dma_wait3A_220, %dma_wait3A_221] : memref<10000x32xf32, #tpu.memory_space<hbm>> -> memref<10000x32xf32, #tpu.memory_space<hbm>>
      tpu.wait_indirect_dma semaphore(%arg38 : memref<!tpu.dma_semaphore, #tpu.memory_space<semaphore_mem>>) src(%dma_wait3A_222 : memref<10000x32xf32, #tpu.memory_space<hbm>>) dst(%arg21 : memref<80x32xf32, #tpu.memory_space<vmem>>)
      %dma_wait3A_223 = arith.constant 0 : i32
      %dma_wait3A_224 = arith.constant 0 : i32
      %dma_wait3A_225 = tpu.memref_slice %arg5[%dma_wait3A_223, %dma_wait3A_224] : memref<10000x32xf32, #tpu.memory_space<hbm>> -> memref<10000x32xf32, #tpu.memory_space<hbm>>
      tpu.wait_indirect_dma semaphore(%arg38 : memref<!tpu.dma_semaphore, #tpu.memory_space<semaphore_mem>>) src(%dma_wait3A_225 : memref<10000x32xf32, #tpu.memory_space<hbm>>) dst(%arg26 : memref<80x32xf32, #tpu.memory_space<vmem>>)
      %parallel_loop3A_226 = arith.constant 0 : i32
      %parallel_loop3A_227 = arith.constant 80 : i32
      %parallel_loop3A_228 = arith.constant 1 : i32
      scf.for %parallel_loop3A_277 = %parallel_loop3A_226 to %parallel_loop3A_227 step %parallel_loop3A_228  : i32 {
        %parallel_loop3A_278 = arith.index_cast %parallel_loop3A_277 : i32 to index
        %parallel_loop3A_279 = arith.constant 0 : index
        %parallel_loop3A_280 = tpu.vector_load %arg21[%parallel_loop3A_278, %parallel_loop3A_279] {strides = array<i32>} : memref<80x32xf32, #tpu.memory_space<vmem>>, vector<1x16xf32>,
        %parallel_loop3A_281 = vector.shape_cast %parallel_loop3A_280 : vector<1x16xf32> to vector<16xf32>
        %parallel_loop3A_282 = arith.index_cast %parallel_loop3A_277 : i32 to index
        %parallel_loop3A_283 = arith.constant 0 : index
        %parallel_loop3A_284 = tpu.vector_load %arg26[%parallel_loop3A_282, %parallel_loop3A_283] {strides = array<i32>} : memref<80x32xf32, #tpu.memory_space<vmem>>, vector<1x16xf32>,
        %parallel_loop3A_285 = vector.shape_cast %parallel_loop3A_284 : vector<1x16xf32> to vector<16xf32>
        %parallel_loop3A_286 = arith.addf %parallel_loop3A_281, %parallel_loop3A_285 : vector<16xf32>
        %parallel_loop3A_287 = arith.constant 0.000000e+00 : f32
        %parallel_loop3A_288 = vector.broadcast %parallel_loop3A_287 : f32 to vector<16xf32>
        %parallel_loop3A_289 = arith.subf %parallel_loop3A_288, %parallel_loop3A_286 : vector<16xf32>
        %parallel_loop3A_290 = math.exp %parallel_loop3A_289 : vector<16xf32>
        %parallel_loop3A_291 = arith.constant 1.000000e+00 : f32
        %parallel_loop3A_292 = vector.broadcast %parallel_loop3A_291 : f32 to vector<16xf32>
        %parallel_loop3A_293 = arith.addf %parallel_loop3A_292, %parallel_loop3A_290 : vector<16xf32>
        %parallel_loop3A_294 = arith.divf %parallel_loop3A_286, %parallel_loop3A_293 : vector<16xf32>
        %parallel_loop3A_295 = math.exp %parallel_loop3A_294 : vector<16xf32>
        %parallel_loop3A_296 = arith.index_cast %parallel_loop3A_277 : i32 to index
        %parallel_loop3A_297 = arith.constant 0 : index
        %parallel_loop3A_298 = tpu.vector_load %arg21[%parallel_loop3A_296, %parallel_loop3A_297] {strides = array<i32>} : memref<80x32xf32, #tpu.memory_space<vmem>>, vector<1x16xf32>,
        %parallel_loop3A_299 = vector.shape_cast %parallel_loop3A_298 : vector<1x16xf32> to vector<16xf32>
        %parallel_loop3A_300 = vector.shape_cast %parallel_loop3A_295 : vector<16xf32> to vector<1x16xf32>
        tpu.vector_store %arg21[%parallel_loop3A_296, %parallel_loop3A_297], %parallel_loop3A_300 {strides = array<i32>} : memref<80x32xf32, #tpu.memory_space<vmem>>, vector<1x16xf32>,
        %parallel_loop3A_301 = arith.index_cast %parallel_loop3A_277 : i32 to index
        %parallel_loop3A_302 = arith.constant 16 : index
        %parallel_loop3A_303 = tpu.vector_load %arg21[%parallel_loop3A_301, %parallel_loop3A_302] {strides = array<i32>} : memref<80x32xf32, #tpu.memory_space<vmem>>, vector<1x16xf32>,
        %parallel_loop3A_304 = vector.shape_cast %parallel_loop3A_303 : vector<1x16xf32> to vector<16xf32>
        %parallel_loop3A_305 = arith.index_cast %parallel_loop3A_277 : i32 to index
        %parallel_loop3A_306 = arith.constant 16 : index
        %parallel_loop3A_307 = tpu.vector_load %arg26[%parallel_loop3A_305, %parallel_loop3A_306] {strides = array<i32>} : memref<80x32xf32, #tpu.memory_space<vmem>>, vector<1x16xf32>,
        %parallel_loop3A_308 = vector.shape_cast %parallel_loop3A_307 : vector<1x16xf32> to vector<16xf32>
        %parallel_loop3A_309 = arith.addf %parallel_loop3A_304, %parallel_loop3A_308 : vector<16xf32>
        %parallel_loop3A_310 = arith.constant 0.000000e+00 : f32
        %parallel_loop3A_311 = vector.broadcast %parallel_loop3A_310 : f32 to vector<16xf32>
        %parallel_loop3A_312 = arith.subf %parallel_loop3A_311, %parallel_loop3A_309 : vector<16xf32>
        %parallel_loop3A_313 = math.exp %parallel_loop3A_312 : vector<16xf32>
        %parallel_loop3A_314 = arith.constant 1.000000e+00 : f32
        %parallel_loop3A_315 = vector.broadcast %parallel_loop3A_314 : f32 to vector<16xf32>
        %parallel_loop3A_316 = arith.addf %parallel_loop3A_315, %parallel_loop3A_313 : vector<16xf32>
        %parallel_loop3A_317 = arith.divf %parallel_loop3A_309, %parallel_loop3A_316 : vector<16xf32>
        %parallel_loop3A_318 = math.exp %parallel_loop3A_317 : vector<16xf32>
        %parallel_loop3A_319 = arith.index_cast %parallel_loop3A_277 : i32 to index
        %parallel_loop3A_320 = arith.constant 16 : index
        %parallel_loop3A_321 = tpu.vector_load %arg21[%parallel_loop3A_319, %parallel_loop3A_320] {strides = array<i32>} : memref<80x32xf32, #tpu.memory_space<vmem>>, vector<1x16xf32>,
        %parallel_loop3A_322 = vector.shape_cast %parallel_loop3A_321 : vector<1x16xf32> to vector<16xf32>
        %parallel_loop3A_323 = vector.shape_cast %parallel_loop3A_318 : vector<16xf32> to vector<1x16xf32>
        tpu.vector_store %arg21[%parallel_loop3A_319, %parallel_loop3A_320], %parallel_loop3A_323 {strides = array<i32>} : memref<80x32xf32, #tpu.memory_space<vmem>>, vector<1x16xf32>,
      } {sc.loop_unroll_factor = 8 : i64, sc.parallel_access}
      %add3A_229 = arith.constant 3 : i32
      %add3A_230 = arith.addi %mul3A_73, %add3A_229 : i32
      %mul3A_231 = arith.constant 80 : i32
      %mul3A_232 = arith.muli %add3A_230, %mul3A_231 : i32
      %add3A_233 = arith.addi %mul3A_2, %mul3A_232 : i32
      %dma_start3A_234 = arith.constant 0 : i32
      %dma_start3A_235 = tpu.memref_slice %arg6[%add3A_233, %dma_start3A_234] : memref<320000x32xf32, #tpu.memory_space<hbm>> -> memref<80x32xf32, #tpu.memory_space<hbm>>
      %dma_start3A_236 = arith.constant 0 : i32
      %dma_start3A_237 = tpu.memref_slice %arg6[%add3A_233, %dma_start3A_236] : memref<320000x32xf32, #tpu.memory_space<hbm>> -> memref<80x32xf32, #tpu.memory_space<hbm>>
      tpu.enqueue_dma source(%arg21 : memref<80x32xf32, #tpu.memory_space<vmem>>) target(%dma_start3A_237 : memref<80x32xf32, #tpu.memory_space<hbm>>) target_semaphore(%arg40 : memref<!tpu.dma_semaphore, #tpu.memory_space<semaphore_mem>>)
      "tpu.region"() ({
        %run_scoped3A = tpu.sem_alloc : memref<!tpu.dma_semaphore, #tpu.memory_space<semaphore_mem>>
        %dma_start3A_277 = arith.constant 0 : i32
        %dma_start3A_278 = arith.constant 0 : i32
        %dma_start3A_279 = tpu.memref_slice %arg29[%dma_start3A_277, %dma_start3A_278] : memref<10000x32xf32, #tpu.memory_space<vmem_shared>> -> memref<10000x32xf32, #tpu.memory_space<vmem_shared>>
        tpu.enqueue_indirect_dma source(%arg21 : memref<80x32xf32, #tpu.memory_space<vmem>>) target(%dma_start3A_279 : memref<10000x32xf32, #tpu.memory_space<vmem_shared>>) offsets(%arg16 : memref<80xi32, #tpu.memory_space<vmem>>) semaphore(%run_scoped3A : memref<!tpu.dma_semaphore, #tpu.memory_space<semaphore_mem>>) {add = true}
        %dma_wait3A_280 = arith.constant 0 : i32
        %dma_wait3A_281 = arith.constant 0 : i32
        %dma_wait3A_282 = tpu.memref_slice %arg29[%dma_wait3A_280, %dma_wait3A_281] : memref<10000x32xf32, #tpu.memory_space<vmem_shared>> -> memref<10000x32xf32, #tpu.memory_space<vmem_shared>>
        tpu.wait_indirect_dma semaphore(%run_scoped3A : memref<!tpu.dma_semaphore, #tpu.memory_space<semaphore_mem>>) src(%arg21 : memref<80x32xf32, #tpu.memory_space<vmem>>) dst(%dma_wait3A_282 : memref<10000x32xf32, #tpu.memory_space<vmem_shared>>)
        tpu.yield
      }) : () -> ()
      %dma_wait3A_238 = arith.constant 0 : i32
      %dma_wait3A_239 = arith.constant 0 : i32
      %dma_wait3A_240 = tpu.memref_slice %arg4[%dma_wait3A_238, %dma_wait3A_239] : memref<10000x32xf32, #tpu.memory_space<hbm>> -> memref<10000x32xf32, #tpu.memory_space<hbm>>
      tpu.wait_indirect_dma semaphore(%arg39 : memref<!tpu.dma_semaphore, #tpu.memory_space<semaphore_mem>>) src(%dma_wait3A_240 : memref<10000x32xf32, #tpu.memory_space<hbm>>) dst(%arg22 : memref<80x32xf32, #tpu.memory_space<vmem>>)
      %dma_wait3A_241 = arith.constant 0 : i32
      %dma_wait3A_242 = arith.constant 0 : i32
      %dma_wait3A_243 = tpu.memref_slice %arg5[%dma_wait3A_241, %dma_wait3A_242] : memref<10000x32xf32, #tpu.memory_space<hbm>> -> memref<10000x32xf32, #tpu.memory_space<hbm>>
      tpu.wait_indirect_dma semaphore(%arg39 : memref<!tpu.dma_semaphore, #tpu.memory_space<semaphore_mem>>) src(%dma_wait3A_243 : memref<10000x32xf32, #tpu.memory_space<hbm>>) dst(%arg27 : memref<80x32xf32, #tpu.memory_space<vmem>>)
      %parallel_loop3A_244 = arith.constant 0 : i32
      %parallel_loop3A_245 = arith.constant 80 : i32
      %parallel_loop3A_246 = arith.constant 1 : i32
      scf.for %parallel_loop3A_277 = %parallel_loop3A_244 to %parallel_loop3A_245 step %parallel_loop3A_246  : i32 {
        %parallel_loop3A_278 = arith.index_cast %parallel_loop3A_277 : i32 to index
        %parallel_loop3A_279 = arith.constant 0 : index
        %parallel_loop3A_280 = tpu.vector_load %arg22[%parallel_loop3A_278, %parallel_loop3A_279] {strides = array<i32>} : memref<80x32xf32, #tpu.memory_space<vmem>>, vector<1x16xf32>,
        %parallel_loop3A_281 = vector.shape_cast %parallel_loop3A_280 : vector<1x16xf32> to vector<16xf32>
        %parallel_loop3A_282 = arith.index_cast %parallel_loop3A_277 : i32 to index
        %parallel_loop3A_283 = arith.constant 0 : index
        %parallel_loop3A_284 = tpu.vector_load %arg27[%parallel_loop3A_282, %parallel_loop3A_283] {strides = array<i32>} : memref<80x32xf32, #tpu.memory_space<vmem>>, vector<1x16xf32>,
        %parallel_loop3A_285 = vector.shape_cast %parallel_loop3A_284 : vector<1x16xf32> to vector<16xf32>
        %parallel_loop3A_286 = arith.addf %parallel_loop3A_281, %parallel_loop3A_285 : vector<16xf32>
        %parallel_loop3A_287 = arith.constant 0.000000e+00 : f32
        %parallel_loop3A_288 = vector.broadcast %parallel_loop3A_287 : f32 to vector<16xf32>
        %parallel_loop3A_289 = arith.subf %parallel_loop3A_288, %parallel_loop3A_286 : vector<16xf32>
        %parallel_loop3A_290 = math.exp %parallel_loop3A_289 : vector<16xf32>
        %parallel_loop3A_291 = arith.constant 1.000000e+00 : f32
        %parallel_loop3A_292 = vector.broadcast %parallel_loop3A_291 : f32 to vector<16xf32>
        %parallel_loop3A_293 = arith.addf %parallel_loop3A_292, %parallel_loop3A_290 : vector<16xf32>
        %parallel_loop3A_294 = arith.divf %parallel_loop3A_286, %parallel_loop3A_293 : vector<16xf32>
        %parallel_loop3A_295 = math.exp %parallel_loop3A_294 : vector<16xf32>
        %parallel_loop3A_296 = arith.index_cast %parallel_loop3A_277 : i32 to index
        %parallel_loop3A_297 = arith.constant 0 : index
        %parallel_loop3A_298 = tpu.vector_load %arg22[%parallel_loop3A_296, %parallel_loop3A_297] {strides = array<i32>} : memref<80x32xf32, #tpu.memory_space<vmem>>, vector<1x16xf32>,
        %parallel_loop3A_299 = vector.shape_cast %parallel_loop3A_298 : vector<1x16xf32> to vector<16xf32>
        %parallel_loop3A_300 = vector.shape_cast %parallel_loop3A_295 : vector<16xf32> to vector<1x16xf32>
        tpu.vector_store %arg22[%parallel_loop3A_296, %parallel_loop3A_297], %parallel_loop3A_300 {strides = array<i32>} : memref<80x32xf32, #tpu.memory_space<vmem>>, vector<1x16xf32>,
        %parallel_loop3A_301 = arith.index_cast %parallel_loop3A_277 : i32 to index
        %parallel_loop3A_302 = arith.constant 16 : index
        %parallel_loop3A_303 = tpu.vector_load %arg22[%parallel_loop3A_301, %parallel_loop3A_302] {strides = array<i32>} : memref<80x32xf32, #tpu.memory_space<vmem>>, vector<1x16xf32>,
        %parallel_loop3A_304 = vector.shape_cast %parallel_loop3A_303 : vector<1x16xf32> to vector<16xf32>
        %parallel_loop3A_305 = arith.index_cast %parallel_loop3A_277 : i32 to index
        %parallel_loop3A_306 = arith.constant 16 : index
        %parallel_loop3A_307 = tpu.vector_load %arg27[%parallel_loop3A_305, %parallel_loop3A_306] {strides = array<i32>} : memref<80x32xf32, #tpu.memory_space<vmem>>, vector<1x16xf32>,
        %parallel_loop3A_308 = vector.shape_cast %parallel_loop3A_307 : vector<1x16xf32> to vector<16xf32>
        %parallel_loop3A_309 = arith.addf %parallel_loop3A_304, %parallel_loop3A_308 : vector<16xf32>
        %parallel_loop3A_310 = arith.constant 0.000000e+00 : f32
        %parallel_loop3A_311 = vector.broadcast %parallel_loop3A_310 : f32 to vector<16xf32>
        %parallel_loop3A_312 = arith.subf %parallel_loop3A_311, %parallel_loop3A_309 : vector<16xf32>
        %parallel_loop3A_313 = math.exp %parallel_loop3A_312 : vector<16xf32>
        %parallel_loop3A_314 = arith.constant 1.000000e+00 : f32
        %parallel_loop3A_315 = vector.broadcast %parallel_loop3A_314 : f32 to vector<16xf32>
        %parallel_loop3A_316 = arith.addf %parallel_loop3A_315, %parallel_loop3A_313 : vector<16xf32>
        %parallel_loop3A_317 = arith.divf %parallel_loop3A_309, %parallel_loop3A_316 : vector<16xf32>
        %parallel_loop3A_318 = math.exp %parallel_loop3A_317 : vector<16xf32>
        %parallel_loop3A_319 = arith.index_cast %parallel_loop3A_277 : i32 to index
        %parallel_loop3A_320 = arith.constant 16 : index
        %parallel_loop3A_321 = tpu.vector_load %arg22[%parallel_loop3A_319, %parallel_loop3A_320] {strides = array<i32>} : memref<80x32xf32, #tpu.memory_space<vmem>>, vector<1x16xf32>,
        %parallel_loop3A_322 = vector.shape_cast %parallel_loop3A_321 : vector<1x16xf32> to vector<16xf32>
        %parallel_loop3A_323 = vector.shape_cast %parallel_loop3A_318 : vector<16xf32> to vector<1x16xf32>
        tpu.vector_store %arg22[%parallel_loop3A_319, %parallel_loop3A_320], %parallel_loop3A_323 {strides = array<i32>} : memref<80x32xf32, #tpu.memory_space<vmem>>, vector<1x16xf32>,
      } {sc.loop_unroll_factor = 8 : i64, sc.parallel_access}
      %add3A_247 = arith.constant 4 : i32
      %add3A_248 = arith.addi %mul3A_73, %add3A_247 : i32
      %mul3A_249 = arith.constant 80 : i32
      %mul3A_250 = arith.muli %add3A_248, %mul3A_249 : i32
      %add3A_251 = arith.addi %mul3A_2, %mul3A_250 : i32
      %dma_start3A_252 = arith.constant 0 : i32
      %dma_start3A_253 = tpu.memref_slice %arg6[%add3A_251, %dma_start3A_252] : memref<320000x32xf32, #tpu.memory_space<hbm>> -> memref<80x32xf32, #tpu.memory_space<hbm>>
      %dma_start3A_254 = arith.constant 0 : i32
      %dma_start3A_255 = tpu.memref_slice %arg6[%add3A_251, %dma_start3A_254] : memref<320000x32xf32, #tpu.memory_space<hbm>> -> memref<80x32xf32, #tpu.memory_space<hbm>>
      tpu.enqueue_dma source(%arg22 : memref<80x32xf32, #tpu.memory_space<vmem>>) target(%dma_start3A_255 : memref<80x32xf32, #tpu.memory_space<hbm>>) target_semaphore(%arg40 : memref<!tpu.dma_semaphore, #tpu.memory_space<semaphore_mem>>)
      "tpu.region"() ({
        %run_scoped3A = tpu.sem_alloc : memref<!tpu.dma_semaphore, #tpu.memory_space<semaphore_mem>>
        %dma_start3A_277 = arith.constant 0 : i32
        %dma_start3A_278 = arith.constant 0 : i32
        %dma_start3A_279 = tpu.memref_slice %arg29[%dma_start3A_277, %dma_start3A_278] : memref<10000x32xf32, #tpu.memory_space<vmem_shared>> -> memref<10000x32xf32, #tpu.memory_space<vmem_shared>>
        tpu.enqueue_indirect_dma source(%arg22 : memref<80x32xf32, #tpu.memory_space<vmem>>) target(%dma_start3A_279 : memref<10000x32xf32, #tpu.memory_space<vmem_shared>>) offsets(%arg17 : memref<80xi32, #tpu.memory_space<vmem>>) semaphore(%run_scoped3A : memref<!tpu.dma_semaphore, #tpu.memory_space<semaphore_mem>>) {add = true}
        %dma_wait3A_280 = arith.constant 0 : i32
        %dma_wait3A_281 = arith.constant 0 : i32
        %dma_wait3A_282 = tpu.memref_slice %arg29[%dma_wait3A_280, %dma_wait3A_281] : memref<10000x32xf32, #tpu.memory_space<vmem_shared>> -> memref<10000x32xf32, #tpu.memory_space<vmem_shared>>
        tpu.wait_indirect_dma semaphore(%run_scoped3A : memref<!tpu.dma_semaphore, #tpu.memory_space<semaphore_mem>>) src(%arg22 : memref<80x32xf32, #tpu.memory_space<vmem>>) dst(%dma_wait3A_282 : memref<10000x32xf32, #tpu.memory_space<vmem_shared>>)
        tpu.yield
      }) : () -> ()
      %dma_wait3A_256 = arith.constant 0 : i32
      %dma_wait3A_257 = tpu.memref_slice %arg6[%add3A_179, %dma_wait3A_256] : memref<320000x32xf32, #tpu.memory_space<hbm>> -> memref<80x32xf32, #tpu.memory_space<hbm>>
      %dma_wait3A_258 = arith.constant 0 : i32
      %dma_wait3A_259 = tpu.memref_slice %arg6[%add3A_179, %dma_wait3A_258] : memref<320000x32xf32, #tpu.memory_space<hbm>> -> memref<80x32xf32, #tpu.memory_space<hbm>>
      tpu.wait_dma2 semaphore(%arg40 : memref<!tpu.dma_semaphore, #tpu.memory_space<semaphore_mem>>) src(%arg18 : memref<80x32xf32, #tpu.memory_space<vmem>>) dst(%dma_wait3A_259 : memref<80x32xf32, #tpu.memory_space<hbm>>)
      %dma_wait3A_260 = arith.constant 0 : i32
      %dma_wait3A_261 = tpu.memref_slice %arg6[%add3A_197, %dma_wait3A_260] : memref<320000x32xf32, #tpu.memory_space<hbm>> -> memref<80x32xf32, #tpu.memory_space<hbm>>
      %dma_wait3A_262 = arith.constant 0 : i32
      %dma_wait3A_263 = tpu.memref_slice %arg6[%add3A_197, %dma_wait3A_262] : memref<320000x32xf32, #tpu.memory_space<hbm>> -> memref<80x32xf32, #tpu.memory_space<hbm>>
      tpu.wait_dma2 semaphore(%arg40 : memref<!tpu.dma_semaphore, #tpu.memory_space<semaphore_mem>>) src(%arg19 : memref<80x32xf32, #tpu.memory_space<vmem>>) dst(%dma_wait3A_263 : memref<80x32xf32, #tpu.memory_space<hbm>>)
      %dma_wait3A_264 = arith.constant 0 : i32
      %dma_wait3A_265 = tpu.memref_slice %arg6[%add3A_215, %dma_wait3A_264] : memref<320000x32xf32, #tpu.memory_space<hbm>> -> memref<80x32xf32, #tpu.memory_space<hbm>>
      %dma_wait3A_266 = arith.constant 0 : i32
      %dma_wait3A_267 = tpu.memref_slice %arg6[%add3A_215, %dma_wait3A_266] : memref<320000x32xf32, #tpu.memory_space<hbm>> -> memref<80x32xf32, #tpu.memory_space<hbm>>
      tpu.wait_dma2 semaphore(%arg40 : memref<!tpu.dma_semaphore, #tpu.memory_space<semaphore_mem>>) src(%arg20 : memref<80x32xf32, #tpu.memory_space<vmem>>) dst(%dma_wait3A_267 : memref<80x32xf32, #tpu.memory_space<hbm>>)
      %dma_wait3A_268 = arith.constant 0 : i32
      %dma_wait3A_269 = tpu.memref_slice %arg6[%add3A_233, %dma_wait3A_268] : memref<320000x32xf32, #tpu.memory_space<hbm>> -> memref<80x32xf32, #tpu.memory_space<hbm>>
      %dma_wait3A_270 = arith.constant 0 : i32
      %dma_wait3A_271 = tpu.memref_slice %arg6[%add3A_233, %dma_wait3A_270] : memref<320000x32xf32, #tpu.memory_space<hbm>> -> memref<80x32xf32, #tpu.memory_space<hbm>>
      tpu.wait_dma2 semaphore(%arg40 : memref<!tpu.dma_semaphore, #tpu.memory_space<semaphore_mem>>) src(%arg21 : memref<80x32xf32, #tpu.memory_space<vmem>>) dst(%dma_wait3A_271 : memref<80x32xf32, #tpu.memory_space<hbm>>)
      %dma_wait3A_272 = arith.constant 0 : i32
      %dma_wait3A_273 = tpu.memref_slice %arg6[%add3A_251, %dma_wait3A_272] : memref<320000x32xf32, #tpu.memory_space<hbm>> -> memref<80x32xf32, #tpu.memory_space<hbm>>
      %dma_wait3A_274 = arith.constant 0 : i32
      %dma_wait3A_275 = tpu.memref_slice %arg6[%add3A_251, %dma_wait3A_274] : memref<320000x32xf32, #tpu.memory_space<hbm>> -> memref<80x32xf32, #tpu.memory_space<hbm>>
      tpu.wait_dma2 semaphore(%arg40 : memref<!tpu.dma_semaphore, #tpu.memory_space<semaphore_mem>>) src(%arg22 : memref<80x32xf32, #tpu.memory_space<vmem>>) dst(%dma_wait3A_275 : memref<80x32xf32, #tpu.memory_space<hbm>>)
      %scan3A_276 = arith.constant 0 : i32
      scf.yield %scan3A_276 : i32
    }
    %scan3A_40 = arith.constant 25 : i32
    %barrier3A_41 = arith.constant 0 : index
    tpu.barrier barrier_id(%barrier3A_41)
    %add3A_42 = arith.constant 0 : i32
    %add3A_43 = arith.addi %arg1, %add3A_42 : i32
    %lt3A_44 = arith.constant 50 : i32
    %lt3A_45 = arith.cmpi slt, %add3A_43, %lt3A_44 : i32
    %convert_element_type3A_46 = arith.extui %lt3A_45 : i1 to i32
    %cond3A_47 = arith.constant 0 : i32
    %cond3A_48 = arith.cmpi ne, %convert_element_type3A_46, %cond3A_47 : i32
    scf.if %cond3A_48 {
      %mul3A_70 = arith.constant 200 : i32
      %mul3A_71 = arith.muli %add3A_43, %mul3A_70 : i32
      "tpu.region"() ({
        %run_scoped3A = tpu.sem_alloc : memref<!tpu.dma_semaphore, #tpu.memory_space<semaphore_mem>>
        %dma_start3A = arith.constant 0 : i32
        %dma_start3A_77 = tpu.memref_slice %arg29[%mul3A_71, %dma_start3A] : memref<10000x32xf32, #tpu.memory_space<vmem_shared>> -> memref<200x32xf32, #tpu.memory_space<vmem_shared>>
        %dma_start3A_78 = arith.constant 0 : i32
        %dma_start3A_79 = tpu.memref_slice %arg29[%mul3A_71, %dma_start3A_78] : memref<10000x32xf32, #tpu.memory_space<vmem_shared>> -> memref<200x32xf32, #tpu.memory_space<vmem_shared>>
        tpu.enqueue_dma source(%dma_start3A_79 : memref<200x32xf32, #tpu.memory_space<vmem_shared>>) target(%arg28 : memref<200x32xf32, #tpu.memory_space<vmem>>) target_semaphore(%run_scoped3A : memref<!tpu.dma_semaphore, #tpu.memory_space<semaphore_mem>>)
        %dma_wait3A = arith.constant 0 : i32
        %dma_wait3A_80 = tpu.memref_slice %arg29[%mul3A_71, %dma_wait3A] : memref<10000x32xf32, #tpu.memory_space<vmem_shared>> -> memref<200x32xf32, #tpu.memory_space<vmem_shared>>
        %dma_wait3A_81 = arith.constant 0 : i32
        %dma_wait3A_82 = tpu.memref_slice %arg29[%mul3A_71, %dma_wait3A_81] : memref<10000x32xf32, #tpu.memory_space<vmem_shared>> -> memref<200x32xf32, #tpu.memory_space<vmem_shared>>
        tpu.wait_dma2 semaphore(%run_scoped3A : memref<!tpu.dma_semaphore, #tpu.memory_space<semaphore_mem>>) src(%dma_wait3A_82 : memref<200x32xf32, #tpu.memory_space<vmem_shared>>) dst(%arg28 : memref<200x32xf32, #tpu.memory_space<vmem>>)
        tpu.yield
      }) : () -> ()
      %mul3A_72 = arith.constant 10000 : i32
      %mul3A_73 = arith.muli %arg0, %mul3A_72 : i32
      %mul3A_74 = arith.constant 200 : i32
      %mul3A_75 = arith.muli %add3A_43, %mul3A_74 : i32
      %add3A_76 = arith.addi %mul3A_73, %mul3A_75 : i32
      "tpu.region"() ({
        %run_scoped3A = tpu.sem_alloc : memref<!tpu.dma_semaphore, #tpu.memory_space<semaphore_mem>>
        %dma_start3A = arith.constant 0 : i32
        %dma_start3A_77 = tpu.memref_slice %arg7[%add3A_76, %dma_start3A] : memref<20000x32xf32, #tpu.memory_space<hbm>> -> memref<200x32xf32, #tpu.memory_space<hbm>>
        %dma_start3A_78 = arith.constant 0 : i32
        %dma_start3A_79 = tpu.memref_slice %arg7[%add3A_76, %dma_start3A_78] : memref<20000x32xf32, #tpu.memory_space<hbm>> -> memref<200x32xf32, #tpu.memory_space<hbm>>
        tpu.enqueue_dma source(%arg28 : memref<200x32xf32, #tpu.memory_space<vmem>>) target(%dma_start3A_79 : memref<200x32xf32, #tpu.memory_space<hbm>>) target_semaphore(%run_scoped3A : memref<!tpu.dma_semaphore, #tpu.memory_space<semaphore_mem>>)
        %dma_wait3A = arith.constant 0 : i32
        %dma_wait3A_80 = tpu.memref_slice %arg7[%add3A_76, %dma_wait3A] : memref<20000x32xf32, #tpu.memory_space<hbm>> -> memref<200x32xf32, #tpu.memory_space<hbm>>
        %dma_wait3A_81 = arith.constant 0 : i32
        %dma_wait3A_82 = tpu.memref_slice %arg7[%add3A_76, %dma_wait3A_81] : memref<20000x32xf32, #tpu.memory_space<hbm>> -> memref<200x32xf32, #tpu.memory_space<hbm>>
        tpu.wait_dma2 semaphore(%run_scoped3A : memref<!tpu.dma_semaphore, #tpu.memory_space<semaphore_mem>>) src(%arg28 : memref<200x32xf32, #tpu.memory_space<vmem>>) dst(%dma_wait3A_82 : memref<200x32xf32, #tpu.memory_space<hbm>>)
        tpu.yield
      }) : () -> ()
    } else {
    }
    %add3A_49 = arith.constant 16 : i32
    %add3A_50 = arith.addi %arg1, %add3A_49 : i32
    %lt3A_51 = arith.constant 50 : i32
    %lt3A_52 = arith.cmpi slt, %add3A_50, %lt3A_51 : i32
    %convert_element_type3A_53 = arith.extui %lt3A_52 : i1 to i32
    %cond3A_54 = arith.constant 0 : i32
    %cond3A_55 = arith.cmpi ne, %convert_element_type3A_53, %cond3A_54 : i32
    scf.if %cond3A_55 {
      %mul3A_70 = arith.constant 200 : i32
      %mul3A_71 = arith.muli %add3A_50, %mul3A_70 : i32
      "tpu.region"() ({
        %run_scoped3A = tpu.sem_alloc : memref<!tpu.dma_semaphore, #tpu.memory_space<semaphore_mem>>
        %dma_start3A = arith.constant 0 : i32
        %dma_start3A_77 = tpu.memref_slice %arg29[%mul3A_71, %dma_start3A] : memref<10000x32xf32, #tpu.memory_space<vmem_shared>> -> memref<200x32xf32, #tpu.memory_space<vmem_shared>>
        %dma_start3A_78 = arith.constant 0 : i32
        %dma_start3A_79 = tpu.memref_slice %arg29[%mul3A_71, %dma_start3A_78] : memref<10000x32xf32, #tpu.memory_space<vmem_shared>> -> memref<200x32xf32, #tpu.memory_space<vmem_shared>>
        tpu.enqueue_dma source(%dma_start3A_79 : memref<200x32xf32, #tpu.memory_space<vmem_shared>>) target(%arg28 : memref<200x32xf32, #tpu.memory_space<vmem>>) target_semaphore(%run_scoped3A : memref<!tpu.dma_semaphore, #tpu.memory_space<semaphore_mem>>)
        %dma_wait3A = arith.constant 0 : i32
        %dma_wait3A_80 = tpu.memref_slice %arg29[%mul3A_71, %dma_wait3A] : memref<10000x32xf32, #tpu.memory_space<vmem_shared>> -> memref<200x32xf32, #tpu.memory_space<vmem_shared>>
        %dma_wait3A_81 = arith.constant 0 : i32
        %dma_wait3A_82 = tpu.memref_slice %arg29[%mul3A_71, %dma_wait3A_81] : memref<10000x32xf32, #tpu.memory_space<vmem_shared>> -> memref<200x32xf32, #tpu.memory_space<vmem_shared>>
        tpu.wait_dma2 semaphore(%run_scoped3A : memref<!tpu.dma_semaphore, #tpu.memory_space<semaphore_mem>>) src(%dma_wait3A_82 : memref<200x32xf32, #tpu.memory_space<vmem_shared>>) dst(%arg28 : memref<200x32xf32, #tpu.memory_space<vmem>>)
        tpu.yield
      }) : () -> ()
      %mul3A_72 = arith.constant 10000 : i32
      %mul3A_73 = arith.muli %arg0, %mul3A_72 : i32
      %mul3A_74 = arith.constant 200 : i32
      %mul3A_75 = arith.muli %add3A_50, %mul3A_74 : i32
      %add3A_76 = arith.addi %mul3A_73, %mul3A_75 : i32
      "tpu.region"() ({
        %run_scoped3A = tpu.sem_alloc : memref<!tpu.dma_semaphore, #tpu.memory_space<semaphore_mem>>
        %dma_start3A = arith.constant 0 : i32
        %dma_start3A_77 = tpu.memref_slice %arg7[%add3A_76, %dma_start3A] : memref<20000x32xf32, #tpu.memory_space<hbm>> -> memref<200x32xf32, #tpu.memory_space<hbm>>
        %dma_start3A_78 = arith.constant 0 : i32
        %dma_start3A_79 = tpu.memref_slice %arg7[%add3A_76, %dma_start3A_78] : memref<20000x32xf32, #tpu.memory_space<hbm>> -> memref<200x32xf32, #tpu.memory_space<hbm>>
        tpu.enqueue_dma source(%arg28 : memref<200x32xf32, #tpu.memory_space<vmem>>) target(%dma_start3A_79 : memref<200x32xf32, #tpu.memory_space<hbm>>) target_semaphore(%run_scoped3A : memref<!tpu.dma_semaphore, #tpu.memory_space<semaphore_mem>>)
        %dma_wait3A = arith.constant 0 : i32
        %dma_wait3A_80 = tpu.memref_slice %arg7[%add3A_76, %dma_wait3A] : memref<20000x32xf32, #tpu.memory_space<hbm>> -> memref<200x32xf32, #tpu.memory_space<hbm>>
        %dma_wait3A_81 = arith.constant 0 : i32
        %dma_wait3A_82 = tpu.memref_slice %arg7[%add3A_76, %dma_wait3A_81] : memref<20000x32xf32, #tpu.memory_space<hbm>> -> memref<200x32xf32, #tpu.memory_space<hbm>>
        tpu.wait_dma2 semaphore(%run_scoped3A : memref<!tpu.dma_semaphore, #tpu.memory_space<semaphore_mem>>) src(%arg28 : memref<200x32xf32, #tpu.memory_space<vmem>>) dst(%dma_wait3A_82 : memref<200x32xf32, #tpu.memory_space<hbm>>)
        tpu.yield
      }) : () -> ()
    } else {
    }
    %add3A_56 = arith.constant 32 : i32
    %add3A_57 = arith.addi %arg1, %add3A_56 : i32
    %lt3A_58 = arith.constant 50 : i32
    %lt3A_59 = arith.cmpi slt, %add3A_57, %lt3A_58 : i32
    %convert_element_type3A_60 = arith.extui %lt3A_59 : i1 to i32
    %cond3A_61 = arith.constant 0 : i32
    %cond3A_62 = arith.cmpi ne, %convert_element_type3A_60, %cond3A_61 : i32
    scf.if %cond3A_62 {
      %mul3A_70 = arith.constant 200 : i32
      %mul3A_71 = arith.muli %add3A_57, %mul3A_70 : i32
      "tpu.region"() ({
        %run_scoped3A = tpu.sem_alloc : memref<!tpu.dma_semaphore, #tpu.memory_space<semaphore_mem>>
        %dma_start3A = arith.constant 0 : i32
        %dma_start3A_77 = tpu.memref_slice %arg29[%mul3A_71, %dma_start3A] : memref<10000x32xf32, #tpu.memory_space<vmem_shared>> -> memref<200x32xf32, #tpu.memory_space<vmem_shared>>
        %dma_start3A_78 = arith.constant 0 : i32
        %dma_start3A_79 = tpu.memref_slice %arg29[%mul3A_71, %dma_start3A_78] : memref<10000x32xf32, #tpu.memory_space<vmem_shared>> -> memref<200x32xf32, #tpu.memory_space<vmem_shared>>
        tpu.enqueue_dma source(%dma_start3A_79 : memref<200x32xf32, #tpu.memory_space<vmem_shared>>) target(%arg28 : memref<200x32xf32, #tpu.memory_space<vmem>>) target_semaphore(%run_scoped3A : memref<!tpu.dma_semaphore, #tpu.memory_space<semaphore_mem>>)
        %dma_wait3A = arith.constant 0 : i32
        %dma_wait3A_80 = tpu.memref_slice %arg29[%mul3A_71, %dma_wait3A] : memref<10000x32xf32, #tpu.memory_space<vmem_shared>> -> memref<200x32xf32, #tpu.memory_space<vmem_shared>>
        %dma_wait3A_81 = arith.constant 0 : i32
        %dma_wait3A_82 = tpu.memref_slice %arg29[%mul3A_71, %dma_wait3A_81] : memref<10000x32xf32, #tpu.memory_space<vmem_shared>> -> memref<200x32xf32, #tpu.memory_space<vmem_shared>>
        tpu.wait_dma2 semaphore(%run_scoped3A : memref<!tpu.dma_semaphore, #tpu.memory_space<semaphore_mem>>) src(%dma_wait3A_82 : memref<200x32xf32, #tpu.memory_space<vmem_shared>>) dst(%arg28 : memref<200x32xf32, #tpu.memory_space<vmem>>)
        tpu.yield
      }) : () -> ()
      %mul3A_72 = arith.constant 10000 : i32
      %mul3A_73 = arith.muli %arg0, %mul3A_72 : i32
      %mul3A_74 = arith.constant 200 : i32
      %mul3A_75 = arith.muli %add3A_57, %mul3A_74 : i32
      %add3A_76 = arith.addi %mul3A_73, %mul3A_75 : i32
      "tpu.region"() ({
        %run_scoped3A = tpu.sem_alloc : memref<!tpu.dma_semaphore, #tpu.memory_space<semaphore_mem>>
        %dma_start3A = arith.constant 0 : i32
        %dma_start3A_77 = tpu.memref_slice %arg7[%add3A_76, %dma_start3A] : memref<20000x32xf32, #tpu.memory_space<hbm>> -> memref<200x32xf32, #tpu.memory_space<hbm>>
        %dma_start3A_78 = arith.constant 0 : i32
        %dma_start3A_79 = tpu.memref_slice %arg7[%add3A_76, %dma_start3A_78] : memref<20000x32xf32, #tpu.memory_space<hbm>> -> memref<200x32xf32, #tpu.memory_space<hbm>>
        tpu.enqueue_dma source(%arg28 : memref<200x32xf32, #tpu.memory_space<vmem>>) target(%dma_start3A_79 : memref<200x32xf32, #tpu.memory_space<hbm>>) target_semaphore(%run_scoped3A : memref<!tpu.dma_semaphore, #tpu.memory_space<semaphore_mem>>)
        %dma_wait3A = arith.constant 0 : i32
        %dma_wait3A_80 = tpu.memref_slice %arg7[%add3A_76, %dma_wait3A] : memref<20000x32xf32, #tpu.memory_space<hbm>> -> memref<200x32xf32, #tpu.memory_space<hbm>>
        %dma_wait3A_81 = arith.constant 0 : i32
        %dma_wait3A_82 = tpu.memref_slice %arg7[%add3A_76, %dma_wait3A_81] : memref<20000x32xf32, #tpu.memory_space<hbm>> -> memref<200x32xf32, #tpu.memory_space<hbm>>
        tpu.wait_dma2 semaphore(%run_scoped3A : memref<!tpu.dma_semaphore, #tpu.memory_space<semaphore_mem>>) src(%arg28 : memref<200x32xf32, #tpu.memory_space<vmem>>) dst(%dma_wait3A_82 : memref<200x32xf32, #tpu.memory_space<hbm>>)
        tpu.yield
      }) : () -> ()
    } else {
    }
    %add3A_63 = arith.constant 48 : i32
    %add3A_64 = arith.addi %arg1, %add3A_63 : i32
    %lt3A_65 = arith.constant 50 : i32
    %lt3A_66 = arith.cmpi slt, %add3A_64, %lt3A_65 : i32
    %convert_element_type3A_67 = arith.extui %lt3A_66 : i1 to i32
    %cond3A_68 = arith.constant 0 : i32
    %cond3A_69 = arith.cmpi ne, %convert_element_type3A_67, %cond3A_68 : i32
    scf.if %cond3A_69 {
      %mul3A_70 = arith.constant 200 : i32
      %mul3A_71 = arith.muli %add3A_64, %mul3A_70 : i32
      "tpu.region"() ({
        %run_scoped3A = tpu.sem_alloc : memref<!tpu.dma_semaphore, #tpu.memory_space<semaphore_mem>>
        %dma_start3A = arith.constant 0 : i32
        %dma_start3A_77 = tpu.memref_slice %arg29[%mul3A_71, %dma_start3A] : memref<10000x32xf32, #tpu.memory_space<vmem_shared>> -> memref<200x32xf32, #tpu.memory_space<vmem_shared>>
        %dma_start3A_78 = arith.constant 0 : i32
        %dma_start3A_79 = tpu.memref_slice %arg29[%mul3A_71, %dma_start3A_78] : memref<10000x32xf32, #tpu.memory_space<vmem_shared>> -> memref<200x32xf32, #tpu.memory_space<vmem_shared>>
        tpu.enqueue_dma source(%dma_start3A_79 : memref<200x32xf32, #tpu.memory_space<vmem_shared>>) target(%arg28 : memref<200x32xf32, #tpu.memory_space<vmem>>) target_semaphore(%run_scoped3A : memref<!tpu.dma_semaphore, #tpu.memory_space<semaphore_mem>>)
        %dma_wait3A = arith.constant 0 : i32
        %dma_wait3A_80 = tpu.memref_slice %arg29[%mul3A_71, %dma_wait3A] : memref<10000x32xf32, #tpu.memory_space<vmem_shared>> -> memref<200x32xf32, #tpu.memory_space<vmem_shared>>
        %dma_wait3A_81 = arith.constant 0 : i32
        %dma_wait3A_82 = tpu.memref_slice %arg29[%mul3A_71, %dma_wait3A_81] : memref<10000x32xf32, #tpu.memory_space<vmem_shared>> -> memref<200x32xf32, #tpu.memory_space<vmem_shared>>
        tpu.wait_dma2 semaphore(%run_scoped3A : memref<!tpu.dma_semaphore, #tpu.memory_space<semaphore_mem>>) src(%dma_wait3A_82 : memref<200x32xf32, #tpu.memory_space<vmem_shared>>) dst(%arg28 : memref<200x32xf32, #tpu.memory_space<vmem>>)
        tpu.yield
      }) : () -> ()
      %mul3A_72 = arith.constant 10000 : i32
      %mul3A_73 = arith.muli %arg0, %mul3A_72 : i32
      %mul3A_74 = arith.constant 200 : i32
      %mul3A_75 = arith.muli %add3A_64, %mul3A_74 : i32
      %add3A_76 = arith.addi %mul3A_73, %mul3A_75 : i32
      "tpu.region"() ({
        %run_scoped3A = tpu.sem_alloc : memref<!tpu.dma_semaphore, #tpu.memory_space<semaphore_mem>>
        %dma_start3A = arith.constant 0 : i32
        %dma_start3A_77 = tpu.memref_slice %arg7[%add3A_76, %dma_start3A] : memref<20000x32xf32, #tpu.memory_space<hbm>> -> memref<200x32xf32, #tpu.memory_space<hbm>>
        %dma_start3A_78 = arith.constant 0 : i32
        %dma_start3A_79 = tpu.memref_slice %arg7[%add3A_76, %dma_start3A_78] : memref<20000x32xf32, #tpu.memory_space<hbm>> -> memref<200x32xf32, #tpu.memory_space<hbm>>
        tpu.enqueue_dma source(%arg28 : memref<200x32xf32, #tpu.memory_space<vmem>>) target(%dma_start3A_79 : memref<200x32xf32, #tpu.memory_space<hbm>>) target_semaphore(%run_scoped3A : memref<!tpu.dma_semaphore, #tpu.memory_space<semaphore_mem>>)
        %dma_wait3A = arith.constant 0 : i32
        %dma_wait3A_80 = tpu.memref_slice %arg7[%add3A_76, %dma_wait3A] : memref<20000x32xf32, #tpu.memory_space<hbm>> -> memref<200x32xf32, #tpu.memory_space<hbm>>
        %dma_wait3A_81 = arith.constant 0 : i32
        %dma_wait3A_82 = tpu.memref_slice %arg7[%add3A_76, %dma_wait3A_81] : memref<20000x32xf32, #tpu.memory_space<hbm>> -> memref<200x32xf32, #tpu.memory_space<hbm>>
        tpu.wait_dma2 semaphore(%run_scoped3A : memref<!tpu.dma_semaphore, #tpu.memory_space<semaphore_mem>>) src(%arg28 : memref<200x32xf32, #tpu.memory_space<vmem>>) dst(%dma_wait3A_82 : memref<200x32xf32, #tpu.memory_space<hbm>>)
        tpu.yield
      }) : () -> ()
    } else {
    }
    return
  }
}

#map = affine_map<(d0, d1) -> (0)>
#map1 = affine_map<(d0, d1) -> (0, 0)>
module attributes {stable_mosaic.version = 14 : i64} {
  func.func @_k2_body(%arg0: i32, %arg1: i32, %arg2: memref<320000xi32, #tpu.memory_space<hbm>>, %arg3: memref<320000x32xf32, #tpu.memory_space<hbm>>, %arg4: memref<10000x32xf32, #tpu.memory_space<hbm>>, %arg5: memref<320000x32xf32, #tpu.memory_space<hbm>>, %arg6: memref<80xi32, #tpu.memory_space<vmem>>, %arg7: memref<80xi32, #tpu.memory_space<vmem>>, %arg8: memref<80xi32, #tpu.memory_space<vmem>>, %arg9: memref<80xi32, #tpu.memory_space<vmem>>, %arg10: memref<80xi32, #tpu.memory_space<vmem>>, %arg11: memref<80x32xf32, #tpu.memory_space<vmem>>, %arg12: memref<80x32xf32, #tpu.memory_space<vmem>>, %arg13: memref<80x32xf32, #tpu.memory_space<vmem>>, %arg14: memref<80x32xf32, #tpu.memory_space<vmem>>, %arg15: memref<80x32xf32, #tpu.memory_space<vmem>>, %arg16: memref<80x32xf32, #tpu.memory_space<vmem>>, %arg17: memref<80x32xf32, #tpu.memory_space<vmem>>, %arg18: memref<80x32xf32, #tpu.memory_space<vmem>>, %arg19: memref<80x32xf32, #tpu.memory_space<vmem>>, %arg20: memref<80x32xf32, #tpu.memory_space<vmem>>, %arg21: memref<!tpu.dma_semaphore, #tpu.memory_space<semaphore_mem>>, %arg22: memref<!tpu.dma_semaphore, #tpu.memory_space<semaphore_mem>>, %arg23: memref<!tpu.dma_semaphore, #tpu.memory_space<semaphore_mem>>, %arg24: memref<!tpu.dma_semaphore, #tpu.memory_space<semaphore_mem>>, %arg25: memref<!tpu.dma_semaphore, #tpu.memory_space<semaphore_mem>>, %arg26: memref<!tpu.dma_semaphore, #tpu.memory_space<semaphore_mem>>, %arg27: memref<!tpu.dma_semaphore, #tpu.memory_space<semaphore_mem>>, %arg28: memref<!tpu.dma_semaphore, #tpu.memory_space<semaphore_mem>>, %arg29: memref<!tpu.dma_semaphore, #tpu.memory_space<semaphore_mem>>, %arg30: memref<!tpu.dma_semaphore, #tpu.memory_space<semaphore_mem>>, %arg31: memref<!tpu.dma_semaphore, #tpu.memory_space<semaphore_mem>>) attributes {dimension_semantics = [#tpu.dimension_semantics<core_parallel>, #tpu.dimension_semantics<subcore_parallel>], iteration_bounds = array<i64: 2, 16>, scalar_prefetch = 0 : i64, scratch_operands = 26 : i64, tpu.core_type = #tpu.core_type<sc_vector_subcore>, window_params = [{transform_indices = #map}, {transform_indices = #map1}, {transform_indices = #map1}, {transform_indices = #map1}]} {
    %mul3A = arith.constant 16 : i32
    %mul3A_0 = arith.muli %arg0, %mul3A : i32
    %add3A = arith.addi %mul3A_0, %arg1 : i32
    %mul3A_1 = arith.constant 10000 : i32
    %mul3A_2 = arith.muli %add3A, %mul3A_1 : i32
    %scan3A = arith.constant 0 : i32
    %scan3A_3 = arith.constant 0 : i32
    %scan3A_4 = arith.constant 25 : i32
    %scan3A_5 = arith.addi %scan3A_3, %scan3A_4 : i32
    %scan3A_6 = arith.constant 1 : i32
    %scan3A_7 = scf.for %scan3A_9 = %scan3A_3 to %scan3A_5 step %scan3A_6 iter_args(%scan3A_10 = %scan3A) -> (i32)  : i32 {
      %mul3A_11 = arith.constant 5 : i32
      %mul3A_12 = arith.muli %scan3A_9, %mul3A_11 : i32
      %add3A_13 = arith.constant 0 : i32
      %add3A_14 = arith.addi %mul3A_12, %add3A_13 : i32
      %mul3A_15 = arith.constant 80 : i32
      %mul3A_16 = arith.muli %add3A_14, %mul3A_15 : i32
      %add3A_17 = arith.addi %mul3A_2, %mul3A_16 : i32
      %dma_start3A = tpu.memref_slice %arg2[%add3A_17] : memref<320000xi32, #tpu.memory_space<hbm>> -> memref<80xi32, #tpu.memory_space<hbm>>
      %dma_start3A_18 = tpu.memref_slice %arg2[%add3A_17] : memref<320000xi32, #tpu.memory_space<hbm>> -> memref<80xi32, #tpu.memory_space<hbm>>
      tpu.enqueue_dma source(%dma_start3A_18 : memref<80xi32, #tpu.memory_space<hbm>>) target(%arg6 : memref<80xi32, #tpu.memory_space<vmem>>) target_semaphore(%arg21 : memref<!tpu.dma_semaphore, #tpu.memory_space<semaphore_mem>>)
      %add3A_19 = arith.constant 1 : i32
      %add3A_20 = arith.addi %mul3A_12, %add3A_19 : i32
      %mul3A_21 = arith.constant 80 : i32
      %mul3A_22 = arith.muli %add3A_20, %mul3A_21 : i32
      %add3A_23 = arith.addi %mul3A_2, %mul3A_22 : i32
      %dma_start3A_24 = tpu.memref_slice %arg2[%add3A_23] : memref<320000xi32, #tpu.memory_space<hbm>> -> memref<80xi32, #tpu.memory_space<hbm>>
      %dma_start3A_25 = tpu.memref_slice %arg2[%add3A_23] : memref<320000xi32, #tpu.memory_space<hbm>> -> memref<80xi32, #tpu.memory_space<hbm>>
      tpu.enqueue_dma source(%dma_start3A_25 : memref<80xi32, #tpu.memory_space<hbm>>) target(%arg7 : memref<80xi32, #tpu.memory_space<vmem>>) target_semaphore(%arg22 : memref<!tpu.dma_semaphore, #tpu.memory_space<semaphore_mem>>)
      %add3A_26 = arith.constant 2 : i32
      %add3A_27 = arith.addi %mul3A_12, %add3A_26 : i32
      %mul3A_28 = arith.constant 80 : i32
      %mul3A_29 = arith.muli %add3A_27, %mul3A_28 : i32
      %add3A_30 = arith.addi %mul3A_2, %mul3A_29 : i32
      %dma_start3A_31 = tpu.memref_slice %arg2[%add3A_30] : memref<320000xi32, #tpu.memory_space<hbm>> -> memref<80xi32, #tpu.memory_space<hbm>>
      %dma_start3A_32 = tpu.memref_slice %arg2[%add3A_30] : memref<320000xi32, #tpu.memory_space<hbm>> -> memref<80xi32, #tpu.memory_space<hbm>>
      tpu.enqueue_dma source(%dma_start3A_32 : memref<80xi32, #tpu.memory_space<hbm>>) target(%arg8 : memref<80xi32, #tpu.memory_space<vmem>>) target_semaphore(%arg23 : memref<!tpu.dma_semaphore, #tpu.memory_space<semaphore_mem>>)
      %add3A_33 = arith.constant 3 : i32
      %add3A_34 = arith.addi %mul3A_12, %add3A_33 : i32
      %mul3A_35 = arith.constant 80 : i32
      %mul3A_36 = arith.muli %add3A_34, %mul3A_35 : i32
      %add3A_37 = arith.addi %mul3A_2, %mul3A_36 : i32
      %dma_start3A_38 = tpu.memref_slice %arg2[%add3A_37] : memref<320000xi32, #tpu.memory_space<hbm>> -> memref<80xi32, #tpu.memory_space<hbm>>
      %dma_start3A_39 = tpu.memref_slice %arg2[%add3A_37] : memref<320000xi32, #tpu.memory_space<hbm>> -> memref<80xi32, #tpu.memory_space<hbm>>
      tpu.enqueue_dma source(%dma_start3A_39 : memref<80xi32, #tpu.memory_space<hbm>>) target(%arg9 : memref<80xi32, #tpu.memory_space<vmem>>) target_semaphore(%arg24 : memref<!tpu.dma_semaphore, #tpu.memory_space<semaphore_mem>>)
      %add3A_40 = arith.constant 4 : i32
      %add3A_41 = arith.addi %mul3A_12, %add3A_40 : i32
      %mul3A_42 = arith.constant 80 : i32
      %mul3A_43 = arith.muli %add3A_41, %mul3A_42 : i32
      %add3A_44 = arith.addi %mul3A_2, %mul3A_43 : i32
      %dma_start3A_45 = tpu.memref_slice %arg2[%add3A_44] : memref<320000xi32, #tpu.memory_space<hbm>> -> memref<80xi32, #tpu.memory_space<hbm>>
      %dma_start3A_46 = tpu.memref_slice %arg2[%add3A_44] : memref<320000xi32, #tpu.memory_space<hbm>> -> memref<80xi32, #tpu.memory_space<hbm>>
      tpu.enqueue_dma source(%dma_start3A_46 : memref<80xi32, #tpu.memory_space<hbm>>) target(%arg10 : memref<80xi32, #tpu.memory_space<vmem>>) target_semaphore(%arg25 : memref<!tpu.dma_semaphore, #tpu.memory_space<semaphore_mem>>)
      %add3A_47 = arith.constant 0 : i32
      %add3A_48 = arith.addi %mul3A_12, %add3A_47 : i32
      %mul3A_49 = arith.constant 80 : i32
      %mul3A_50 = arith.muli %add3A_48, %mul3A_49 : i32
      %add3A_51 = arith.addi %mul3A_2, %mul3A_50 : i32
      %dma_wait3A = tpu.memref_slice %arg2[%add3A_17] : memref<320000xi32, #tpu.memory_space<hbm>> -> memref<80xi32, #tpu.memory_space<hbm>>
      %dma_wait3A_52 = tpu.memref_slice %arg2[%add3A_17] : memref<320000xi32, #tpu.memory_space<hbm>> -> memref<80xi32, #tpu.memory_space<hbm>>
      tpu.wait_dma2 semaphore(%arg21 : memref<!tpu.dma_semaphore, #tpu.memory_space<semaphore_mem>>) src(%dma_wait3A_52 : memref<80xi32, #tpu.memory_space<hbm>>) dst(%arg6 : memref<80xi32, #tpu.memory_space<vmem>>)
      %dma_start3A_53 = arith.constant 0 : i32
      %dma_start3A_54 = tpu.memref_slice %arg3[%add3A_51, %dma_start3A_53] : memref<320000x32xf32, #tpu.memory_space<hbm>> -> memref<80x32xf32, #tpu.memory_space<hbm>>
      %dma_start3A_55 = arith.constant 0 : i32
      %dma_start3A_56 = tpu.memref_slice %arg3[%add3A_51, %dma_start3A_55] : memref<320000x32xf32, #tpu.memory_space<hbm>> -> memref<80x32xf32, #tpu.memory_space<hbm>>
      tpu.enqueue_dma source(%dma_start3A_56 : memref<80x32xf32, #tpu.memory_space<hbm>>) target(%arg11 : memref<80x32xf32, #tpu.memory_space<vmem>>) target_semaphore(%arg26 : memref<!tpu.dma_semaphore, #tpu.memory_space<semaphore_mem>>)
      %dma_start3A_57 = arith.constant 0 : i32
      %dma_start3A_58 = arith.constant 0 : i32
      %dma_start3A_59 = tpu.memref_slice %arg4[%dma_start3A_57, %dma_start3A_58] : memref<10000x32xf32, #tpu.memory_space<hbm>> -> memref<10000x32xf32, #tpu.memory_space<hbm>>
      tpu.enqueue_indirect_dma source(%dma_start3A_59 : memref<10000x32xf32, #tpu.memory_space<hbm>>) target(%arg16 : memref<80x32xf32, #tpu.memory_space<vmem>>) offsets(%arg6 : memref<80xi32, #tpu.memory_space<vmem>>) semaphore(%arg26 : memref<!tpu.dma_semaphore, #tpu.memory_space<semaphore_mem>>)
      %add3A_60 = arith.constant 1 : i32
      %add3A_61 = arith.addi %mul3A_12, %add3A_60 : i32
      %mul3A_62 = arith.constant 80 : i32
      %mul3A_63 = arith.muli %add3A_61, %mul3A_62 : i32
      %add3A_64 = arith.addi %mul3A_2, %mul3A_63 : i32
      %dma_wait3A_65 = tpu.memref_slice %arg2[%add3A_23] : memref<320000xi32, #tpu.memory_space<hbm>> -> memref<80xi32, #tpu.memory_space<hbm>>
      %dma_wait3A_66 = tpu.memref_slice %arg2[%add3A_23] : memref<320000xi32, #tpu.memory_space<hbm>> -> memref<80xi32, #tpu.memory_space<hbm>>
      tpu.wait_dma2 semaphore(%arg22 : memref<!tpu.dma_semaphore, #tpu.memory_space<semaphore_mem>>) src(%dma_wait3A_66 : memref<80xi32, #tpu.memory_space<hbm>>) dst(%arg7 : memref<80xi32, #tpu.memory_space<vmem>>)
      %dma_start3A_67 = arith.constant 0 : i32
      %dma_start3A_68 = tpu.memref_slice %arg3[%add3A_64, %dma_start3A_67] : memref<320000x32xf32, #tpu.memory_space<hbm>> -> memref<80x32xf32, #tpu.memory_space<hbm>>
      %dma_start3A_69 = arith.constant 0 : i32
      %dma_start3A_70 = tpu.memref_slice %arg3[%add3A_64, %dma_start3A_69] : memref<320000x32xf32, #tpu.memory_space<hbm>> -> memref<80x32xf32, #tpu.memory_space<hbm>>
      tpu.enqueue_dma source(%dma_start3A_70 : memref<80x32xf32, #tpu.memory_space<hbm>>) target(%arg12 : memref<80x32xf32, #tpu.memory_space<vmem>>) target_semaphore(%arg27 : memref<!tpu.dma_semaphore, #tpu.memory_space<semaphore_mem>>)
      %dma_start3A_71 = arith.constant 0 : i32
      %dma_start3A_72 = arith.constant 0 : i32
      %dma_start3A_73 = tpu.memref_slice %arg4[%dma_start3A_71, %dma_start3A_72] : memref<10000x32xf32, #tpu.memory_space<hbm>> -> memref<10000x32xf32, #tpu.memory_space<hbm>>
      tpu.enqueue_indirect_dma source(%dma_start3A_73 : memref<10000x32xf32, #tpu.memory_space<hbm>>) target(%arg17 : memref<80x32xf32, #tpu.memory_space<vmem>>) offsets(%arg7 : memref<80xi32, #tpu.memory_space<vmem>>) semaphore(%arg27 : memref<!tpu.dma_semaphore, #tpu.memory_space<semaphore_mem>>)
      %add3A_74 = arith.constant 2 : i32
      %add3A_75 = arith.addi %mul3A_12, %add3A_74 : i32
      %mul3A_76 = arith.constant 80 : i32
      %mul3A_77 = arith.muli %add3A_75, %mul3A_76 : i32
      %add3A_78 = arith.addi %mul3A_2, %mul3A_77 : i32
      %dma_wait3A_79 = tpu.memref_slice %arg2[%add3A_30] : memref<320000xi32, #tpu.memory_space<hbm>> -> memref<80xi32, #tpu.memory_space<hbm>>
      %dma_wait3A_80 = tpu.memref_slice %arg2[%add3A_30] : memref<320000xi32, #tpu.memory_space<hbm>> -> memref<80xi32, #tpu.memory_space<hbm>>
      tpu.wait_dma2 semaphore(%arg23 : memref<!tpu.dma_semaphore, #tpu.memory_space<semaphore_mem>>) src(%dma_wait3A_80 : memref<80xi32, #tpu.memory_space<hbm>>) dst(%arg8 : memref<80xi32, #tpu.memory_space<vmem>>)
      %dma_start3A_81 = arith.constant 0 : i32
      %dma_start3A_82 = tpu.memref_slice %arg3[%add3A_78, %dma_start3A_81] : memref<320000x32xf32, #tpu.memory_space<hbm>> -> memref<80x32xf32, #tpu.memory_space<hbm>>
      %dma_start3A_83 = arith.constant 0 : i32
      %dma_start3A_84 = tpu.memref_slice %arg3[%add3A_78, %dma_start3A_83] : memref<320000x32xf32, #tpu.memory_space<hbm>> -> memref<80x32xf32, #tpu.memory_space<hbm>>
      tpu.enqueue_dma source(%dma_start3A_84 : memref<80x32xf32, #tpu.memory_space<hbm>>) target(%arg13 : memref<80x32xf32, #tpu.memory_space<vmem>>) target_semaphore(%arg28 : memref<!tpu.dma_semaphore, #tpu.memory_space<semaphore_mem>>)
      %dma_start3A_85 = arith.constant 0 : i32
      %dma_start3A_86 = arith.constant 0 : i32
      %dma_start3A_87 = tpu.memref_slice %arg4[%dma_start3A_85, %dma_start3A_86] : memref<10000x32xf32, #tpu.memory_space<hbm>> -> memref<10000x32xf32, #tpu.memory_space<hbm>>
      tpu.enqueue_indirect_dma source(%dma_start3A_87 : memref<10000x32xf32, #tpu.memory_space<hbm>>) target(%arg18 : memref<80x32xf32, #tpu.memory_space<vmem>>) offsets(%arg8 : memref<80xi32, #tpu.memory_space<vmem>>) semaphore(%arg28 : memref<!tpu.dma_semaphore, #tpu.memory_space<semaphore_mem>>)
      %add3A_88 = arith.constant 3 : i32
      %add3A_89 = arith.addi %mul3A_12, %add3A_88 : i32
      %mul3A_90 = arith.constant 80 : i32
      %mul3A_91 = arith.muli %add3A_89, %mul3A_90 : i32
      %add3A_92 = arith.addi %mul3A_2, %mul3A_91 : i32
      %dma_wait3A_93 = tpu.memref_slice %arg2[%add3A_37] : memref<320000xi32, #tpu.memory_space<hbm>> -> memref<80xi32, #tpu.memory_space<hbm>>
      %dma_wait3A_94 = tpu.memref_slice %arg2[%add3A_37] : memref<320000xi32, #tpu.memory_space<hbm>> -> memref<80xi32, #tpu.memory_space<hbm>>
      tpu.wait_dma2 semaphore(%arg24 : memref<!tpu.dma_semaphore, #tpu.memory_space<semaphore_mem>>) src(%dma_wait3A_94 : memref<80xi32, #tpu.memory_space<hbm>>) dst(%arg9 : memref<80xi32, #tpu.memory_space<vmem>>)
      %dma_start3A_95 = arith.constant 0 : i32
      %dma_start3A_96 = tpu.memref_slice %arg3[%add3A_92, %dma_start3A_95] : memref<320000x32xf32, #tpu.memory_space<hbm>> -> memref<80x32xf32, #tpu.memory_space<hbm>>
      %dma_start3A_97 = arith.constant 0 : i32
      %dma_start3A_98 = tpu.memref_slice %arg3[%add3A_92, %dma_start3A_97] : memref<320000x32xf32, #tpu.memory_space<hbm>> -> memref<80x32xf32, #tpu.memory_space<hbm>>
      tpu.enqueue_dma source(%dma_start3A_98 : memref<80x32xf32, #tpu.memory_space<hbm>>) target(%arg14 : memref<80x32xf32, #tpu.memory_space<vmem>>) target_semaphore(%arg29 : memref<!tpu.dma_semaphore, #tpu.memory_space<semaphore_mem>>)
      %dma_start3A_99 = arith.constant 0 : i32
      %dma_start3A_100 = arith.constant 0 : i32
      %dma_start3A_101 = tpu.memref_slice %arg4[%dma_start3A_99, %dma_start3A_100] : memref<10000x32xf32, #tpu.memory_space<hbm>> -> memref<10000x32xf32, #tpu.memory_space<hbm>>
      tpu.enqueue_indirect_dma source(%dma_start3A_101 : memref<10000x32xf32, #tpu.memory_space<hbm>>) target(%arg19 : memref<80x32xf32, #tpu.memory_space<vmem>>) offsets(%arg9 : memref<80xi32, #tpu.memory_space<vmem>>) semaphore(%arg29 : memref<!tpu.dma_semaphore, #tpu.memory_space<semaphore_mem>>)
      %add3A_102 = arith.constant 4 : i32
      %add3A_103 = arith.addi %mul3A_12, %add3A_102 : i32
      %mul3A_104 = arith.constant 80 : i32
      %mul3A_105 = arith.muli %add3A_103, %mul3A_104 : i32
      %add3A_106 = arith.addi %mul3A_2, %mul3A_105 : i32
      %dma_wait3A_107 = tpu.memref_slice %arg2[%add3A_44] : memref<320000xi32, #tpu.memory_space<hbm>> -> memref<80xi32, #tpu.memory_space<hbm>>
      %dma_wait3A_108 = tpu.memref_slice %arg2[%add3A_44] : memref<320000xi32, #tpu.memory_space<hbm>> -> memref<80xi32, #tpu.memory_space<hbm>>
      tpu.wait_dma2 semaphore(%arg25 : memref<!tpu.dma_semaphore, #tpu.memory_space<semaphore_mem>>) src(%dma_wait3A_108 : memref<80xi32, #tpu.memory_space<hbm>>) dst(%arg10 : memref<80xi32, #tpu.memory_space<vmem>>)
      %dma_start3A_109 = arith.constant 0 : i32
      %dma_start3A_110 = tpu.memref_slice %arg3[%add3A_106, %dma_start3A_109] : memref<320000x32xf32, #tpu.memory_space<hbm>> -> memref<80x32xf32, #tpu.memory_space<hbm>>
      %dma_start3A_111 = arith.constant 0 : i32
      %dma_start3A_112 = tpu.memref_slice %arg3[%add3A_106, %dma_start3A_111] : memref<320000x32xf32, #tpu.memory_space<hbm>> -> memref<80x32xf32, #tpu.memory_space<hbm>>
      tpu.enqueue_dma source(%dma_start3A_112 : memref<80x32xf32, #tpu.memory_space<hbm>>) target(%arg15 : memref<80x32xf32, #tpu.memory_space<vmem>>) target_semaphore(%arg30 : memref<!tpu.dma_semaphore, #tpu.memory_space<semaphore_mem>>)
      %dma_start3A_113 = arith.constant 0 : i32
      %dma_start3A_114 = arith.constant 0 : i32
      %dma_start3A_115 = tpu.memref_slice %arg4[%dma_start3A_113, %dma_start3A_114] : memref<10000x32xf32, #tpu.memory_space<hbm>> -> memref<10000x32xf32, #tpu.memory_space<hbm>>
      tpu.enqueue_indirect_dma source(%dma_start3A_115 : memref<10000x32xf32, #tpu.memory_space<hbm>>) target(%arg20 : memref<80x32xf32, #tpu.memory_space<vmem>>) offsets(%arg10 : memref<80xi32, #tpu.memory_space<vmem>>) semaphore(%arg30 : memref<!tpu.dma_semaphore, #tpu.memory_space<semaphore_mem>>)
      %dma_wait3A_116 = arith.constant 0 : i32
      %dma_wait3A_117 = tpu.memref_slice %arg3[%add3A_51, %dma_wait3A_116] : memref<320000x32xf32, #tpu.memory_space<hbm>> -> memref<80x32xf32, #tpu.memory_space<hbm>>
      %dma_wait3A_118 = arith.constant 0 : i32
      %dma_wait3A_119 = tpu.memref_slice %arg3[%add3A_51, %dma_wait3A_118] : memref<320000x32xf32, #tpu.memory_space<hbm>> -> memref<80x32xf32, #tpu.memory_space<hbm>>
      tpu.wait_dma2 semaphore(%arg26 : memref<!tpu.dma_semaphore, #tpu.memory_space<semaphore_mem>>) src(%dma_wait3A_119 : memref<80x32xf32, #tpu.memory_space<hbm>>) dst(%arg11 : memref<80x32xf32, #tpu.memory_space<vmem>>)
      %dma_wait3A_120 = arith.constant 0 : i32
      %dma_wait3A_121 = arith.constant 0 : i32
      %dma_wait3A_122 = tpu.memref_slice %arg4[%dma_wait3A_120, %dma_wait3A_121] : memref<10000x32xf32, #tpu.memory_space<hbm>> -> memref<10000x32xf32, #tpu.memory_space<hbm>>
      tpu.wait_indirect_dma semaphore(%arg26 : memref<!tpu.dma_semaphore, #tpu.memory_space<semaphore_mem>>) src(%dma_wait3A_122 : memref<10000x32xf32, #tpu.memory_space<hbm>>) dst(%arg16 : memref<80x32xf32, #tpu.memory_space<vmem>>)
      %parallel_loop3A = arith.constant 0 : i32
      %parallel_loop3A_123 = arith.constant 80 : i32
      %parallel_loop3A_124 = arith.constant 1 : i32
      scf.for %parallel_loop3A_231 = %parallel_loop3A to %parallel_loop3A_123 step %parallel_loop3A_124  : i32 {
        %parallel_loop3A_232 = arith.index_cast %parallel_loop3A_231 : i32 to index
        %parallel_loop3A_233 = arith.constant 0 : index
        %parallel_loop3A_234 = tpu.vector_load %arg11[%parallel_loop3A_232, %parallel_loop3A_233] {strides = array<i32>} : memref<80x32xf32, #tpu.memory_space<vmem>>, vector<1x16xf32>,
        %parallel_loop3A_235 = vector.shape_cast %parallel_loop3A_234 : vector<1x16xf32> to vector<16xf32>
        %parallel_loop3A_236 = arith.index_cast %parallel_loop3A_231 : i32 to index
        %parallel_loop3A_237 = arith.constant 0 : index
        %parallel_loop3A_238 = tpu.vector_load %arg16[%parallel_loop3A_236, %parallel_loop3A_237] {strides = array<i32>} : memref<80x32xf32, #tpu.memory_space<vmem>>, vector<1x16xf32>,
        %parallel_loop3A_239 = vector.shape_cast %parallel_loop3A_238 : vector<1x16xf32> to vector<16xf32>
        %parallel_loop3A_240 = arith.mulf %parallel_loop3A_235, %parallel_loop3A_239 : vector<16xf32>
        %parallel_loop3A_241 = arith.index_cast %parallel_loop3A_231 : i32 to index
        %parallel_loop3A_242 = arith.constant 0 : index
        %parallel_loop3A_243 = tpu.vector_load %arg11[%parallel_loop3A_241, %parallel_loop3A_242] {strides = array<i32>} : memref<80x32xf32, #tpu.memory_space<vmem>>, vector<1x16xf32>,
        %parallel_loop3A_244 = vector.shape_cast %parallel_loop3A_243 : vector<1x16xf32> to vector<16xf32>
        %parallel_loop3A_245 = vector.shape_cast %parallel_loop3A_240 : vector<16xf32> to vector<1x16xf32>
        tpu.vector_store %arg11[%parallel_loop3A_241, %parallel_loop3A_242], %parallel_loop3A_245 {strides = array<i32>} : memref<80x32xf32, #tpu.memory_space<vmem>>, vector<1x16xf32>,
        %parallel_loop3A_246 = arith.index_cast %parallel_loop3A_231 : i32 to index
        %parallel_loop3A_247 = arith.constant 16 : index
        %parallel_loop3A_248 = tpu.vector_load %arg11[%parallel_loop3A_246, %parallel_loop3A_247] {strides = array<i32>} : memref<80x32xf32, #tpu.memory_space<vmem>>, vector<1x16xf32>,
        %parallel_loop3A_249 = vector.shape_cast %parallel_loop3A_248 : vector<1x16xf32> to vector<16xf32>
        %parallel_loop3A_250 = arith.index_cast %parallel_loop3A_231 : i32 to index
        %parallel_loop3A_251 = arith.constant 16 : index
        %parallel_loop3A_252 = tpu.vector_load %arg16[%parallel_loop3A_250, %parallel_loop3A_251] {strides = array<i32>} : memref<80x32xf32, #tpu.memory_space<vmem>>, vector<1x16xf32>,
        %parallel_loop3A_253 = vector.shape_cast %parallel_loop3A_252 : vector<1x16xf32> to vector<16xf32>
        %parallel_loop3A_254 = arith.mulf %parallel_loop3A_249, %parallel_loop3A_253 : vector<16xf32>
        %parallel_loop3A_255 = arith.index_cast %parallel_loop3A_231 : i32 to index
        %parallel_loop3A_256 = arith.constant 16 : index
        %parallel_loop3A_257 = tpu.vector_load %arg11[%parallel_loop3A_255, %parallel_loop3A_256] {strides = array<i32>} : memref<80x32xf32, #tpu.memory_space<vmem>>, vector<1x16xf32>,
        %parallel_loop3A_258 = vector.shape_cast %parallel_loop3A_257 : vector<1x16xf32> to vector<16xf32>
        %parallel_loop3A_259 = vector.shape_cast %parallel_loop3A_254 : vector<16xf32> to vector<1x16xf32>
        tpu.vector_store %arg11[%parallel_loop3A_255, %parallel_loop3A_256], %parallel_loop3A_259 {strides = array<i32>} : memref<80x32xf32, #tpu.memory_space<vmem>>, vector<1x16xf32>,
      } {sc.loop_unroll_factor = 8 : i64, sc.parallel_access}
      %add3A_125 = arith.constant 0 : i32
      %add3A_126 = arith.addi %mul3A_12, %add3A_125 : i32
      %mul3A_127 = arith.constant 80 : i32
      %mul3A_128 = arith.muli %add3A_126, %mul3A_127 : i32
      %add3A_129 = arith.addi %mul3A_2, %mul3A_128 : i32
      %dma_start3A_130 = arith.constant 0 : i32
      %dma_start3A_131 = tpu.memref_slice %arg5[%add3A_129, %dma_start3A_130] : memref<320000x32xf32, #tpu.memory_space<hbm>> -> memref<80x32xf32, #tpu.memory_space<hbm>>
      %dma_start3A_132 = arith.constant 0 : i32
      %dma_start3A_133 = tpu.memref_slice %arg5[%add3A_129, %dma_start3A_132] : memref<320000x32xf32, #tpu.memory_space<hbm>> -> memref<80x32xf32, #tpu.memory_space<hbm>>
      tpu.enqueue_dma source(%arg11 : memref<80x32xf32, #tpu.memory_space<vmem>>) target(%dma_start3A_133 : memref<80x32xf32, #tpu.memory_space<hbm>>) target_semaphore(%arg31 : memref<!tpu.dma_semaphore, #tpu.memory_space<semaphore_mem>>)
      %dma_wait3A_134 = arith.constant 0 : i32
      %dma_wait3A_135 = tpu.memref_slice %arg3[%add3A_64, %dma_wait3A_134] : memref<320000x32xf32, #tpu.memory_space<hbm>> -> memref<80x32xf32, #tpu.memory_space<hbm>>
      %dma_wait3A_136 = arith.constant 0 : i32
      %dma_wait3A_137 = tpu.memref_slice %arg3[%add3A_64, %dma_wait3A_136] : memref<320000x32xf32, #tpu.memory_space<hbm>> -> memref<80x32xf32, #tpu.memory_space<hbm>>
      tpu.wait_dma2 semaphore(%arg27 : memref<!tpu.dma_semaphore, #tpu.memory_space<semaphore_mem>>) src(%dma_wait3A_137 : memref<80x32xf32, #tpu.memory_space<hbm>>) dst(%arg12 : memref<80x32xf32, #tpu.memory_space<vmem>>)
      %dma_wait3A_138 = arith.constant 0 : i32
      %dma_wait3A_139 = arith.constant 0 : i32
      %dma_wait3A_140 = tpu.memref_slice %arg4[%dma_wait3A_138, %dma_wait3A_139] : memref<10000x32xf32, #tpu.memory_space<hbm>> -> memref<10000x32xf32, #tpu.memory_space<hbm>>
      tpu.wait_indirect_dma semaphore(%arg27 : memref<!tpu.dma_semaphore, #tpu.memory_space<semaphore_mem>>) src(%dma_wait3A_140 : memref<10000x32xf32, #tpu.memory_space<hbm>>) dst(%arg17 : memref<80x32xf32, #tpu.memory_space<vmem>>)
      %parallel_loop3A_141 = arith.constant 0 : i32
      %parallel_loop3A_142 = arith.constant 80 : i32
      %parallel_loop3A_143 = arith.constant 1 : i32
      scf.for %parallel_loop3A_231 = %parallel_loop3A_141 to %parallel_loop3A_142 step %parallel_loop3A_143  : i32 {
        %parallel_loop3A_232 = arith.index_cast %parallel_loop3A_231 : i32 to index
        %parallel_loop3A_233 = arith.constant 0 : index
        %parallel_loop3A_234 = tpu.vector_load %arg12[%parallel_loop3A_232, %parallel_loop3A_233] {strides = array<i32>} : memref<80x32xf32, #tpu.memory_space<vmem>>, vector<1x16xf32>,
        %parallel_loop3A_235 = vector.shape_cast %parallel_loop3A_234 : vector<1x16xf32> to vector<16xf32>
        %parallel_loop3A_236 = arith.index_cast %parallel_loop3A_231 : i32 to index
        %parallel_loop3A_237 = arith.constant 0 : index
        %parallel_loop3A_238 = tpu.vector_load %arg17[%parallel_loop3A_236, %parallel_loop3A_237] {strides = array<i32>} : memref<80x32xf32, #tpu.memory_space<vmem>>, vector<1x16xf32>,
        %parallel_loop3A_239 = vector.shape_cast %parallel_loop3A_238 : vector<1x16xf32> to vector<16xf32>
        %parallel_loop3A_240 = arith.mulf %parallel_loop3A_235, %parallel_loop3A_239 : vector<16xf32>
        %parallel_loop3A_241 = arith.index_cast %parallel_loop3A_231 : i32 to index
        %parallel_loop3A_242 = arith.constant 0 : index
        %parallel_loop3A_243 = tpu.vector_load %arg12[%parallel_loop3A_241, %parallel_loop3A_242] {strides = array<i32>} : memref<80x32xf32, #tpu.memory_space<vmem>>, vector<1x16xf32>,
        %parallel_loop3A_244 = vector.shape_cast %parallel_loop3A_243 : vector<1x16xf32> to vector<16xf32>
        %parallel_loop3A_245 = vector.shape_cast %parallel_loop3A_240 : vector<16xf32> to vector<1x16xf32>
        tpu.vector_store %arg12[%parallel_loop3A_241, %parallel_loop3A_242], %parallel_loop3A_245 {strides = array<i32>} : memref<80x32xf32, #tpu.memory_space<vmem>>, vector<1x16xf32>,
        %parallel_loop3A_246 = arith.index_cast %parallel_loop3A_231 : i32 to index
        %parallel_loop3A_247 = arith.constant 16 : index
        %parallel_loop3A_248 = tpu.vector_load %arg12[%parallel_loop3A_246, %parallel_loop3A_247] {strides = array<i32>} : memref<80x32xf32, #tpu.memory_space<vmem>>, vector<1x16xf32>,
        %parallel_loop3A_249 = vector.shape_cast %parallel_loop3A_248 : vector<1x16xf32> to vector<16xf32>
        %parallel_loop3A_250 = arith.index_cast %parallel_loop3A_231 : i32 to index
        %parallel_loop3A_251 = arith.constant 16 : index
        %parallel_loop3A_252 = tpu.vector_load %arg17[%parallel_loop3A_250, %parallel_loop3A_251] {strides = array<i32>} : memref<80x32xf32, #tpu.memory_space<vmem>>, vector<1x16xf32>,
        %parallel_loop3A_253 = vector.shape_cast %parallel_loop3A_252 : vector<1x16xf32> to vector<16xf32>
        %parallel_loop3A_254 = arith.mulf %parallel_loop3A_249, %parallel_loop3A_253 : vector<16xf32>
        %parallel_loop3A_255 = arith.index_cast %parallel_loop3A_231 : i32 to index
        %parallel_loop3A_256 = arith.constant 16 : index
        %parallel_loop3A_257 = tpu.vector_load %arg12[%parallel_loop3A_255, %parallel_loop3A_256] {strides = array<i32>} : memref<80x32xf32, #tpu.memory_space<vmem>>, vector<1x16xf32>,
        %parallel_loop3A_258 = vector.shape_cast %parallel_loop3A_257 : vector<1x16xf32> to vector<16xf32>
        %parallel_loop3A_259 = vector.shape_cast %parallel_loop3A_254 : vector<16xf32> to vector<1x16xf32>
        tpu.vector_store %arg12[%parallel_loop3A_255, %parallel_loop3A_256], %parallel_loop3A_259 {strides = array<i32>} : memref<80x32xf32, #tpu.memory_space<vmem>>, vector<1x16xf32>,
      } {sc.loop_unroll_factor = 8 : i64, sc.parallel_access}
      %add3A_144 = arith.constant 1 : i32
      %add3A_145 = arith.addi %mul3A_12, %add3A_144 : i32
      %mul3A_146 = arith.constant 80 : i32
      %mul3A_147 = arith.muli %add3A_145, %mul3A_146 : i32
      %add3A_148 = arith.addi %mul3A_2, %mul3A_147 : i32
      %dma_start3A_149 = arith.constant 0 : i32
      %dma_start3A_150 = tpu.memref_slice %arg5[%add3A_148, %dma_start3A_149] : memref<320000x32xf32, #tpu.memory_space<hbm>> -> memref<80x32xf32, #tpu.memory_space<hbm>>
      %dma_start3A_151 = arith.constant 0 : i32
      %dma_start3A_152 = tpu.memref_slice %arg5[%add3A_148, %dma_start3A_151] : memref<320000x32xf32, #tpu.memory_space<hbm>> -> memref<80x32xf32, #tpu.memory_space<hbm>>
      tpu.enqueue_dma source(%arg12 : memref<80x32xf32, #tpu.memory_space<vmem>>) target(%dma_start3A_152 : memref<80x32xf32, #tpu.memory_space<hbm>>) target_semaphore(%arg31 : memref<!tpu.dma_semaphore, #tpu.memory_space<semaphore_mem>>)
      %dma_wait3A_153 = arith.constant 0 : i32
      %dma_wait3A_154 = tpu.memref_slice %arg3[%add3A_78, %dma_wait3A_153] : memref<320000x32xf32, #tpu.memory_space<hbm>> -> memref<80x32xf32, #tpu.memory_space<hbm>>
      %dma_wait3A_155 = arith.constant 0 : i32
      %dma_wait3A_156 = tpu.memref_slice %arg3[%add3A_78, %dma_wait3A_155] : memref<320000x32xf32, #tpu.memory_space<hbm>> -> memref<80x32xf32, #tpu.memory_space<hbm>>
      tpu.wait_dma2 semaphore(%arg28 : memref<!tpu.dma_semaphore, #tpu.memory_space<semaphore_mem>>) src(%dma_wait3A_156 : memref<80x32xf32, #tpu.memory_space<hbm>>) dst(%arg13 : memref<80x32xf32, #tpu.memory_space<vmem>>)
      %dma_wait3A_157 = arith.constant 0 : i32
      %dma_wait3A_158 = arith.constant 0 : i32
      %dma_wait3A_159 = tpu.memref_slice %arg4[%dma_wait3A_157, %dma_wait3A_158] : memref<10000x32xf32, #tpu.memory_space<hbm>> -> memref<10000x32xf32, #tpu.memory_space<hbm>>
      tpu.wait_indirect_dma semaphore(%arg28 : memref<!tpu.dma_semaphore, #tpu.memory_space<semaphore_mem>>) src(%dma_wait3A_159 : memref<10000x32xf32, #tpu.memory_space<hbm>>) dst(%arg18 : memref<80x32xf32, #tpu.memory_space<vmem>>)
      %parallel_loop3A_160 = arith.constant 0 : i32
      %parallel_loop3A_161 = arith.constant 80 : i32
      %parallel_loop3A_162 = arith.constant 1 : i32
      scf.for %parallel_loop3A_231 = %parallel_loop3A_160 to %parallel_loop3A_161 step %parallel_loop3A_162  : i32 {
        %parallel_loop3A_232 = arith.index_cast %parallel_loop3A_231 : i32 to index
        %parallel_loop3A_233 = arith.constant 0 : index
        %parallel_loop3A_234 = tpu.vector_load %arg13[%parallel_loop3A_232, %parallel_loop3A_233] {strides = array<i32>} : memref<80x32xf32, #tpu.memory_space<vmem>>, vector<1x16xf32>,
        %parallel_loop3A_235 = vector.shape_cast %parallel_loop3A_234 : vector<1x16xf32> to vector<16xf32>
        %parallel_loop3A_236 = arith.index_cast %parallel_loop3A_231 : i32 to index
        %parallel_loop3A_237 = arith.constant 0 : index
        %parallel_loop3A_238 = tpu.vector_load %arg18[%parallel_loop3A_236, %parallel_loop3A_237] {strides = array<i32>} : memref<80x32xf32, #tpu.memory_space<vmem>>, vector<1x16xf32>,
        %parallel_loop3A_239 = vector.shape_cast %parallel_loop3A_238 : vector<1x16xf32> to vector<16xf32>
        %parallel_loop3A_240 = arith.mulf %parallel_loop3A_235, %parallel_loop3A_239 : vector<16xf32>
        %parallel_loop3A_241 = arith.index_cast %parallel_loop3A_231 : i32 to index
        %parallel_loop3A_242 = arith.constant 0 : index
        %parallel_loop3A_243 = tpu.vector_load %arg13[%parallel_loop3A_241, %parallel_loop3A_242] {strides = array<i32>} : memref<80x32xf32, #tpu.memory_space<vmem>>, vector<1x16xf32>,
        %parallel_loop3A_244 = vector.shape_cast %parallel_loop3A_243 : vector<1x16xf32> to vector<16xf32>
        %parallel_loop3A_245 = vector.shape_cast %parallel_loop3A_240 : vector<16xf32> to vector<1x16xf32>
        tpu.vector_store %arg13[%parallel_loop3A_241, %parallel_loop3A_242], %parallel_loop3A_245 {strides = array<i32>} : memref<80x32xf32, #tpu.memory_space<vmem>>, vector<1x16xf32>,
        %parallel_loop3A_246 = arith.index_cast %parallel_loop3A_231 : i32 to index
        %parallel_loop3A_247 = arith.constant 16 : index
        %parallel_loop3A_248 = tpu.vector_load %arg13[%parallel_loop3A_246, %parallel_loop3A_247] {strides = array<i32>} : memref<80x32xf32, #tpu.memory_space<vmem>>, vector<1x16xf32>,
        %parallel_loop3A_249 = vector.shape_cast %parallel_loop3A_248 : vector<1x16xf32> to vector<16xf32>
        %parallel_loop3A_250 = arith.index_cast %parallel_loop3A_231 : i32 to index
        %parallel_loop3A_251 = arith.constant 16 : index
        %parallel_loop3A_252 = tpu.vector_load %arg18[%parallel_loop3A_250, %parallel_loop3A_251] {strides = array<i32>} : memref<80x32xf32, #tpu.memory_space<vmem>>, vector<1x16xf32>,
        %parallel_loop3A_253 = vector.shape_cast %parallel_loop3A_252 : vector<1x16xf32> to vector<16xf32>
        %parallel_loop3A_254 = arith.mulf %parallel_loop3A_249, %parallel_loop3A_253 : vector<16xf32>
        %parallel_loop3A_255 = arith.index_cast %parallel_loop3A_231 : i32 to index
        %parallel_loop3A_256 = arith.constant 16 : index
        %parallel_loop3A_257 = tpu.vector_load %arg13[%parallel_loop3A_255, %parallel_loop3A_256] {strides = array<i32>} : memref<80x32xf32, #tpu.memory_space<vmem>>, vector<1x16xf32>,
        %parallel_loop3A_258 = vector.shape_cast %parallel_loop3A_257 : vector<1x16xf32> to vector<16xf32>
        %parallel_loop3A_259 = vector.shape_cast %parallel_loop3A_254 : vector<16xf32> to vector<1x16xf32>
        tpu.vector_store %arg13[%parallel_loop3A_255, %parallel_loop3A_256], %parallel_loop3A_259 {strides = array<i32>} : memref<80x32xf32, #tpu.memory_space<vmem>>, vector<1x16xf32>,
      } {sc.loop_unroll_factor = 8 : i64, sc.parallel_access}
      %add3A_163 = arith.constant 2 : i32
      %add3A_164 = arith.addi %mul3A_12, %add3A_163 : i32
      %mul3A_165 = arith.constant 80 : i32
      %mul3A_166 = arith.muli %add3A_164, %mul3A_165 : i32
      %add3A_167 = arith.addi %mul3A_2, %mul3A_166 : i32
      %dma_start3A_168 = arith.constant 0 : i32
      %dma_start3A_169 = tpu.memref_slice %arg5[%add3A_167, %dma_start3A_168] : memref<320000x32xf32, #tpu.memory_space<hbm>> -> memref<80x32xf32, #tpu.memory_space<hbm>>
      %dma_start3A_170 = arith.constant 0 : i32
      %dma_start3A_171 = tpu.memref_slice %arg5[%add3A_167, %dma_start3A_170] : memref<320000x32xf32, #tpu.memory_space<hbm>> -> memref<80x32xf32, #tpu.memory_space<hbm>>
      tpu.enqueue_dma source(%arg13 : memref<80x32xf32, #tpu.memory_space<vmem>>) target(%dma_start3A_171 : memref<80x32xf32, #tpu.memory_space<hbm>>) target_semaphore(%arg31 : memref<!tpu.dma_semaphore, #tpu.memory_space<semaphore_mem>>)
      %dma_wait3A_172 = arith.constant 0 : i32
      %dma_wait3A_173 = tpu.memref_slice %arg3[%add3A_92, %dma_wait3A_172] : memref<320000x32xf32, #tpu.memory_space<hbm>> -> memref<80x32xf32, #tpu.memory_space<hbm>>
      %dma_wait3A_174 = arith.constant 0 : i32
      %dma_wait3A_175 = tpu.memref_slice %arg3[%add3A_92, %dma_wait3A_174] : memref<320000x32xf32, #tpu.memory_space<hbm>> -> memref<80x32xf32, #tpu.memory_space<hbm>>
      tpu.wait_dma2 semaphore(%arg29 : memref<!tpu.dma_semaphore, #tpu.memory_space<semaphore_mem>>) src(%dma_wait3A_175 : memref<80x32xf32, #tpu.memory_space<hbm>>) dst(%arg14 : memref<80x32xf32, #tpu.memory_space<vmem>>)
      %dma_wait3A_176 = arith.constant 0 : i32
      %dma_wait3A_177 = arith.constant 0 : i32
      %dma_wait3A_178 = tpu.memref_slice %arg4[%dma_wait3A_176, %dma_wait3A_177] : memref<10000x32xf32, #tpu.memory_space<hbm>> -> memref<10000x32xf32, #tpu.memory_space<hbm>>
      tpu.wait_indirect_dma semaphore(%arg29 : memref<!tpu.dma_semaphore, #tpu.memory_space<semaphore_mem>>) src(%dma_wait3A_178 : memref<10000x32xf32, #tpu.memory_space<hbm>>) dst(%arg19 : memref<80x32xf32, #tpu.memory_space<vmem>>)
      %parallel_loop3A_179 = arith.constant 0 : i32
      %parallel_loop3A_180 = arith.constant 80 : i32
      %parallel_loop3A_181 = arith.constant 1 : i32
      scf.for %parallel_loop3A_231 = %parallel_loop3A_179 to %parallel_loop3A_180 step %parallel_loop3A_181  : i32 {
        %parallel_loop3A_232 = arith.index_cast %parallel_loop3A_231 : i32 to index
        %parallel_loop3A_233 = arith.constant 0 : index
        %parallel_loop3A_234 = tpu.vector_load %arg14[%parallel_loop3A_232, %parallel_loop3A_233] {strides = array<i32>} : memref<80x32xf32, #tpu.memory_space<vmem>>, vector<1x16xf32>,
        %parallel_loop3A_235 = vector.shape_cast %parallel_loop3A_234 : vector<1x16xf32> to vector<16xf32>
        %parallel_loop3A_236 = arith.index_cast %parallel_loop3A_231 : i32 to index
        %parallel_loop3A_237 = arith.constant 0 : index
        %parallel_loop3A_238 = tpu.vector_load %arg19[%parallel_loop3A_236, %parallel_loop3A_237] {strides = array<i32>} : memref<80x32xf32, #tpu.memory_space<vmem>>, vector<1x16xf32>,
        %parallel_loop3A_239 = vector.shape_cast %parallel_loop3A_238 : vector<1x16xf32> to vector<16xf32>
        %parallel_loop3A_240 = arith.mulf %parallel_loop3A_235, %parallel_loop3A_239 : vector<16xf32>
        %parallel_loop3A_241 = arith.index_cast %parallel_loop3A_231 : i32 to index
        %parallel_loop3A_242 = arith.constant 0 : index
        %parallel_loop3A_243 = tpu.vector_load %arg14[%parallel_loop3A_241, %parallel_loop3A_242] {strides = array<i32>} : memref<80x32xf32, #tpu.memory_space<vmem>>, vector<1x16xf32>,
        %parallel_loop3A_244 = vector.shape_cast %parallel_loop3A_243 : vector<1x16xf32> to vector<16xf32>
        %parallel_loop3A_245 = vector.shape_cast %parallel_loop3A_240 : vector<16xf32> to vector<1x16xf32>
        tpu.vector_store %arg14[%parallel_loop3A_241, %parallel_loop3A_242], %parallel_loop3A_245 {strides = array<i32>} : memref<80x32xf32, #tpu.memory_space<vmem>>, vector<1x16xf32>,
        %parallel_loop3A_246 = arith.index_cast %parallel_loop3A_231 : i32 to index
        %parallel_loop3A_247 = arith.constant 16 : index
        %parallel_loop3A_248 = tpu.vector_load %arg14[%parallel_loop3A_246, %parallel_loop3A_247] {strides = array<i32>} : memref<80x32xf32, #tpu.memory_space<vmem>>, vector<1x16xf32>,
        %parallel_loop3A_249 = vector.shape_cast %parallel_loop3A_248 : vector<1x16xf32> to vector<16xf32>
        %parallel_loop3A_250 = arith.index_cast %parallel_loop3A_231 : i32 to index
        %parallel_loop3A_251 = arith.constant 16 : index
        %parallel_loop3A_252 = tpu.vector_load %arg19[%parallel_loop3A_250, %parallel_loop3A_251] {strides = array<i32>} : memref<80x32xf32, #tpu.memory_space<vmem>>, vector<1x16xf32>,
        %parallel_loop3A_253 = vector.shape_cast %parallel_loop3A_252 : vector<1x16xf32> to vector<16xf32>
        %parallel_loop3A_254 = arith.mulf %parallel_loop3A_249, %parallel_loop3A_253 : vector<16xf32>
        %parallel_loop3A_255 = arith.index_cast %parallel_loop3A_231 : i32 to index
        %parallel_loop3A_256 = arith.constant 16 : index
        %parallel_loop3A_257 = tpu.vector_load %arg14[%parallel_loop3A_255, %parallel_loop3A_256] {strides = array<i32>} : memref<80x32xf32, #tpu.memory_space<vmem>>, vector<1x16xf32>,
        %parallel_loop3A_258 = vector.shape_cast %parallel_loop3A_257 : vector<1x16xf32> to vector<16xf32>
        %parallel_loop3A_259 = vector.shape_cast %parallel_loop3A_254 : vector<16xf32> to vector<1x16xf32>
        tpu.vector_store %arg14[%parallel_loop3A_255, %parallel_loop3A_256], %parallel_loop3A_259 {strides = array<i32>} : memref<80x32xf32, #tpu.memory_space<vmem>>, vector<1x16xf32>,
      } {sc.loop_unroll_factor = 8 : i64, sc.parallel_access}
      %add3A_182 = arith.constant 3 : i32
      %add3A_183 = arith.addi %mul3A_12, %add3A_182 : i32
      %mul3A_184 = arith.constant 80 : i32
      %mul3A_185 = arith.muli %add3A_183, %mul3A_184 : i32
      %add3A_186 = arith.addi %mul3A_2, %mul3A_185 : i32
      %dma_start3A_187 = arith.constant 0 : i32
      %dma_start3A_188 = tpu.memref_slice %arg5[%add3A_186, %dma_start3A_187] : memref<320000x32xf32, #tpu.memory_space<hbm>> -> memref<80x32xf32, #tpu.memory_space<hbm>>
      %dma_start3A_189 = arith.constant 0 : i32
      %dma_start3A_190 = tpu.memref_slice %arg5[%add3A_186, %dma_start3A_189] : memref<320000x32xf32, #tpu.memory_space<hbm>> -> memref<80x32xf32, #tpu.memory_space<hbm>>
      tpu.enqueue_dma source(%arg14 : memref<80x32xf32, #tpu.memory_space<vmem>>) target(%dma_start3A_190 : memref<80x32xf32, #tpu.memory_space<hbm>>) target_semaphore(%arg31 : memref<!tpu.dma_semaphore, #tpu.memory_space<semaphore_mem>>)
      %dma_wait3A_191 = arith.constant 0 : i32
      %dma_wait3A_192 = tpu.memref_slice %arg3[%add3A_106, %dma_wait3A_191] : memref<320000x32xf32, #tpu.memory_space<hbm>> -> memref<80x32xf32, #tpu.memory_space<hbm>>
      %dma_wait3A_193 = arith.constant 0 : i32
      %dma_wait3A_194 = tpu.memref_slice %arg3[%add3A_106, %dma_wait3A_193] : memref<320000x32xf32, #tpu.memory_space<hbm>> -> memref<80x32xf32, #tpu.memory_space<hbm>>
      tpu.wait_dma2 semaphore(%arg30 : memref<!tpu.dma_semaphore, #tpu.memory_space<semaphore_mem>>) src(%dma_wait3A_194 : memref<80x32xf32, #tpu.memory_space<hbm>>) dst(%arg15 : memref<80x32xf32, #tpu.memory_space<vmem>>)
      %dma_wait3A_195 = arith.constant 0 : i32
      %dma_wait3A_196 = arith.constant 0 : i32
      %dma_wait3A_197 = tpu.memref_slice %arg4[%dma_wait3A_195, %dma_wait3A_196] : memref<10000x32xf32, #tpu.memory_space<hbm>> -> memref<10000x32xf32, #tpu.memory_space<hbm>>
      tpu.wait_indirect_dma semaphore(%arg30 : memref<!tpu.dma_semaphore, #tpu.memory_space<semaphore_mem>>) src(%dma_wait3A_197 : memref<10000x32xf32, #tpu.memory_space<hbm>>) dst(%arg20 : memref<80x32xf32, #tpu.memory_space<vmem>>)
      %parallel_loop3A_198 = arith.constant 0 : i32
      %parallel_loop3A_199 = arith.constant 80 : i32
      %parallel_loop3A_200 = arith.constant 1 : i32
      scf.for %parallel_loop3A_231 = %parallel_loop3A_198 to %parallel_loop3A_199 step %parallel_loop3A_200  : i32 {
        %parallel_loop3A_232 = arith.index_cast %parallel_loop3A_231 : i32 to index
        %parallel_loop3A_233 = arith.constant 0 : index
        %parallel_loop3A_234 = tpu.vector_load %arg15[%parallel_loop3A_232, %parallel_loop3A_233] {strides = array<i32>} : memref<80x32xf32, #tpu.memory_space<vmem>>, vector<1x16xf32>,
        %parallel_loop3A_235 = vector.shape_cast %parallel_loop3A_234 : vector<1x16xf32> to vector<16xf32>
        %parallel_loop3A_236 = arith.index_cast %parallel_loop3A_231 : i32 to index
        %parallel_loop3A_237 = arith.constant 0 : index
        %parallel_loop3A_238 = tpu.vector_load %arg20[%parallel_loop3A_236, %parallel_loop3A_237] {strides = array<i32>} : memref<80x32xf32, #tpu.memory_space<vmem>>, vector<1x16xf32>,
        %parallel_loop3A_239 = vector.shape_cast %parallel_loop3A_238 : vector<1x16xf32> to vector<16xf32>
        %parallel_loop3A_240 = arith.mulf %parallel_loop3A_235, %parallel_loop3A_239 : vector<16xf32>
        %parallel_loop3A_241 = arith.index_cast %parallel_loop3A_231 : i32 to index
        %parallel_loop3A_242 = arith.constant 0 : index
        %parallel_loop3A_243 = tpu.vector_load %arg15[%parallel_loop3A_241, %parallel_loop3A_242] {strides = array<i32>} : memref<80x32xf32, #tpu.memory_space<vmem>>, vector<1x16xf32>,
        %parallel_loop3A_244 = vector.shape_cast %parallel_loop3A_243 : vector<1x16xf32> to vector<16xf32>
        %parallel_loop3A_245 = vector.shape_cast %parallel_loop3A_240 : vector<16xf32> to vector<1x16xf32>
        tpu.vector_store %arg15[%parallel_loop3A_241, %parallel_loop3A_242], %parallel_loop3A_245 {strides = array<i32>} : memref<80x32xf32, #tpu.memory_space<vmem>>, vector<1x16xf32>,
        %parallel_loop3A_246 = arith.index_cast %parallel_loop3A_231 : i32 to index
        %parallel_loop3A_247 = arith.constant 16 : index
        %parallel_loop3A_248 = tpu.vector_load %arg15[%parallel_loop3A_246, %parallel_loop3A_247] {strides = array<i32>} : memref<80x32xf32, #tpu.memory_space<vmem>>, vector<1x16xf32>,
        %parallel_loop3A_249 = vector.shape_cast %parallel_loop3A_248 : vector<1x16xf32> to vector<16xf32>
        %parallel_loop3A_250 = arith.index_cast %parallel_loop3A_231 : i32 to index
        %parallel_loop3A_251 = arith.constant 16 : index
        %parallel_loop3A_252 = tpu.vector_load %arg20[%parallel_loop3A_250, %parallel_loop3A_251] {strides = array<i32>} : memref<80x32xf32, #tpu.memory_space<vmem>>, vector<1x16xf32>,
        %parallel_loop3A_253 = vector.shape_cast %parallel_loop3A_252 : vector<1x16xf32> to vector<16xf32>
        %parallel_loop3A_254 = arith.mulf %parallel_loop3A_249, %parallel_loop3A_253 : vector<16xf32>
        %parallel_loop3A_255 = arith.index_cast %parallel_loop3A_231 : i32 to index
        %parallel_loop3A_256 = arith.constant 16 : index
        %parallel_loop3A_257 = tpu.vector_load %arg15[%parallel_loop3A_255, %parallel_loop3A_256] {strides = array<i32>} : memref<80x32xf32, #tpu.memory_space<vmem>>, vector<1x16xf32>,
        %parallel_loop3A_258 = vector.shape_cast %parallel_loop3A_257 : vector<1x16xf32> to vector<16xf32>
        %parallel_loop3A_259 = vector.shape_cast %parallel_loop3A_254 : vector<16xf32> to vector<1x16xf32>
        tpu.vector_store %arg15[%parallel_loop3A_255, %parallel_loop3A_256], %parallel_loop3A_259 {strides = array<i32>} : memref<80x32xf32, #tpu.memory_space<vmem>>, vector<1x16xf32>,
      } {sc.loop_unroll_factor = 8 : i64, sc.parallel_access}
      %add3A_201 = arith.constant 4 : i32
      %add3A_202 = arith.addi %mul3A_12, %add3A_201 : i32
      %mul3A_203 = arith.constant 80 : i32
      %mul3A_204 = arith.muli %add3A_202, %mul3A_203 : i32
      %add3A_205 = arith.addi %mul3A_2, %mul3A_204 : i32
      %dma_start3A_206 = arith.constant 0 : i32
      %dma_start3A_207 = tpu.memref_slice %arg5[%add3A_205, %dma_start3A_206] : memref<320000x32xf32, #tpu.memory_space<hbm>> -> memref<80x32xf32, #tpu.memory_space<hbm>>
      %dma_start3A_208 = arith.constant 0 : i32
      %dma_start3A_209 = tpu.memref_slice %arg5[%add3A_205, %dma_start3A_208] : memref<320000x32xf32, #tpu.memory_space<hbm>> -> memref<80x32xf32, #tpu.memory_space<hbm>>
      tpu.enqueue_dma source(%arg15 : memref<80x32xf32, #tpu.memory_space<vmem>>) target(%dma_start3A_209 : memref<80x32xf32, #tpu.memory_space<hbm>>) target_semaphore(%arg31 : memref<!tpu.dma_semaphore, #tpu.memory_space<semaphore_mem>>)
      %dma_wait3A_210 = arith.constant 0 : i32
      %dma_wait3A_211 = tpu.memref_slice %arg5[%add3A_129, %dma_wait3A_210] : memref<320000x32xf32, #tpu.memory_space<hbm>> -> memref<80x32xf32, #tpu.memory_space<hbm>>
      %dma_wait3A_212 = arith.constant 0 : i32
      %dma_wait3A_213 = tpu.memref_slice %arg5[%add3A_129, %dma_wait3A_212] : memref<320000x32xf32, #tpu.memory_space<hbm>> -> memref<80x32xf32, #tpu.memory_space<hbm>>
      tpu.wait_dma2 semaphore(%arg31 : memref<!tpu.dma_semaphore, #tpu.memory_space<semaphore_mem>>) src(%arg11 : memref<80x32xf32, #tpu.memory_space<vmem>>) dst(%dma_wait3A_213 : memref<80x32xf32, #tpu.memory_space<hbm>>)
      %dma_wait3A_214 = arith.constant 0 : i32
      %dma_wait3A_215 = tpu.memref_slice %arg5[%add3A_148, %dma_wait3A_214] : memref<320000x32xf32, #tpu.memory_space<hbm>> -> memref<80x32xf32, #tpu.memory_space<hbm>>
      %dma_wait3A_216 = arith.constant 0 : i32
      %dma_wait3A_217 = tpu.memref_slice %arg5[%add3A_148, %dma_wait3A_216] : memref<320000x32xf32, #tpu.memory_space<hbm>> -> memref<80x32xf32, #tpu.memory_space<hbm>>
      tpu.wait_dma2 semaphore(%arg31 : memref<!tpu.dma_semaphore, #tpu.memory_space<semaphore_mem>>) src(%arg12 : memref<80x32xf32, #tpu.memory_space<vmem>>) dst(%dma_wait3A_217 : memref<80x32xf32, #tpu.memory_space<hbm>>)
      %dma_wait3A_218 = arith.constant 0 : i32
      %dma_wait3A_219 = tpu.memref_slice %arg5[%add3A_167, %dma_wait3A_218] : memref<320000x32xf32, #tpu.memory_space<hbm>> -> memref<80x32xf32, #tpu.memory_space<hbm>>
      %dma_wait3A_220 = arith.constant 0 : i32
      %dma_wait3A_221 = tpu.memref_slice %arg5[%add3A_167, %dma_wait3A_220] : memref<320000x32xf32, #tpu.memory_space<hbm>> -> memref<80x32xf32, #tpu.memory_space<hbm>>
      tpu.wait_dma2 semaphore(%arg31 : memref<!tpu.dma_semaphore, #tpu.memory_space<semaphore_mem>>) src(%arg13 : memref<80x32xf32, #tpu.memory_space<vmem>>) dst(%dma_wait3A_221 : memref<80x32xf32, #tpu.memory_space<hbm>>)
      %dma_wait3A_222 = arith.constant 0 : i32
      %dma_wait3A_223 = tpu.memref_slice %arg5[%add3A_186, %dma_wait3A_222] : memref<320000x32xf32, #tpu.memory_space<hbm>> -> memref<80x32xf32, #tpu.memory_space<hbm>>
      %dma_wait3A_224 = arith.constant 0 : i32
      %dma_wait3A_225 = tpu.memref_slice %arg5[%add3A_186, %dma_wait3A_224] : memref<320000x32xf32, #tpu.memory_space<hbm>> -> memref<80x32xf32, #tpu.memory_space<hbm>>
      tpu.wait_dma2 semaphore(%arg31 : memref<!tpu.dma_semaphore, #tpu.memory_space<semaphore_mem>>) src(%arg14 : memref<80x32xf32, #tpu.memory_space<vmem>>) dst(%dma_wait3A_225 : memref<80x32xf32, #tpu.memory_space<hbm>>)
      %dma_wait3A_226 = arith.constant 0 : i32
      %dma_wait3A_227 = tpu.memref_slice %arg5[%add3A_205, %dma_wait3A_226] : memref<320000x32xf32, #tpu.memory_space<hbm>> -> memref<80x32xf32, #tpu.memory_space<hbm>>
      %dma_wait3A_228 = arith.constant 0 : i32
      %dma_wait3A_229 = tpu.memref_slice %arg5[%add3A_205, %dma_wait3A_228] : memref<320000x32xf32, #tpu.memory_space<hbm>> -> memref<80x32xf32, #tpu.memory_space<hbm>>
      tpu.wait_dma2 semaphore(%arg31 : memref<!tpu.dma_semaphore, #tpu.memory_space<semaphore_mem>>) src(%arg15 : memref<80x32xf32, #tpu.memory_space<vmem>>) dst(%dma_wait3A_229 : memref<80x32xf32, #tpu.memory_space<hbm>>)
      %scan3A_230 = arith.constant 0 : i32
      scf.yield %scan3A_230 : i32
    }
    %scan3A_8 = arith.constant 25 : i32
    return
  }
}

module attributes {stable_mosaic.version = 14 : i64} {
  func.func @_att_body(%arg0: i32, %arg1: memref<1000x128xf32, #tpu.memory_space<vmem>>, %arg2: memref<128x32xf32, #tpu.memory_space<vmem>>, %arg3: memref<1x32xf32, #tpu.memory_space<vmem>>, %arg4: memref<128x32xf32, #tpu.memory_space<vmem>>, %arg5: memref<1x32xf32, #tpu.memory_space<vmem>>, %arg6: memref<1000x32xf32, #tpu.memory_space<vmem>>, %arg7: memref<1000x32xf32, #tpu.memory_space<vmem>>) attributes {dimension_semantics = [#tpu.dimension_semantics<arbitrary>], iteration_bounds = array<i64: 10>, scalar_prefetch = 0 : i64, scratch_operands = 0 : i64, tpu.core_type = #tpu.core_type<tc>, window_params = [{transform_indices = @transform_0, window_bounds = array<i64: 1000, 128>}, {pipeline_mode = #tpu.pipeline_mode<synchronous>, transform_indices = @transform_1, window_bounds = array<i64: 128, 32>}, {pipeline_mode = #tpu.pipeline_mode<synchronous>, transform_indices = @transform_2, window_bounds = array<i64: 1, 32>}, {pipeline_mode = #tpu.pipeline_mode<synchronous>, transform_indices = @transform_3, window_bounds = array<i64: 128, 32>}, {pipeline_mode = #tpu.pipeline_mode<synchronous>, transform_indices = @transform_4, window_bounds = array<i64: 1, 32>}, {transform_indices = @transform_5, window_bounds = array<i64: 1000, 32>}, {transform_indices = @transform_6, window_bounds = array<i64: 1000, 32>}]} {
    %get3A = arith.constant 0 : index
    %get3A_0 = arith.constant 0 : index
    %get3A_1 = vector.load %arg1[%get3A, %get3A_0] : memref<1000x128xf32, #tpu.memory_space<vmem>>, vector<1000x128xf32>
    %get3A_2 = arith.constant 0 : index
    %get3A_3 = arith.constant 0 : index
    %get3A_4 = vector.load %arg2[%get3A_2, %get3A_3] : memref<128x32xf32, #tpu.memory_space<vmem>>, vector<128x32xf32>
    %dot_general3A = arith.constant dense<0.000000e+00> : vector<1000x32xf32>
    %dot_general3A_5 = tpu.matmul %get3A_1, %get3A_4, %dot_general3A {dimension_numbers = #tpu.dot_dimension_numbers<[1], [0], [0], [1], [0, 0, 1, 1], [], []>, transpose_lhs_hint = false} : vector<1000x128xf32>, vector<128x32xf32>, vector<1000x32xf32> -> vector<1000x32xf32>
    %get3A_6 = arith.constant 0 : index
    %get3A_7 = arith.constant 0 : index
    %get3A_8 = vector.load %arg3[%get3A_6, %get3A_7] : memref<1x32xf32, #tpu.memory_space<vmem>>, vector<1x32xf32>
    %add3A = vector.broadcast %get3A_8 : vector<1x32xf32> to vector<1000x32xf32>
    %add3A_9 = arith.addf %dot_general3A_5, %add3A : vector<1000x32xf32>
    %swap3A = arith.constant 0 : index
    %swap3A_10 = arith.constant 0 : index
    %swap3A_11 = vector.load %arg6[%swap3A, %swap3A_10] : memref<1000x32xf32, #tpu.memory_space<vmem>>, vector<1000x32xf32>
    tpu.vector_store %arg6[%swap3A, %swap3A_10], %add3A_9 {strides = array<i32>} : memref<1000x32xf32, #tpu.memory_space<vmem>>, vector<1000x32xf32>,
    %get3A_12 = arith.constant 0 : index
    %get3A_13 = arith.constant 0 : index
    %get3A_14 = vector.load %arg4[%get3A_12, %get3A_13] : memref<128x32xf32, #tpu.memory_space<vmem>>, vector<128x32xf32>
    %dot_general3A_15 = arith.constant dense<0.000000e+00> : vector<1000x32xf32>
    %dot_general3A_16 = tpu.matmul %get3A_1, %get3A_14, %dot_general3A_15 {dimension_numbers = #tpu.dot_dimension_numbers<[1], [0], [0], [1], [0, 0, 1, 1], [], []>, transpose_lhs_hint = false} : vector<1000x128xf32>, vector<128x32xf32>, vector<1000x32xf32> -> vector<1000x32xf32>
    %get3A_17 = arith.constant 0 : index
    %get3A_18 = arith.constant 0 : index
    %get3A_19 = vector.load %arg5[%get3A_17, %get3A_18] : memref<1x32xf32, #tpu.memory_space<vmem>>, vector<1x32xf32>
    %add3A_20 = vector.broadcast %get3A_19 : vector<1x32xf32> to vector<1000x32xf32>
    %add3A_21 = arith.addf %dot_general3A_16, %add3A_20 : vector<1000x32xf32>
    %swap3A_22 = arith.constant 0 : index
    %swap3A_23 = arith.constant 0 : index
    %swap3A_24 = vector.load %arg7[%swap3A_22, %swap3A_23] : memref<1000x32xf32, #tpu.memory_space<vmem>>, vector<1000x32xf32>
    tpu.vector_store %arg7[%swap3A_22, %swap3A_23], %add3A_21 {strides = array<i32>} : memref<1000x32xf32, #tpu.memory_space<vmem>>, vector<1000x32xf32>,
    return
  }
  func.func @transform_0(%arg0: i32) -> (i32, i32) {
    %c0_i32 = arith.constant 0 : i32
    %c0_i32_0 = arith.constant 0 : i32
    return %arg0, %c0_i32 : i32, i32
  }
  func.func @transform_1(%arg0: i32) -> (i32, i32) {
    %c0_i32 = arith.constant 0 : i32
    %c0_i32_0 = arith.constant 0 : i32
    %c0_i32_1 = arith.constant 0 : i32
    return %c0_i32, %c0_i32_0 : i32, i32
  }
  func.func @transform_2(%arg0: i32) -> (i32, i32) {
    %c0_i32 = arith.constant 0 : i32
    %c0_i32_0 = arith.constant 0 : i32
    %c0_i32_1 = arith.constant 0 : i32
    return %c0_i32, %c0_i32_0 : i32, i32
  }
  func.func @transform_3(%arg0: i32) -> (i32, i32) {
    %c0_i32 = arith.constant 0 : i32
    %c0_i32_0 = arith.constant 0 : i32
    %c0_i32_1 = arith.constant 0 : i32
    return %c0_i32, %c0_i32_0 : i32, i32
  }
  func.func @transform_4(%arg0: i32) -> (i32, i32) {
    %c0_i32 = arith.constant 0 : i32
    %c0_i32_0 = arith.constant 0 : i32
    %c0_i32_1 = arith.constant 0 : i32
    return %c0_i32, %c0_i32_0 : i32, i32
  }
  func.func @transform_5(%arg0: i32) -> (i32, i32) {
    %c0_i32 = arith.constant 0 : i32
    %c0_i32_0 = arith.constant 0 : i32
    return %arg0, %c0_i32 : i32, i32
  }
  func.func @transform_6(%arg0: i32) -> (i32, i32) {
    %c0_i32 = arith.constant 0 : i32
    %c0_i32_0 = arith.constant 0 : i32
    return %arg0, %c0_i32 : i32, i32
  }
}

module attributes {stable_mosaic.version = 14 : i64} {
  func.func @_comb_body(%arg0: memref<20000x32xf32, #tpu.memory_space<vmem>>, %arg1: memref<10000x32xf32, #tpu.memory_space<vmem>>) attributes {dimension_semantics = [], scalar_prefetch = 0 : i64, scratch_operands = 0 : i64, tpu.core_type = #tpu.core_type<tc>} {
    %get3A = arith.constant 0 : index
    %get3A_0 = arith.constant 0 : index
    %get3A_1 = vector.load %arg0[%get3A, %get3A_0] : memref<20000x32xf32, #tpu.memory_space<vmem>>, vector<10000x32xf32>
    %get3A_2 = arith.constant 10000 : index
    %get3A_3 = arith.constant 0 : index
    %get3A_4 = vector.load %arg0[%get3A_2, %get3A_3] : memref<20000x32xf32, #tpu.memory_space<vmem>>, vector<10000x32xf32>
    %add3A = arith.addf %get3A_1, %get3A_4 : vector<10000x32xf32>
    %div3A = arith.constant 1.000000e+00 : f32
    %div3A_5 = vector.broadcast %div3A : f32 to vector<10000x32xf32>
    %div3A_6 = arith.divf %div3A_5, %add3A : vector<10000x32xf32>
    %swap3A = arith.constant 0 : index
    %swap3A_7 = arith.constant 0 : index
    %swap3A_8 = vector.load %arg1[%swap3A, %swap3A_7] : memref<10000x32xf32, #tpu.memory_space<vmem>>, vector<10000x32xf32>
    tpu.vector_store %arg1[%swap3A, %swap3A_7], %div3A_6 {strides = array<i32>} : memref<10000x32xf32, #tpu.memory_space<vmem>>, vector<10000x32xf32>,
    return
  }
}

</mosaic_0001>

<sc_bundles>
// kernel: kernel.6.cloned.1.call-start
scs
__scs_entry_jumppad:
0x0: {  	(pc) =	sbr.rel $0x88, $3  }
0x1: {  	(tag) =	ssettag $0x0;
	lr =	simm.s32 $0x1  }
0x2: {  	[smem:$0x3F9B] =	sst lr;
	_ =	strace $0xD0000000  }
0x3: {  	_ = 	snop  }
0x4: {  	_ = 	snop  }
0x5: {  	_ = 	snop  }
0x6: {  	_ = 	snop  }
0x7: {  	_ = 	snop  }
__scs_overlays_trampoline_lowered:
0x8: {  	[smem:$0x3FAA] =	sst s0  }
0x9: {  	[smem:$0x3FAB] =	sst s1  }
0xa: {  	[smem:$0x3FAC] =	sst s2  }
0xb: {  	[smem:$0x3FAD] =	sst s3  }
0xc: {  	[smem:$0x3FAE] =	sst s4  }
0xd: {  	[smem:$0x3FAF] =	sst s5  }
0xe: {  	[smem:$0x3FB0] =	sst s6  }
0xf: {  	[smem:$0x3FB1] =	sst s7  }
0x10: {  	[smem:$0x3FB2] =	sst s8  }
0x11: {  	[smem:$0x3FB3] =	sst s9;
	s0 =	simm.s32 @!p0 $0x0  }
0x12: {  	s1 =	sld [smem:$0x3F99];
	s0 =	simm.s32 @p0 $0x1  }
0x13: {  	[smem:$0x3FB4] =	sst s0;
	s0 =	simm.s32 @!p1 $0x0  }
0x14: {  	s2 =	sld [smem:$0x3F98];
	s0 =	simm.s32 @p1 $0x1  }
0x15: {  	[smem:$0x3FB5] =	sst s0;
	s0 =	simm.s32 @!p2 $0x0  }
0x16: {  	s3 =	sld [smem:$0x3FDB];
	s0 =	simm.s32 @p2 $0x1  }
0x17: {  	s4 =	simm.s32 $0x1BF5;
	[smem:$0x3FB7] =	sst s0  }
0x18: {  	s0 =	sld [smem:$0x3F9A];
	_ =	swait.ge [sflag:s4], $0x0  }
0x19: {  	s7 =	sld [smem:$0x3F9B]  }
0x1a: {  	s8 =	sadd.s32 $0xFFFFE003, lr  }
0x1b: {  	s9 =	sadd.s32 $0xFFFFFEF7, lr;
	s5 =	simm.s32 $0xFFFFFFFF;
	p2 =	slt.u32 s8, $0xFFFFF086  }
0x1c: {  	p1 =	slt.u32 s9, $0xF7A;
	s5 =	simm.s32 @!p2 $0x0  }
0x1d: {  	s5 =	simm.s32 @p1 $0x1;
	p0 =	seq.s32 s7, s2  }
0x1e: {  	s7 =	smul.u32 @!p0 $0xF7A, s2;
	p2 =	seq.s32 @!p0 s5, $0x0  }
0x1f: {  	s9 =	smul.u32 $0xF7A, s1;
	s8 =	simm.s32 @!p0 $0x1BF5;
	p2 =	por !p2, p0  }
0x20: {  	[sflag:s8] =	ssyncset.s32 @!p0 $0xFFFFF086;
	s6 =	sadd.s32 @!p0 s3, s7;
	s7 =	simm.s32 @!p0 $0x108  }
0x21: {  	s3 =	sadd.s32 s3, s9;
	s6 =	sadd.s32 @!p0 $0x88, s6;
	s7 =	simm.s32 @p2 $0x1082  }
0x22: {  	[simem:s7], [sflag:s8] =	dma.local @!p0 [hbm:s6], $0xF7A  }
0x23: {  	s9 =	sor.u32 $0xD0000000, s2;
	s6 =	simm.s32 $0x108;
	_ =	swait.ge @!p0 [sflag:s8], $0x0  }
0x24: {  	s3 =	sadd.s32 $0x88, s3;
	s6 =	simm.s32 @!p1 $0x1082;
	[sflag:s4] =	ssyncset.s32 $0xFFFFF086  }
0x25: {  	[simem:s6], [sflag:s4] =	dma.local [hbm:s3], $0xF7A  }
0x26: {  	[smem:$0x3F9B] =	sst s1;
	(tag) =	ssettag s2;
	_ =	strace s9  }
0x27: {  	s1 =	sld [smem:$0x3FAB]  }
0x28: {  	s2 =	sld [smem:$0x3FAC]  }
0x29: {  	s4 =	sld [smem:$0x3FAE]  }
0x2a: {  	p0 =	seq.s32 s5, $0x0;
	s5 =	sld [smem:$0x3FAF]  }
0x2b: {  	s6 =	sld [smem:$0x3FB0]  }
0x2c: {  	s7 =	sld [smem:$0x3FB1]  }
0x2d: {  	s3 =	simm.s32 $0x108;
	s8 =	sld [smem:$0x3FB2]  }
0x2e: {  	s3 =	simm.s32 @!p0 $0x1082;
	s9 =	sld [smem:$0x3FB3]  }
0x2f: {  	lr =	sadd.s32 s0, s3;
	s0 =	sld [smem:$0x3FAA]  }
0x30: {  	s3 =	sld [smem:$0x3FAD]  }
0x31: {  	[smem:$0x3FB6] =	sst s10  }
0x32: {  	s10 =	sld [smem:$0x3FB4];
	_ =	sdelay $0x3  }
0x33: {  	p0 =	seq.s32 s10, $0x1;
	s10 =	sld [smem:$0x3FB6];
	_ =	sdelay $0x3  }
0x34: {  	[smem:$0x3FB6] =	sst s10  }
0x35: {  	s10 =	sld [smem:$0x3FB5];
	_ =	sdelay $0x3  }
0x36: {  	p1 =	seq.s32 s10, $0x1;
	s10 =	sld [smem:$0x3FB6];
	_ =	sdelay $0x3  }
0x37: {  	[smem:$0x3FB6] =	sst s10  }
0x38: {  	s10 =	sld [smem:$0x3FB7]  }
0x39: {  	_ = 	snop;
	(pc) =	sbr.ind lr, $3  }
0x3a: {  	_ = 	snop  }
0x3b: {  	_ = 	snop  }
0x3c: {  	p2 =	seq.s32 s10, $0x1;
	s10 =	sld [smem:$0x3FB6]  }
0x3d: {  	_ =	shalt  }
0x3e: {  	_ =	shalt  }
0x3f: {  	_ =	shalt  }
0x40: {  	_ =	shalt  }
0x41: {  	_ =	shalt  }
0x42: {  	_ =	shalt  }
0x43: {  	_ =	shalt  }
0x44: {  	_ =	shalt  }
0x45: {  	_ =	shalt  }
0x46: {  	_ =	shalt  }
0x47: {  	_ =	shalt  }
0x48: {  	_ =	shalt  }
0x49: {  	_ =	shalt  }
0x4a: {  	_ =	shalt  }
0x4b: {  	_ =	shalt  }
0x4c: {  	_ =	shalt  }
0x4d: {  	_ =	shalt  }
0x4e: {  	_ =	shalt  }
0x4f: {  	_ =	shalt  }
0x50: {  	_ =	shalt  }
0x51: {  	_ =	shalt  }
0x52: {  	_ =	shalt  }
0x53: {  	_ =	shalt  }
0x54: {  	_ =	shalt  }
0x55: {  	_ =	shalt  }
0x56: {  	_ =	shalt  }
0x57: {  	_ =	shalt  }
0x58: {  	_ =	shalt  }
0x59: {  	_ =	shalt  }
0x5a: {  	_ =	shalt  }
0x5b: {  	_ =	shalt  }
0x5c: {  	_ =	shalt  }
0x5d: {  	_ =	shalt  }
0x5e: {  	_ =	shalt  }
0x5f: {  	_ =	shalt  }
0x60: {  	_ =	shalt  }
0x61: {  	_ =	shalt  }
0x62: {  	_ =	shalt  }
0x63: {  	_ =	shalt  }
0x64: {  	_ =	shalt  }
0x65: {  	_ =	shalt  }
0x66: {  	_ =	shalt  }
0x67: {  	_ =	shalt  }
0x68: {  	_ =	shalt  }
0x69: {  	_ =	shalt  }
0x6a: {  	_ =	shalt  }
0x6b: {  	_ =	shalt  }
0x6c: {  	_ =	shalt  }
0x6d: {  	_ =	shalt  }
0x6e: {  	_ =	shalt  }
0x6f: {  	_ =	shalt  }
0x70: {  	_ =	shalt  }
0x71: {  	_ =	shalt  }
0x72: {  	_ =	shalt  }
0x73: {  	_ =	shalt  }
0x74: {  	_ =	shalt  }
0x75: {  	_ =	shalt  }
0x76: {  	_ =	shalt  }
0x77: {  	_ =	shalt  }
0x78: {  	_ =	shalt  }
0x79: {  	_ =	shalt  }
0x7a: {  	_ =	shalt  }
0x7b: {  	_ =	shalt  }
0x7c: {  	_ =	shalt  }
0x7d: {  	_ =	shalt  }
0x7e: {  	_ =	shalt  }
0x7f: {  	_ =	shalt  }
0x80: {  	_ =	shalt  }
0x81: {  	_ =	shalt  }
0x82: {  	_ =	shalt  }
0x83: {  	_ =	shalt  }
0x84: {  	_ =	shalt  }
0x85: {  	_ =	shalt  }
0x86: {  	_ =	shalt  }
0x87: {  	_ =	shalt  }
.Lfunc_end0:
.L_simem_size_0:
called_computation.1_lowered:
.L_overlay_start_0:
0x88: {  	s2 =	sld [smem:$0x3FD9]  }
0x89: {  	s3 =	sld [smem:$0x3FFE];
	_ =	sdelay $0x1  }
0x8a: {  	s1 =	srdreg.scid  }
0x8b: {  	s0 =	sand.u32 $0x1, s1  }
0x8c: {  	s17 =	sshll.u32 s0, $0xA;
	s2 =	sadd.s32 s3, s2  }
0x8d: {  	s2 =	sadd.s32 s2, s17  }
0x8e: {  	[smem:$0x3FC2] =	sst s2  }
0x8f: {  	_ = 	snop  }
0x90: {  	s2 =	sld [smem:$0x3FD0];
	(tm) =	ssettm $0x1  }
0x91: {  	s18 =	sld [smem:$0x3FFB];
	_ =	sdelay $0x3  }
0x92: {  	_ =	strace s18  }
0x93: {  	s3 =	sld [smem:$0x3FFC];
	_ =	sdelay $0x3  }
0x94: {  	_ =	strace s3  }
0x95: {  	s3 =	sld [smem:$0x3FFD];
	_ =	sdelay $0x3  }
0x96: {  	_ =	strace s3  }
0x97: {  	_ =	strace $0x8FFFFFFF  }
0x98: {  	s19 =	sld [smem:$0x3FDB];
	_ =	sdelay $0x1  }
0x99: {  	s4 =	simm.s32 $_scs_section_size  }
0x9a: {  	s5 =	simm.s32 $_size__tile_overlayer_lowered;
	s6 =	simm.s32 $_tile_overlayer_lowered  }
0x9b: {  	s22 =	simm.s32 $0x1BFF;
	s21 =	sshll.u32 s6, $0x1;
	s3 =	sadd.s32 s4, s19  }
0x9c: {  	s7 =	simm.s32 $0x0;
	s20 =	sshll.u32 s5, $0x1;
	s5 =	sadd.s32 s21, s3  }
0x9d: {  	[timem:s7], [sflag:s22] =	dma.local [hbm:s5], s20  }
0x9e: {  	_ =	swait.ge [sflag:s22], s20  }
0x9f: {  	s4 =	ssub.s32 $0x0, s20;
	[sflag:s22] =	ssyncset.done $0x0  }
0xa0: {  	[sflag:s22] =	ssyncadd.s32 s4;
	_ =	sdelay $0x1  }
0xa1: {  	s23 =	simm.s32 $0x1B8B  }
0xa2: {  	_ =	swait.ge [sflag:s23], $0x1  }
0xa3: {  	[sflag:s23] =	ssyncset.done $0x0  }
0xa4: {  	s25 =	simm.s32 $0x1B8E;
	s24 =	sld [smem:$0x3FFE];
	[sflag:s23] =	ssyncadd.s32 $0xFFFFFFFF  }
0xa5: {  	s26 =	simm.s32 $execute0_lowered;
	[smem:$0x3FD2] =	sst s25  }
0xa6: {  	s5 =	sshll.u32 s26, $0x1;
	_ =	strace $0x80000046;
	[dreg:$0x1] =	wrdreg $0xFFFFFFFF  }
0xa7: {  	s28 =	simm.s32 $_size_execute0_lowered;
	s3 =	sadd.s32 s3, s5;
	[dreg:$0x0] =	wrdreg $0x0  }
0xa8: {  	s5 =	sshll.u32 s28, $0x1;
	[dreg:$0x2] =	wrdreg s3  }
0xa9: {  	[dreg:$0x3] =	wrdreg s5  }
0xaa: {  	[dreg:$0x4] =	wrdreg $0xC0  }
0xab: {  	_ =	task [dreg:s7], $0x5FFFF  }
0xac: {  	[dreg:$0x1] =	wrdreg $0xFFFFFFFF  }
0xad: {  	[dreg:$0x0] =	wrdreg $0x60  }
0xae: {  	[dreg:$0x2] =	wrdreg s24  }
0xaf: {  	[dreg:$0x3] =	wrdreg s2  }
0xb0: {  	[dreg:$0x4] =	wrdreg $0x80200  }
0xb1: {  	[dreg:$0x5] =	wrdreg $0x9  }
0xb2: {  	_ =	task.clear_ibuf [dreg:s7], $0x6FFFF;
	_ =	strace $0x90000046  }
0xb3: {  	s29 =	simm.s32 $0x9;
	_ =	strace $0x80000048  }
0xb4: {  	_ =	swait.ge [sflag:s29], $0x1  }
0xb5: {  	[sflag:s29] =	ssyncadd.s32 $0xFFFFFFFF  }
0xb6: {  	_ =	strace $0x90000048  }
0xb7: {  	_ =	sfence  }
0xb8: {  	s30 =	sld [smem:$0x0];
	_ =	sdelay $0x2  }
0xb9: {  	s31 =	sshll.u32 s1, $0xD;
	s1 =	sshrl.u32 s1, $0x2  }
0xba: {  	s3 =	sand.u32 $0x4000, s31;
	s1 =	sadd.s32 s1, s30  }
0xbb: {  	s0 =	sor.u32 s3, s0;
	s1 =	sshll.u32 s1, $0x11  }
0xbc: {  	s0 =	sor.u32 s1, s0  }
0xbd: {  	s0 =	sadd.s32 $0x8F2B, s0  }
0xbe: {  	[sflag:s0] =	ssyncadd.remote.s32 $0x1  }
0xbf: {  	_ =	sfence.sel $0xFFFF  }
0xc0: {  	[dreg:$0x0] =	wrdreg $0xFFFFFFFF;
	(pc) =	sbr.abs _section_cstart, $3  }
0xc1: {  	[dreg:$0x1] =	wrdreg $0xFFFFFFFF  }
0xc2: {  	_ =	task.clear_ibuf [dreg:s7], $0x2FFFF;
	_ =	strace $0x9FFFFFFF  }
0xc3: {  	(tm) =	ssettm $0x7FFFFFFF  }
tec
execute0_lowered:
.L_overlay_start_1:
0x0: {  	(tag) =	ssettag $0x1  }
0x1: {  	s0 =	rddreg [dreg:$0x0]  }
0x2: {  	s1 =	rddreg [dreg:$0x1]  }
0x3: {  	s22 =	rddreg [dreg:$0x2];
	s2 =	simm.s32 $0x0  }
0x4: {  	s5 =	srdreg.scid;
	s17 =	stileid.u32;
	s29 =	simm.s32 $0xA  }
0x5: {  	s31 =	simm.s32 $0xB;
	[smem:$0x7FF] =	sst s2;
	s24 =	smul.u32 $0x6400, s17  }
0x6: {  	s3 =	sadd.s32 $0x1000, s0;
	s10 =	sor.u32 $0x10, s17;
	s28 =	smul.u32 $0xC8, s17  }
0x7: {  	s4 =	sadd.s32 $0xAE00, s0;
	s13 =	sor.u32 $0x20, s17;
	s12 =	smul.u32 $0x6400, s10  }
0x8: {  	s5 =	sand.u32 $0x1, s5;
	s15 =	sor.u32 $0x30, s17;
	s14 =	smul.u32 $0x6400, s13  }
0x9: {  	s6 =	sadd.s32 $0x14C00, s0;
	s7 =	sadd.s32 $0x1EA00, s0;
	s16 =	smul.u32 $0x6400, s15  }
0xa: {  	s9 =	ssub.s32 $0x2, s5;
	s11 =	sshll.u32 s5, $0x4;
	s5 =	smul.u32 $0x2710, s5  }
0xb: {  	s8 =	sadd.s32 $0x28800, s0;
	p0 =	sgt.u32 s17, $0x1;
	s10 =	smul.u32 $0xC8, s10  }
0xc: {  	_ =	strace $0x80000047;
	s21 =	smul.u32 $0xC8, s13;
	s23 =	sshrl.u32 s9, $0x1  }
0xd: {  	s11 =	sor.u32 s17, s11;
	s17 =	simm.s32 $0x2120;
	s0 =	ssub.s32 s9, s23  }
0xe: {  	s9 =	sshrl.u32 s24, $0x2;
	s12 =	sshrl.u32 s12, $0x2;
	s18 =	smul.u32 $0x2710, s11  }
0xf: {  	s25 =	sshrl.u32 s14, $0x2;
	s26 =	sshrl.u32 s16, $0x2;
	s24 =	smul.u32 $0xC8, s15  }
0x10: {  	s11 =	simm.s32 $0x6720;
	s0 =	smax.u32 s0, $0x1;
	[dreg:$0x4] =	wrdreg s18  }
0x11: {  	s15 =	simm.s32 $0xD20;
	s19 =	sadd.s32 s9, s22;
	[dreg:$0x11] =	wrdreg s0  }
0x12: {  	s20 =	sadd.s32 s12, s22;
	s14 =	sadd.s32 s25, s22;
	[dreg:$0x5] =	wrdreg s19  }
0x13: {  	s25 =	sadd.s32 s26, s22;
	s9 =	sadd.s32 s28, s5;
	[dreg:$0x6] =	wrdreg s20  }
0x14: {  	s26 =	sadd.s32 s5, s10;
	s28 =	sadd.s32 s5, s21;
	[dreg:$0x7] =	wrdreg s14  }
0x15: {  	s21 =	simm.s32 $0x2D0;
	s30 =	sadd.s32 $0x50, s18;
	[dreg:$0x8] =	wrdreg s25  }
0x16: {  	s12 =	sadd.s32 $0xA0, s18;
	s16 =	sadd.s32 $0xF0, s18;
	[dreg:$0x9] =	wrdreg s30  }
0x17: {  	s23 =	sadd.s32 $0x140, s18;
	s9 =	sshll.u32 s9, $0x2;
	[dreg:$0xa] =	wrdreg s12  }
0x18: {  	s10 =	sshll.u32 s28, $0x2;
	s5 =	sadd.s32 s5, s24;
	[dreg:$0xb] =	wrdreg s16  }
0x19: {  	s24 =	simm.s32 $0xC;
	[dreg:$0xc] =	wrdreg s23;
	s9 =	sadd.s32 s1, s9  }
0x1a: {  	s30 =	sadd.s32 s1, s10;
	[dreg:$0xd] =	wrdreg s9;
	s9 =	sshll.u32 s26, $0x2  }
0x1b: {  	s5 =	sshll.u32 s5, $0x2;
	[dreg:$0xf] =	wrdreg s30;
	s9 =	sadd.s32 s1, s9  }
0x1c: {  	s16 =	simm.s32 $0x1720;
	s1 =	sadd.s32 s1, s5;
	[dreg:$0xe] =	wrdreg s9  }
0x1d: {  	v0 =	vimm.f32 $0.0e+00;
	s26 =	simm.s32 $0x50;
	s5 =	simm.s32 $0x0;
	[dreg:$0x10] =	wrdreg s1  }
.LBB2_1:
0x1e: {  	[dreg:$0x12] =	wrdreg s5;
	s0 =	simm.s32 $0x80;
	s1 =	simm.s32 $0x0  }
.LBB2_2:
0x1f: {  	p1 =	sne.s32 s0, $0x6380;
	[tilespmem:s1+$0x6720] =	vst v0;
	s5 =	smov.u32 s0;
	s0 =	sadd.s32 $0x80, s0  }
.Ltmp0:
0x20: {  	[tilespmem:s1+$0x6730] =	vst v0;
	(pc) =	sbr.rel @p1 .LBB2_2-.Ltmp0, $2  }
0x21: {  	_ =	sdelay $0x2  }
0x22: {  	s1 =	sshra.s32 s5, $0x2  }
0x23: {  	[tilespmem:s1+$0x6720] =	vst v0  }
0x24: {  	[tilespmem:s1+$0x6730] =	vst v0  }
0x25: {  	[spmem:s19] =	stream.linear.scatter [tilespmem:s11], [sflag:$0xC], $0x1900, $0x38;
	[tilespmem:$0xCE40] =	vst v63  }
0x26: {  	_ =	swait.ge [sflag:s24], $0x1900  }
0x27: {  	[sflag:s24] =	ssyncset.done $0x0  }
0x28: {  	[sflag:s24] =	ssyncadd.s32 $0xFFFFE700  }
0x29: {  	[spmem:s20] =	stream.linear.scatter [tilespmem:s11], [sflag:$0xC], $0x1900, $0x38;
	[tilespmem:$0xCE40] =	vst v63  }
0x2a: {  	_ =	swait.ge [sflag:s24], $0x1900  }
0x2b: {  	[sflag:s24] =	ssyncset.done $0x0  }
0x2c: {  	[sflag:s24] =	ssyncadd.s32 $0xFFFFE700  }
0x2d: {  	[spmem:s14] =	stream.linear.scatter [tilespmem:s11], [sflag:$0xC], $0x1900, $0x38;
	[tilespmem:$0xCE40] =	vst v63  }
0x2e: {  	_ =	swait.ge [sflag:s24], $0x1900  }
0x2f: {  	[sflag:s24] =	ssyncset.done $0x0  }
0x30: {  	s0 =	simm.s32 @!p0 $0x6720;
	[sflag:s24] =	ssyncadd.s32 $0xFFFFE700  }
0x31: {  	[spmem:s25] =	stream.linear.scatter @!p0 [tilespmem:s0], [sflag:$0xC], $0x1900, $0x38;
	[tilespmem:$0xCE40] =	vst v63  }
0x32: {  	s0 =	simm.s32 @!p0 $0xC  }
0x33: {  	_ =	swait.ge @!p0 [sflag:s0], $0x1900  }
0x34: {  	[sflag:s0] =	ssyncset.done @!p0 $0x0  }
0x35: {  	[sflag:s0] =	ssyncadd.s32 @!p0 $0xFFFFE700  }
0x36: {  	s5 =	simm.s32 $0x0;
	[bflag:$0x0] =	sbarrier.arrive $0xFFFF  }
.LBB2_4:
0x37: {  	s1 =	smul.u32 $0x190, s5  }
0x38: {  	s0 =	rddreg [dreg:$0x4]  }
0x39: {  	s18 =	sadd.s32 s0, s1  }
0x3a: {  	s0 =	sshrl.u32 s18, $0x3  }
0x3b: {  	s10 =	sadd.s32 s3, s0  }
0x3c: {  	[tilespmem:s2], [sflag:$0x1] =	stream.linear.gather [hbm4b:s10+s2], $0x50, $0x38;
	[tilespmem:$0xCE40] =	vst v63  }
0x3d: {  	s13 =	simm.s32 $0x190;
	s14 =	rddreg [dreg:$0x9];
	s0 =	sadd.s32 s4, s0  }
0x3e: {  	[tilespmem:s13], [sflag:$0x1] =	stream.linear.gather [hbm4b:s0+s2], $0x50, $0x38;
	[tilespmem:$0xCE40] =	vst v63  }
0x3f: {  	s0 =	sadd.s32 s1, s14  }
0x40: {  	s19 =	sshrl.u32 s0, $0x3  }
0x41: {  	s20 =	rddreg [dreg:$0xa];
	s11 =	sadd.s32 s3, s19  }
0x42: {  	[tilespmem:s26], [sflag:$0x2] =	stream.linear.gather [hbm4b:s11+s2], $0x50, $0x38;
	[tilespmem:$0xCE40] =	vst v63  }
0x43: {  	s30 =	sadd.s32 s1, s20;
	s14 =	simm.s32 $0x1E0;
	s10 =	sadd.s32 s4, s19  }
0x44: {  	[tilespmem:s14], [sflag:$0x2] =	stream.linear.gather [hbm4b:s10+s2], $0x50, $0x38;
	[tilespmem:$0xCE40] =	vst v63  }
0x45: {  	s12 =	smov.u32 s22;
	s10 =	sshrl.u32 s30, $0x3  }
0x46: {  	s23 =	rddreg [dreg:$0xb];
	s19 =	simm.s32 $0xA0;
	s22 =	sadd.s32 s3, s10  }
0x47: {  	[tilespmem:s19], [sflag:$0x3] =	stream.linear.gather [hbm4b:s22+s2], $0x50, $0x38;
	[tilespmem:$0xCE40] =	vst v63  }
0x48: {  	s20 =	simm.s32 $0x230;
	s28 =	sadd.s32 s1, s23;
	s10 =	sadd.s32 s4, s10  }
0x49: {  	[tilespmem:s20], [sflag:$0x3] =	stream.linear.gather [hbm4b:s10+s2], $0x50, $0x38;
	[tilespmem:$0xCE40] =	vst v63  }
0x4a: {  	s10 =	sshrl.u32 s28, $0x3  }
0x4b: {  	s9 =	rddreg [dreg:$0xc];
	s22 =	simm.s32 $0xF0;
	s25 =	sadd.s32 s3, s10  }
0x4c: {  	[tilespmem:s22], [sflag:$0x4] =	stream.linear.gather [hbm4b:s25+s2], $0x50, $0x38;
	[tilespmem:$0xCE40] =	vst v63  }
0x4d: {  	s25 =	sadd.s32 s1, s9  }
0x4e: {  	s11 =	simm.s32 $0x280;
	s10 =	sadd.s32 s4, s10;
	s1 =	sshrl.u32 s25, $0x3  }
0x4f: {  	[tilespmem:s11], [sflag:$0x4] =	stream.linear.gather [hbm4b:s10+s2], $0x50, $0x38;
	[tilespmem:$0xCE40] =	vst v63  }
0x50: {  	s23 =	simm.s32 $0x140;
	s10 =	sadd.s32 s3, s1  }
0x51: {  	[tilespmem:s23], [sflag:$0x5] =	stream.linear.gather [hbm4b:s10+s2], $0x50, $0x38;
	[tilespmem:$0xCE40] =	vst v63  }
0x52: {  	s1 =	sadd.s32 s4, s1  }
0x53: {  	[tilespmem:s21], [sflag:$0x5] =	stream.linear.gather [hbm4b:s1+s2], $0x50, $0x38;
	[tilespmem:$0xCE40] =	vst v63  }
0x54: {  	s21 =	simm.s32 $0x1  }
0x55: {  	_ =	swait.ge [sflag:s21], $0x50  }
0x56: {  	[sflag:s21] =	ssyncset.done $0x0  }
0x57: {  	[sflag:s21] =	ssyncadd.s32 $0xFFFFFFB0  }
0x58: {  	_ =	swait.ge [sflag:s21], $0x50  }
0x59: {  	[sflag:s21] =	ssyncset.done $0x0  }
0x5a: {  	s10 =	simm.s32 $0x320;
	[sflag:s21] =	ssyncadd.s32 $0xFFFFFFB0  }
0x5b: {  	[tilespmem:s10], [sflag:$0x6] =	stream.indirect.gather [hbm4b:s6+s26], $0x20, s2, s26, $0xb8;
	[tilespmem:$0xCE40] =	vst v63  }
0x5c: {  	s10 =	simm.s32 $0x3520  }
0x5d: {  	[tilespmem:s10], [sflag:$0x6] =	stream.indirect.gather [hbm4b:s7+s26], $0x20, s13, s26, $0xb8;
	[tilespmem:$0xCE40] =	vst v63  }
0x5e: {  	s13 =	simm.s32 $0x2  }
0x5f: {  	_ =	swait.ge [sflag:s13], $0x50  }
0x60: {  	[sflag:s13] =	ssyncset.done $0x0  }
0x61: {  	[sflag:s13] =	ssyncadd.s32 $0xFFFFFFB0  }
0x62: {  	_ =	swait.ge [sflag:s13], $0x50  }
0x63: {  	[sflag:s13] =	ssyncset.done $0x0  }
0x64: {  	[sflag:s13] =	ssyncadd.s32 $0xFFFFFFB0  }
0x65: {  	[tilespmem:s15], [sflag:$0x7] =	stream.indirect.gather [hbm4b:s6+s26], $0x20, s26, s26, $0xb8;
	[tilespmem:$0xCE40] =	vst v63  }
0x66: {  	s13 =	simm.s32 $0x3;
	s15 =	simm.s32 $0x3F20  }
0x67: {  	[tilespmem:s15], [sflag:$0x7] =	stream.indirect.gather [hbm4b:s7+s26], $0x20, s14, s26, $0xb8;
	[tilespmem:$0xCE40] =	vst v63  }
0x68: {  	_ =	swait.ge [sflag:s13], $0x50  }
0x69: {  	[sflag:s13] =	ssyncset.done $0x0  }
0x6a: {  	[sflag:s13] =	ssyncadd.s32 $0xFFFFFFB0  }
0x6b: {  	_ =	swait.ge [sflag:s13], $0x50  }
0x6c: {  	[sflag:s13] =	ssyncset.done $0x0  }
0x6d: {  	[sflag:s13] =	ssyncadd.s32 $0xFFFFFFB0  }
0x6e: {  	[tilespmem:s16], [sflag:$0x8] =	stream.indirect.gather [hbm4b:s6+s26], $0x20, s19, s26, $0xb8;
	[tilespmem:$0xCE40] =	vst v63  }
0x6f: {  	s14 =	simm.s32 $0x4920;
	s15 =	simm.s32 $0x4  }
0x70: {  	[tilespmem:s14], [sflag:$0x8] =	stream.indirect.gather [hbm4b:s7+s26], $0x20, s20, s26, $0xb8;
	[tilespmem:$0xCE40] =	vst v63  }
0x71: {  	_ =	swait.ge [sflag:s15], $0x50  }
0x72: {  	[sflag:s15] =	ssyncset.done $0x0  }
0x73: {  	[sflag:s15] =	ssyncadd.s32 $0xFFFFFFB0  }
0x74: {  	_ =	swait.ge [sflag:s15], $0x50  }
0x75: {  	[sflag:s15] =	ssyncset.done $0x0  }
0x76: {  	[sflag:s15] =	ssyncadd.s32 $0xFFFFFFB0  }
0x77: {  	[tilespmem:s17], [sflag:$0x9] =	stream.indirect.gather [hbm4b:s6+s26], $0x20, s22, s26, $0xb8;
	[tilespmem:$0xCE40] =	vst v63  }
0x78: {  	s16 =	simm.s32 $0x5320;
	s17 =	simm.s32 $0x5  }
0x79: {  	[tilespmem:s16], [sflag:$0x9] =	stream.indirect.gather [hbm4b:s7+s26], $0x20, s11, s26, $0xb8;
	[tilespmem:$0xCE40] =	vst v63  }
0x7a: {  	_ =	swait.ge [sflag:s17], $0x50  }
0x7b: {  	[sflag:s17] =	ssyncset.done $0x0  }
0x7c: {  	[sflag:s17] =	ssyncadd.s32 $0xFFFFFFB0  }
0x7d: {  	_ =	swait.ge [sflag:s17], $0x50  }
0x7e: {  	[sflag:s17] =	ssyncset.done $0x0  }
0x7f: {  	s9 =	simm.s32 $0x2B20;
	[sflag:s17] =	ssyncadd.s32 $0xFFFFFFB0  }
0x80: {  	[tilespmem:s9], [sflag:$0xA] =	stream.indirect.gather [hbm4b:s6+s26], $0x20, s23, s26, $0xb8;
	[tilespmem:$0xCE40] =	vst v63  }
0x81: {  	s1 =	simm.s32 $0x2D0;
	s19 =	simm.s32 $0x5D20;
	s20 =	simm.s32 $0x6  }
0x82: {  	[tilespmem:s19], [sflag:$0xA] =	stream.indirect.gather [hbm4b:s7+s26], $0x20, s1, s26, $0xb8;
	[tilespmem:$0xCE40] =	vst v63  }
0x83: {  	_ =	swait.ge [sflag:s20], $0xA00  }
0x84: {  	[sflag:s20] =	ssyncset.done $0x0  }
0x85: {  	[sflag:s20] =	ssyncadd.s32 $0xFFFFF600  }
0x86: {  	_ =	swait.ge [sflag:s20], $0xA00  }
0x87: {  	[sflag:s20] =	ssyncset.done $0x0  }
0x88: {  	[sflag:s20] =	ssyncadd.s32 $0xFFFFF600;
	s20 =	simm.s32 $0x3A0  }
0x89: {  	s22 =	simm.s32 $0x35A0;
	v1 =	vld [tilespmem:s20+$0x60]  }
0x8a: {  	v2 =	vld [tilespmem:s22+$0x60];
	_ =	sdelay $0x1  }
0x8b: {  	v3 =	vld [tilespmem:s22+$0x20]  }
0x8c: {  	v4 =	vld [tilespmem:s22+$0x0]  }
0x8d: {  	v5 =	vld [tilespmem:s20+$0x20]  }
0x8e: {  	v6 =	vld [tilespmem:s22+$0xFFFFFFE0];
	v1 =	vadd.f32 v2, v1  }
0x8f: {  	v2 =	vld [tilespmem:s20+$0x0]  }
0x90: {  	v8 =	vld [tilespmem:s20+$0xFFFFFFE0];
	v7 =	vsub.f32 $0.0e+00, v1;
	_ =	sdelay $0x1  }
0x91: {  	v9 =	vld [tilespmem:s22+$0xFFFFFFA0];
	v7 =	vmul.f32 $1.442695020e+00, v7  }
0x92: {  	v10 =	vld [tilespmem:s22+$0xFFFFFF80];
	v3 =	vadd.f32 v3, v5  }
0x93: {  	v5 =	vld [tilespmem:s20+$0xFFFFFFA0];
	v2 =	vadd.f32 v4, v2;
	(erf) = vpow2.f32 v7  }
0x94: {  	v6 =	vadd.f32 v6, v8;
	v4 =	vsub.f32 $0.0e+00, v3;
	v7 =	vld [tilespmem:s20+$0xFFFFFF80]  }
0x95: {  	v8 =	vsub.f32 $0.0e+00, v2  }
0x96: {  	v11 =	vsub.f32 $0.0e+00, v6;
	v4 =	vmul.f32 $1.442695020e+00, v4  }
0x97: {  	v8 =	vmul.f32 $1.442695020e+00, v8  }
0x98: {  	v9 =	vadd.f32 v9, v5;
	v5 =	vmul.f32 $1.442695020e+00, v11;
	(erf) = vpow2.f32 v4  }
0x99: {  	v4 =	vld [tilespmem:s20+$0xFFFFFFC0];
	v7 =	vadd.f32 v10, v7;
	(erf) = vpow2.f32 v8  }
0x9a: {  	v10 =	vsub.f32 $0.0e+00, v9;
	v8 =	vld [tilespmem:s22+$0xFFFFFFC0];
	(erf) = vpow2.f32 v5  }
0x9b: {  	v5 =	vsub.f32 $0.0e+00, v7  }
0x9c: {  	v10 =	vmul.f32 $1.442695020e+00, v10;
	v11 =	vpop (erf)  }
0x9d: {  	v5 =	vmul.f32 $1.442695020e+00, v5;
	v11 =	vadd.f32 $1.000000000e+00, v11  }
0x9e: {  	(erf) = vpow2.f32 v10  }
0x9f: {  	v10 =	vadd.f32 v8, v4;
	(erf) = vrcp.f32 v11  }
0xa0: {  	(erf) = vpow2.f32 v5  }
0xa1: {  	v4 =	vsub.f32 $0.0e+00, v10;
	v5 =	vpop (erf)  }
0xa2: {  	v8 =	vpop (erf)  }
0xa3: {  	v4 =	vmul.f32 $1.442695020e+00, v4;
	v11 =	vpop (erf)  }
0xa4: {  	v11 =	vadd.f32 $1.000000000e+00, v11  }
0xa5: {  	(erf) = vpow2.f32 v4  }
0xa6: {  	v4 =	vadd.f32 $1.000000000e+00, v8;
	(erf) = vrcp.f32 v11  }
0xa7: {  	v8 =	vpop (erf)  }
0xa8: {  	v12 =	vld [tilespmem:s22+$0x40];
	(erf) = vrcp.f32 v4;
	v11 =	vpop (erf)  }
0xa9: {  	v13 =	vld [tilespmem:s20+$0x40];
	v4 =	vadd.f32 $1.000000000e+00, v8;
	v8 =	vpop (erf)  }
0xaa: {  	v8 =	vadd.f32 $1.000000000e+00, v8  }
0xab: {  	(erf) = vrcp.f32 v4  }
0xac: {  	(erf) = vrcp.f32 v8;
	_ =	sdelay $0x1  }
0xad: {  	v4 =	vadd.f32 $1.000000000e+00, v5;
	v5 =	vadd.f32 v12, v13;
	v8 =	vpop (erf)  }
0xae: {  	v12 =	vpop (erf)  }
0xaf: {  	(erf) = vrcp.f32 v4;
	v4 =	vmul.f32 v12, v6;
	v12 =	vsub.f32 $0.0e+00, v5  }
0xb0: {  	v6 =	vpop (erf)  }
0xb1: {  	s11 =	simm.s32 $0x36A0;
	v2 =	vmul.f32 v6, v2  }
0xb2: {  	s10 =	simm.s32 $0x4A0;
	v15 =	vld [tilespmem:s11+$0x60];
	v4 =	vmul.f32 $1.442695020e+00, v4  }
0xb3: {  	v13 =	vld [tilespmem:s10+$0x60];
	v6 =	vmul.f32 $1.442695020e+00, v12;
	v2 =	vmul.f32 $1.442695020e+00, v2;
	v12 =	vpop (erf)  }
0xb4: {  	(erf) = vpow2.f32 v4;
	v14 =	vpop (erf);
	v9 =	vmul.f32 v12, v9  }
0xb5: {  	v4 =	vadd.f32 $1.000000000e+00, v8;
	(erf) = vpow2.f32 v2;
	v7 =	vmul.f32 v14, v7  }
0xb6: {  	(erf) = vpow2.f32 v6;
	v8 =	vmul.f32 $1.442695020e+00, v9  }
0xb7: {  	v16 =	vld [tilespmem:s11+$0xFFFFFFC0];
	(erf) = vrcp.f32 v4;
	v7 =	vmul.f32 $1.442695020e+00, v7  }
0xb8: {  	v18 =	vld [tilespmem:s11+$0xFFFFFFA0];
	(erf) = vpow2.f32 v8;
	v8 =	vadd.f32 v15, v13  }
0xb9: {  	v12 =	vld [tilespmem:s11+$0x20];
	(erf) = vpow2.f32 v7  }
0xba: {  	v6 =	vld [tilespmem:s11+$0x0];
	v9 =	vpop (erf);
	v13 =	vsub.f32 $0.0e+00, v8  }
0xbb: {  	v14 =	vld [tilespmem:s10+$0x0];
	v3 =	vmul.f32 v9, v3  }
0xbc: {  	v4 =	vld [tilespmem:s10+$0x20];
	v13 =	vmul.f32 $1.442695020e+00, v13  }
0xbd: {  	v7 =	vld [tilespmem:s11+$0xFFFFFFE0];
	v3 =	vmul.f32 $1.442695020e+00, v3;
	v17 =	vpop (erf)  }
0xbe: {  	v9 =	vld [tilespmem:s10+$0xFFFFFFE0];
	v19 =	vpop (erf)  }
0xbf: {  	v15 =	vld [tilespmem:s10+$0xFFFFFFC0];
	(erf) = vpow2.f32 v3;
	v21 =	vpop (erf)  }
0xc0: {  	v20 =	vld [tilespmem:s10+$0xFFFFFFA0];
	(erf) = vpow2.f32 v13;
	v13 =	vpop (erf)  }
0xc1: {  	v2 =	vld [tilespmem:s10+$0xFFFFFF80];
	v22 =	vadd.f32 v6, v14;
	v4 =	vadd.f32 v12, v4;
	v6 =	vpop (erf)  }
0xc2: {  	v1 =	vmul.f32 v11, v1;
	v12 =	vld [tilespmem:s11+$0xFFFFFF80];
	v14 =	vpop (erf)  }
0xc3: {  	v11 =	vsub.f32 $0.0e+00, v4;
	v9 =	vadd.f32 v7, v9;
	v7 =	vld [tilespmem:s20+$0xFFFFFF90];
	[tilespmem:s20+$0xFFFFFF80] =	vst v14  }
0xc4: {  	v1 =	vmul.f32 $1.442695020e+00, v1;
	v23 =	vsub.f32 $0.0e+00, v22;
	v3 =	vadd.f32 v16, v15;
	v16 =	vld [tilespmem:s22+$0xFFFFFF90]  }
0xc5: {  	v11 =	vmul.f32 $1.442695020e+00, v11;
	v14 =	vsub.f32 $0.0e+00, v9  }
0xc6: {  	v15 =	vadd.f32 v18, v20;
	v18 =	vmul.f32 $1.442695020e+00, v23;
	(erf) = vpow2.f32 v1  }
0xc7: {  	(erf) = vpow2.f32 v11;
	v1 =	vmul.f32 $1.442695020e+00, v14  }
0xc8: {  	v12 =	vadd.f32 v12, v2;
	v2 =	vsub.f32 $0.0e+00, v15;
	(erf) = vpow2.f32 v18  }
0xc9: {  	v11 =	vsub.f32 $0.0e+00, v3;
	v20 =	vpop (erf);
	(erf) = vpow2.f32 v1;
	v1 =	vadd.f32 v16, v7  }
0xca: {  	v2 =	vmul.f32 $1.442695020e+00, v2;
	v14 =	vsub.f32 $0.0e+00, v12;
	v18 =	vpop (erf)  }
0xcb: {  	[tilespmem:s20+$0xFFFFFFA0] =	vst v6;
	v6 =	vmul.f32 $1.442695020e+00, v11;
	v7 =	vadd.f32 $1.000000000e+00, v18;
	v11 =	vsub.f32 $0.0e+00, v1  }
0xcc: {  	[tilespmem:s20+$0xFFFFFFE0] =	vst v17;
	v17 =	vld [tilespmem:s20+$0xFFFFFFB0];
	v14 =	vmul.f32 $1.442695020e+00, v14;
	(erf) = vpow2.f32 v2  }
0xcd: {  	v2 =	vld [tilespmem:s20+$0xFFFFFFF0];
	(erf) = vrcp.f32 v7;
	v11 =	vmul.f32 $1.442695020e+00, v11  }
0xce: {  	v16 =	vld [tilespmem:s22+$0xFFFFFFF0];
	v7 =	vmul.f32 v13, v10;
	v10 =	vadd.f32 $1.000000000e+00, v21;
	(erf) = vpow2.f32 v14  }
0xcf: {  	v13 =	vld [tilespmem:s22+$0xFFFFFFB0];
	(erf) = vpow2.f32 v6;
	v6 =	vpop (erf)  }
0xd0: {  	v14 =	vld [tilespmem:s11+$0x40];
	(erf) = vrcp.f32 v10;
	v18 =	vpop (erf)  }
0xd1: {  	[tilespmem:s20+$0x0] =	vst v19;
	v7 =	vmul.f32 $1.442695020e+00, v7;
	v10 =	vld [tilespmem:s10+$0x40];
	(erf) = vpow2.f32 v11;
	v11 =	vpop (erf)  }
0xd2: {  	v19 =	vld [tilespmem:s22+$0x10];
	[tilespmem:s20+$0x60] =	vst v6;
	v6 =	vpop (erf)  }
0xd3: {  	(erf) = vpow2.f32 v7;
	v7 =	vadd.f32 v16, v2;
	v2 =	vld [tilespmem:s20+$0x10];
	v16 =	vadd.f32 $1.000000000e+00, v6  }
0xd4: {  	v21 =	vld [tilespmem:s22+$0x70];
	v6 =	vadd.f32 v13, v17  }
0xd5: {  	v13 =	vld [tilespmem:s20+$0x70];
	v17 =	vadd.f32 $1.000000000e+00, v11;
	v23 =	vpop (erf)  }
0xd6: {  	v11 =	vadd.f32 v14, v10;
	v10 =	vpop (erf);
	(erf) = vrcp.f32 v16;
	v14 =	vsub.f32 $0.0e+00, v6  }
0xd7: {  	v24 =	vsub.f32 $0.0e+00, v7;
	v23 =	vadd.f32 $1.000000000e+00, v23;
	(erf) = vrcp.f32 v17;
	v16 =	vpop (erf)  }
0xd8: {  	v26 =	vmul.f32 $1.442695020e+00, v14;
	v14 =	vadd.f32 v19, v2;
	v16 =	vadd.f32 $1.000000000e+00, v16  }
0xd9: {  	v17 =	vmul.f32 $1.442695020e+00, v24;
	v25 =	vpop (erf)  }
0xda: {  	v2 =	vadd.f32 v21, v13;
	v19 =	vpop (erf);
	(erf) = vrcp.f32 v23;
	v21 =	vsub.f32 $0.0e+00, v14  }
0xdb: {  	v18 =	vadd.f32 $1.000000000e+00, v18;
	v13 =	vpop (erf);
	(erf) = vrcp.f32 v16  }
0xdc: {  	v23 =	vsub.f32 $0.0e+00, v2;
	(erf) = vpow2.f32 v17;
	v17 =	vmul.f32 $1.442695020e+00, v21;
	v16 =	vpop (erf)  }
0xdd: {  	v8 =	vmul.f32 v10, v8;
	v5 =	vmul.f32 v19, v5;
	[tilespmem:s20+$0xFFFFFFC0] =	vst v16;
	v16 =	vld [tilespmem:s20+$0xFFFFFFD0]  }
0xde: {  	(erf) = vrcp.f32 v18;
	v18 =	vmul.f32 $1.442695020e+00, v23;
	v19 =	vld [tilespmem:s22+$0xFFFFFFD0]  }
0xdf: {  	v5 =	vmul.f32 $1.442695020e+00, v5;
	(erf) = vpow2.f32 v26;
	v21 =	vpop (erf)  }
0xe0: {  	v24 =	vsub.f32 $0.0e+00, v11;
	(erf) = vpow2.f32 v17;
	v9 =	vmul.f32 v21, v9;
	v17 =	vpop (erf)  }
0xe1: {  	(erf) = vpow2.f32 v18;
	v17 =	vmul.f32 v17, v22  }
0xe2: {  	v24 =	vmul.f32 $1.442695020e+00, v24;
	v13 =	vadd.f32 $1.000000000e+00, v13;
	(erf) = vpow2.f32 v5  }
0xe3: {  	s14 =	simm.s32 $0x37A0;
	[tilespmem:s20+$0x20] =	vst v20;
	v10 =	vmul.f32 $1.442695020e+00, v9;
	v20 =	vpop (erf);
	v17 =	vmul.f32 $1.442695020e+00, v17;
	v9 =	vadd.f32 v19, v16  }
0xe4: {  	v30 =	vld [tilespmem:s14+$0xFFFFFFC0];
	(erf) = vrcp.f32 v13;
	v16 =	vpop (erf);
	v15 =	vmul.f32 v20, v15  }
0xe5: {  	v18 =	vld [tilespmem:s20+$0x30];
	v13 =	vadd.f32 $1.000000000e+00, v25;
	v12 =	vmul.f32 v16, v12;
	v16 =	vsub.f32 $0.0e+00, v9  }
0xe6: {  	v5 =	vld [tilespmem:s22+$0x30];
	(erf) = vpow2.f32 v10;
	v15 =	vmul.f32 $1.442695020e+00, v15  }
0xe7: {  	s13 =	simm.s32 $0x5A0;
	v23 =	vld [tilespmem:s14+$0x0];
	(erf) = vpow2.f32 v17;
	v10 =	vpop (erf);
	v16 =	vmul.f32 $1.442695020e+00, v16  }
0xe8: {  	v21 =	vld [tilespmem:s13+$0x60];
	(erf) = vpow2.f32 v24;
	v22 =	vpop (erf);
	v12 =	vmul.f32 $1.442695020e+00, v12  }
0xe9: {  	v19 =	vld [tilespmem:s14+$0x20];
	(erf) = vrcp.f32 v13;
	v13 =	vpop (erf)  }
0xea: {  	v20 =	vld [tilespmem:s14+$0x60];
	(erf) = vpow2.f32 v15;
	v15 =	vpop (erf)  }
0xeb: {  	v24 =	vld [tilespmem:s13+$0x20];
	v18 =	vadd.f32 v5, v18;
	(erf) = vpow2.f32 v16;
	v16 =	vpop (erf)  }
0xec: {  	v25 =	vld [tilespmem:s20+$0x50];
	v4 =	vmul.f32 v22, v4;
	v15 =	vadd.f32 $1.000000000e+00, v15;
	(erf) = vpow2.f32 v12;
	v12 =	vpop (erf)  }
0xed: {  	v8 =	vmul.f32 $1.442695020e+00, v8;
	v10 =	vadd.f32 $1.000000000e+00, v10;
	v22 =	vld [tilespmem:s13+$0x0];
	v5 =	vadd.f32 $1.000000000e+00, v16;
	[tilespmem:s20+$0x40] =	vst v12  }
0xee: {  	v4 =	vmul.f32 $1.442695020e+00, v4;
	(erf) = vrcp.f32 v15;
	v15 =	vsub.f32 $0.0e+00, v18;
	v27 =	vld [tilespmem:s22+$0x50]  }
0xef: {  	v17 =	vld [tilespmem:s13+$0xFFFFFF80];
	v13 =	vadd.f32 $1.000000000e+00, v13;
	v26 =	vpop (erf);
	v12 =	vadd.f32 v20, v21;
	(erf) = vrcp.f32 v5  }
0xf0: {  	v16 =	vld [tilespmem:s14+$0xFFFFFFE0];
	v21 =	vpop (erf);
	v15 =	vmul.f32 $1.442695020e+00, v15;
	v5 =	vadd.f32 v19, v24;
	(erf) = vpow2.f32 v4  }
0xf1: {  	v20 =	vld [tilespmem:s13+$0xFFFFFFE0];
	v1 =	vmul.f32 v26, v1;
	v28 =	vpop (erf);
	v29 =	vsub.f32 $0.0e+00, v12;
	(erf) = vrcp.f32 v13  }
0xf2: {  	v4 =	vld [tilespmem:s13+$0xFFFFFFC0];
	v19 =	vpop (erf);
	v13 =	vadd.f32 v23, v22;
	v24 =	vsub.f32 $0.0e+00, v5;
	(erf) = vrcp.f32 v10  }
0xf3: {  	v23 =	vld [tilespmem:s13+$0xFFFFFFA0];
	v22 =	vpop (erf);
	(erf) = vpow2.f32 v15;
	v15 =	vmul.f32 $1.442695020e+00, v29;
	v25 =	vadd.f32 v27, v25  }
0xf4: {  	v31 =	vmul.f32 $1.442695020e+00, v1;
	v10 =	vld [tilespmem:s14+$0xFFFFFFA0];
	v26 =	vpop (erf);
	v44 =	vsub.f32 $0.0e+00, v13;
	v24 =	vmul.f32 $1.442695020e+00, v24  }
0xf5: {  	v3 =	vmul.f32 v22, v3;
	v27 =	vld [tilespmem:s14+$0xFFFFFF80];
	v32 =	vpop (erf);
	(erf) = vpow2.f32 v15;
	v34 =	vsub.f32 $0.0e+00, v25  }
0xf6: {  	v33 =	vpop (erf);
	v15 =	vadd.f32 v16, v20;
	v16 =	vmul.f32 $1.442695020e+00, v44;
	(erf) = vpow2.f32 v8  }
0xf7: {  	v47 =	vld [tilespmem:s10+$0xFFFFFF90];
	v20 =	vpop (erf);
	(erf) = vpow2.f32 v31;
	v45 =	vmul.f32 $1.442695020e+00, v34  }
0xf8: {  	v48 =	vld [tilespmem:s10+$0xFFFFFFF0];
	[tilespmem:s10+$0xFFFFFFE0] =	vst v21;
	v1 =	vadd.f32 v30, v4;
	v50 =	vadd.f32 $1.000000000e+00, v32;
	v4 =	vpop (erf);
	(erf) = vpow2.f32 v24  }
0xf9: {  	v21 =	vld [tilespmem:s11+$0xFFFFFFF0];
	[tilespmem:s10+$0xFFFFFFA0] =	vst v26;
	v46 =	vsub.f32 $0.0e+00, v15;
	v8 =	vadd.f32 v10, v23;
	v23 =	vpop (erf);
	(erf) = vpow2.f32 v45  }
0xfa: {  	v35 =	vld [tilespmem:s11+$0xFFFFFFB0];
	[tilespmem:s10+$0xFFFFFF80] =	vst v33;
	v14 =	vmul.f32 v20, v14;
	v24 =	vsub.f32 $0.0e+00, v1;
	v10 =	vadd.f32 v27, v17;
	v17 =	vpop (erf)  }
0xfb: {  	v52 =	vld [tilespmem:s11+$0xFFFFFF90];
	v26 =	vmul.f32 $1.442695020e+00, v46;
	v49 =	vsub.f32 $0.0e+00, v8;
	v53 =	vmul.f32 v4, v2;
	v51 =	vpop (erf)  }
0xfc: {  	v27 =	vld [tilespmem:s10+$0xFFFFFFB0];
	v14 =	vmul.f32 $1.442695020e+00, v14;
	v36 =	vsub.f32 $0.0e+00, v10;
	(erf) = vpow2.f32 v16;
	v16 =	vpop (erf)  }
0xfd: {  	v29 =	vmul.f32 $1.442695020e+00, v49;
	(erf) = vrcp.f32 v50;
	v16 =	vadd.f32 $1.000000000e+00, v16  }
0xfe: {  	v2 =	vadd.f32 v21, v48;
	(erf) = vpow2.f32 v26;
	v26 =	vmul.f32 $1.442695020e+00, v36;
	v4 =	vpop (erf)  }
0xff: {  	v24 =	vmul.f32 $1.442695020e+00, v24;
	(erf) = vrcp.f32 v16;
	v16 =	vadd.f32 $1.000000000e+00, v4;
	v21 =	vpop (erf)  }
0x100: {  	v17 =	vmul.f32 v17, v6;
	(erf) = vpow2.f32 v29;
	v20 =	vpop (erf)  }
0x101: {  	v6 =	vadd.f32 v52, v47;
	v4 =	vadd.f32 v35, v27;
	v27 =	vpop (erf);
	(erf) = vrcp.f32 v16  }
0x102: {  	v54 =	vld [tilespmem:s13+$0x40];
	v55 =	vmul.f32 $1.442695020e+00, v53;
	(erf) = vpow2.f32 v26;
	v26 =	vpop (erf)  }
0x103: {  	v16 =	vld [tilespmem:s14+$0x40];
	(erf) = vpow2.f32 v24;
	v24 =	vadd.f32 $1.000000000e+00, v26;
	v26 =	vsub.f32 $0.0e+00, v6  }
0x104: {  	(erf) = vpow2.f32 v14;
	v14 =	vmul.f32 $1.442695020e+00, v3  }
0x105: {  	v56 =	vpop (erf);
	v3 =	vadd.f32 $1.000000000e+00, v19;
	(erf) = vrcp.f32 v24;
	v24 =	vmul.f32 $1.442695020e+00, v26  }
0x106: {  	v19 =	vpop (erf);
	(erf) = vpow2.f32 v55  }
0x107: {  	[tilespmem:s10+$0x60] =	vst v21;
	v26 =	vpop (erf);
	(erf) = vrcp.f32 v3  }
0x108: {  	v17 =	vmul.f32 $1.442695020e+00, v17;
	v58 =	vld [tilespmem:s11+$0x70];
	v3 =	vadd.f32 v16, v54;
	v21 =	vpop (erf);
	(erf) = vpow2.f32 v24  }
0x109: {  	v26 =	vadd.f32 $1.000000000e+00, v26;
	v16 =	vmul.f32 v21, v18;
	v18 =	vld [tilespmem:s10+$0x70];
	v24 =	vpop (erf);
	(erf) = vpow2.f32 v14  }
0x10a: {  	[tilespmem:s10+$0x0] =	vst v28;
	v59 =	vpop (erf);
	(erf) = vpow2.f32 v17;
	v17 =	vadd.f32 $1.000000000e+00, v56  }
0x10b: {  	v28 =	vld [tilespmem:s11+$0x10];
	v22 =	vsub.f32 $0.0e+00, v2;
	v24 =	vadd.f32 $1.000000000e+00, v24;
	v16 =	vmul.f32 $1.442695020e+00, v16  }
0x10c: {  	v9 =	vmul.f32 v19, v9;
	v19 =	vld [tilespmem:s10+$0x10];
	v60 =	vpop (erf);
	(erf) = vrcp.f32 v26  }
0x10d: {  	v22 =	vmul.f32 $1.442695020e+00, v22;
	v26 =	vpop (erf);
	v30 =	vadd.f32 $1.000000000e+00, v60;
	(erf) = vpow2.f32 v16  }
0x10e: {  	v16 =	vmul.f32 v51, v7;
	(erf) = vrcp.f32 v17;
	v17 =	vpop (erf);
	v7 =	vadd.f32 v58, v18  }
0x10f: {  	v18 =	vmul.f32 $1.442695020e+00, v9;
	(erf) = vrcp.f32 v24;
	v24 =	vpop (erf)  }
0x110: {  	[tilespmem:s10+$0x20] =	vst v23;
	v16 =	vmul.f32 $1.442695020e+00, v16;
	(erf) = vrcp.f32 v30;
	v61 =	vpop (erf);
	v23 =	vsub.f32 $0.0e+00, v7  }
0x111: {  	v9 =	vadd.f32 v28, v19;
	v19 =	vmul.f32 v24, v25;
	(erf) = vpow2.f32 v22;
	v22 =	vpop (erf)  }
0x112: {  	v27 =	vadd.f32 $1.000000000e+00, v27;
	v11 =	vmul.f32 v22, v11;
	v24 =	vpop (erf)  }
0x113: {  	v57 =	vsub.f32 $0.0e+00, v4;
	(erf) = vpow2.f32 v16;
	v62 =	vmul.f32 $1.442695020e+00, v19;
	v22 =	vpop (erf)  }
0x114: {  	v25 =	vld [tilespmem:s10+$0x30];
	v19 =	vmul.f32 $1.442695020e+00, v23;
	(erf) = vrcp.f32 v27;
	v23 =	vpop (erf)  }
0x115: {  	[tilespmem:s20+$0xFFFFFF90] =	vst v20;
	v21 =	vmul.f32 $1.442695020e+00, v57;
	v14 =	vsub.f32 $0.0e+00, v3;
	v27 =	vld [tilespmem:s11+$0x30];
	(erf) = vpow2.f32 v18;
	v18 =	vpop (erf)  }
0x116: {  	v16 =	vsub.f32 $0.0e+00, v9;
	[tilespmem:s10+$0xFFFFFFC0] =	vst v22;
	(erf) = vpow2.f32 v62;
	v22 =	vmul.f32 v18, v15;
	v15 =	vld [tilespmem:s10+$0xFFFFFFD0]  }
0x117: {  	v14 =	vmul.f32 $1.442695020e+00, v14;
	[tilespmem:s20+$0x10] =	vst v17;
	(erf) = vpow2.f32 v21;
	v21 =	vld [tilespmem:s11+$0xFFFFFFD0]  }
0x118: {  	[tilespmem:s20+$0x70] =	vst v61;
	v63 =	vmul.f32 $1.442695020e+00, v16;
	v20 =	vmul.f32 $1.442695020e+00, v11;
	v11 =	vpop (erf)  }
0x119: {  	s21 =	simm.s32 $0x190;
	s23 =	simm.s32 $0x2B20;
	v17 =	vadd.f32 $1.000000000e+00, v26;
	v16 =	vmul.f32 v59, v12;
	[tilespmem:s20+$0xFFFFFFB0] =	vst v23;
	v18 =	vadd.f32 $1.000000000e+00, v24;
	v12 =	vpop (erf)  }
0x11a: {  	s1 =	simm.s32 $0x10;
	s19 =	simm.s32 $0x6A0;
	s22 =	simm.s32 $0x38A0;
	[tilespmem:s20+$0x30] =	vst v11;
	(erf) = vpow2.f32 v63;
	v24 =	vmul.f32 v12, v13;
	v23 =	vpop (erf);
	v11 =	vadd.f32 v27, v25  }
.LBB2_5:
0x11b: {  	v12 =	vld [tilespmem:s19+$0x60];
	s1 =	sadd.s32 $0x8, s1;
	v25 =	vmul.f32 $1.442695020e+00, v22;
	v22 =	vpop (erf);
	(erf) = vpow2.f32 v19  }
0x11c: {  	v19 =	vld [tilespmem:s22+$0x20];
	p1 =	slt.u32 s1, $0x48;
	v24 =	vmul.f32 $1.442695020e+00, v24;
	v15 =	vadd.f32 v21, v15;
	v21 =	vpop (erf);
	(erf) = vpow2.f32 v20  }
0x11d: {  	v10 =	vmul.f32 v22, v10;
	v20 =	vld [tilespmem:s22+$0x60];
	v21 =	vadd.f32 $1.000000000e+00, v21;
	(erf) = vrcp.f32 v18;
	v18 =	vpop (erf)  }
0x11e: {  	v8 =	vmul.f32 v23, v8;
	v22 =	vld [tilespmem:s19+$0xFFFFFF80];
	(erf) = vpow2.f32 v25;
	v13 =	vpop (erf);
	v23 =	vsub.f32 $0.0e+00, v15;
	[tilespmem:s20+$0xFFFFFFF0] =	vst v18  }
0x11f: {  	v10 =	vmul.f32 $1.442695020e+00, v10;
	v18 =	vld [tilespmem:s22+$0x0];
	v13 =	vmul.f32 v13, v5;
	v5 =	vpop (erf)  }
0x120: {  	v8 =	vmul.f32 $1.442695020e+00, v8;
	v25 =	vld [tilespmem:s19+$0x20];
	(erf) = vpow2.f32 v24;
	[tilespmem:s20+$0xFFFFFFD0] =	vst v5  }
0x121: {  	v27 =	vmul.f32 $1.442695020e+00, v23;
	v24 =	vld [tilespmem:s19+$0x0];
	(erf) = vpow2.f32 v14;
	v14 =	vpop (erf)  }
0x122: {  	v12 =	vadd.f32 v20, v12;
	v20 =	vmul.f32 $1.442695020e+00, v16;
	(erf) = vrcp.f32 v17;
	v17 =	vld [tilespmem:s10+$0x50];
	v16 =	vpop (erf);
	[tilespmem:s20+$0x50] =	vst v14;
	s20 =	smov.u32 s10;
	s10 =	smov.u32 s13;
	s13 =	smov.u32 s19  }
0x123: {  	v14 =	vld [tilespmem:s22+$0xFFFFFFE0];
	(erf) = vpow2.f32 v8;
	v8 =	vadd.f32 $1.000000000e+00, v16;
	v16 =	vpop (erf)  }
0x124: {  	v23 =	vld [tilespmem:s19+$0xFFFFFFE0];
	v31 =	vsub.f32 $0.0e+00, v12;
	v16 =	vadd.f32 $1.000000000e+00, v16;
	(erf) = vpow2.f32 v27;
	v5 =	vpop (erf)  }
0x125: {  	v27 =	vld [tilespmem:s19+$0xFFFFFFC0];
	(erf) = vpow2.f32 v10;
	v10 =	vsub.f32 $0.0e+00, v11;
	v28 =	vadd.f32 $1.000000000e+00, v5;
	v29 =	vpop (erf)  }
0x126: {  	v5 =	vadd.f32 v19, v25;
	v30 =	vld [tilespmem:s22+$0xFFFFFFC0];
	v19 =	vmul.f32 $1.442695020e+00, v31;
	[tilespmem:s20+$0x40] =	vst v29;
	v25 =	vpop (erf);
	(erf) = vrcp.f32 v16  }
0x127: {  	v16 =	vmul.f32 $1.442695020e+00, v13;
	v26 =	vpop (erf);
	v29 =	vld [tilespmem:s11+$0x50];
	(erf) = vrcp.f32 v28;
	s11 =	smov.u32 s14;
	s14 =	smov.u32 s22  }
0x128: {  	v13 =	vadd.f32 v18, v24;
	v6 =	vmul.f32 v25, v6;
	v10 =	vmul.f32 $1.442695020e+00, v10;
	v28 =	vld [tilespmem:s22+$0xFFFFFFA0];
	[tilespmem:s10+$0xFFFFFFE0] =	vst v26  }
0x129: {  	v18 =	vsub.f32 $0.0e+00, v5;
	v24 =	vld [tilespmem:s19+$0xFFFFFFA0];
	v25 =	vpop (erf);
	(erf) = vpow2.f32 v16  }
0x12a: {  	v31 =	vsub.f32 $0.0e+00, v13;
	v6 =	vmul.f32 $1.442695020e+00, v6;
	v26 =	vld [tilespmem:s22+$0xFFFFFF80];
	v32 =	vpop (erf);
	(erf) = vrcp.f32 v8  }
0x12b: {  	v16 =	vadd.f32 v14, v23;
	v14 =	vmul.f32 $1.442695020e+00, v18;
	v23 =	vld [tilespmem:s11+$0xFFFFFFF0];
	v33 =	vpop (erf);
	(erf) = vrcp.f32 v21  }
0x12c: {  	v21 =	vadd.f32 v30, v27;
	v27 =	vmul.f32 $1.442695020e+00, v31;
	v30 =	vpop (erf);
	(erf) = vpow2.f32 v10  }
0x12d: {  	v31 =	vsub.f32 $0.0e+00, v16;
	v18 =	vadd.f32 v29, v17;
	(erf) = vpow2.f32 v19;
	v19 =	vld [tilespmem:s10+$0xFFFFFF90];
	v17 =	vpop (erf)  }
0x12e: {  	v8 =	vadd.f32 v28, v24;
	v24 =	vsub.f32 $0.0e+00, v21;
	v28 =	vld [tilespmem:s10+$0xFFFFFFF0];
	v29 =	vpop (erf);
	(erf) = vpow2.f32 v20  }
0x12f: {  	v20 =	vmul.f32 $1.442695020e+00, v31;
	v10 =	vadd.f32 v26, v22;
	[tilespmem:s10+$0xFFFFFFA0] =	vst v30;
	v22 =	vld [tilespmem:s10+$0xFFFFFFB0];
	v26 =	vsub.f32 $0.0e+00, v18;
	v30 =	vpop (erf)  }
0x130: {  	v31 =	vsub.f32 $0.0e+00, v8;
	v24 =	vmul.f32 $1.442695020e+00, v24;
	[tilespmem:s10+$0xFFFFFF80] =	vst v29;
	v29 =	vld [tilespmem:s11+$0xFFFFFFB0];
	(erf) = vpow2.f32 v6;
	v6 =	vpop (erf)  }
0x131: {  	v34 =	vsub.f32 $0.0e+00, v10;
	(erf) = vpow2.f32 v14;
	v14 =	vld [tilespmem:s11+$0xFFFFFF90];
	v26 =	vmul.f32 $1.442695020e+00, v26  }
0x132: {  	v36 =	vadd.f32 $1.000000000e+00, v17;
	v7 =	vmul.f32 v6, v7;
	v31 =	vmul.f32 $1.442695020e+00, v31;
	v35 =	vpop (erf)  }
0x133: {  	v34 =	vmul.f32 $1.442695020e+00, v34;
	v23 =	vadd.f32 v23, v28;
	v28 =	vpop (erf);
	(erf) = vpow2.f32 v26  }
0x134: {  	v26 =	vmul.f32 v33, v1;
	v1 =	vmov v21;
	(erf) = vpow2.f32 v27;
	v27 =	vpop (erf)  }
0x135: {  	v21 =	vadd.f32 v29, v22;
	v22 =	vsub.f32 $0.0e+00, v23;
	(erf) = vrcp.f32 v36;
	v17 =	vpop (erf)  }
0x136: {  	v29 =	vld [tilespmem:s22+$0x40];
	v33 =	vpop (erf);
	v6 =	vadd.f32 v14, v19;
	v14 =	vmul.f32 v28, v4;
	v36 =	vadd.f32 $1.000000000e+00, v17  }
0x137: {  	v9 =	vmul.f32 v30, v9;
	v17 =	vld [tilespmem:s19+$0x40];
	v19 =	vadd.f32 $1.000000000e+00, v33;
	(erf) = vpow2.f32 v20;
	[tilespmem:s10+$0x0] =	vst v25;
	v20 =	vpop (erf)  }
0x138: {  	v7 =	vmul.f32 $1.442695020e+00, v7;
	v4 =	vmovc v21;
	v25 =	vsub.f32 $0.0e+00, v6;
	v28 =	vld [tilespmem:s11+$0x10];
	(erf) = vrcp.f32 v36  }
0x139: {  	v22 =	vmul.f32 $1.442695020e+00, v22;
	v21 =	vsub.f32 $0.0e+00, v4;
	(erf) = vpow2.f32 v31;
	[tilespmem:s10+$0x60] =	vst v20;
	v20 =	vpop (erf)  }
0x13a: {  	v9 =	vmul.f32 $1.442695020e+00, v9;
	v30 =	vpop (erf);
	(erf) = vrcp.f32 v19;
	v19 =	vld [tilespmem:s11+$0x70];
	[tilespmem:s20+$0xFFFFFF90] =	vst v20  }
0x13b: {  	v20 =	vmul.f32 $1.442695020e+00, v26;
	(erf) = vpow2.f32 v34  }
0x13c: {  	v26 =	vadd.f32 v29, v17;
	v17 =	vmul.f32 $1.442695020e+00, v25;
	v25 =	vmul.f32 $1.442695020e+00, v21;
	v21 =	vld [tilespmem:s10+$0x70];
	v29 =	vpop (erf)  }
0x13d: {  	v31 =	vadd.f32 $1.000000000e+00, v32;
	(erf) = vpow2.f32 v24;
	v24 =	vpop (erf);
	v29 =	vadd.f32 $1.000000000e+00, v29  }
0x13e: {  	v33 =	vmul.f32 $1.442695020e+00, v14;
	v32 =	vsub.f32 $0.0e+00, v26;
	v14 =	vpop (erf);
	(erf) = vpow2.f32 v9  }
0x13f: {  	v9 =	vmul.f32 v14, v15;
	(erf) = vrcp.f32 v29  }
0x140: {  	v14 =	vmul.f32 $1.442695020e+00, v32;
	v15 =	vpop (erf);
	(erf) = vpow2.f32 v7  }
0x141: {  	v24 =	vadd.f32 $1.000000000e+00, v24;
	v29 =	vld [tilespmem:s10+$0x10];
	v7 =	vadd.f32 v19, v21;
	(erf) = vrcp.f32 v31;
	v19 =	vpop (erf)  }
0x142: {  	v21 =	vadd.f32 $1.000000000e+00, v30;
	v30 =	vpop (erf);
	(erf) = vpow2.f32 v17;
	v11 =	vmul.f32 v19, v11  }
0x143: {  	v32 =	vadd.f32 $1.000000000e+00, v15;
	v17 =	vmul.f32 v27, v2;
	v31 =	vpop (erf);
	(erf) = vpow2.f32 v20  }
0x144: {  	v19 =	vadd.f32 $1.000000000e+00, v30;
	v2 =	vpop (erf);
	v11 =	vmul.f32 $1.442695020e+00, v11;
	(erf) = vpow2.f32 v33  }
0x145: {  	v27 =	vmul.f32 $1.442695020e+00, v9;
	v20 =	vadd.f32 $1.000000000e+00, v2;
	(erf) = vrcp.f32 v32;
	v2 =	vmovc v23  }
0x146: {  	v23 =	vmul.f32 $1.442695020e+00, v17;
	v15 =	vpop (erf);
	v9 =	vadd.f32 v28, v29;
	(erf) = vpow2.f32 v11  }
0x147: {  	v11 =	vsub.f32 $0.0e+00, v7;
	v17 =	vadd.f32 $1.000000000e+00, v15;
	(erf) = vrcp.f32 v24;
	v15 =	vpop (erf)  }
0x148: {  	(erf) = vrcp.f32 v19;
	v24 =	vsub.f32 $0.0e+00, v9;
	[tilespmem:s20+$0x10] =	vst v15;
	v15 =	vpop (erf)  }
0x149: {  	(erf) = vrcp.f32 v20;
	v15 =	vmul.f32 v15, v18;
	v18 =	vpop (erf)  }
0x14a: {  	(erf) = vpow2.f32 v22;
	v19 =	vpop (erf);
	[tilespmem:s20+$0x70] =	vst v18  }
0x14b: {  	[tilespmem:s10+$0x20] =	vst v35;
	v28 =	vld [tilespmem:s10+$0x30];
	v20 =	vmul.f32 v19, v3;
	v18 =	vpop (erf);
	(erf) = vpow2.f32 v23;
	v3 =	vmov v26  }
0x14c: {  	v23 =	vmul.f32 $1.442695020e+00, v15;
	(erf) = vrcp.f32 v21;
	v18 =	vadd.f32 $1.000000000e+00, v18;
	v26 =	vld [tilespmem:s11+$0x30];
	v19 =	vpop (erf)  }
.Ltmp1:
0x14d: {  	[tilespmem:s10+$0xFFFFFFC0] =	vst v19;
	v15 =	vld [tilespmem:s10+$0xFFFFFFD0];
	v19 =	vmul.f32 $1.442695020e+00, v11;
	v11 =	vpop (erf);
	(erf) = vpow2.f32 v27;
	(pc) =	sbr.rel @p1 .LBB2_5-.Ltmp1, $4  }
0x14e: {  	v27 =	vmul.f32 $1.442695020e+00, v24;
	v20 =	vmul.f32 $1.442695020e+00, v20;
	v22 =	vpop (erf);
	v21 =	vld [tilespmem:s11+$0xFFFFFFD0];
	[tilespmem:s20+$0xFFFFFFB0] =	vst v11  }
0x14f: {  	v22 =	vmul.f32 v22, v16;
	v11 =	vpop (erf);
	(erf) = vpow2.f32 v23  }
0x150: {  	v16 =	vmul.f32 v31, v12;
	v12 =	vpop (erf);
	(erf) = vpow2.f32 v25;
	[tilespmem:s20+$0x30] =	vst v11  }
0x151: {  	s22 =	sadd.s32 $0x100, s22;
	s19 =	sadd.s32 $0x100, s19;
	v24 =	vmul.f32 v12, v13;
	v23 =	vpop (erf);
	v11 =	vadd.f32 v26, v28;
	(erf) = vpow2.f32 v27  }
0x152: {  	(erf) = vpow2.f32 v19  }
0x153: {  	v19 =	vpop (erf);
	(erf) = vpow2.f32 v20  }
0x154: {  	v20 =	vpop (erf)  }
0x155: {  	v13 =	vpop (erf)  }
0x156: {  	v22 =	vmul.f32 $1.442695020e+00, v22;
	v25 =	vpop (erf)  }
0x157: {  	v24 =	vmul.f32 $1.442695020e+00, v24;
	v21 =	vadd.f32 v21, v15;
	(erf) = vrcp.f32 v18;
	v12 =	vpop (erf)  }
0x158: {  	v8 =	vmul.f32 v23, v8;
	(erf) = vpow2.f32 v22;
	v15 =	vpop (erf)  }
0x159: {  	v10 =	vmul.f32 v19, v10;
	v19 =	vsub.f32 $0.0e+00, v21;
	(erf) = vpow2.f32 v24;
	v18 =	vpop (erf)  }
0x15a: {  	v8 =	vmul.f32 $1.442695020e+00, v8;
	(erf) = vpow2.f32 v14;
	v22 =	vpop (erf)  }
0x15b: {  	v19 =	vmul.f32 $1.442695020e+00, v19;
	(erf) = vrcp.f32 v17;
	v14 =	vpop (erf)  }
0x15c: {  	v10 =	vmul.f32 $1.442695020e+00, v10;
	(erf) = vpow2.f32 v8;
	v23 =	vpop (erf)  }
0x15d: {  	v5 =	vmul.f32 v25, v5;
	v17 =	vld [tilespmem:s10+$0x50];
	v8 =	vadd.f32 $1.000000000e+00, v22;
	(erf) = vpow2.f32 v19;
	[tilespmem:s10+$0x40] =	vst v23  }
0x15e: {  	(erf) = vpow2.f32 v10;
	v10 =	vadd.f32 $1.000000000e+00, v14;
	v14 =	vsub.f32 $0.0e+00, v11;
	v19 =	vld [tilespmem:s11+$0x50]  }
0x15f: {  	v5 =	vmul.f32 $1.442695020e+00, v5;
	(erf) = vrcp.f32 v8  }
0x160: {  	v8 =	vadd.f32 $1.000000000e+00, v18;
	v18 =	vpop (erf);
	(erf) = vrcp.f32 v10  }
0x161: {  	v10 =	vadd.f32 $1.000000000e+00, v20;
	v20 =	vpop (erf);
	v6 =	vmul.f32 v18, v6;
	(erf) = vpow2.f32 v5  }
0x162: {  	v5 =	vmul.f32 $1.442695020e+00, v14;
	v14 =	vpop (erf);
	(erf) = vrcp.f32 v8  }
0x163: {  	(erf) = vrcp.f32 v10;
	v10 =	vmul.f32 $1.442695020e+00, v16;
	v8 =	vadd.f32 v19, v17;
	v17 =	vpop (erf)  }
0x164: {  	v6 =	vmul.f32 $1.442695020e+00, v6;
	(erf) = vpow2.f32 v5;
	v16 =	vpop (erf)  }
0x165: {  	v18 =	vpop (erf)  }
0x166: {  	v5 =	vsub.f32 $0.0e+00, v8;
	v19 =	vpop (erf)  }
0x167: {  	(erf) = vpow2.f32 v10;
	v10 =	vpop (erf)  }
0x168: {  	v5 =	vmul.f32 $1.442695020e+00, v5;
	(erf) = vpow2.f32 v6;
	v6 =	vpop (erf)  }
0x169: {  	[tilespmem:s13+$0xFFFFFFE0] =	vst v20;
	v20 =	vpop (erf)  }
0x16a: {  	(erf) = vpow2.f32 v5;
	v23 =	vpop (erf)  }
0x16b: {  	v25 =	vpop (erf)  }
0x16c: {  	[tilespmem:s13+$0xFFFFFFA0] =	vst v18;
	v18 =	vpop (erf)  }
0x16d: {  	v5 =	vadd.f32 $1.000000000e+00, v19;
	v19 =	vpop (erf)  }
0x16e: {  	v19 =	vadd.f32 $1.000000000e+00, v19  }
0x16f: {  	v6 =	vmul.f32 v6, v9;
	(erf) = vrcp.f32 v5  }
0x170: {  	v24 =	vld [tilespmem:s13+$0xFFFFFF90];
	[tilespmem:s13+$0xFFFFFF80] =	vst v10;
	(erf) = vrcp.f32 v19  }
0x171: {  	v28 =	vld [tilespmem:s14+$0xFFFFFF90];
	v29 =	vpop (erf)  }
0x172: {  	v5 =	vpop (erf)  }
0x173: {  	v26 =	vld [tilespmem:s13+$0xFFFFFFF0];
	v7 =	vmul.f32 v20, v7;
	v9 =	vmul.f32 $1.442695020e+00, v6;
	v6 =	vpop (erf)  }
0x174: {  	v22 =	vld [tilespmem:s14+$0xFFFFFFF0];
	v19 =	vadd.f32 $1.000000000e+00, v6  }
0x175: {  	v27 =	vld [tilespmem:s13+$0xFFFFFFB0];
	v7 =	vmul.f32 $1.442695020e+00, v7;
	(erf) = vpow2.f32 v9  }
0x176: {  	v17 =	vadd.f32 $1.000000000e+00, v17;
	v10 =	vld [tilespmem:s14+$0xFFFFFFB0];
	v9 =	vadd.f32 v28, v24;
	(erf) = vrcp.f32 v19  }
0x177: {  	v1 =	vmul.f32 v16, v1;
	(erf) = vpow2.f32 v7  }
0x178: {  	[tilespmem:s13+$0x0] =	vst v14;
	v4 =	vmul.f32 v25, v4;
	v25 =	vld [tilespmem:s13+$0x70];
	v14 =	vsub.f32 $0.0e+00, v9;
	v20 =	vpop (erf);
	(erf) = vrcp.f32 v17  }
0x179: {  	v1 =	vmul.f32 $1.442695020e+00, v1;
	v2 =	vmul.f32 v18, v2;
	v6 =	vadd.f32 v22, v26;
	v22 =	vld [tilespmem:s13+$0x10];
	v24 =	vpop (erf)  }
0x17a: {  	[tilespmem:s13+$0x60] =	vst v29;
	v14 =	vmul.f32 $1.442695020e+00, v14;
	v7 =	vld [tilespmem:s14+$0x10];
	v11 =	vmul.f32 v24, v11  }
0x17b: {  	v10 =	vadd.f32 v10, v27;
	v4 =	vmul.f32 $1.442695020e+00, v4;
	v2 =	vmul.f32 $1.442695020e+00, v2;
	v17 =	vld [tilespmem:s14+$0x70]  }
0x17c: {  	v16 =	vsub.f32 $0.0e+00, v6;
	v20 =	vmul.f32 v20, v21;
	(erf) = vpow2.f32 v14  }
0x17d: {  	v19 =	vsub.f32 $0.0e+00, v10;
	(erf) = vpow2.f32 v1;
	v1 =	vmul.f32 $1.442695020e+00, v11  }
0x17e: {  	v16 =	vmul.f32 $1.442695020e+00, v16;
	(erf) = vpow2.f32 v4;
	v11 =	vpop (erf)  }
0x17f: {  	v19 =	vmul.f32 $1.442695020e+00, v19;
	v7 =	vadd.f32 v7, v22;
	(erf) = vpow2.f32 v1;
	v4 =	vpop (erf)  }
0x180: {  	(erf) = vpow2.f32 v16;
	v1 =	vmul.f32 v4, v8;
	v4 =	vadd.f32 v17, v25;
	v14 =	vpop (erf)  }
0x181: {  	v16 =	vsub.f32 $0.0e+00, v7;
	v8 =	vmul.f32 $1.442695020e+00, v20;
	(erf) = vpow2.f32 v2;
	v17 =	vpop (erf)  }
0x182: {  	v1 =	vmul.f32 $1.442695020e+00, v1;
	v2 =	vsub.f32 $0.0e+00, v4;
	v3 =	vmul.f32 v17, v3  }
0x183: {  	(erf) = vpow2.f32 v8;
	v8 =	vmul.f32 $1.442695020e+00, v16  }
0x184: {  	(erf) = vpow2.f32 v1;
	v1 =	vmul.f32 $1.442695020e+00, v2  }
0x185: {  	v3 =	vmul.f32 $1.442695020e+00, v3;
	(erf) = vpow2.f32 v19  }
0x186: {  	v2 =	vpop (erf);
	(erf) = vpow2.f32 v8  }
0x187: {  	v8 =	vpop (erf);
	(erf) = vpow2.f32 v1  }
0x188: {  	v1 =	vpop (erf);
	(erf) = vpow2.f32 v3  }
0x189: {  	v3 =	vpop (erf)  }
0x18a: {  	v2 =	vadd.f32 $1.000000000e+00, v2;
	[tilespmem:s13+$0xFFFFFFC0] =	vst v8;
	v8 =	vld [tilespmem:s13+$0xFFFFFFD0];
	v16 =	vpop (erf)  }
0x18b: {  	v17 =	vld [tilespmem:s14+$0xFFFFFFD0];
	v18 =	vpop (erf)  }
0x18c: {  	v19 =	vpop (erf)  }
0x18d: {  	v20 =	vpop (erf)  }
0x18e: {  	[tilespmem:s13+$0x20] =	vst v23;
	(erf) = vrcp.f32 v2;
	v2 =	vpop (erf)  }
0x18f: {  	v23 =	vld [tilespmem:s14+$0x30];
	v22 =	vpop (erf)  }
0x190: {  	v21 =	vld [tilespmem:s13+$0x30];
	v8 =	vadd.f32 v17, v8;
	v17 =	vpop (erf)  }
0x191: {  	v25 =	vpop (erf)  }
0x192: {  	v24 =	vld [tilespmem:s13+$0x50];
	v26 =	vsub.f32 $0.0e+00, v8;
	[tilespmem:s13+$0x40] =	vst v25  }
0x193: {  	v25 =	vld [tilespmem:s14+$0x50]  }
0x194: {  	v26 =	vmul.f32 $1.442695020e+00, v26  }
0x195: {  	v21 =	vadd.f32 v23, v21;
	v22 =	vadd.f32 $1.000000000e+00, v22  }
0x196: {  	v17 =	vadd.f32 $1.000000000e+00, v17;
	(erf) = vpow2.f32 v26  }
0x197: {  	v23 =	vsub.f32 $0.0e+00, v21;
	(erf) = vrcp.f32 v22  }
0x198: {  	v2 =	vadd.f32 $1.000000000e+00, v2;
	v26 =	vpop (erf);
	(erf) = vrcp.f32 v17;
	v17 =	vadd.f32 v25, v24  }
0x199: {  	v16 =	vadd.f32 $1.000000000e+00, v16;
	v9 =	vmul.f32 v26, v9  }
0x19a: {  	v22 =	vmul.f32 $1.442695020e+00, v23;
	(erf) = vrcp.f32 v2;
	v2 =	vsub.f32 $0.0e+00, v17  }
0x19b: {  	(erf) = vrcp.f32 v16;
	v9 =	vmul.f32 $1.442695020e+00, v9  }
0x19c: {  	(erf) = vpow2.f32 v22;
	v2 =	vmul.f32 $1.442695020e+00, v2;
	_ =	sdelay $0x1  }
0x19d: {  	(erf) = vpow2.f32 v9  }
0x19e: {  	(erf) = vpow2.f32 v2  }
0x19f: {  	v2 =	vpop (erf)  }
0x1a0: {  	v9 =	vpop (erf)  }
0x1a1: {  	v16 =	vpop (erf)  }
0x1a2: {  	v2 =	vadd.f32 $1.000000000e+00, v2;
	v22 =	vpop (erf)  }
0x1a3: {  	v23 =	vpop (erf)  }
0x1a4: {  	v24 =	vpop (erf)  }
0x1a5: {  	v7 =	vmul.f32 v9, v7;
	v24 =	vadd.f32 $1.000000000e+00, v24  }
0x1a6: {  	(erf) = vrcp.f32 v2;
	v2 =	vpop (erf)  }
0x1a7: {  	v7 =	vmul.f32 $1.442695020e+00, v7;
	v9 =	vpop (erf);
	(erf) = vrcp.f32 v24  }
0x1a8: {  	v9 =	vadd.f32 $1.000000000e+00, v9  }
0x1a9: {  	(erf) = vpow2.f32 v7  }
0x1aa: {  	(erf) = vrcp.f32 v9;
	_ =	sdelay $0x2  }
0x1ab: {  	v7 =	vmul.f32 v22, v10  }
0x1ac: {  	v4 =	vmul.f32 v16, v4  }
0x1ad: {  	v7 =	vmul.f32 $1.442695020e+00, v7;
	v9 =	vpop (erf)  }
0x1ae: {  	[tilespmem:s20+$0xFFFFFFF0] =	vst v13;
	v4 =	vmul.f32 $1.442695020e+00, v4;
	v10 =	vpop (erf)  }
0x1af: {  	[tilespmem:s20+$0xFFFFFFD0] =	vst v12;
	v8 =	vmul.f32 v9, v8;
	v9 =	vmul.f32 v10, v21  }
0x1b0: {  	[tilespmem:s20+$0x50] =	vst v15;
	(erf) = vpow2.f32 v4;
	v4 =	vmul.f32 v23, v6;
	v6 =	vpop (erf)  }
0x1b1: {  	[tilespmem:s10+$0xFFFFFF90] =	vst v5;
	(erf) = vpow2.f32 v7;
	v7 =	vpop (erf);
	v5 =	vmul.f32 $1.442695020e+00, v9  }
0x1b2: {  	[tilespmem:s10+$0x10] =	vst v11;
	v4 =	vmul.f32 $1.442695020e+00, v4;
	v7 =	vmul.f32 v7, v17  }
0x1b3: {  	[tilespmem:s10+$0x70] =	vst v14;
	v8 =	vmul.f32 $1.442695020e+00, v8;
	(erf) = vpow2.f32 v5  }
0x1b4: {  	[tilespmem:s10+$0xFFFFFFB0] =	vst v1;
	v1 =	vmul.f32 $1.442695020e+00, v7;
	(erf) = vpow2.f32 v4  }
0x1b5: {  	[tilespmem:s10+$0x30] =	vst v3;
	(erf) = vpow2.f32 v8  }
0x1b6: {  	[tilespmem:s10+$0xFFFFFFF0] =	vst v18;
	(erf) = vpow2.f32 v1  }
0x1b7: {  	[tilespmem:s10+$0xFFFFFFD0] =	vst v19  }
0x1b8: {  	[tilespmem:s10+$0x50] =	vst v20  }
0x1b9: {  	[tilespmem:s13+$0xFFFFFF90] =	vst v2  }
0x1ba: {  	[tilespmem:s13+$0x10] =	vst v6;
	v1 =	vpop (erf)  }
0x1bb: {  	[tilespmem:s13+$0x70] =	vst v1;
	v1 =	vpop (erf)  }
0x1bc: {  	[tilespmem:s13+$0xFFFFFFB0] =	vst v1;
	v1 =	vpop (erf)  }
0x1bd: {  	[tilespmem:s13+$0x30] =	vst v1;
	v1 =	vpop (erf)  }
0x1be: {  	[tilespmem:s13+$0xFFFFFFF0] =	vst v1;
	v1 =	vpop (erf)  }
0x1bf: {  	s1 =	sshll.u32 s18, $0x2;
	[tilespmem:s13+$0xFFFFFFD0] =	vst v1;
	v1 =	vpop (erf)  }
0x1c0: {  	s19 =	simm.s32 $0x320;
	s1 =	sadd.s32 s8, s1;
	[tilespmem:s13+$0x50] =	vst v1  }
0x1c1: {  	[hbm4b:s1+s2] =	stream.linear.scatter [tilespmem:s19], [sflag:$0xB], $0xA00, $0x38;
	[tilespmem:$0xCE40] =	vst v63  }
0x1c2: {  	_ = 	snop  }
0x1c3: {  	[spmem:s12] =	stream.indirect.scatter.add.f32 [tilespmem:s19], [sflag:$0xC], $0x20, s21, s26, $0xb8;
	[tilespmem:$0xCE40] =	vst v63  }
0x1c4: {  	_ =	swait.ge [sflag:s24], $0xA00  }
0x1c5: {  	[sflag:s24] =	ssyncset.done $0x0  }
0x1c6: {  	s20 =	simm.s32 $0x7;
	[sflag:s24] =	ssyncadd.s32 $0xFFFFF600  }
0x1c7: {  	_ =	swait.ge [sflag:s20], $0xA00  }
0x1c8: {  	[sflag:s20] =	ssyncset.done $0x0  }
0x1c9: {  	[sflag:s20] =	ssyncadd.s32 $0xFFFFF600  }
0x1ca: {  	_ =	swait.ge [sflag:s20], $0xA00  }
0x1cb: {  	[sflag:s20] =	ssyncset.done $0x0  }
0x1cc: {  	s18 =	simm.s32 $0xDA0;
	[sflag:s20] =	ssyncadd.s32 $0xFFFFF600  }
0x1cd: {  	s21 =	simm.s32 $0x3FA0;
	v1 =	vld [tilespmem:s18+$0x60]  }
0x1ce: {  	v2 =	vld [tilespmem:s21+$0x60];
	_ =	sdelay $0x1  }
0x1cf: {  	v3 =	vld [tilespmem:s21+$0x20]  }
0x1d0: {  	v4 =	vld [tilespmem:s21+$0x0]  }
0x1d1: {  	v5 =	vld [tilespmem:s18+$0x20]  }
0x1d2: {  	v6 =	vld [tilespmem:s21+$0xFFFFFFE0];
	v1 =	vadd.f32 v2, v1  }
0x1d3: {  	v2 =	vld [tilespmem:s18+$0x0]  }
0x1d4: {  	v8 =	vld [tilespmem:s18+$0xFFFFFFE0];
	v7 =	vsub.f32 $0.0e+00, v1;
	_ =	sdelay $0x1  }
0x1d5: {  	v9 =	vld [tilespmem:s21+$0xFFFFFFA0];
	v7 =	vmul.f32 $1.442695020e+00, v7  }
0x1d6: {  	v10 =	vld [tilespmem:s21+$0xFFFFFF80];
	v3 =	vadd.f32 v3, v5  }
0x1d7: {  	v5 =	vld [tilespmem:s18+$0xFFFFFFA0];
	v2 =	vadd.f32 v4, v2;
	(erf) = vpow2.f32 v7  }
0x1d8: {  	v6 =	vadd.f32 v6, v8;
	v4 =	vsub.f32 $0.0e+00, v3;
	v7 =	vld [tilespmem:s18+$0xFFFFFF80]  }
0x1d9: {  	v8 =	vsub.f32 $0.0e+00, v2  }
0x1da: {  	v11 =	vsub.f32 $0.0e+00, v6;
	v4 =	vmul.f32 $1.442695020e+00, v4  }
0x1db: {  	v8 =	vmul.f32 $1.442695020e+00, v8  }
0x1dc: {  	v9 =	vadd.f32 v9, v5;
	v5 =	vmul.f32 $1.442695020e+00, v11;
	(erf) = vpow2.f32 v4  }
0x1dd: {  	v4 =	vld [tilespmem:s18+$0xFFFFFFC0];
	v7 =	vadd.f32 v10, v7;
	(erf) = vpow2.f32 v8  }
0x1de: {  	v10 =	vsub.f32 $0.0e+00, v9;
	v8 =	vld [tilespmem:s21+$0xFFFFFFC0];
	(erf) = vpow2.f32 v5  }
0x1df: {  	v5 =	vsub.f32 $0.0e+00, v7  }
0x1e0: {  	v10 =	vmul.f32 $1.442695020e+00, v10;
	v11 =	vpop (erf)  }
0x1e1: {  	v5 =	vmul.f32 $1.442695020e+00, v5;
	v11 =	vadd.f32 $1.000000000e+00, v11  }
0x1e2: {  	(erf) = vpow2.f32 v10  }
0x1e3: {  	v10 =	vadd.f32 v8, v4;
	(erf) = vrcp.f32 v11  }
0x1e4: {  	(erf) = vpow2.f32 v5  }
0x1e5: {  	v4 =	vsub.f32 $0.0e+00, v10;
	v5 =	vpop (erf)  }
0x1e6: {  	v8 =	vpop (erf)  }
0x1e7: {  	v4 =	vmul.f32 $1.442695020e+00, v4;
	v11 =	vpop (erf)  }
0x1e8: {  	v11 =	vadd.f32 $1.000000000e+00, v11  }
0x1e9: {  	(erf) = vpow2.f32 v4  }
0x1ea: {  	v4 =	vadd.f32 $1.000000000e+00, v8;
	(erf) = vrcp.f32 v11  }
0x1eb: {  	v8 =	vpop (erf)  }
0x1ec: {  	v12 =	vld [tilespmem:s21+$0x40];
	(erf) = vrcp.f32 v4;
	v11 =	vpop (erf)  }
0x1ed: {  	v13 =	vld [tilespmem:s18+$0x40];
	v4 =	vadd.f32 $1.000000000e+00, v8;
	v8 =	vpop (erf)  }
0x1ee: {  	v8 =	vadd.f32 $1.000000000e+00, v8  }
0x1ef: {  	(erf) = vrcp.f32 v4  }
0x1f0: {  	(erf) = vrcp.f32 v8;
	_ =	sdelay $0x1  }
0x1f1: {  	v4 =	vadd.f32 $1.000000000e+00, v5;
	v5 =	vadd.f32 v12, v13;
	v8 =	vpop (erf)  }
0x1f2: {  	v12 =	vpop (erf)  }
0x1f3: {  	(erf) = vrcp.f32 v4;
	v4 =	vmul.f32 v12, v6;
	v12 =	vsub.f32 $0.0e+00, v5  }
0x1f4: {  	v6 =	vpop (erf)  }
0x1f5: {  	s11 =	simm.s32 $0x40A0;
	v2 =	vmul.f32 v6, v2  }
0x1f6: {  	s10 =	simm.s32 $0xEA0;
	v15 =	vld [tilespmem:s11+$0x60];
	v4 =	vmul.f32 $1.442695020e+00, v4  }
0x1f7: {  	v13 =	vld [tilespmem:s10+$0x60];
	v6 =	vmul.f32 $1.442695020e+00, v12;
	v2 =	vmul.f32 $1.442695020e+00, v2;
	v12 =	vpop (erf)  }
0x1f8: {  	(erf) = vpow2.f32 v4;
	v14 =	vpop (erf);
	v9 =	vmul.f32 v12, v9  }
0x1f9: {  	v4 =	vadd.f32 $1.000000000e+00, v8;
	(erf) = vpow2.f32 v2;
	v7 =	vmul.f32 v14, v7  }
0x1fa: {  	(erf) = vpow2.f32 v6;
	v8 =	vmul.f32 $1.442695020e+00, v9  }
0x1fb: {  	v16 =	vld [tilespmem:s11+$0xFFFFFFC0];
	(erf) = vrcp.f32 v4;
	v7 =	vmul.f32 $1.442695020e+00, v7  }
0x1fc: {  	v18 =	vld [tilespmem:s11+$0xFFFFFFA0];
	(erf) = vpow2.f32 v8;
	v8 =	vadd.f32 v15, v13  }
0x1fd: {  	v12 =	vld [tilespmem:s11+$0x20];
	(erf) = vpow2.f32 v7  }
0x1fe: {  	v6 =	vld [tilespmem:s11+$0x0];
	v9 =	vpop (erf);
	v13 =	vsub.f32 $0.0e+00, v8  }
0x1ff: {  	v14 =	vld [tilespmem:s10+$0x0];
	v3 =	vmul.f32 v9, v3  }
0x200: {  	v4 =	vld [tilespmem:s10+$0x20];
	v13 =	vmul.f32 $1.442695020e+00, v13  }
0x201: {  	v7 =	vld [tilespmem:s11+$0xFFFFFFE0];
	v3 =	vmul.f32 $1.442695020e+00, v3;
	v17 =	vpop (erf)  }
0x202: {  	v9 =	vld [tilespmem:s10+$0xFFFFFFE0];
	v19 =	vpop (erf)  }
0x203: {  	v15 =	vld [tilespmem:s10+$0xFFFFFFC0];
	(erf) = vpow2.f32 v3;
	v21 =	vpop (erf)  }
0x204: {  	v20 =	vld [tilespmem:s10+$0xFFFFFFA0];
	(erf) = vpow2.f32 v13;
	v13 =	vpop (erf)  }
0x205: {  	v2 =	vld [tilespmem:s10+$0xFFFFFF80];
	v22 =	vadd.f32 v6, v14;
	v4 =	vadd.f32 v12, v4;
	v6 =	vpop (erf)  }
0x206: {  	v1 =	vmul.f32 v11, v1;
	v12 =	vld [tilespmem:s11+$0xFFFFFF80];
	v14 =	vpop (erf)  }
0x207: {  	v11 =	vsub.f32 $0.0e+00, v4;
	v9 =	vadd.f32 v7, v9;
	v7 =	vld [tilespmem:s18+$0xFFFFFF90];
	[tilespmem:s18+$0xFFFFFF80] =	vst v14  }
0x208: {  	v1 =	vmul.f32 $1.442695020e+00, v1;
	v23 =	vsub.f32 $0.0e+00, v22;
	v3 =	vadd.f32 v16, v15;
	v16 =	vld [tilespmem:s21+$0xFFFFFF90]  }
0x209: {  	v11 =	vmul.f32 $1.442695020e+00, v11;
	v14 =	vsub.f32 $0.0e+00, v9  }
0x20a: {  	v15 =	vadd.f32 v18, v20;
	v18 =	vmul.f32 $1.442695020e+00, v23;
	(erf) = vpow2.f32 v1  }
0x20b: {  	(erf) = vpow2.f32 v11;
	v1 =	vmul.f32 $1.442695020e+00, v14  }
0x20c: {  	v12 =	vadd.f32 v12, v2;
	v2 =	vsub.f32 $0.0e+00, v15;
	(erf) = vpow2.f32 v18  }
0x20d: {  	v11 =	vsub.f32 $0.0e+00, v3;
	v20 =	vpop (erf);
	(erf) = vpow2.f32 v1;
	v1 =	vadd.f32 v16, v7  }
0x20e: {  	v2 =	vmul.f32 $1.442695020e+00, v2;
	v14 =	vsub.f32 $0.0e+00, v12;
	v18 =	vpop (erf)  }
0x20f: {  	[tilespmem:s18+$0xFFFFFFA0] =	vst v6;
	v6 =	vmul.f32 $1.442695020e+00, v11;
	v7 =	vadd.f32 $1.000000000e+00, v18;
	v11 =	vsub.f32 $0.0e+00, v1  }
0x210: {  	[tilespmem:s18+$0xFFFFFFE0] =	vst v17;
	v17 =	vld [tilespmem:s18+$0xFFFFFFB0];
	v14 =	vmul.f32 $1.442695020e+00, v14;
	(erf) = vpow2.f32 v2  }
0x211: {  	v2 =	vld [tilespmem:s18+$0xFFFFFFF0];
	(erf) = vrcp.f32 v7;
	v11 =	vmul.f32 $1.442695020e+00, v11  }
0x212: {  	v16 =	vld [tilespmem:s21+$0xFFFFFFF0];
	v7 =	vmul.f32 v13, v10;
	v10 =	vadd.f32 $1.000000000e+00, v21;
	(erf) = vpow2.f32 v14  }
0x213: {  	v13 =	vld [tilespmem:s21+$0xFFFFFFB0];
	(erf) = vpow2.f32 v6;
	v6 =	vpop (erf)  }
0x214: {  	v14 =	vld [tilespmem:s11+$0x40];
	(erf) = vrcp.f32 v10;
	v18 =	vpop (erf)  }
0x215: {  	[tilespmem:s18+$0x0] =	vst v19;
	v7 =	vmul.f32 $1.442695020e+00, v7;
	v10 =	vld [tilespmem:s10+$0x40];
	(erf) = vpow2.f32 v11;
	v11 =	vpop (erf)  }
0x216: {  	[tilespmem:s18+$0x60] =	vst v6;
	v6 =	vpop (erf)  }
0x217: {  	v19 =	vld [tilespmem:s21+$0x10];
	(erf) = vpow2.f32 v7;
	v7 =	vadd.f32 v16, v2;
	v16 =	vadd.f32 $1.000000000e+00, v6  }
0x218: {  	v21 =	vld [tilespmem:s21+$0x70]  }
0x219: {  	v2 =	vld [tilespmem:s18+$0x10];
	v6 =	vadd.f32 v13, v17;
	v23 =	vpop (erf)  }
0x21a: {  	v13 =	vld [tilespmem:s18+$0x70];
	v17 =	vadd.f32 $1.000000000e+00, v11;
	v11 =	vadd.f32 v14, v10;
	v10 =	vpop (erf)  }
0x21b: {  	v23 =	vadd.f32 $1.000000000e+00, v23;
	(erf) = vrcp.f32 v16;
	v16 =	vpop (erf)  }
0x21c: {  	v14 =	vsub.f32 $0.0e+00, v6;
	v16 =	vadd.f32 $1.000000000e+00, v16  }
0x21d: {  	v24 =	vsub.f32 $0.0e+00, v7;
	(erf) = vrcp.f32 v17;
	v25 =	vpop (erf)  }
0x21e: {  	v26 =	vmul.f32 $1.442695020e+00, v14;
	v14 =	vadd.f32 v19, v2;
	v19 =	vpop (erf);
	(erf) = vrcp.f32 v23  }
0x21f: {  	v17 =	vmul.f32 $1.442695020e+00, v24;
	v2 =	vadd.f32 v21, v13;
	v13 =	vpop (erf);
	(erf) = vrcp.f32 v16  }
0x220: {  	v18 =	vadd.f32 $1.000000000e+00, v18;
	v8 =	vmul.f32 v10, v8;
	v21 =	vsub.f32 $0.0e+00, v14;
	v16 =	vpop (erf)  }
0x221: {  	v23 =	vsub.f32 $0.0e+00, v2;
	v5 =	vmul.f32 v19, v5;
	(erf) = vpow2.f32 v17;
	[tilespmem:s18+$0xFFFFFFC0] =	vst v16;
	v16 =	vld [tilespmem:s18+$0xFFFFFFD0]  }
0x222: {  	v17 =	vmul.f32 $1.442695020e+00, v21;
	(erf) = vrcp.f32 v18;
	v19 =	vld [tilespmem:s21+$0xFFFFFFD0]  }
0x223: {  	v18 =	vmul.f32 $1.442695020e+00, v23;
	(erf) = vpow2.f32 v26  }
0x224: {  	v24 =	vsub.f32 $0.0e+00, v11;
	v5 =	vmul.f32 $1.442695020e+00, v5;
	v21 =	vpop (erf);
	(erf) = vpow2.f32 v17  }
0x225: {  	v9 =	vmul.f32 v21, v9;
	(erf) = vpow2.f32 v18  }
0x226: {  	v24 =	vmul.f32 $1.442695020e+00, v24;
	v13 =	vadd.f32 $1.000000000e+00, v13;
	v17 =	vpop (erf);
	(erf) = vpow2.f32 v5  }
0x227: {  	s13 =	simm.s32 $0x41A0;
	[tilespmem:s18+$0x20] =	vst v20;
	v17 =	vmul.f32 v17, v22;
	v10 =	vmul.f32 $1.442695020e+00, v9;
	v20 =	vpop (erf);
	v9 =	vadd.f32 v19, v16  }
0x228: {  	v30 =	vld [tilespmem:s13+$0xFFFFFFC0];
	(erf) = vrcp.f32 v13;
	v13 =	vadd.f32 $1.000000000e+00, v25;
	v16 =	vpop (erf);
	v15 =	vmul.f32 v20, v15  }
0x229: {  	v18 =	vld [tilespmem:s18+$0x30];
	v17 =	vmul.f32 $1.442695020e+00, v17;
	v12 =	vmul.f32 v16, v12;
	v16 =	vsub.f32 $0.0e+00, v9  }
0x22a: {  	v5 =	vld [tilespmem:s21+$0x30];
	(erf) = vpow2.f32 v10;
	v15 =	vmul.f32 $1.442695020e+00, v15  }
0x22b: {  	s20 =	simm.s32 $0xFA0;
	v23 =	vld [tilespmem:s13+$0x0];
	v10 =	vpop (erf);
	(erf) = vpow2.f32 v17;
	v16 =	vmul.f32 $1.442695020e+00, v16  }
0x22c: {  	v21 =	vld [tilespmem:s20+$0x60];
	v22 =	vpop (erf);
	(erf) = vpow2.f32 v24;
	v12 =	vmul.f32 $1.442695020e+00, v12  }
0x22d: {  	v19 =	vld [tilespmem:s13+$0x20];
	(erf) = vrcp.f32 v13;
	v13 =	vpop (erf)  }
0x22e: {  	v20 =	vld [tilespmem:s13+$0x60];
	(erf) = vpow2.f32 v15;
	v15 =	vpop (erf)  }
0x22f: {  	v18 =	vadd.f32 v5, v18;
	v24 =	vld [tilespmem:s20+$0x20];
	(erf) = vpow2.f32 v16;
	v16 =	vpop (erf)  }
0x230: {  	v25 =	vld [tilespmem:s18+$0x50];
	v4 =	vmul.f32 v22, v4;
	v15 =	vadd.f32 $1.000000000e+00, v15;
	(erf) = vpow2.f32 v12;
	v12 =	vpop (erf)  }
0x231: {  	v8 =	vmul.f32 $1.442695020e+00, v8;
	v10 =	vadd.f32 $1.000000000e+00, v10;
	v22 =	vld [tilespmem:s20+$0x0];
	v5 =	vadd.f32 $1.000000000e+00, v16;
	[tilespmem:s18+$0x40] =	vst v12  }
0x232: {  	v4 =	vmul.f32 $1.442695020e+00, v4;
	(erf) = vrcp.f32 v15;
	v15 =	vsub.f32 $0.0e+00, v18;
	v27 =	vld [tilespmem:s21+$0x50]  }
0x233: {  	v17 =	vld [tilespmem:s20+$0xFFFFFF80];
	v13 =	vadd.f32 $1.000000000e+00, v13;
	v26 =	vpop (erf);
	v12 =	vadd.f32 v20, v21;
	(erf) = vrcp.f32 v5  }
0x234: {  	v16 =	vld [tilespmem:s13+$0xFFFFFFE0];
	v21 =	vpop (erf);
	v15 =	vmul.f32 $1.442695020e+00, v15;
	v5 =	vadd.f32 v19, v24;
	(erf) = vpow2.f32 v4  }
0x235: {  	v20 =	vld [tilespmem:s20+$0xFFFFFFE0];
	v1 =	vmul.f32 v26, v1;
	v42 =	vpop (erf);
	v43 =	vsub.f32 $0.0e+00, v12;
	(erf) = vrcp.f32 v13  }
0x236: {  	v4 =	vld [tilespmem:s20+$0xFFFFFFC0];
	v19 =	vpop (erf);
	v13 =	vadd.f32 v23, v22;
	v24 =	vsub.f32 $0.0e+00, v5;
	(erf) = vrcp.f32 v10  }
0x237: {  	v23 =	vld [tilespmem:s20+$0xFFFFFFA0];
	v22 =	vpop (erf);
	(erf) = vpow2.f32 v15;
	v15 =	vmul.f32 $1.442695020e+00, v43;
	v25 =	vadd.f32 v27, v25  }
0x238: {  	v31 =	vmul.f32 $1.442695020e+00, v1;
	v10 =	vld [tilespmem:s13+$0xFFFFFFA0];
	v26 =	vpop (erf);
	v44 =	vsub.f32 $0.0e+00, v13;
	v24 =	vmul.f32 $1.442695020e+00, v24  }
0x239: {  	v3 =	vmul.f32 v22, v3;
	v27 =	vld [tilespmem:s13+$0xFFFFFF80];
	v32 =	vpop (erf);
	(erf) = vpow2.f32 v15;
	v34 =	vsub.f32 $0.0e+00, v25  }
0x23a: {  	v33 =	vpop (erf);
	v15 =	vadd.f32 v16, v20;
	v16 =	vmul.f32 $1.442695020e+00, v44;
	(erf) = vpow2.f32 v8  }
0x23b: {  	v47 =	vld [tilespmem:s10+$0xFFFFFF90];
	v20 =	vpop (erf);
	(erf) = vpow2.f32 v31;
	v45 =	vmul.f32 $1.442695020e+00, v34  }
0x23c: {  	v48 =	vld [tilespmem:s10+$0xFFFFFFF0];
	[tilespmem:s10+$0xFFFFFFE0] =	vst v21;
	v1 =	vadd.f32 v30, v4;
	v50 =	vadd.f32 $1.000000000e+00, v32;
	v4 =	vpop (erf);
	(erf) = vpow2.f32 v24  }
0x23d: {  	v21 =	vld [tilespmem:s11+$0xFFFFFFF0];
	[tilespmem:s10+$0xFFFFFFA0] =	vst v26;
	v46 =	vsub.f32 $0.0e+00, v15;
	v8 =	vadd.f32 v10, v23;
	v23 =	vpop (erf);
	(erf) = vpow2.f32 v45  }
0x23e: {  	v35 =	vld [tilespmem:s11+$0xFFFFFFB0];
	[tilespmem:s10+$0xFFFFFF80] =	vst v33;
	v14 =	vmul.f32 v20, v14;
	v24 =	vsub.f32 $0.0e+00, v1;
	v10 =	vadd.f32 v27, v17;
	v17 =	vpop (erf)  }
0x23f: {  	v52 =	vld [tilespmem:s11+$0xFFFFFF90];
	v26 =	vmul.f32 $1.442695020e+00, v46;
	v49 =	vsub.f32 $0.0e+00, v8;
	v53 =	vmul.f32 v4, v2;
	v51 =	vpop (erf)  }
0x240: {  	v27 =	vld [tilespmem:s10+$0xFFFFFFB0];
	v14 =	vmul.f32 $1.442695020e+00, v14;
	v36 =	vsub.f32 $0.0e+00, v10;
	(erf) = vpow2.f32 v16;
	v16 =	vpop (erf)  }
0x241: {  	v29 =	vmul.f32 $1.442695020e+00, v49;
	(erf) = vrcp.f32 v50;
	v16 =	vadd.f32 $1.000000000e+00, v16  }
0x242: {  	v2 =	vadd.f32 v21, v48;
	(erf) = vpow2.f32 v26;
	v26 =	vmul.f32 $1.442695020e+00, v36;
	v4 =	vpop (erf)  }
0x243: {  	v24 =	vmul.f32 $1.442695020e+00, v24;
	(erf) = vrcp.f32 v16;
	v16 =	vadd.f32 $1.000000000e+00, v4;
	v21 =	vpop (erf)  }
0x244: {  	v17 =	vmul.f32 v17, v6;
	(erf) = vpow2.f32 v29;
	v20 =	vpop (erf)  }
0x245: {  	v6 =	vadd.f32 v52, v47;
	v4 =	vadd.f32 v35, v27;
	v27 =	vpop (erf);
	(erf) = vrcp.f32 v16  }
0x246: {  	v54 =	vld [tilespmem:s20+$0x40];
	v55 =	vmul.f32 $1.442695020e+00, v53;
	(erf) = vpow2.f32 v26;
	v26 =	vpop (erf)  }
0x247: {  	v16 =	vld [tilespmem:s13+$0x40];
	(erf) = vpow2.f32 v24;
	v24 =	vadd.f32 $1.000000000e+00, v26;
	v26 =	vsub.f32 $0.0e+00, v6  }
0x248: {  	(erf) = vpow2.f32 v14;
	v14 =	vmul.f32 $1.442695020e+00, v3  }
0x249: {  	v56 =	vpop (erf);
	v3 =	vadd.f32 $1.000000000e+00, v19;
	(erf) = vrcp.f32 v24;
	v24 =	vmul.f32 $1.442695020e+00, v26  }
0x24a: {  	v19 =	vpop (erf);
	(erf) = vpow2.f32 v55  }
0x24b: {  	[tilespmem:s10+$0x60] =	vst v21;
	v26 =	vpop (erf);
	(erf) = vrcp.f32 v3  }
0x24c: {  	v17 =	vmul.f32 $1.442695020e+00, v17;
	v58 =	vld [tilespmem:s11+$0x70];
	v3 =	vadd.f32 v16, v54;
	v21 =	vpop (erf);
	(erf) = vpow2.f32 v24  }
0x24d: {  	v26 =	vadd.f32 $1.000000000e+00, v26;
	v16 =	vmul.f32 v21, v18;
	v18 =	vld [tilespmem:s10+$0x70];
	v24 =	vpop (erf);
	(erf) = vpow2.f32 v14  }
0x24e: {  	[tilespmem:s10+$0x0] =	vst v42;
	v59 =	vpop (erf);
	(erf) = vpow2.f32 v17;
	v17 =	vadd.f32 $1.000000000e+00, v56  }
0x24f: {  	v28 =	vld [tilespmem:s11+$0x10];
	v22 =	vsub.f32 $0.0e+00, v2;
	v24 =	vadd.f32 $1.000000000e+00, v24;
	v16 =	vmul.f32 $1.442695020e+00, v16  }
0x250: {  	v9 =	vmul.f32 v19, v9;
	v19 =	vld [tilespmem:s10+$0x10];
	v60 =	vpop (erf);
	(erf) = vrcp.f32 v26  }
0x251: {  	v22 =	vmul.f32 $1.442695020e+00, v22;
	v26 =	vpop (erf);
	v30 =	vadd.f32 $1.000000000e+00, v60;
	(erf) = vpow2.f32 v16  }
0x252: {  	v16 =	vmul.f32 v51, v7;
	(erf) = vrcp.f32 v17;
	v17 =	vpop (erf);
	v7 =	vadd.f32 v58, v18  }
0x253: {  	v18 =	vmul.f32 $1.442695020e+00, v9;
	(erf) = vrcp.f32 v24;
	v24 =	vpop (erf)  }
0x254: {  	[tilespmem:s10+$0x20] =	vst v23;
	v16 =	vmul.f32 $1.442695020e+00, v16;
	(erf) = vrcp.f32 v30;
	v61 =	vpop (erf);
	v23 =	vsub.f32 $0.0e+00, v7  }
0x255: {  	v9 =	vadd.f32 v28, v19;
	v19 =	vmul.f32 v24, v25;
	(erf) = vpow2.f32 v22;
	v22 =	vpop (erf)  }
0x256: {  	v27 =	vadd.f32 $1.000000000e+00, v27;
	v11 =	vmul.f32 v22, v11;
	v24 =	vpop (erf)  }
0x257: {  	v57 =	vsub.f32 $0.0e+00, v4;
	(erf) = vpow2.f32 v16;
	v62 =	vmul.f32 $1.442695020e+00, v19;
	v22 =	vpop (erf)  }
0x258: {  	v25 =	vld [tilespmem:s10+$0x30];
	v19 =	vmul.f32 $1.442695020e+00, v23;
	(erf) = vrcp.f32 v27;
	v23 =	vpop (erf)  }
0x259: {  	[tilespmem:s18+$0xFFFFFF90] =	vst v20;
	v21 =	vmul.f32 $1.442695020e+00, v57;
	v14 =	vsub.f32 $0.0e+00, v3;
	v27 =	vld [tilespmem:s11+$0x30];
	(erf) = vpow2.f32 v18;
	v18 =	vpop (erf)  }
0x25a: {  	v16 =	vsub.f32 $0.0e+00, v9;
	[tilespmem:s10+$0xFFFFFFC0] =	vst v22;
	(erf) = vpow2.f32 v62;
	v22 =	vmul.f32 v18, v15;
	v15 =	vld [tilespmem:s10+$0xFFFFFFD0]  }
0x25b: {  	v14 =	vmul.f32 $1.442695020e+00, v14;
	[tilespmem:s18+$0x10] =	vst v17;
	(erf) = vpow2.f32 v21;
	v21 =	vld [tilespmem:s11+$0xFFFFFFD0]  }
0x25c: {  	[tilespmem:s18+$0x70] =	vst v61;
	v63 =	vmul.f32 $1.442695020e+00, v16;
	v20 =	vmul.f32 $1.442695020e+00, v11;
	v11 =	vpop (erf)  }
0x25d: {  	s22 =	smov.u32 s12;
	v17 =	vadd.f32 $1.000000000e+00, v26;
	v16 =	vmul.f32 v59, v12;
	[tilespmem:s18+$0xFFFFFFB0] =	vst v23;
	v18 =	vadd.f32 $1.000000000e+00, v24;
	v12 =	vpop (erf)  }
0x25e: {  	s14 =	simm.s32 $0x10A0;
	s1 =	simm.s32 $0x10;
	s19 =	simm.s32 $0x42A0;
	[tilespmem:s18+$0x30] =	vst v11;
	(erf) = vpow2.f32 v63;
	v24 =	vmul.f32 v12, v13;
	v23 =	vpop (erf);
	v11 =	vadd.f32 v27, v25  }
.LBB2_7:
0x25f: {  	v12 =	vld [tilespmem:s14+$0x60];
	s1 =	sadd.s32 $0x8, s1;
	v25 =	vmul.f32 $1.442695020e+00, v22;
	v22 =	vpop (erf);
	(erf) = vpow2.f32 v19  }
0x260: {  	v19 =	vld [tilespmem:s19+$0x20];
	p1 =	slt.u32 s1, $0x48;
	v24 =	vmul.f32 $1.442695020e+00, v24;
	v15 =	vadd.f32 v21, v15;
	v21 =	vpop (erf);
	(erf) = vpow2.f32 v20  }
0x261: {  	v10 =	vmul.f32 v22, v10;
	v20 =	vld [tilespmem:s19+$0x60];
	v21 =	vadd.f32 $1.000000000e+00, v21;
	(erf) = vrcp.f32 v18;
	v18 =	vpop (erf)  }
0x262: {  	v8 =	vmul.f32 v23, v8;
	v22 =	vld [tilespmem:s14+$0xFFFFFF80];
	(erf) = vpow2.f32 v25;
	v13 =	vpop (erf);
	v23 =	vsub.f32 $0.0e+00, v15;
	[tilespmem:s18+$0xFFFFFFF0] =	vst v18  }
0x263: {  	v10 =	vmul.f32 $1.442695020e+00, v10;
	v18 =	vld [tilespmem:s19+$0x0];
	v13 =	vmul.f32 v13, v5;
	v5 =	vpop (erf)  }
0x264: {  	v8 =	vmul.f32 $1.442695020e+00, v8;
	v25 =	vld [tilespmem:s14+$0x20];
	(erf) = vpow2.f32 v24;
	[tilespmem:s18+$0xFFFFFFD0] =	vst v5  }
0x265: {  	v27 =	vmul.f32 $1.442695020e+00, v23;
	v24 =	vld [tilespmem:s14+$0x0];
	(erf) = vpow2.f32 v14;
	v14 =	vpop (erf)  }
0x266: {  	v12 =	vadd.f32 v20, v12;
	v20 =	vmul.f32 $1.442695020e+00, v16;
	(erf) = vrcp.f32 v17;
	v17 =	vld [tilespmem:s10+$0x50];
	v16 =	vpop (erf);
	[tilespmem:s18+$0x50] =	vst v14;
	s18 =	smov.u32 s10;
	s10 =	smov.u32 s20;
	s20 =	smov.u32 s14  }
0x267: {  	v14 =	vld [tilespmem:s19+$0xFFFFFFE0];
	(erf) = vpow2.f32 v8;
	v8 =	vadd.f32 $1.000000000e+00, v16;
	v16 =	vpop (erf)  }
0x268: {  	v23 =	vld [tilespmem:s14+$0xFFFFFFE0];
	v31 =	vsub.f32 $0.0e+00, v12;
	v16 =	vadd.f32 $1.000000000e+00, v16;
	(erf) = vpow2.f32 v27;
	v5 =	vpop (erf)  }
0x269: {  	v27 =	vld [tilespmem:s14+$0xFFFFFFC0];
	(erf) = vpow2.f32 v10;
	v10 =	vsub.f32 $0.0e+00, v11;
	v28 =	vadd.f32 $1.000000000e+00, v5;
	v29 =	vpop (erf)  }
0x26a: {  	v5 =	vadd.f32 v19, v25;
	v30 =	vld [tilespmem:s19+$0xFFFFFFC0];
	v19 =	vmul.f32 $1.442695020e+00, v31;
	[tilespmem:s18+$0x40] =	vst v29;
	v25 =	vpop (erf);
	(erf) = vrcp.f32 v16  }
0x26b: {  	v16 =	vmul.f32 $1.442695020e+00, v13;
	v26 =	vpop (erf);
	v29 =	vld [tilespmem:s11+$0x50];
	(erf) = vrcp.f32 v28;
	s11 =	smov.u32 s13;
	s13 =	smov.u32 s19  }
0x26c: {  	v13 =	vadd.f32 v18, v24;
	v6 =	vmul.f32 v25, v6;
	v10 =	vmul.f32 $1.442695020e+00, v10;
	v28 =	vld [tilespmem:s19+$0xFFFFFFA0];
	[tilespmem:s10+$0xFFFFFFE0] =	vst v26  }
0x26d: {  	v18 =	vsub.f32 $0.0e+00, v5;
	v24 =	vld [tilespmem:s14+$0xFFFFFFA0];
	v25 =	vpop (erf);
	(erf) = vpow2.f32 v16  }
0x26e: {  	v31 =	vsub.f32 $0.0e+00, v13;
	v6 =	vmul.f32 $1.442695020e+00, v6;
	v26 =	vld [tilespmem:s19+$0xFFFFFF80];
	v32 =	vpop (erf);
	(erf) = vrcp.f32 v8  }
0x26f: {  	v16 =	vadd.f32 v14, v23;
	v14 =	vmul.f32 $1.442695020e+00, v18;
	v23 =	vld [tilespmem:s11+$0xFFFFFFF0];
	v33 =	vpop (erf);
	(erf) = vrcp.f32 v21  }
0x270: {  	v21 =	vadd.f32 v30, v27;
	v27 =	vmul.f32 $1.442695020e+00, v31;
	v30 =	vpop (erf);
	(erf) = vpow2.f32 v10  }
0x271: {  	v31 =	vsub.f32 $0.0e+00, v16;
	v18 =	vadd.f32 v29, v17;
	(erf) = vpow2.f32 v19;
	v19 =	vld [tilespmem:s10+$0xFFFFFF90];
	v17 =	vpop (erf)  }
0x272: {  	v8 =	vadd.f32 v28, v24;
	v24 =	vsub.f32 $0.0e+00, v21;
	v28 =	vld [tilespmem:s10+$0xFFFFFFF0];
	v29 =	vpop (erf);
	(erf) = vpow2.f32 v20  }
0x273: {  	v20 =	vmul.f32 $1.442695020e+00, v31;
	v10 =	vadd.f32 v26, v22;
	[tilespmem:s10+$0xFFFFFFA0] =	vst v30;
	v22 =	vld [tilespmem:s10+$0xFFFFFFB0];
	v26 =	vsub.f32 $0.0e+00, v18;
	v30 =	vpop (erf)  }
0x274: {  	v31 =	vsub.f32 $0.0e+00, v8;
	v24 =	vmul.f32 $1.442695020e+00, v24;
	[tilespmem:s10+$0xFFFFFF80] =	vst v29;
	v29 =	vld [tilespmem:s11+$0xFFFFFFB0];
	(erf) = vpow2.f32 v6;
	v6 =	vpop (erf)  }
0x275: {  	v34 =	vsub.f32 $0.0e+00, v10;
	(erf) = vpow2.f32 v14;
	v14 =	vld [tilespmem:s11+$0xFFFFFF90];
	v26 =	vmul.f32 $1.442695020e+00, v26  }
0x276: {  	v36 =	vadd.f32 $1.000000000e+00, v17;
	v7 =	vmul.f32 v6, v7;
	v31 =	vmul.f32 $1.442695020e+00, v31;
	v35 =	vpop (erf)  }
0x277: {  	v34 =	vmul.f32 $1.442695020e+00, v34;
	v23 =	vadd.f32 v23, v28;
	v28 =	vpop (erf);
	(erf) = vpow2.f32 v26  }
0x278: {  	v26 =	vmul.f32 v33, v1;
	v1 =	vmov v21;
	(erf) = vpow2.f32 v27;
	v27 =	vpop (erf)  }
0x279: {  	v21 =	vadd.f32 v29, v22;
	v22 =	vsub.f32 $0.0e+00, v23;
	(erf) = vrcp.f32 v36;
	v17 =	vpop (erf)  }
0x27a: {  	v29 =	vld [tilespmem:s19+$0x40];
	v33 =	vpop (erf);
	v6 =	vadd.f32 v14, v19;
	v14 =	vmul.f32 v28, v4;
	v36 =	vadd.f32 $1.000000000e+00, v17  }
0x27b: {  	v9 =	vmul.f32 v30, v9;
	v17 =	vld [tilespmem:s14+$0x40];
	v19 =	vadd.f32 $1.000000000e+00, v33;
	(erf) = vpow2.f32 v20;
	[tilespmem:s10+$0x0] =	vst v25;
	v20 =	vpop (erf)  }
0x27c: {  	v7 =	vmul.f32 $1.442695020e+00, v7;
	v4 =	vmovc v21;
	v25 =	vsub.f32 $0.0e+00, v6;
	v28 =	vld [tilespmem:s11+$0x10];
	(erf) = vrcp.f32 v36  }
0x27d: {  	v22 =	vmul.f32 $1.442695020e+00, v22;
	v21 =	vsub.f32 $0.0e+00, v4;
	(erf) = vpow2.f32 v31;
	[tilespmem:s10+$0x60] =	vst v20;
	v20 =	vpop (erf)  }
0x27e: {  	v9 =	vmul.f32 $1.442695020e+00, v9;
	v30 =	vpop (erf);
	(erf) = vrcp.f32 v19;
	v19 =	vld [tilespmem:s11+$0x70];
	[tilespmem:s18+$0xFFFFFF90] =	vst v20  }
0x27f: {  	v20 =	vmul.f32 $1.442695020e+00, v26;
	(erf) = vpow2.f32 v34  }
0x280: {  	v26 =	vadd.f32 v29, v17;
	v17 =	vmul.f32 $1.442695020e+00, v25;
	v25 =	vmul.f32 $1.442695020e+00, v21;
	v21 =	vld [tilespmem:s10+$0x70];
	v29 =	vpop (erf)  }
0x281: {  	v31 =	vadd.f32 $1.000000000e+00, v32;
	(erf) = vpow2.f32 v24;
	v24 =	vpop (erf);
	v29 =	vadd.f32 $1.000000000e+00, v29  }
0x282: {  	v33 =	vmul.f32 $1.442695020e+00, v14;
	v32 =	vsub.f32 $0.0e+00, v26;
	v14 =	vpop (erf);
	(erf) = vpow2.f32 v9  }
0x283: {  	v9 =	vmul.f32 v14, v15;
	(erf) = vrcp.f32 v29  }
0x284: {  	v14 =	vmul.f32 $1.442695020e+00, v32;
	v15 =	vpop (erf);
	(erf) = vpow2.f32 v7  }
0x285: {  	v24 =	vadd.f32 $1.000000000e+00, v24;
	v29 =	vld [tilespmem:s10+$0x10];
	v7 =	vadd.f32 v19, v21;
	(erf) = vrcp.f32 v31;
	v19 =	vpop (erf)  }
0x286: {  	v21 =	vadd.f32 $1.000000000e+00, v30;
	v30 =	vpop (erf);
	(erf) = vpow2.f32 v17;
	v11 =	vmul.f32 v19, v11  }
0x287: {  	v32 =	vadd.f32 $1.000000000e+00, v15;
	v17 =	vmul.f32 v27, v2;
	v31 =	vpop (erf);
	(erf) = vpow2.f32 v20  }
0x288: {  	v19 =	vadd.f32 $1.000000000e+00, v30;
	v2 =	vpop (erf);
	v11 =	vmul.f32 $1.442695020e+00, v11;
	(erf) = vpow2.f32 v33  }
0x289: {  	v27 =	vmul.f32 $1.442695020e+00, v9;
	v20 =	vadd.f32 $1.000000000e+00, v2;
	(erf) = vrcp.f32 v32;
	v2 =	vmovc v23  }
0x28a: {  	v23 =	vmul.f32 $1.442695020e+00, v17;
	v15 =	vpop (erf);
	v9 =	vadd.f32 v28, v29;
	(erf) = vpow2.f32 v11  }
0x28b: {  	v11 =	vsub.f32 $0.0e+00, v7;
	v17 =	vadd.f32 $1.000000000e+00, v15;
	(erf) = vrcp.f32 v24;
	v15 =	vpop (erf)  }
0x28c: {  	(erf) = vrcp.f32 v19;
	v24 =	vsub.f32 $0.0e+00, v9;
	[tilespmem:s18+$0x10] =	vst v15;
	v15 =	vpop (erf)  }
0x28d: {  	(erf) = vrcp.f32 v20;
	v15 =	vmul.f32 v15, v18;
	v18 =	vpop (erf)  }
0x28e: {  	(erf) = vpow2.f32 v22;
	v19 =	vpop (erf);
	[tilespmem:s18+$0x70] =	vst v18  }
0x28f: {  	[tilespmem:s10+$0x20] =	vst v35;
	v28 =	vld [tilespmem:s10+$0x30];
	v20 =	vmul.f32 v19, v3;
	v18 =	vpop (erf);
	(erf) = vpow2.f32 v23;
	v3 =	vmov v26  }
0x290: {  	v23 =	vmul.f32 $1.442695020e+00, v15;
	(erf) = vrcp.f32 v21;
	v18 =	vadd.f32 $1.000000000e+00, v18;
	v26 =	vld [tilespmem:s11+$0x30];
	v19 =	vpop (erf)  }
.Ltmp2:
0x291: {  	[tilespmem:s10+$0xFFFFFFC0] =	vst v19;
	v15 =	vld [tilespmem:s10+$0xFFFFFFD0];
	v19 =	vmul.f32 $1.442695020e+00, v11;
	v11 =	vpop (erf);
	(erf) = vpow2.f32 v27;
	(pc) =	sbr.rel @p1 .LBB2_7-.Ltmp2, $4  }
0x292: {  	v27 =	vmul.f32 $1.442695020e+00, v24;
	v20 =	vmul.f32 $1.442695020e+00, v20;
	v22 =	vpop (erf);
	v21 =	vld [tilespmem:s11+$0xFFFFFFD0];
	[tilespmem:s18+$0xFFFFFFB0] =	vst v11  }
0x293: {  	v22 =	vmul.f32 v22, v16;
	v11 =	vpop (erf);
	(erf) = vpow2.f32 v23  }
0x294: {  	v16 =	vmul.f32 v31, v12;
	v12 =	vpop (erf);
	(erf) = vpow2.f32 v25;
	[tilespmem:s18+$0x30] =	vst v11  }
0x295: {  	s19 =	sadd.s32 $0x100, s19;
	s14 =	sadd.s32 $0x100, s14;
	v24 =	vmul.f32 v12, v13;
	v23 =	vpop (erf);
	v11 =	vadd.f32 v26, v28;
	(erf) = vpow2.f32 v27  }
0x296: {  	(erf) = vpow2.f32 v19  }
0x297: {  	v19 =	vpop (erf);
	(erf) = vpow2.f32 v20  }
0x298: {  	v20 =	vpop (erf)  }
0x299: {  	v13 =	vpop (erf)  }
0x29a: {  	v22 =	vmul.f32 $1.442695020e+00, v22;
	v25 =	vpop (erf)  }
0x29b: {  	v24 =	vmul.f32 $1.442695020e+00, v24;
	v21 =	vadd.f32 v21, v15;
	(erf) = vrcp.f32 v18;
	v12 =	vpop (erf)  }
0x29c: {  	v8 =	vmul.f32 v23, v8;
	(erf) = vpow2.f32 v22;
	v15 =	vpop (erf)  }
0x29d: {  	v10 =	vmul.f32 v19, v10;
	v19 =	vsub.f32 $0.0e+00, v21;
	(erf) = vpow2.f32 v24;
	v18 =	vpop (erf)  }
0x29e: {  	v8 =	vmul.f32 $1.442695020e+00, v8;
	(erf) = vpow2.f32 v14;
	v22 =	vpop (erf)  }
0x29f: {  	v19 =	vmul.f32 $1.442695020e+00, v19;
	(erf) = vrcp.f32 v17;
	v14 =	vpop (erf)  }
0x2a0: {  	v10 =	vmul.f32 $1.442695020e+00, v10;
	(erf) = vpow2.f32 v8;
	v23 =	vpop (erf)  }
0x2a1: {  	v5 =	vmul.f32 v25, v5;
	v17 =	vld [tilespmem:s10+$0x50];
	v8 =	vadd.f32 $1.000000000e+00, v22;
	(erf) = vpow2.f32 v19;
	[tilespmem:s10+$0x40] =	vst v23  }
0x2a2: {  	(erf) = vpow2.f32 v10;
	v10 =	vadd.f32 $1.000000000e+00, v14;
	v14 =	vsub.f32 $0.0e+00, v11;
	v19 =	vld [tilespmem:s11+$0x50]  }
0x2a3: {  	v5 =	vmul.f32 $1.442695020e+00, v5;
	(erf) = vrcp.f32 v8  }
0x2a4: {  	v8 =	vadd.f32 $1.000000000e+00, v18;
	v18 =	vpop (erf);
	(erf) = vrcp.f32 v10  }
0x2a5: {  	v10 =	vadd.f32 $1.000000000e+00, v20;
	v20 =	vpop (erf);
	v6 =	vmul.f32 v18, v6;
	(erf) = vpow2.f32 v5  }
0x2a6: {  	v5 =	vmul.f32 $1.442695020e+00, v14;
	v14 =	vpop (erf);
	(erf) = vrcp.f32 v8  }
0x2a7: {  	(erf) = vrcp.f32 v10;
	v10 =	vmul.f32 $1.442695020e+00, v16;
	v8 =	vadd.f32 v19, v17;
	v17 =	vpop (erf)  }
0x2a8: {  	v6 =	vmul.f32 $1.442695020e+00, v6;
	(erf) = vpow2.f32 v5;
	v16 =	vpop (erf)  }
0x2a9: {  	v18 =	vpop (erf)  }
0x2aa: {  	v5 =	vsub.f32 $0.0e+00, v8;
	v19 =	vpop (erf)  }
0x2ab: {  	(erf) = vpow2.f32 v10;
	v10 =	vpop (erf)  }
0x2ac: {  	v5 =	vmul.f32 $1.442695020e+00, v5;
	(erf) = vpow2.f32 v6;
	v6 =	vpop (erf)  }
0x2ad: {  	[tilespmem:s20+$0xFFFFFFE0] =	vst v20;
	v20 =	vpop (erf)  }
0x2ae: {  	(erf) = vpow2.f32 v5;
	v23 =	vpop (erf)  }
0x2af: {  	v25 =	vpop (erf)  }
0x2b0: {  	[tilespmem:s20+$0xFFFFFFA0] =	vst v18;
	v18 =	vpop (erf)  }
0x2b1: {  	v5 =	vadd.f32 $1.000000000e+00, v19;
	v19 =	vpop (erf)  }
0x2b2: {  	v19 =	vadd.f32 $1.000000000e+00, v19  }
0x2b3: {  	v6 =	vmul.f32 v6, v9;
	(erf) = vrcp.f32 v5  }
0x2b4: {  	v24 =	vld [tilespmem:s20+$0xFFFFFF90];
	[tilespmem:s20+$0xFFFFFF80] =	vst v10;
	(erf) = vrcp.f32 v19  }
0x2b5: {  	v28 =	vld [tilespmem:s13+$0xFFFFFF90];
	v29 =	vpop (erf)  }
0x2b6: {  	v5 =	vpop (erf)  }
0x2b7: {  	v26 =	vld [tilespmem:s20+$0xFFFFFFF0];
	v7 =	vmul.f32 v20, v7;
	v9 =	vmul.f32 $1.442695020e+00, v6;
	v6 =	vpop (erf)  }
0x2b8: {  	v22 =	vld [tilespmem:s13+$0xFFFFFFF0];
	v19 =	vadd.f32 $1.000000000e+00, v6  }
0x2b9: {  	v27 =	vld [tilespmem:s20+$0xFFFFFFB0];
	v7 =	vmul.f32 $1.442695020e+00, v7;
	(erf) = vpow2.f32 v9  }
0x2ba: {  	v17 =	vadd.f32 $1.000000000e+00, v17;
	v10 =	vld [tilespmem:s13+$0xFFFFFFB0];
	v9 =	vadd.f32 v28, v24;
	(erf) = vrcp.f32 v19  }
0x2bb: {  	v1 =	vmul.f32 v16, v1;
	(erf) = vpow2.f32 v7  }
0x2bc: {  	[tilespmem:s20+$0x0] =	vst v14;
	v4 =	vmul.f32 v25, v4;
	v25 =	vld [tilespmem:s20+$0x70];
	v14 =	vsub.f32 $0.0e+00, v9;
	v20 =	vpop (erf);
	(erf) = vrcp.f32 v17  }
0x2bd: {  	v1 =	vmul.f32 $1.442695020e+00, v1;
	v2 =	vmul.f32 v18, v2;
	v6 =	vadd.f32 v22, v26;
	v22 =	vld [tilespmem:s20+$0x10];
	v24 =	vpop (erf)  }
0x2be: {  	[tilespmem:s20+$0x60] =	vst v29;
	v14 =	vmul.f32 $1.442695020e+00, v14;
	v7 =	vld [tilespmem:s13+$0x10];
	v11 =	vmul.f32 v24, v11  }
0x2bf: {  	v10 =	vadd.f32 v10, v27;
	v4 =	vmul.f32 $1.442695020e+00, v4;
	v2 =	vmul.f32 $1.442695020e+00, v2;
	v17 =	vld [tilespmem:s13+$0x70]  }
0x2c0: {  	v16 =	vsub.f32 $0.0e+00, v6;
	v20 =	vmul.f32 v20, v21;
	(erf) = vpow2.f32 v14  }
0x2c1: {  	v19 =	vsub.f32 $0.0e+00, v10;
	(erf) = vpow2.f32 v1;
	v1 =	vmul.f32 $1.442695020e+00, v11  }
0x2c2: {  	v16 =	vmul.f32 $1.442695020e+00, v16;
	(erf) = vpow2.f32 v4;
	v11 =	vpop (erf)  }
0x2c3: {  	v19 =	vmul.f32 $1.442695020e+00, v19;
	v7 =	vadd.f32 v7, v22;
	(erf) = vpow2.f32 v1;
	v4 =	vpop (erf)  }
0x2c4: {  	(erf) = vpow2.f32 v16;
	v1 =	vmul.f32 v4, v8;
	v4 =	vadd.f32 v17, v25;
	v14 =	vpop (erf)  }
0x2c5: {  	v16 =	vsub.f32 $0.0e+00, v7;
	v8 =	vmul.f32 $1.442695020e+00, v20;
	(erf) = vpow2.f32 v2;
	v17 =	vpop (erf)  }
0x2c6: {  	v1 =	vmul.f32 $1.442695020e+00, v1;
	v2 =	vsub.f32 $0.0e+00, v4;
	v3 =	vmul.f32 v17, v3  }
0x2c7: {  	(erf) = vpow2.f32 v8;
	v8 =	vmul.f32 $1.442695020e+00, v16  }
0x2c8: {  	(erf) = vpow2.f32 v1;
	v1 =	vmul.f32 $1.442695020e+00, v2  }
0x2c9: {  	v3 =	vmul.f32 $1.442695020e+00, v3;
	(erf) = vpow2.f32 v19  }
0x2ca: {  	v2 =	vpop (erf);
	(erf) = vpow2.f32 v8  }
0x2cb: {  	v8 =	vpop (erf);
	(erf) = vpow2.f32 v1  }
0x2cc: {  	v1 =	vpop (erf);
	(erf) = vpow2.f32 v3  }
0x2cd: {  	v3 =	vpop (erf)  }
0x2ce: {  	v2 =	vadd.f32 $1.000000000e+00, v2;
	[tilespmem:s20+$0xFFFFFFC0] =	vst v8;
	v8 =	vld [tilespmem:s20+$0xFFFFFFD0];
	v16 =	vpop (erf)  }
0x2cf: {  	v17 =	vld [tilespmem:s13+$0xFFFFFFD0];
	v18 =	vpop (erf)  }
0x2d0: {  	v19 =	vpop (erf)  }
0x2d1: {  	v20 =	vpop (erf)  }
0x2d2: {  	[tilespmem:s20+$0x20] =	vst v23;
	(erf) = vrcp.f32 v2;
	v2 =	vpop (erf)  }
0x2d3: {  	v23 =	vld [tilespmem:s13+$0x30];
	v22 =	vpop (erf)  }
0x2d4: {  	v21 =	vld [tilespmem:s20+$0x30];
	v8 =	vadd.f32 v17, v8;
	v17 =	vpop (erf)  }
0x2d5: {  	v25 =	vpop (erf)  }
0x2d6: {  	v24 =	vld [tilespmem:s20+$0x50];
	v26 =	vsub.f32 $0.0e+00, v8;
	[tilespmem:s20+$0x40] =	vst v25  }
0x2d7: {  	v25 =	vld [tilespmem:s13+$0x50]  }
0x2d8: {  	v26 =	vmul.f32 $1.442695020e+00, v26  }
0x2d9: {  	v21 =	vadd.f32 v23, v21;
	v22 =	vadd.f32 $1.000000000e+00, v22  }
0x2da: {  	v17 =	vadd.f32 $1.000000000e+00, v17;
	(erf) = vpow2.f32 v26  }
0x2db: {  	v23 =	vsub.f32 $0.0e+00, v21;
	(erf) = vrcp.f32 v22  }
0x2dc: {  	v2 =	vadd.f32 $1.000000000e+00, v2;
	v26 =	vpop (erf);
	(erf) = vrcp.f32 v17;
	v17 =	vadd.f32 v25, v24  }
0x2dd: {  	v16 =	vadd.f32 $1.000000000e+00, v16;
	v9 =	vmul.f32 v26, v9  }
0x2de: {  	v22 =	vmul.f32 $1.442695020e+00, v23;
	(erf) = vrcp.f32 v2;
	v2 =	vsub.f32 $0.0e+00, v17  }
0x2df: {  	(erf) = vrcp.f32 v16;
	v9 =	vmul.f32 $1.442695020e+00, v9  }
0x2e0: {  	(erf) = vpow2.f32 v22;
	v2 =	vmul.f32 $1.442695020e+00, v2;
	_ =	sdelay $0x1  }
0x2e1: {  	(erf) = vpow2.f32 v9  }
0x2e2: {  	(erf) = vpow2.f32 v2  }
0x2e3: {  	v2 =	vpop (erf)  }
0x2e4: {  	v9 =	vpop (erf)  }
0x2e5: {  	v16 =	vpop (erf)  }
0x2e6: {  	v2 =	vadd.f32 $1.000000000e+00, v2;
	v22 =	vpop (erf)  }
0x2e7: {  	v23 =	vpop (erf)  }
0x2e8: {  	v24 =	vpop (erf)  }
0x2e9: {  	v7 =	vmul.f32 v9, v7;
	v24 =	vadd.f32 $1.000000000e+00, v24  }
0x2ea: {  	(erf) = vrcp.f32 v2;
	v2 =	vpop (erf)  }
0x2eb: {  	v7 =	vmul.f32 $1.442695020e+00, v7;
	v9 =	vpop (erf);
	(erf) = vrcp.f32 v24  }
0x2ec: {  	v9 =	vadd.f32 $1.000000000e+00, v9  }
0x2ed: {  	(erf) = vpow2.f32 v7  }
0x2ee: {  	(erf) = vrcp.f32 v9;
	_ =	sdelay $0x2  }
0x2ef: {  	v7 =	vmul.f32 v22, v10  }
0x2f0: {  	v4 =	vmul.f32 v16, v4  }
0x2f1: {  	v7 =	vmul.f32 $1.442695020e+00, v7;
	v9 =	vpop (erf)  }
0x2f2: {  	[tilespmem:s18+$0xFFFFFFF0] =	vst v13;
	v4 =	vmul.f32 $1.442695020e+00, v4;
	v10 =	vpop (erf)  }
0x2f3: {  	[tilespmem:s18+$0xFFFFFFD0] =	vst v12;
	v8 =	vmul.f32 v9, v8;
	v9 =	vmul.f32 v10, v21  }
0x2f4: {  	[tilespmem:s18+$0x50] =	vst v15;
	(erf) = vpow2.f32 v4;
	v4 =	vmul.f32 v23, v6;
	v6 =	vpop (erf)  }
0x2f5: {  	[tilespmem:s10+$0xFFFFFF90] =	vst v5;
	(erf) = vpow2.f32 v7;
	v7 =	vpop (erf);
	v5 =	vmul.f32 $1.442695020e+00, v9  }
0x2f6: {  	[tilespmem:s10+$0x10] =	vst v11;
	v4 =	vmul.f32 $1.442695020e+00, v4;
	v7 =	vmul.f32 v7, v17  }
0x2f7: {  	[tilespmem:s10+$0x70] =	vst v14;
	v8 =	vmul.f32 $1.442695020e+00, v8;
	(erf) = vpow2.f32 v5  }
0x2f8: {  	[tilespmem:s10+$0xFFFFFFB0] =	vst v1;
	v1 =	vmul.f32 $1.442695020e+00, v7;
	(erf) = vpow2.f32 v4  }
0x2f9: {  	[tilespmem:s10+$0x30] =	vst v3;
	(erf) = vpow2.f32 v8  }
0x2fa: {  	[tilespmem:s10+$0xFFFFFFF0] =	vst v18;
	(erf) = vpow2.f32 v1  }
0x2fb: {  	[tilespmem:s10+$0xFFFFFFD0] =	vst v19  }
0x2fc: {  	[tilespmem:s10+$0x50] =	vst v20  }
0x2fd: {  	[tilespmem:s20+$0xFFFFFF90] =	vst v2  }
0x2fe: {  	[tilespmem:s20+$0x10] =	vst v6;
	v1 =	vpop (erf)  }
0x2ff: {  	[tilespmem:s20+$0x70] =	vst v1;
	v1 =	vpop (erf)  }
0x300: {  	[tilespmem:s20+$0xFFFFFFB0] =	vst v1;
	v1 =	vpop (erf)  }
0x301: {  	[tilespmem:s20+$0x30] =	vst v1;
	v1 =	vpop (erf)  }
0x302: {  	s0 =	sshll.u32 s0, $0x2;
	[tilespmem:s20+$0xFFFFFFF0] =	vst v1;
	v1 =	vpop (erf)  }
0x303: {  	s0 =	sand.u32 $0x1FFFFFC0, s0;
	[tilespmem:s20+$0xFFFFFFD0] =	vst v1;
	v1 =	vpop (erf)  }
0x304: {  	s1 =	simm.s32 $0xD20;
	s0 =	sadd.s32 s8, s0;
	[tilespmem:s20+$0x50] =	vst v1  }
0x305: {  	[hbm4b:s0+s2] =	stream.linear.scatter [tilespmem:s1], [sflag:$0xB], $0xA00, $0x38;
	[tilespmem:$0xCE40] =	vst v63  }
0x306: {  	s19 =	simm.s32 $0x1E0  }
0x307: {  	[spmem:s22] =	stream.indirect.scatter.add.f32 [tilespmem:s1], [sflag:$0xC], $0x20, s19, s26, $0xb8;
	[tilespmem:$0xCE40] =	vst v63  }
0x308: {  	_ =	swait.ge [sflag:s24], $0xA00  }
0x309: {  	[sflag:s24] =	ssyncset.done $0x0  }
0x30a: {  	s20 =	simm.s32 $0x8;
	[sflag:s24] =	ssyncadd.s32 $0xFFFFF600  }
0x30b: {  	_ =	swait.ge [sflag:s20], $0xA00  }
0x30c: {  	[sflag:s20] =	ssyncset.done $0x0  }
0x30d: {  	[sflag:s20] =	ssyncadd.s32 $0xFFFFF600  }
0x30e: {  	_ =	swait.ge [sflag:s20], $0xA00  }
0x30f: {  	[sflag:s20] =	ssyncset.done $0x0  }
0x310: {  	s0 =	simm.s32 $0x17A0;
	[sflag:s20] =	ssyncadd.s32 $0xFFFFF600  }
0x311: {  	s21 =	simm.s32 $0x49A0;
	v1 =	vld [tilespmem:s0+$0x60]  }
0x312: {  	v2 =	vld [tilespmem:s21+$0x60];
	_ =	sdelay $0x1  }
0x313: {  	v3 =	vld [tilespmem:s21+$0x20]  }
0x314: {  	v4 =	vld [tilespmem:s21+$0x0]  }
0x315: {  	v5 =	vld [tilespmem:s0+$0x20]  }
0x316: {  	v6 =	vld [tilespmem:s21+$0xFFFFFFE0];
	v1 =	vadd.f32 v2, v1  }
0x317: {  	v2 =	vld [tilespmem:s0+$0x0]  }
0x318: {  	v8 =	vld [tilespmem:s0+$0xFFFFFFE0];
	v7 =	vsub.f32 $0.0e+00, v1;
	_ =	sdelay $0x1  }
0x319: {  	v9 =	vld [tilespmem:s21+$0xFFFFFFA0];
	v7 =	vmul.f32 $1.442695020e+00, v7  }
0x31a: {  	v10 =	vld [tilespmem:s21+$0xFFFFFF80];
	v3 =	vadd.f32 v3, v5  }
0x31b: {  	v5 =	vld [tilespmem:s0+$0xFFFFFFA0];
	v2 =	vadd.f32 v4, v2;
	(erf) = vpow2.f32 v7  }
0x31c: {  	v6 =	vadd.f32 v6, v8;
	v4 =	vsub.f32 $0.0e+00, v3;
	v7 =	vld [tilespmem:s0+$0xFFFFFF80]  }
0x31d: {  	v8 =	vsub.f32 $0.0e+00, v2  }
0x31e: {  	v11 =	vsub.f32 $0.0e+00, v6;
	v4 =	vmul.f32 $1.442695020e+00, v4  }
0x31f: {  	v8 =	vmul.f32 $1.442695020e+00, v8  }
0x320: {  	v9 =	vadd.f32 v9, v5;
	v5 =	vmul.f32 $1.442695020e+00, v11;
	(erf) = vpow2.f32 v4  }
0x321: {  	v4 =	vld [tilespmem:s0+$0xFFFFFFC0];
	v7 =	vadd.f32 v10, v7;
	(erf) = vpow2.f32 v8  }
0x322: {  	v10 =	vsub.f32 $0.0e+00, v9;
	v8 =	vld [tilespmem:s21+$0xFFFFFFC0];
	(erf) = vpow2.f32 v5  }
0x323: {  	v5 =	vsub.f32 $0.0e+00, v7  }
0x324: {  	v10 =	vmul.f32 $1.442695020e+00, v10;
	v11 =	vpop (erf)  }
0x325: {  	v5 =	vmul.f32 $1.442695020e+00, v5;
	v11 =	vadd.f32 $1.000000000e+00, v11  }
0x326: {  	(erf) = vpow2.f32 v10  }
0x327: {  	v10 =	vadd.f32 v8, v4;
	(erf) = vrcp.f32 v11  }
0x328: {  	(erf) = vpow2.f32 v5  }
0x329: {  	v4 =	vsub.f32 $0.0e+00, v10;
	v5 =	vpop (erf)  }
0x32a: {  	v8 =	vpop (erf)  }
0x32b: {  	v4 =	vmul.f32 $1.442695020e+00, v4;
	v11 =	vpop (erf)  }
0x32c: {  	v11 =	vadd.f32 $1.000000000e+00, v11  }
0x32d: {  	(erf) = vpow2.f32 v4  }
0x32e: {  	v4 =	vadd.f32 $1.000000000e+00, v8;
	(erf) = vrcp.f32 v11  }
0x32f: {  	v8 =	vpop (erf)  }
0x330: {  	v12 =	vld [tilespmem:s21+$0x40];
	(erf) = vrcp.f32 v4;
	v11 =	vpop (erf)  }
0x331: {  	v13 =	vld [tilespmem:s0+$0x40];
	v4 =	vadd.f32 $1.000000000e+00, v8;
	v8 =	vpop (erf)  }
0x332: {  	v8 =	vadd.f32 $1.000000000e+00, v8  }
0x333: {  	(erf) = vrcp.f32 v4  }
0x334: {  	(erf) = vrcp.f32 v8;
	_ =	sdelay $0x1  }
0x335: {  	v4 =	vadd.f32 $1.000000000e+00, v5;
	v5 =	vadd.f32 v12, v13;
	v8 =	vpop (erf)  }
0x336: {  	v12 =	vpop (erf)  }
0x337: {  	(erf) = vrcp.f32 v4;
	v4 =	vmul.f32 v12, v6;
	v12 =	vsub.f32 $0.0e+00, v5  }
0x338: {  	v6 =	vpop (erf)  }
0x339: {  	s11 =	simm.s32 $0x4AA0;
	v2 =	vmul.f32 v6, v2  }
0x33a: {  	s10 =	simm.s32 $0x18A0;
	v15 =	vld [tilespmem:s11+$0x60];
	v4 =	vmul.f32 $1.442695020e+00, v4  }
0x33b: {  	v13 =	vld [tilespmem:s10+$0x60];
	v6 =	vmul.f32 $1.442695020e+00, v12;
	v2 =	vmul.f32 $1.442695020e+00, v2;
	v12 =	vpop (erf)  }
0x33c: {  	(erf) = vpow2.f32 v4;
	v14 =	vpop (erf);
	v9 =	vmul.f32 v12, v9  }
0x33d: {  	v4 =	vadd.f32 $1.000000000e+00, v8;
	(erf) = vpow2.f32 v2;
	v7 =	vmul.f32 v14, v7  }
0x33e: {  	(erf) = vpow2.f32 v6;
	v8 =	vmul.f32 $1.442695020e+00, v9  }
0x33f: {  	v16 =	vld [tilespmem:s11+$0xFFFFFFC0];
	(erf) = vrcp.f32 v4;
	v7 =	vmul.f32 $1.442695020e+00, v7  }
0x340: {  	v18 =	vld [tilespmem:s11+$0xFFFFFFA0];
	(erf) = vpow2.f32 v8;
	v8 =	vadd.f32 v15, v13  }
0x341: {  	v12 =	vld [tilespmem:s11+$0x20];
	(erf) = vpow2.f32 v7  }
0x342: {  	v6 =	vld [tilespmem:s11+$0x0];
	v9 =	vpop (erf);
	v13 =	vsub.f32 $0.0e+00, v8  }
0x343: {  	v14 =	vld [tilespmem:s10+$0x0];
	v3 =	vmul.f32 v9, v3  }
0x344: {  	v4 =	vld [tilespmem:s10+$0x20];
	v13 =	vmul.f32 $1.442695020e+00, v13  }
0x345: {  	v7 =	vld [tilespmem:s11+$0xFFFFFFE0];
	v3 =	vmul.f32 $1.442695020e+00, v3;
	v17 =	vpop (erf)  }
0x346: {  	v9 =	vld [tilespmem:s10+$0xFFFFFFE0];
	v19 =	vpop (erf)  }
0x347: {  	v15 =	vld [tilespmem:s10+$0xFFFFFFC0];
	(erf) = vpow2.f32 v3;
	v21 =	vpop (erf)  }
0x348: {  	v20 =	vld [tilespmem:s10+$0xFFFFFFA0];
	(erf) = vpow2.f32 v13;
	v13 =	vpop (erf)  }
0x349: {  	v2 =	vld [tilespmem:s10+$0xFFFFFF80];
	v22 =	vadd.f32 v6, v14;
	v4 =	vadd.f32 v12, v4;
	v6 =	vpop (erf)  }
0x34a: {  	v1 =	vmul.f32 v11, v1;
	v12 =	vld [tilespmem:s11+$0xFFFFFF80];
	v14 =	vpop (erf)  }
0x34b: {  	v11 =	vsub.f32 $0.0e+00, v4;
	v9 =	vadd.f32 v7, v9;
	v7 =	vld [tilespmem:s0+$0xFFFFFF90];
	[tilespmem:s0+$0xFFFFFF80] =	vst v14  }
0x34c: {  	v1 =	vmul.f32 $1.442695020e+00, v1;
	v23 =	vsub.f32 $0.0e+00, v22;
	v3 =	vadd.f32 v16, v15;
	v16 =	vld [tilespmem:s21+$0xFFFFFF90]  }
0x34d: {  	v11 =	vmul.f32 $1.442695020e+00, v11;
	v14 =	vsub.f32 $0.0e+00, v9  }
0x34e: {  	v15 =	vadd.f32 v18, v20;
	v18 =	vmul.f32 $1.442695020e+00, v23;
	(erf) = vpow2.f32 v1  }
0x34f: {  	(erf) = vpow2.f32 v11;
	v1 =	vmul.f32 $1.442695020e+00, v14  }
0x350: {  	v12 =	vadd.f32 v12, v2;
	v2 =	vsub.f32 $0.0e+00, v15;
	(erf) = vpow2.f32 v18  }
0x351: {  	v11 =	vsub.f32 $0.0e+00, v3;
	v20 =	vpop (erf);
	(erf) = vpow2.f32 v1;
	v1 =	vadd.f32 v16, v7  }
0x352: {  	v2 =	vmul.f32 $1.442695020e+00, v2;
	v14 =	vsub.f32 $0.0e+00, v12;
	v18 =	vpop (erf)  }
0x353: {  	[tilespmem:s0+$0xFFFFFFA0] =	vst v6;
	v6 =	vmul.f32 $1.442695020e+00, v11;
	v7 =	vadd.f32 $1.000000000e+00, v18;
	v11 =	vsub.f32 $0.0e+00, v1  }
0x354: {  	[tilespmem:s0+$0xFFFFFFE0] =	vst v17;
	v17 =	vld [tilespmem:s0+$0xFFFFFFB0];
	v14 =	vmul.f32 $1.442695020e+00, v14;
	(erf) = vpow2.f32 v2  }
0x355: {  	v2 =	vld [tilespmem:s0+$0xFFFFFFF0];
	(erf) = vrcp.f32 v7;
	v11 =	vmul.f32 $1.442695020e+00, v11  }
0x356: {  	v16 =	vld [tilespmem:s21+$0xFFFFFFF0];
	v7 =	vmul.f32 v13, v10;
	v10 =	vadd.f32 $1.000000000e+00, v21;
	(erf) = vpow2.f32 v14  }
0x357: {  	v13 =	vld [tilespmem:s21+$0xFFFFFFB0];
	(erf) = vpow2.f32 v6;
	v6 =	vpop (erf)  }
0x358: {  	v14 =	vld [tilespmem:s11+$0x40];
	(erf) = vrcp.f32 v10;
	v18 =	vpop (erf)  }
0x359: {  	[tilespmem:s0+$0x0] =	vst v19;
	v7 =	vmul.f32 $1.442695020e+00, v7;
	v10 =	vld [tilespmem:s10+$0x40];
	(erf) = vpow2.f32 v11;
	v11 =	vpop (erf)  }
0x35a: {  	[tilespmem:s0+$0x60] =	vst v6;
	v6 =	vpop (erf)  }
0x35b: {  	v19 =	vld [tilespmem:s21+$0x10];
	(erf) = vpow2.f32 v7;
	v7 =	vadd.f32 v16, v2;
	v16 =	vadd.f32 $1.000000000e+00, v6  }
0x35c: {  	v21 =	vld [tilespmem:s21+$0x70]  }
0x35d: {  	v2 =	vld [tilespmem:s0+$0x10];
	v6 =	vadd.f32 v13, v17;
	v23 =	vpop (erf)  }
0x35e: {  	v13 =	vld [tilespmem:s0+$0x70];
	v17 =	vadd.f32 $1.000000000e+00, v11;
	v11 =	vadd.f32 v14, v10;
	v10 =	vpop (erf)  }
0x35f: {  	v23 =	vadd.f32 $1.000000000e+00, v23;
	(erf) = vrcp.f32 v16;
	v16 =	vpop (erf)  }
0x360: {  	v14 =	vsub.f32 $0.0e+00, v6;
	v16 =	vadd.f32 $1.000000000e+00, v16  }
0x361: {  	v24 =	vsub.f32 $0.0e+00, v7;
	(erf) = vrcp.f32 v17;
	v25 =	vpop (erf)  }
0x362: {  	v26 =	vmul.f32 $1.442695020e+00, v14;
	v14 =	vadd.f32 v19, v2;
	v19 =	vpop (erf);
	(erf) = vrcp.f32 v23  }
0x363: {  	v17 =	vmul.f32 $1.442695020e+00, v24;
	v2 =	vadd.f32 v21, v13;
	v13 =	vpop (erf);
	(erf) = vrcp.f32 v16  }
0x364: {  	v18 =	vadd.f32 $1.000000000e+00, v18;
	v8 =	vmul.f32 v10, v8;
	v21 =	vsub.f32 $0.0e+00, v14;
	v16 =	vpop (erf)  }
0x365: {  	v23 =	vsub.f32 $0.0e+00, v2;
	v5 =	vmul.f32 v19, v5;
	(erf) = vpow2.f32 v17;
	[tilespmem:s0+$0xFFFFFFC0] =	vst v16;
	v16 =	vld [tilespmem:s0+$0xFFFFFFD0]  }
0x366: {  	v17 =	vmul.f32 $1.442695020e+00, v21;
	(erf) = vrcp.f32 v18;
	v19 =	vld [tilespmem:s21+$0xFFFFFFD0]  }
0x367: {  	v18 =	vmul.f32 $1.442695020e+00, v23;
	(erf) = vpow2.f32 v26  }
0x368: {  	v24 =	vsub.f32 $0.0e+00, v11;
	v5 =	vmul.f32 $1.442695020e+00, v5;
	v21 =	vpop (erf);
	(erf) = vpow2.f32 v17  }
0x369: {  	v9 =	vmul.f32 v21, v9;
	(erf) = vpow2.f32 v18  }
0x36a: {  	v24 =	vmul.f32 $1.442695020e+00, v24;
	v13 =	vadd.f32 $1.000000000e+00, v13;
	v17 =	vpop (erf);
	(erf) = vpow2.f32 v5  }
0x36b: {  	s13 =	simm.s32 $0x4BA0;
	[tilespmem:s0+$0x20] =	vst v20;
	v17 =	vmul.f32 v17, v22;
	v10 =	vmul.f32 $1.442695020e+00, v9;
	v20 =	vpop (erf);
	v9 =	vadd.f32 v19, v16  }
0x36c: {  	v30 =	vld [tilespmem:s13+$0xFFFFFFC0];
	(erf) = vrcp.f32 v13;
	v13 =	vadd.f32 $1.000000000e+00, v25;
	v16 =	vpop (erf);
	v15 =	vmul.f32 v20, v15  }
0x36d: {  	v18 =	vld [tilespmem:s0+$0x30];
	v17 =	vmul.f32 $1.442695020e+00, v17;
	v12 =	vmul.f32 v16, v12;
	v16 =	vsub.f32 $0.0e+00, v9  }
0x36e: {  	v5 =	vld [tilespmem:s21+$0x30];
	(erf) = vpow2.f32 v10;
	v15 =	vmul.f32 $1.442695020e+00, v15  }
0x36f: {  	s18 =	simm.s32 $0x19A0;
	v23 =	vld [tilespmem:s13+$0x0];
	v10 =	vpop (erf);
	(erf) = vpow2.f32 v17;
	v16 =	vmul.f32 $1.442695020e+00, v16  }
0x370: {  	v21 =	vld [tilespmem:s18+$0x60];
	v22 =	vpop (erf);
	(erf) = vpow2.f32 v24;
	v12 =	vmul.f32 $1.442695020e+00, v12  }
0x371: {  	v19 =	vld [tilespmem:s13+$0x20];
	(erf) = vrcp.f32 v13;
	v13 =	vpop (erf)  }
0x372: {  	v20 =	vld [tilespmem:s13+$0x60];
	(erf) = vpow2.f32 v15;
	v15 =	vpop (erf)  }
0x373: {  	v18 =	vadd.f32 v5, v18;
	v24 =	vld [tilespmem:s18+$0x20];
	(erf) = vpow2.f32 v16;
	v16 =	vpop (erf)  }
0x374: {  	v25 =	vld [tilespmem:s0+$0x50];
	v4 =	vmul.f32 v22, v4;
	v15 =	vadd.f32 $1.000000000e+00, v15;
	(erf) = vpow2.f32 v12;
	v12 =	vpop (erf)  }
0x375: {  	v8 =	vmul.f32 $1.442695020e+00, v8;
	v10 =	vadd.f32 $1.000000000e+00, v10;
	v22 =	vld [tilespmem:s18+$0x0];
	v5 =	vadd.f32 $1.000000000e+00, v16;
	[tilespmem:s0+$0x40] =	vst v12  }
0x376: {  	v4 =	vmul.f32 $1.442695020e+00, v4;
	(erf) = vrcp.f32 v15;
	v15 =	vsub.f32 $0.0e+00, v18;
	v27 =	vld [tilespmem:s21+$0x50]  }
0x377: {  	v17 =	vld [tilespmem:s18+$0xFFFFFF80];
	v13 =	vadd.f32 $1.000000000e+00, v13;
	v26 =	vpop (erf);
	v12 =	vadd.f32 v20, v21;
	(erf) = vrcp.f32 v5  }
0x378: {  	v16 =	vld [tilespmem:s13+$0xFFFFFFE0];
	v21 =	vpop (erf);
	v15 =	vmul.f32 $1.442695020e+00, v15;
	v5 =	vadd.f32 v19, v24;
	(erf) = vpow2.f32 v4  }
0x379: {  	v20 =	vld [tilespmem:s18+$0xFFFFFFE0];
	v1 =	vmul.f32 v26, v1;
	v42 =	vpop (erf);
	v43 =	vsub.f32 $0.0e+00, v12;
	(erf) = vrcp.f32 v13  }
0x37a: {  	v4 =	vld [tilespmem:s18+$0xFFFFFFC0];
	v19 =	vpop (erf);
	v13 =	vadd.f32 v23, v22;
	v24 =	vsub.f32 $0.0e+00, v5;
	(erf) = vrcp.f32 v10  }
0x37b: {  	v23 =	vld [tilespmem:s18+$0xFFFFFFA0];
	v22 =	vpop (erf);
	(erf) = vpow2.f32 v15;
	v15 =	vmul.f32 $1.442695020e+00, v43;
	v25 =	vadd.f32 v27, v25  }
0x37c: {  	v31 =	vmul.f32 $1.442695020e+00, v1;
	v10 =	vld [tilespmem:s13+$0xFFFFFFA0];
	v26 =	vpop (erf);
	v44 =	vsub.f32 $0.0e+00, v13;
	v24 =	vmul.f32 $1.442695020e+00, v24  }
0x37d: {  	v3 =	vmul.f32 v22, v3;
	v27 =	vld [tilespmem:s13+$0xFFFFFF80];
	v32 =	vpop (erf);
	(erf) = vpow2.f32 v15;
	v34 =	vsub.f32 $0.0e+00, v25  }
0x37e: {  	v33 =	vpop (erf);
	v15 =	vadd.f32 v16, v20;
	v16 =	vmul.f32 $1.442695020e+00, v44;
	(erf) = vpow2.f32 v8  }
0x37f: {  	v47 =	vld [tilespmem:s10+$0xFFFFFF90];
	v20 =	vpop (erf);
	(erf) = vpow2.f32 v31;
	v45 =	vmul.f32 $1.442695020e+00, v34  }
0x380: {  	v48 =	vld [tilespmem:s10+$0xFFFFFFF0];
	[tilespmem:s10+$0xFFFFFFE0] =	vst v21;
	v1 =	vadd.f32 v30, v4;
	v50 =	vadd.f32 $1.000000000e+00, v32;
	v4 =	vpop (erf);
	(erf) = vpow2.f32 v24  }
0x381: {  	v21 =	vld [tilespmem:s11+$0xFFFFFFF0];
	[tilespmem:s10+$0xFFFFFFA0] =	vst v26;
	v46 =	vsub.f32 $0.0e+00, v15;
	v8 =	vadd.f32 v10, v23;
	v23 =	vpop (erf);
	(erf) = vpow2.f32 v45  }
0x382: {  	v35 =	vld [tilespmem:s11+$0xFFFFFFB0];
	[tilespmem:s10+$0xFFFFFF80] =	vst v33;
	v14 =	vmul.f32 v20, v14;
	v24 =	vsub.f32 $0.0e+00, v1;
	v10 =	vadd.f32 v27, v17;
	v17 =	vpop (erf)  }
0x383: {  	v52 =	vld [tilespmem:s11+$0xFFFFFF90];
	v26 =	vmul.f32 $1.442695020e+00, v46;
	v49 =	vsub.f32 $0.0e+00, v8;
	v53 =	vmul.f32 v4, v2;
	v51 =	vpop (erf)  }
0x384: {  	v27 =	vld [tilespmem:s10+$0xFFFFFFB0];
	v14 =	vmul.f32 $1.442695020e+00, v14;
	v36 =	vsub.f32 $0.0e+00, v10;
	(erf) = vpow2.f32 v16;
	v16 =	vpop (erf)  }
0x385: {  	v29 =	vmul.f32 $1.442695020e+00, v49;
	(erf) = vrcp.f32 v50;
	v16 =	vadd.f32 $1.000000000e+00, v16  }
0x386: {  	v2 =	vadd.f32 v21, v48;
	(erf) = vpow2.f32 v26;
	v26 =	vmul.f32 $1.442695020e+00, v36;
	v4 =	vpop (erf)  }
0x387: {  	v24 =	vmul.f32 $1.442695020e+00, v24;
	(erf) = vrcp.f32 v16;
	v16 =	vadd.f32 $1.000000000e+00, v4;
	v21 =	vpop (erf)  }
0x388: {  	v17 =	vmul.f32 v17, v6;
	(erf) = vpow2.f32 v29;
	v20 =	vpop (erf)  }
0x389: {  	v6 =	vadd.f32 v52, v47;
	v4 =	vadd.f32 v35, v27;
	v27 =	vpop (erf);
	(erf) = vrcp.f32 v16  }
0x38a: {  	v54 =	vld [tilespmem:s18+$0x40];
	v55 =	vmul.f32 $1.442695020e+00, v53;
	(erf) = vpow2.f32 v26;
	v26 =	vpop (erf)  }
0x38b: {  	v16 =	vld [tilespmem:s13+$0x40];
	(erf) = vpow2.f32 v24;
	v24 =	vadd.f32 $1.000000000e+00, v26;
	v26 =	vsub.f32 $0.0e+00, v6  }
0x38c: {  	(erf) = vpow2.f32 v14;
	v14 =	vmul.f32 $1.442695020e+00, v3  }
0x38d: {  	v56 =	vpop (erf);
	v3 =	vadd.f32 $1.000000000e+00, v19;
	(erf) = vrcp.f32 v24;
	v24 =	vmul.f32 $1.442695020e+00, v26  }
0x38e: {  	v19 =	vpop (erf);
	(erf) = vpow2.f32 v55  }
0x38f: {  	[tilespmem:s10+$0x60] =	vst v21;
	v26 =	vpop (erf);
	(erf) = vrcp.f32 v3  }
0x390: {  	v17 =	vmul.f32 $1.442695020e+00, v17;
	v58 =	vld [tilespmem:s11+$0x70];
	v3 =	vadd.f32 v16, v54;
	v21 =	vpop (erf);
	(erf) = vpow2.f32 v24  }
0x391: {  	v26 =	vadd.f32 $1.000000000e+00, v26;
	v16 =	vmul.f32 v21, v18;
	v18 =	vld [tilespmem:s10+$0x70];
	v24 =	vpop (erf);
	(erf) = vpow2.f32 v14  }
0x392: {  	[tilespmem:s10+$0x0] =	vst v42;
	v59 =	vpop (erf);
	(erf) = vpow2.f32 v17;
	v17 =	vadd.f32 $1.000000000e+00, v56  }
0x393: {  	v28 =	vld [tilespmem:s11+$0x10];
	v22 =	vsub.f32 $0.0e+00, v2;
	v24 =	vadd.f32 $1.000000000e+00, v24;
	v16 =	vmul.f32 $1.442695020e+00, v16  }
0x394: {  	v9 =	vmul.f32 v19, v9;
	v19 =	vld [tilespmem:s10+$0x10];
	v60 =	vpop (erf);
	(erf) = vrcp.f32 v26  }
0x395: {  	v22 =	vmul.f32 $1.442695020e+00, v22;
	v26 =	vpop (erf);
	v30 =	vadd.f32 $1.000000000e+00, v60;
	(erf) = vpow2.f32 v16  }
0x396: {  	v16 =	vmul.f32 v51, v7;
	(erf) = vrcp.f32 v17;
	v17 =	vpop (erf);
	v7 =	vadd.f32 v58, v18  }
0x397: {  	v18 =	vmul.f32 $1.442695020e+00, v9;
	(erf) = vrcp.f32 v24;
	v24 =	vpop (erf)  }
0x398: {  	[tilespmem:s10+$0x20] =	vst v23;
	v16 =	vmul.f32 $1.442695020e+00, v16;
	(erf) = vrcp.f32 v30;
	v61 =	vpop (erf);
	v23 =	vsub.f32 $0.0e+00, v7  }
0x399: {  	v9 =	vadd.f32 v28, v19;
	v19 =	vmul.f32 v24, v25;
	(erf) = vpow2.f32 v22;
	v22 =	vpop (erf)  }
0x39a: {  	v27 =	vadd.f32 $1.000000000e+00, v27;
	v11 =	vmul.f32 v22, v11;
	v24 =	vpop (erf)  }
0x39b: {  	v57 =	vsub.f32 $0.0e+00, v4;
	(erf) = vpow2.f32 v16;
	v62 =	vmul.f32 $1.442695020e+00, v19;
	v22 =	vpop (erf)  }
0x39c: {  	v25 =	vld [tilespmem:s10+$0x30];
	v19 =	vmul.f32 $1.442695020e+00, v23;
	(erf) = vrcp.f32 v27;
	v23 =	vpop (erf)  }
0x39d: {  	[tilespmem:s0+$0xFFFFFF90] =	vst v20;
	v21 =	vmul.f32 $1.442695020e+00, v57;
	v14 =	vsub.f32 $0.0e+00, v3;
	v27 =	vld [tilespmem:s11+$0x30];
	(erf) = vpow2.f32 v18;
	v18 =	vpop (erf)  }
0x39e: {  	v16 =	vsub.f32 $0.0e+00, v9;
	[tilespmem:s10+$0xFFFFFFC0] =	vst v22;
	(erf) = vpow2.f32 v62;
	v22 =	vmul.f32 v18, v15;
	v15 =	vld [tilespmem:s10+$0xFFFFFFD0]  }
0x39f: {  	v14 =	vmul.f32 $1.442695020e+00, v14;
	[tilespmem:s0+$0x10] =	vst v17;
	(erf) = vpow2.f32 v21;
	v21 =	vld [tilespmem:s11+$0xFFFFFFD0]  }
0x3a0: {  	[tilespmem:s0+$0x70] =	vst v61;
	v63 =	vmul.f32 $1.442695020e+00, v16;
	v20 =	vmul.f32 $1.442695020e+00, v11;
	v11 =	vpop (erf)  }
0x3a1: {  	s15 =	simm.s32 $0xD20;
	s14 =	simm.s32 $0x1AA0;
	v17 =	vadd.f32 $1.000000000e+00, v26;
	v16 =	vmul.f32 v59, v12;
	[tilespmem:s0+$0xFFFFFFB0] =	vst v23;
	v18 =	vadd.f32 $1.000000000e+00, v24;
	v12 =	vpop (erf)  }
0x3a2: {  	s1 =	simm.s32 $0x10;
	s19 =	simm.s32 $0x4CA0;
	s21 =	simm.s32 $0x2D0;
	[tilespmem:s0+$0x30] =	vst v11;
	(erf) = vpow2.f32 v63;
	v24 =	vmul.f32 v12, v13;
	v23 =	vpop (erf);
	v11 =	vadd.f32 v27, v25  }
.LBB2_9:
0x3a3: {  	v12 =	vld [tilespmem:s14+$0x60];
	s1 =	sadd.s32 $0x8, s1;
	v25 =	vmul.f32 $1.442695020e+00, v22;
	v22 =	vpop (erf);
	(erf) = vpow2.f32 v19  }
0x3a4: {  	v19 =	vld [tilespmem:s19+$0x20];
	p1 =	slt.u32 s1, $0x48;
	v24 =	vmul.f32 $1.442695020e+00, v24;
	v15 =	vadd.f32 v21, v15;
	v21 =	vpop (erf);
	(erf) = vpow2.f32 v20  }
0x3a5: {  	v10 =	vmul.f32 v22, v10;
	v20 =	vld [tilespmem:s19+$0x60];
	v21 =	vadd.f32 $1.000000000e+00, v21;
	(erf) = vrcp.f32 v18;
	v18 =	vpop (erf)  }
0x3a6: {  	v8 =	vmul.f32 v23, v8;
	v22 =	vld [tilespmem:s14+$0xFFFFFF80];
	(erf) = vpow2.f32 v25;
	v13 =	vpop (erf);
	v23 =	vsub.f32 $0.0e+00, v15;
	[tilespmem:s0+$0xFFFFFFF0] =	vst v18  }
0x3a7: {  	v10 =	vmul.f32 $1.442695020e+00, v10;
	v18 =	vld [tilespmem:s19+$0x0];
	v13 =	vmul.f32 v13, v5;
	v5 =	vpop (erf)  }
0x3a8: {  	v8 =	vmul.f32 $1.442695020e+00, v8;
	v25 =	vld [tilespmem:s14+$0x20];
	(erf) = vpow2.f32 v24;
	[tilespmem:s0+$0xFFFFFFD0] =	vst v5  }
0x3a9: {  	v27 =	vmul.f32 $1.442695020e+00, v23;
	v24 =	vld [tilespmem:s14+$0x0];
	(erf) = vpow2.f32 v14;
	v14 =	vpop (erf)  }
0x3aa: {  	v12 =	vadd.f32 v20, v12;
	v20 =	vmul.f32 $1.442695020e+00, v16;
	(erf) = vrcp.f32 v17;
	v17 =	vld [tilespmem:s10+$0x50];
	v16 =	vpop (erf);
	[tilespmem:s0+$0x50] =	vst v14;
	s0 =	smov.u32 s10;
	s10 =	smov.u32 s18;
	s18 =	smov.u32 s14  }
0x3ab: {  	v14 =	vld [tilespmem:s19+$0xFFFFFFE0];
	(erf) = vpow2.f32 v8;
	v8 =	vadd.f32 $1.000000000e+00, v16;
	v16 =	vpop (erf)  }
0x3ac: {  	v23 =	vld [tilespmem:s14+$0xFFFFFFE0];
	v31 =	vsub.f32 $0.0e+00, v12;
	v16 =	vadd.f32 $1.000000000e+00, v16;
	(erf) = vpow2.f32 v27;
	v5 =	vpop (erf)  }
0x3ad: {  	v27 =	vld [tilespmem:s14+$0xFFFFFFC0];
	(erf) = vpow2.f32 v10;
	v10 =	vsub.f32 $0.0e+00, v11;
	v28 =	vadd.f32 $1.000000000e+00, v5;
	v29 =	vpop (erf)  }
0x3ae: {  	v5 =	vadd.f32 v19, v25;
	v30 =	vld [tilespmem:s19+$0xFFFFFFC0];
	v19 =	vmul.f32 $1.442695020e+00, v31;
	[tilespmem:s0+$0x40] =	vst v29;
	v25 =	vpop (erf);
	(erf) = vrcp.f32 v16  }
0x3af: {  	v16 =	vmul.f32 $1.442695020e+00, v13;
	v26 =	vpop (erf);
	v29 =	vld [tilespmem:s11+$0x50];
	(erf) = vrcp.f32 v28;
	s11 =	smov.u32 s13;
	s13 =	smov.u32 s19  }
0x3b0: {  	v13 =	vadd.f32 v18, v24;
	v6 =	vmul.f32 v25, v6;
	v10 =	vmul.f32 $1.442695020e+00, v10;
	v28 =	vld [tilespmem:s19+$0xFFFFFFA0];
	[tilespmem:s10+$0xFFFFFFE0] =	vst v26  }
0x3b1: {  	v18 =	vsub.f32 $0.0e+00, v5;
	v24 =	vld [tilespmem:s14+$0xFFFFFFA0];
	v25 =	vpop (erf);
	(erf) = vpow2.f32 v16  }
0x3b2: {  	v31 =	vsub.f32 $0.0e+00, v13;
	v6 =	vmul.f32 $1.442695020e+00, v6;
	v26 =	vld [tilespmem:s19+$0xFFFFFF80];
	v32 =	vpop (erf);
	(erf) = vrcp.f32 v8  }
0x3b3: {  	v16 =	vadd.f32 v14, v23;
	v14 =	vmul.f32 $1.442695020e+00, v18;
	v23 =	vld [tilespmem:s11+$0xFFFFFFF0];
	v33 =	vpop (erf);
	(erf) = vrcp.f32 v21  }
0x3b4: {  	v21 =	vadd.f32 v30, v27;
	v27 =	vmul.f32 $1.442695020e+00, v31;
	v30 =	vpop (erf);
	(erf) = vpow2.f32 v10  }
0x3b5: {  	v31 =	vsub.f32 $0.0e+00, v16;
	v18 =	vadd.f32 v29, v17;
	(erf) = vpow2.f32 v19;
	v19 =	vld [tilespmem:s10+$0xFFFFFF90];
	v17 =	vpop (erf)  }
0x3b6: {  	v8 =	vadd.f32 v28, v24;
	v24 =	vsub.f32 $0.0e+00, v21;
	v28 =	vld [tilespmem:s10+$0xFFFFFFF0];
	v29 =	vpop (erf);
	(erf) = vpow2.f32 v20  }
0x3b7: {  	v20 =	vmul.f32 $1.442695020e+00, v31;
	v10 =	vadd.f32 v26, v22;
	[tilespmem:s10+$0xFFFFFFA0] =	vst v30;
	v22 =	vld [tilespmem:s10+$0xFFFFFFB0];
	v26 =	vsub.f32 $0.0e+00, v18;
	v30 =	vpop (erf)  }
0x3b8: {  	v31 =	vsub.f32 $0.0e+00, v8;
	v24 =	vmul.f32 $1.442695020e+00, v24;
	[tilespmem:s10+$0xFFFFFF80] =	vst v29;
	v29 =	vld [tilespmem:s11+$0xFFFFFFB0];
	(erf) = vpow2.f32 v6;
	v6 =	vpop (erf)  }
0x3b9: {  	v34 =	vsub.f32 $0.0e+00, v10;
	(erf) = vpow2.f32 v14;
	v14 =	vld [tilespmem:s11+$0xFFFFFF90];
	v26 =	vmul.f32 $1.442695020e+00, v26  }
0x3ba: {  	v36 =	vadd.f32 $1.000000000e+00, v17;
	v7 =	vmul.f32 v6, v7;
	v31 =	vmul.f32 $1.442695020e+00, v31;
	v35 =	vpop (erf)  }
0x3bb: {  	v34 =	vmul.f32 $1.442695020e+00, v34;
	v23 =	vadd.f32 v23, v28;
	v28 =	vpop (erf);
	(erf) = vpow2.f32 v26  }
0x3bc: {  	v26 =	vmul.f32 v33, v1;
	v1 =	vmov v21;
	(erf) = vpow2.f32 v27;
	v27 =	vpop (erf)  }
0x3bd: {  	v21 =	vadd.f32 v29, v22;
	v22 =	vsub.f32 $0.0e+00, v23;
	(erf) = vrcp.f32 v36;
	v17 =	vpop (erf)  }
0x3be: {  	v29 =	vld [tilespmem:s19+$0x40];
	v33 =	vpop (erf);
	v6 =	vadd.f32 v14, v19;
	v14 =	vmul.f32 v28, v4;
	v36 =	vadd.f32 $1.000000000e+00, v17  }
0x3bf: {  	v9 =	vmul.f32 v30, v9;
	v17 =	vld [tilespmem:s14+$0x40];
	v19 =	vadd.f32 $1.000000000e+00, v33;
	(erf) = vpow2.f32 v20;
	[tilespmem:s10+$0x0] =	vst v25;
	v20 =	vpop (erf)  }
0x3c0: {  	v7 =	vmul.f32 $1.442695020e+00, v7;
	v4 =	vmovc v21;
	v25 =	vsub.f32 $0.0e+00, v6;
	v28 =	vld [tilespmem:s11+$0x10];
	(erf) = vrcp.f32 v36  }
0x3c1: {  	v22 =	vmul.f32 $1.442695020e+00, v22;
	v21 =	vsub.f32 $0.0e+00, v4;
	(erf) = vpow2.f32 v31;
	[tilespmem:s10+$0x60] =	vst v20;
	v20 =	vpop (erf)  }
0x3c2: {  	v9 =	vmul.f32 $1.442695020e+00, v9;
	v30 =	vpop (erf);
	(erf) = vrcp.f32 v19;
	v19 =	vld [tilespmem:s11+$0x70];
	[tilespmem:s0+$0xFFFFFF90] =	vst v20  }
0x3c3: {  	v20 =	vmul.f32 $1.442695020e+00, v26;
	(erf) = vpow2.f32 v34  }
0x3c4: {  	v26 =	vadd.f32 v29, v17;
	v17 =	vmul.f32 $1.442695020e+00, v25;
	v25 =	vmul.f32 $1.442695020e+00, v21;
	v21 =	vld [tilespmem:s10+$0x70];
	v29 =	vpop (erf)  }
0x3c5: {  	v31 =	vadd.f32 $1.000000000e+00, v32;
	(erf) = vpow2.f32 v24;
	v24 =	vpop (erf);
	v29 =	vadd.f32 $1.000000000e+00, v29  }
0x3c6: {  	v33 =	vmul.f32 $1.442695020e+00, v14;
	v32 =	vsub.f32 $0.0e+00, v26;
	v14 =	vpop (erf);
	(erf) = vpow2.f32 v9  }
0x3c7: {  	v9 =	vmul.f32 v14, v15;
	(erf) = vrcp.f32 v29  }
0x3c8: {  	v14 =	vmul.f32 $1.442695020e+00, v32;
	v15 =	vpop (erf);
	(erf) = vpow2.f32 v7  }
0x3c9: {  	v24 =	vadd.f32 $1.000000000e+00, v24;
	v29 =	vld [tilespmem:s10+$0x10];
	v7 =	vadd.f32 v19, v21;
	(erf) = vrcp.f32 v31;
	v19 =	vpop (erf)  }
0x3ca: {  	v21 =	vadd.f32 $1.000000000e+00, v30;
	v30 =	vpop (erf);
	(erf) = vpow2.f32 v17;
	v11 =	vmul.f32 v19, v11  }
0x3cb: {  	v32 =	vadd.f32 $1.000000000e+00, v15;
	v17 =	vmul.f32 v27, v2;
	v31 =	vpop (erf);
	(erf) = vpow2.f32 v20  }
0x3cc: {  	v19 =	vadd.f32 $1.000000000e+00, v30;
	v2 =	vpop (erf);
	v11 =	vmul.f32 $1.442695020e+00, v11;
	(erf) = vpow2.f32 v33  }
0x3cd: {  	v27 =	vmul.f32 $1.442695020e+00, v9;
	v20 =	vadd.f32 $1.000000000e+00, v2;
	(erf) = vrcp.f32 v32;
	v2 =	vmovc v23  }
0x3ce: {  	v23 =	vmul.f32 $1.442695020e+00, v17;
	v15 =	vpop (erf);
	v9 =	vadd.f32 v28, v29;
	(erf) = vpow2.f32 v11  }
0x3cf: {  	v11 =	vsub.f32 $0.0e+00, v7;
	v17 =	vadd.f32 $1.000000000e+00, v15;
	(erf) = vrcp.f32 v24;
	v15 =	vpop (erf)  }
0x3d0: {  	(erf) = vrcp.f32 v19;
	v24 =	vsub.f32 $0.0e+00, v9;
	[tilespmem:s0+$0x10] =	vst v15;
	v15 =	vpop (erf)  }
0x3d1: {  	(erf) = vrcp.f32 v20;
	v15 =	vmul.f32 v15, v18;
	v18 =	vpop (erf)  }
0x3d2: {  	(erf) = vpow2.f32 v22;
	v19 =	vpop (erf);
	[tilespmem:s0+$0x70] =	vst v18  }
0x3d3: {  	[tilespmem:s10+$0x20] =	vst v35;
	v28 =	vld [tilespmem:s10+$0x30];
	v20 =	vmul.f32 v19, v3;
	v18 =	vpop (erf);
	(erf) = vpow2.f32 v23;
	v3 =	vmov v26  }
0x3d4: {  	v23 =	vmul.f32 $1.442695020e+00, v15;
	(erf) = vrcp.f32 v21;
	v18 =	vadd.f32 $1.000000000e+00, v18;
	v26 =	vld [tilespmem:s11+$0x30];
	v19 =	vpop (erf)  }
.Ltmp3:
0x3d5: {  	[tilespmem:s10+$0xFFFFFFC0] =	vst v19;
	v15 =	vld [tilespmem:s10+$0xFFFFFFD0];
	v19 =	vmul.f32 $1.442695020e+00, v11;
	v11 =	vpop (erf);
	(erf) = vpow2.f32 v27;
	(pc) =	sbr.rel @p1 .LBB2_9-.Ltmp3, $4  }
0x3d6: {  	v27 =	vmul.f32 $1.442695020e+00, v24;
	v20 =	vmul.f32 $1.442695020e+00, v20;
	v22 =	vpop (erf);
	v21 =	vld [tilespmem:s11+$0xFFFFFFD0];
	[tilespmem:s0+$0xFFFFFFB0] =	vst v11  }
0x3d7: {  	v22 =	vmul.f32 v22, v16;
	v11 =	vpop (erf);
	(erf) = vpow2.f32 v23  }
0x3d8: {  	v16 =	vmul.f32 v31, v12;
	v12 =	vpop (erf);
	(erf) = vpow2.f32 v25;
	[tilespmem:s0+$0x30] =	vst v11  }
0x3d9: {  	s19 =	sadd.s32 $0x100, s19;
	s14 =	sadd.s32 $0x100, s14;
	v24 =	vmul.f32 v12, v13;
	v23 =	vpop (erf);
	v11 =	vadd.f32 v26, v28;
	(erf) = vpow2.f32 v27  }
0x3da: {  	(erf) = vpow2.f32 v19  }
0x3db: {  	v19 =	vpop (erf);
	(erf) = vpow2.f32 v20  }
0x3dc: {  	v20 =	vpop (erf)  }
0x3dd: {  	v13 =	vpop (erf)  }
0x3de: {  	v22 =	vmul.f32 $1.442695020e+00, v22;
	v25 =	vpop (erf)  }
0x3df: {  	v24 =	vmul.f32 $1.442695020e+00, v24;
	v21 =	vadd.f32 v21, v15;
	(erf) = vrcp.f32 v18;
	v12 =	vpop (erf)  }
0x3e0: {  	v8 =	vmul.f32 v23, v8;
	(erf) = vpow2.f32 v22;
	v15 =	vpop (erf)  }
0x3e1: {  	v10 =	vmul.f32 v19, v10;
	v19 =	vsub.f32 $0.0e+00, v21;
	(erf) = vpow2.f32 v24;
	v18 =	vpop (erf)  }
0x3e2: {  	v8 =	vmul.f32 $1.442695020e+00, v8;
	(erf) = vpow2.f32 v14;
	v22 =	vpop (erf)  }
0x3e3: {  	v19 =	vmul.f32 $1.442695020e+00, v19;
	(erf) = vrcp.f32 v17;
	v14 =	vpop (erf)  }
0x3e4: {  	v10 =	vmul.f32 $1.442695020e+00, v10;
	(erf) = vpow2.f32 v8;
	v23 =	vpop (erf)  }
0x3e5: {  	v5 =	vmul.f32 v25, v5;
	v17 =	vld [tilespmem:s10+$0x50];
	v8 =	vadd.f32 $1.000000000e+00, v22;
	(erf) = vpow2.f32 v19;
	[tilespmem:s10+$0x40] =	vst v23  }
0x3e6: {  	(erf) = vpow2.f32 v10;
	v10 =	vadd.f32 $1.000000000e+00, v14;
	v14 =	vsub.f32 $0.0e+00, v11;
	v19 =	vld [tilespmem:s11+$0x50]  }
0x3e7: {  	v5 =	vmul.f32 $1.442695020e+00, v5;
	(erf) = vrcp.f32 v8  }
0x3e8: {  	v8 =	vadd.f32 $1.000000000e+00, v18;
	v18 =	vpop (erf);
	(erf) = vrcp.f32 v10  }
0x3e9: {  	v10 =	vadd.f32 $1.000000000e+00, v20;
	v20 =	vpop (erf);
	v6 =	vmul.f32 v18, v6;
	(erf) = vpow2.f32 v5  }
0x3ea: {  	v5 =	vmul.f32 $1.442695020e+00, v14;
	v14 =	vpop (erf);
	(erf) = vrcp.f32 v8  }
0x3eb: {  	(erf) = vrcp.f32 v10;
	v10 =	vmul.f32 $1.442695020e+00, v16;
	v8 =	vadd.f32 v19, v17;
	v17 =	vpop (erf)  }
0x3ec: {  	v6 =	vmul.f32 $1.442695020e+00, v6;
	(erf) = vpow2.f32 v5;
	v16 =	vpop (erf)  }
0x3ed: {  	v18 =	vpop (erf)  }
0x3ee: {  	v5 =	vsub.f32 $0.0e+00, v8;
	v19 =	vpop (erf)  }
0x3ef: {  	(erf) = vpow2.f32 v10;
	v10 =	vpop (erf)  }
0x3f0: {  	v5 =	vmul.f32 $1.442695020e+00, v5;
	(erf) = vpow2.f32 v6;
	v6 =	vpop (erf)  }
0x3f1: {  	[tilespmem:s18+$0xFFFFFFE0] =	vst v20;
	v20 =	vpop (erf)  }
0x3f2: {  	(erf) = vpow2.f32 v5;
	v23 =	vpop (erf)  }
0x3f3: {  	v25 =	vpop (erf)  }
0x3f4: {  	[tilespmem:s18+$0xFFFFFFA0] =	vst v18;
	v18 =	vpop (erf)  }
0x3f5: {  	v5 =	vadd.f32 $1.000000000e+00, v19;
	v19 =	vpop (erf)  }
0x3f6: {  	v19 =	vadd.f32 $1.000000000e+00, v19  }
0x3f7: {  	v6 =	vmul.f32 v6, v9;
	(erf) = vrcp.f32 v5  }
0x3f8: {  	v24 =	vld [tilespmem:s18+$0xFFFFFF90];
	[tilespmem:s18+$0xFFFFFF80] =	vst v10;
	(erf) = vrcp.f32 v19  }
0x3f9: {  	v28 =	vld [tilespmem:s13+$0xFFFFFF90];
	v29 =	vpop (erf)  }
0x3fa: {  	v5 =	vpop (erf)  }
0x3fb: {  	v26 =	vld [tilespmem:s18+$0xFFFFFFF0];
	v7 =	vmul.f32 v20, v7;
	v9 =	vmul.f32 $1.442695020e+00, v6;
	v6 =	vpop (erf)  }
0x3fc: {  	v22 =	vld [tilespmem:s13+$0xFFFFFFF0];
	v19 =	vadd.f32 $1.000000000e+00, v6  }
0x3fd: {  	v27 =	vld [tilespmem:s18+$0xFFFFFFB0];
	v7 =	vmul.f32 $1.442695020e+00, v7;
	(erf) = vpow2.f32 v9  }
0x3fe: {  	v17 =	vadd.f32 $1.000000000e+00, v17;
	v10 =	vld [tilespmem:s13+$0xFFFFFFB0];
	v9 =	vadd.f32 v28, v24;
	(erf) = vrcp.f32 v19  }
0x3ff: {  	v1 =	vmul.f32 v16, v1;
	(erf) = vpow2.f32 v7  }
0x400: {  	[tilespmem:s18+$0x0] =	vst v14;
	v4 =	vmul.f32 v25, v4;
	v25 =	vld [tilespmem:s18+$0x70];
	v14 =	vsub.f32 $0.0e+00, v9;
	v20 =	vpop (erf);
	(erf) = vrcp.f32 v17  }
0x401: {  	v1 =	vmul.f32 $1.442695020e+00, v1;
	v2 =	vmul.f32 v18, v2;
	v6 =	vadd.f32 v22, v26;
	v22 =	vld [tilespmem:s18+$0x10];
	v24 =	vpop (erf)  }
0x402: {  	[tilespmem:s18+$0x60] =	vst v29;
	v14 =	vmul.f32 $1.442695020e+00, v14;
	v7 =	vld [tilespmem:s13+$0x10];
	v11 =	vmul.f32 v24, v11  }
0x403: {  	v10 =	vadd.f32 v10, v27;
	v4 =	vmul.f32 $1.442695020e+00, v4;
	v2 =	vmul.f32 $1.442695020e+00, v2;
	v17 =	vld [tilespmem:s13+$0x70]  }
0x404: {  	v16 =	vsub.f32 $0.0e+00, v6;
	v20 =	vmul.f32 v20, v21;
	(erf) = vpow2.f32 v14  }
0x405: {  	v19 =	vsub.f32 $0.0e+00, v10;
	(erf) = vpow2.f32 v1;
	v1 =	vmul.f32 $1.442695020e+00, v11  }
0x406: {  	v16 =	vmul.f32 $1.442695020e+00, v16;
	(erf) = vpow2.f32 v4;
	v11 =	vpop (erf)  }
0x407: {  	v19 =	vmul.f32 $1.442695020e+00, v19;
	v7 =	vadd.f32 v7, v22;
	(erf) = vpow2.f32 v1;
	v4 =	vpop (erf)  }
0x408: {  	(erf) = vpow2.f32 v16;
	v1 =	vmul.f32 v4, v8;
	v4 =	vadd.f32 v17, v25;
	v14 =	vpop (erf)  }
0x409: {  	v16 =	vsub.f32 $0.0e+00, v7;
	v8 =	vmul.f32 $1.442695020e+00, v20;
	(erf) = vpow2.f32 v2;
	v17 =	vpop (erf)  }
0x40a: {  	v1 =	vmul.f32 $1.442695020e+00, v1;
	v2 =	vsub.f32 $0.0e+00, v4;
	v3 =	vmul.f32 v17, v3  }
0x40b: {  	(erf) = vpow2.f32 v8;
	v8 =	vmul.f32 $1.442695020e+00, v16  }
0x40c: {  	(erf) = vpow2.f32 v1;
	v1 =	vmul.f32 $1.442695020e+00, v2  }
0x40d: {  	v3 =	vmul.f32 $1.442695020e+00, v3;
	(erf) = vpow2.f32 v19  }
0x40e: {  	v2 =	vpop (erf);
	(erf) = vpow2.f32 v8  }
0x40f: {  	v8 =	vpop (erf);
	(erf) = vpow2.f32 v1  }
0x410: {  	v1 =	vpop (erf);
	(erf) = vpow2.f32 v3  }
0x411: {  	v3 =	vpop (erf)  }
0x412: {  	v2 =	vadd.f32 $1.000000000e+00, v2;
	[tilespmem:s18+$0xFFFFFFC0] =	vst v8;
	v8 =	vld [tilespmem:s18+$0xFFFFFFD0];
	v16 =	vpop (erf)  }
0x413: {  	v17 =	vld [tilespmem:s13+$0xFFFFFFD0];
	v18 =	vpop (erf)  }
0x414: {  	v19 =	vpop (erf)  }
0x415: {  	v20 =	vpop (erf)  }
0x416: {  	[tilespmem:s18+$0x20] =	vst v23;
	(erf) = vrcp.f32 v2;
	v2 =	vpop (erf)  }
0x417: {  	v23 =	vld [tilespmem:s13+$0x30];
	v22 =	vpop (erf)  }
0x418: {  	v21 =	vld [tilespmem:s18+$0x30];
	v8 =	vadd.f32 v17, v8;
	v17 =	vpop (erf)  }
0x419: {  	v25 =	vpop (erf)  }
0x41a: {  	v24 =	vld [tilespmem:s18+$0x50];
	v26 =	vsub.f32 $0.0e+00, v8;
	[tilespmem:s18+$0x40] =	vst v25  }
0x41b: {  	v25 =	vld [tilespmem:s13+$0x50]  }
0x41c: {  	v26 =	vmul.f32 $1.442695020e+00, v26  }
0x41d: {  	v21 =	vadd.f32 v23, v21;
	v22 =	vadd.f32 $1.000000000e+00, v22  }
0x41e: {  	v17 =	vadd.f32 $1.000000000e+00, v17;
	(erf) = vpow2.f32 v26  }
0x41f: {  	v23 =	vsub.f32 $0.0e+00, v21;
	(erf) = vrcp.f32 v22  }
0x420: {  	v2 =	vadd.f32 $1.000000000e+00, v2;
	v26 =	vpop (erf);
	(erf) = vrcp.f32 v17;
	v17 =	vadd.f32 v25, v24  }
0x421: {  	v16 =	vadd.f32 $1.000000000e+00, v16;
	v9 =	vmul.f32 v26, v9  }
0x422: {  	v22 =	vmul.f32 $1.442695020e+00, v23;
	(erf) = vrcp.f32 v2;
	v2 =	vsub.f32 $0.0e+00, v17  }
0x423: {  	(erf) = vrcp.f32 v16;
	v9 =	vmul.f32 $1.442695020e+00, v9  }
0x424: {  	(erf) = vpow2.f32 v22;
	v2 =	vmul.f32 $1.442695020e+00, v2;
	_ =	sdelay $0x1  }
0x425: {  	(erf) = vpow2.f32 v9  }
0x426: {  	(erf) = vpow2.f32 v2  }
0x427: {  	v2 =	vpop (erf)  }
0x428: {  	v9 =	vpop (erf)  }
0x429: {  	v16 =	vpop (erf)  }
0x42a: {  	v2 =	vadd.f32 $1.000000000e+00, v2;
	v22 =	vpop (erf)  }
0x42b: {  	v23 =	vpop (erf)  }
0x42c: {  	v24 =	vpop (erf)  }
0x42d: {  	v7 =	vmul.f32 v9, v7;
	v24 =	vadd.f32 $1.000000000e+00, v24  }
0x42e: {  	(erf) = vrcp.f32 v2;
	v2 =	vpop (erf)  }
0x42f: {  	v7 =	vmul.f32 $1.442695020e+00, v7;
	v9 =	vpop (erf);
	(erf) = vrcp.f32 v24  }
0x430: {  	v9 =	vadd.f32 $1.000000000e+00, v9  }
0x431: {  	(erf) = vpow2.f32 v7  }
0x432: {  	(erf) = vrcp.f32 v9;
	_ =	sdelay $0x2  }
0x433: {  	v7 =	vmul.f32 v22, v10  }
0x434: {  	v4 =	vmul.f32 v16, v4  }
0x435: {  	v7 =	vmul.f32 $1.442695020e+00, v7;
	v9 =	vpop (erf)  }
0x436: {  	[tilespmem:s0+$0xFFFFFFF0] =	vst v13;
	v4 =	vmul.f32 $1.442695020e+00, v4;
	v10 =	vpop (erf)  }
0x437: {  	[tilespmem:s0+$0xFFFFFFD0] =	vst v12;
	v8 =	vmul.f32 v9, v8;
	v9 =	vmul.f32 v10, v21  }
0x438: {  	[tilespmem:s0+$0x50] =	vst v15;
	(erf) = vpow2.f32 v4;
	v4 =	vmul.f32 v23, v6;
	v6 =	vpop (erf)  }
0x439: {  	[tilespmem:s10+$0xFFFFFF90] =	vst v5;
	(erf) = vpow2.f32 v7;
	v7 =	vpop (erf);
	v5 =	vmul.f32 $1.442695020e+00, v9  }
0x43a: {  	[tilespmem:s10+$0x10] =	vst v11;
	v4 =	vmul.f32 $1.442695020e+00, v4;
	v7 =	vmul.f32 v7, v17  }
0x43b: {  	[tilespmem:s10+$0x70] =	vst v14;
	v8 =	vmul.f32 $1.442695020e+00, v8;
	(erf) = vpow2.f32 v5  }
0x43c: {  	[tilespmem:s10+$0xFFFFFFB0] =	vst v1;
	v1 =	vmul.f32 $1.442695020e+00, v7;
	(erf) = vpow2.f32 v4  }
0x43d: {  	[tilespmem:s10+$0x30] =	vst v3;
	(erf) = vpow2.f32 v8  }
0x43e: {  	[tilespmem:s10+$0xFFFFFFF0] =	vst v18;
	(erf) = vpow2.f32 v1  }
0x43f: {  	[tilespmem:s10+$0xFFFFFFD0] =	vst v19  }
0x440: {  	[tilespmem:s10+$0x50] =	vst v20  }
0x441: {  	[tilespmem:s18+$0xFFFFFF90] =	vst v2  }
0x442: {  	[tilespmem:s18+$0x10] =	vst v6;
	v1 =	vpop (erf)  }
0x443: {  	[tilespmem:s18+$0x70] =	vst v1;
	v1 =	vpop (erf)  }
0x444: {  	[tilespmem:s18+$0xFFFFFFB0] =	vst v1;
	v1 =	vpop (erf)  }
0x445: {  	[tilespmem:s18+$0x30] =	vst v1;
	v1 =	vpop (erf)  }
0x446: {  	s17 =	sshll.u32 s30, $0x2;
	[tilespmem:s18+$0xFFFFFFF0] =	vst v1;
	v1 =	vpop (erf)  }
0x447: {  	s0 =	sand.u32 $0x1FFFFFC0, s17;
	[tilespmem:s18+$0xFFFFFFD0] =	vst v1;
	v1 =	vpop (erf)  }
0x448: {  	s1 =	simm.s32 $0x1720;
	s0 =	sadd.s32 s8, s0;
	[tilespmem:s18+$0x50] =	vst v1  }
0x449: {  	[hbm4b:s0+s2] =	stream.linear.scatter [tilespmem:s1], [sflag:$0xB], $0xA00, $0x38;
	[tilespmem:$0xCE40] =	vst v63  }
0x44a: {  	s19 =	simm.s32 $0x230  }
0x44b: {  	[spmem:s22] =	stream.indirect.scatter.add.f32 [tilespmem:s1], [sflag:$0xC], $0x20, s19, s26, $0xb8;
	[tilespmem:$0xCE40] =	vst v63  }
0x44c: {  	_ =	swait.ge [sflag:s24], $0xA00  }
0x44d: {  	[sflag:s24] =	ssyncset.done $0x0  }
0x44e: {  	s20 =	simm.s32 $0x9;
	[sflag:s24] =	ssyncadd.s32 $0xFFFFF600  }
0x44f: {  	_ =	swait.ge [sflag:s20], $0xA00  }
0x450: {  	[sflag:s20] =	ssyncset.done $0x0  }
0x451: {  	[sflag:s20] =	ssyncadd.s32 $0xFFFFF600  }
0x452: {  	_ =	swait.ge [sflag:s20], $0xA00  }
0x453: {  	[sflag:s20] =	ssyncset.done $0x0  }
0x454: {  	s0 =	simm.s32 $0x21A0;
	[sflag:s20] =	ssyncadd.s32 $0xFFFFF600  }
0x455: {  	s30 =	simm.s32 $0x53A0;
	v1 =	vld [tilespmem:s0+$0x60]  }
0x456: {  	v2 =	vld [tilespmem:s30+$0x60];
	_ =	sdelay $0x1  }
0x457: {  	v3 =	vld [tilespmem:s30+$0x20]  }
0x458: {  	v4 =	vld [tilespmem:s30+$0x0]  }
0x459: {  	v5 =	vld [tilespmem:s0+$0x20]  }
0x45a: {  	v6 =	vld [tilespmem:s30+$0xFFFFFFE0];
	v1 =	vadd.f32 v2, v1  }
0x45b: {  	v2 =	vld [tilespmem:s0+$0x0]  }
0x45c: {  	v8 =	vld [tilespmem:s0+$0xFFFFFFE0];
	v7 =	vsub.f32 $0.0e+00, v1;
	_ =	sdelay $0x1  }
0x45d: {  	v9 =	vld [tilespmem:s30+$0xFFFFFFA0];
	v7 =	vmul.f32 $1.442695020e+00, v7  }
0x45e: {  	v10 =	vld [tilespmem:s30+$0xFFFFFF80];
	v3 =	vadd.f32 v3, v5  }
0x45f: {  	v5 =	vld [tilespmem:s0+$0xFFFFFFA0];
	v2 =	vadd.f32 v4, v2;
	(erf) = vpow2.f32 v7  }
0x460: {  	v6 =	vadd.f32 v6, v8;
	v4 =	vsub.f32 $0.0e+00, v3;
	v7 =	vld [tilespmem:s0+$0xFFFFFF80]  }
0x461: {  	v8 =	vsub.f32 $0.0e+00, v2  }
0x462: {  	v11 =	vsub.f32 $0.0e+00, v6;
	v4 =	vmul.f32 $1.442695020e+00, v4  }
0x463: {  	v8 =	vmul.f32 $1.442695020e+00, v8  }
0x464: {  	v9 =	vadd.f32 v9, v5;
	v5 =	vmul.f32 $1.442695020e+00, v11;
	(erf) = vpow2.f32 v4  }
0x465: {  	v4 =	vld [tilespmem:s0+$0xFFFFFFC0];
	v7 =	vadd.f32 v10, v7;
	(erf) = vpow2.f32 v8  }
0x466: {  	v10 =	vsub.f32 $0.0e+00, v9;
	v8 =	vld [tilespmem:s30+$0xFFFFFFC0];
	(erf) = vpow2.f32 v5  }
0x467: {  	v5 =	vsub.f32 $0.0e+00, v7  }
0x468: {  	v10 =	vmul.f32 $1.442695020e+00, v10;
	v11 =	vpop (erf)  }
0x469: {  	v5 =	vmul.f32 $1.442695020e+00, v5;
	v11 =	vadd.f32 $1.000000000e+00, v11  }
0x46a: {  	(erf) = vpow2.f32 v10  }
0x46b: {  	v10 =	vadd.f32 v8, v4;
	(erf) = vrcp.f32 v11  }
0x46c: {  	(erf) = vpow2.f32 v5  }
0x46d: {  	v4 =	vsub.f32 $0.0e+00, v10;
	v5 =	vpop (erf)  }
0x46e: {  	v8 =	vpop (erf)  }
0x46f: {  	v4 =	vmul.f32 $1.442695020e+00, v4;
	v11 =	vpop (erf)  }
0x470: {  	v11 =	vadd.f32 $1.000000000e+00, v11  }
0x471: {  	(erf) = vpow2.f32 v4  }
0x472: {  	v4 =	vadd.f32 $1.000000000e+00, v8;
	(erf) = vrcp.f32 v11  }
0x473: {  	v8 =	vpop (erf)  }
0x474: {  	v12 =	vld [tilespmem:s30+$0x40];
	(erf) = vrcp.f32 v4;
	v11 =	vpop (erf)  }
0x475: {  	v13 =	vld [tilespmem:s0+$0x40];
	v4 =	vadd.f32 $1.000000000e+00, v8;
	v8 =	vpop (erf)  }
0x476: {  	v8 =	vadd.f32 $1.000000000e+00, v8  }
0x477: {  	(erf) = vrcp.f32 v4  }
0x478: {  	(erf) = vrcp.f32 v8;
	_ =	sdelay $0x1  }
0x479: {  	v4 =	vadd.f32 $1.000000000e+00, v5;
	v5 =	vadd.f32 v12, v13;
	v8 =	vpop (erf)  }
0x47a: {  	v12 =	vpop (erf)  }
0x47b: {  	(erf) = vrcp.f32 v4;
	v4 =	vmul.f32 v12, v6;
	v12 =	vsub.f32 $0.0e+00, v5  }
0x47c: {  	v6 =	vpop (erf)  }
0x47d: {  	s11 =	simm.s32 $0x54A0;
	v2 =	vmul.f32 v6, v2  }
0x47e: {  	s10 =	simm.s32 $0x22A0;
	v15 =	vld [tilespmem:s11+$0x60];
	v4 =	vmul.f32 $1.442695020e+00, v4  }
0x47f: {  	v13 =	vld [tilespmem:s10+$0x60];
	v6 =	vmul.f32 $1.442695020e+00, v12;
	v2 =	vmul.f32 $1.442695020e+00, v2;
	v12 =	vpop (erf)  }
0x480: {  	(erf) = vpow2.f32 v4;
	v14 =	vpop (erf);
	v9 =	vmul.f32 v12, v9  }
0x481: {  	v4 =	vadd.f32 $1.000000000e+00, v8;
	(erf) = vpow2.f32 v2;
	v7 =	vmul.f32 v14, v7  }
0x482: {  	(erf) = vpow2.f32 v6;
	v8 =	vmul.f32 $1.442695020e+00, v9  }
0x483: {  	v16 =	vld [tilespmem:s11+$0xFFFFFFC0];
	(erf) = vrcp.f32 v4;
	v7 =	vmul.f32 $1.442695020e+00, v7  }
0x484: {  	v18 =	vld [tilespmem:s11+$0xFFFFFFA0];
	(erf) = vpow2.f32 v8;
	v8 =	vadd.f32 v15, v13  }
0x485: {  	v12 =	vld [tilespmem:s11+$0x20];
	(erf) = vpow2.f32 v7  }
0x486: {  	v6 =	vld [tilespmem:s11+$0x0];
	v9 =	vpop (erf);
	v13 =	vsub.f32 $0.0e+00, v8  }
0x487: {  	v14 =	vld [tilespmem:s10+$0x0];
	v3 =	vmul.f32 v9, v3  }
0x488: {  	v4 =	vld [tilespmem:s10+$0x20];
	v13 =	vmul.f32 $1.442695020e+00, v13  }
0x489: {  	v7 =	vld [tilespmem:s11+$0xFFFFFFE0];
	v3 =	vmul.f32 $1.442695020e+00, v3;
	v17 =	vpop (erf)  }
0x48a: {  	v9 =	vld [tilespmem:s10+$0xFFFFFFE0];
	v19 =	vpop (erf)  }
0x48b: {  	v15 =	vld [tilespmem:s10+$0xFFFFFFC0];
	(erf) = vpow2.f32 v3;
	v21 =	vpop (erf)  }
0x48c: {  	v20 =	vld [tilespmem:s10+$0xFFFFFFA0];
	(erf) = vpow2.f32 v13;
	v13 =	vpop (erf)  }
0x48d: {  	v2 =	vld [tilespmem:s10+$0xFFFFFF80];
	v22 =	vadd.f32 v6, v14;
	v4 =	vadd.f32 v12, v4;
	v6 =	vpop (erf)  }
0x48e: {  	v1 =	vmul.f32 v11, v1;
	v12 =	vld [tilespmem:s11+$0xFFFFFF80];
	v14 =	vpop (erf)  }
0x48f: {  	v11 =	vsub.f32 $0.0e+00, v4;
	v9 =	vadd.f32 v7, v9;
	v7 =	vld [tilespmem:s0+$0xFFFFFF90];
	[tilespmem:s0+$0xFFFFFF80] =	vst v14  }
0x490: {  	v1 =	vmul.f32 $1.442695020e+00, v1;
	v23 =	vsub.f32 $0.0e+00, v22;
	v3 =	vadd.f32 v16, v15;
	v16 =	vld [tilespmem:s30+$0xFFFFFF90]  }
0x491: {  	v11 =	vmul.f32 $1.442695020e+00, v11;
	v14 =	vsub.f32 $0.0e+00, v9  }
0x492: {  	v15 =	vadd.f32 v18, v20;
	v18 =	vmul.f32 $1.442695020e+00, v23;
	(erf) = vpow2.f32 v1  }
0x493: {  	(erf) = vpow2.f32 v11;
	v1 =	vmul.f32 $1.442695020e+00, v14  }
0x494: {  	v12 =	vadd.f32 v12, v2;
	v2 =	vsub.f32 $0.0e+00, v15;
	(erf) = vpow2.f32 v18  }
0x495: {  	v11 =	vsub.f32 $0.0e+00, v3;
	v20 =	vpop (erf);
	(erf) = vpow2.f32 v1;
	v1 =	vadd.f32 v16, v7  }
0x496: {  	v2 =	vmul.f32 $1.442695020e+00, v2;
	v14 =	vsub.f32 $0.0e+00, v12;
	v18 =	vpop (erf)  }
0x497: {  	[tilespmem:s0+$0xFFFFFFA0] =	vst v6;
	v6 =	vmul.f32 $1.442695020e+00, v11;
	v7 =	vadd.f32 $1.000000000e+00, v18;
	v11 =	vsub.f32 $0.0e+00, v1  }
0x498: {  	[tilespmem:s0+$0xFFFFFFE0] =	vst v17;
	v17 =	vld [tilespmem:s0+$0xFFFFFFB0];
	v14 =	vmul.f32 $1.442695020e+00, v14;
	(erf) = vpow2.f32 v2  }
0x499: {  	v2 =	vld [tilespmem:s0+$0xFFFFFFF0];
	(erf) = vrcp.f32 v7;
	v11 =	vmul.f32 $1.442695020e+00, v11  }
0x49a: {  	v16 =	vld [tilespmem:s30+$0xFFFFFFF0];
	v7 =	vmul.f32 v13, v10;
	v10 =	vadd.f32 $1.000000000e+00, v21;
	(erf) = vpow2.f32 v14  }
0x49b: {  	v13 =	vld [tilespmem:s30+$0xFFFFFFB0];
	(erf) = vpow2.f32 v6;
	v6 =	vpop (erf)  }
0x49c: {  	v14 =	vld [tilespmem:s11+$0x40];
	(erf) = vrcp.f32 v10;
	v18 =	vpop (erf)  }
0x49d: {  	[tilespmem:s0+$0x0] =	vst v19;
	v7 =	vmul.f32 $1.442695020e+00, v7;
	v10 =	vld [tilespmem:s10+$0x40];
	(erf) = vpow2.f32 v11;
	v11 =	vpop (erf)  }
0x49e: {  	[tilespmem:s0+$0x60] =	vst v6;
	v6 =	vpop (erf)  }
0x49f: {  	v19 =	vld [tilespmem:s30+$0x10];
	(erf) = vpow2.f32 v7;
	v7 =	vadd.f32 v16, v2;
	v16 =	vadd.f32 $1.000000000e+00, v6  }
0x4a0: {  	v21 =	vld [tilespmem:s30+$0x70]  }
0x4a1: {  	v2 =	vld [tilespmem:s0+$0x10];
	v6 =	vadd.f32 v13, v17;
	v23 =	vpop (erf)  }
0x4a2: {  	v13 =	vld [tilespmem:s0+$0x70];
	v17 =	vadd.f32 $1.000000000e+00, v11;
	v11 =	vadd.f32 v14, v10;
	v10 =	vpop (erf)  }
0x4a3: {  	v23 =	vadd.f32 $1.000000000e+00, v23;
	(erf) = vrcp.f32 v16;
	v16 =	vpop (erf)  }
0x4a4: {  	v14 =	vsub.f32 $0.0e+00, v6;
	v16 =	vadd.f32 $1.000000000e+00, v16  }
0x4a5: {  	v24 =	vsub.f32 $0.0e+00, v7;
	(erf) = vrcp.f32 v17;
	v25 =	vpop (erf)  }
0x4a6: {  	v26 =	vmul.f32 $1.442695020e+00, v14;
	v14 =	vadd.f32 v19, v2;
	v19 =	vpop (erf);
	(erf) = vrcp.f32 v23  }
0x4a7: {  	v17 =	vmul.f32 $1.442695020e+00, v24;
	v2 =	vadd.f32 v21, v13;
	v13 =	vpop (erf);
	(erf) = vrcp.f32 v16  }
0x4a8: {  	v18 =	vadd.f32 $1.000000000e+00, v18;
	v8 =	vmul.f32 v10, v8;
	v21 =	vsub.f32 $0.0e+00, v14;
	v16 =	vpop (erf)  }
0x4a9: {  	v23 =	vsub.f32 $0.0e+00, v2;
	v5 =	vmul.f32 v19, v5;
	(erf) = vpow2.f32 v17;
	[tilespmem:s0+$0xFFFFFFC0] =	vst v16;
	v16 =	vld [tilespmem:s0+$0xFFFFFFD0]  }
0x4aa: {  	v17 =	vmul.f32 $1.442695020e+00, v21;
	(erf) = vrcp.f32 v18;
	v19 =	vld [tilespmem:s30+$0xFFFFFFD0]  }
0x4ab: {  	v18 =	vmul.f32 $1.442695020e+00, v23;
	(erf) = vpow2.f32 v26  }
0x4ac: {  	v24 =	vsub.f32 $0.0e+00, v11;
	v5 =	vmul.f32 $1.442695020e+00, v5;
	v21 =	vpop (erf);
	(erf) = vpow2.f32 v17  }
0x4ad: {  	v9 =	vmul.f32 v21, v9;
	(erf) = vpow2.f32 v18  }
0x4ae: {  	v24 =	vmul.f32 $1.442695020e+00, v24;
	v13 =	vadd.f32 $1.000000000e+00, v13;
	v17 =	vpop (erf);
	(erf) = vpow2.f32 v5  }
0x4af: {  	s13 =	simm.s32 $0x55A0;
	[tilespmem:s0+$0x20] =	vst v20;
	v17 =	vmul.f32 v17, v22;
	v10 =	vmul.f32 $1.442695020e+00, v9;
	v20 =	vpop (erf);
	v9 =	vadd.f32 v19, v16  }
0x4b0: {  	v30 =	vld [tilespmem:s13+$0xFFFFFFC0];
	(erf) = vrcp.f32 v13;
	v13 =	vadd.f32 $1.000000000e+00, v25;
	v16 =	vpop (erf);
	v15 =	vmul.f32 v20, v15  }
0x4b1: {  	v18 =	vld [tilespmem:s0+$0x30];
	v17 =	vmul.f32 $1.442695020e+00, v17;
	v12 =	vmul.f32 v16, v12;
	v16 =	vsub.f32 $0.0e+00, v9  }
0x4b2: {  	v5 =	vld [tilespmem:s30+$0x30];
	(erf) = vpow2.f32 v10;
	v15 =	vmul.f32 $1.442695020e+00, v15  }
0x4b3: {  	s18 =	simm.s32 $0x23A0;
	v23 =	vld [tilespmem:s13+$0x0];
	v10 =	vpop (erf);
	(erf) = vpow2.f32 v17;
	v16 =	vmul.f32 $1.442695020e+00, v16  }
0x4b4: {  	v21 =	vld [tilespmem:s18+$0x60];
	v22 =	vpop (erf);
	(erf) = vpow2.f32 v24;
	v12 =	vmul.f32 $1.442695020e+00, v12  }
0x4b5: {  	v19 =	vld [tilespmem:s13+$0x20];
	(erf) = vrcp.f32 v13;
	v13 =	vpop (erf)  }
0x4b6: {  	v20 =	vld [tilespmem:s13+$0x60];
	(erf) = vpow2.f32 v15;
	v15 =	vpop (erf)  }
0x4b7: {  	v18 =	vadd.f32 v5, v18;
	v24 =	vld [tilespmem:s18+$0x20];
	(erf) = vpow2.f32 v16;
	v16 =	vpop (erf)  }
0x4b8: {  	v25 =	vld [tilespmem:s0+$0x50];
	v4 =	vmul.f32 v22, v4;
	v15 =	vadd.f32 $1.000000000e+00, v15;
	(erf) = vpow2.f32 v12;
	v12 =	vpop (erf)  }
0x4b9: {  	v8 =	vmul.f32 $1.442695020e+00, v8;
	v10 =	vadd.f32 $1.000000000e+00, v10;
	v22 =	vld [tilespmem:s18+$0x0];
	v5 =	vadd.f32 $1.000000000e+00, v16;
	[tilespmem:s0+$0x40] =	vst v12  }
0x4ba: {  	v4 =	vmul.f32 $1.442695020e+00, v4;
	(erf) = vrcp.f32 v15;
	v15 =	vsub.f32 $0.0e+00, v18;
	v27 =	vld [tilespmem:s30+$0x50]  }
0x4bb: {  	v17 =	vld [tilespmem:s18+$0xFFFFFF80];
	v13 =	vadd.f32 $1.000000000e+00, v13;
	v26 =	vpop (erf);
	v12 =	vadd.f32 v20, v21;
	(erf) = vrcp.f32 v5  }
0x4bc: {  	v16 =	vld [tilespmem:s13+$0xFFFFFFE0];
	v21 =	vpop (erf);
	v15 =	vmul.f32 $1.442695020e+00, v15;
	v5 =	vadd.f32 v19, v24;
	(erf) = vpow2.f32 v4  }
0x4bd: {  	v20 =	vld [tilespmem:s18+$0xFFFFFFE0];
	v1 =	vmul.f32 v26, v1;
	v42 =	vpop (erf);
	v43 =	vsub.f32 $0.0e+00, v12;
	(erf) = vrcp.f32 v13  }
0x4be: {  	v4 =	vld [tilespmem:s18+$0xFFFFFFC0];
	v19 =	vpop (erf);
	v13 =	vadd.f32 v23, v22;
	v24 =	vsub.f32 $0.0e+00, v5;
	(erf) = vrcp.f32 v10  }
0x4bf: {  	v23 =	vld [tilespmem:s18+$0xFFFFFFA0];
	v22 =	vpop (erf);
	(erf) = vpow2.f32 v15;
	v15 =	vmul.f32 $1.442695020e+00, v43;
	v25 =	vadd.f32 v27, v25  }
0x4c0: {  	v31 =	vmul.f32 $1.442695020e+00, v1;
	v10 =	vld [tilespmem:s13+$0xFFFFFFA0];
	v26 =	vpop (erf);
	v44 =	vsub.f32 $0.0e+00, v13;
	v24 =	vmul.f32 $1.442695020e+00, v24  }
0x4c1: {  	v3 =	vmul.f32 v22, v3;
	v27 =	vld [tilespmem:s13+$0xFFFFFF80];
	v32 =	vpop (erf);
	(erf) = vpow2.f32 v15;
	v34 =	vsub.f32 $0.0e+00, v25  }
0x4c2: {  	v33 =	vpop (erf);
	v15 =	vadd.f32 v16, v20;
	v16 =	vmul.f32 $1.442695020e+00, v44;
	(erf) = vpow2.f32 v8  }
0x4c3: {  	v47 =	vld [tilespmem:s10+$0xFFFFFF90];
	v20 =	vpop (erf);
	(erf) = vpow2.f32 v31;
	v45 =	vmul.f32 $1.442695020e+00, v34  }
0x4c4: {  	v48 =	vld [tilespmem:s10+$0xFFFFFFF0];
	[tilespmem:s10+$0xFFFFFFE0] =	vst v21;
	v1 =	vadd.f32 v30, v4;
	v50 =	vadd.f32 $1.000000000e+00, v32;
	v4 =	vpop (erf);
	(erf) = vpow2.f32 v24  }
0x4c5: {  	v21 =	vld [tilespmem:s11+$0xFFFFFFF0];
	[tilespmem:s10+$0xFFFFFFA0] =	vst v26;
	v46 =	vsub.f32 $0.0e+00, v15;
	v8 =	vadd.f32 v10, v23;
	v23 =	vpop (erf);
	(erf) = vpow2.f32 v45  }
0x4c6: {  	v35 =	vld [tilespmem:s11+$0xFFFFFFB0];
	[tilespmem:s10+$0xFFFFFF80] =	vst v33;
	v14 =	vmul.f32 v20, v14;
	v24 =	vsub.f32 $0.0e+00, v1;
	v10 =	vadd.f32 v27, v17;
	v17 =	vpop (erf)  }
0x4c7: {  	v52 =	vld [tilespmem:s11+$0xFFFFFF90];
	v26 =	vmul.f32 $1.442695020e+00, v46;
	v49 =	vsub.f32 $0.0e+00, v8;
	v53 =	vmul.f32 v4, v2;
	v51 =	vpop (erf)  }
0x4c8: {  	v27 =	vld [tilespmem:s10+$0xFFFFFFB0];
	v14 =	vmul.f32 $1.442695020e+00, v14;
	v36 =	vsub.f32 $0.0e+00, v10;
	(erf) = vpow2.f32 v16;
	v16 =	vpop (erf)  }
0x4c9: {  	v29 =	vmul.f32 $1.442695020e+00, v49;
	(erf) = vrcp.f32 v50;
	v16 =	vadd.f32 $1.000000000e+00, v16  }
0x4ca: {  	v2 =	vadd.f32 v21, v48;
	(erf) = vpow2.f32 v26;
	v26 =	vmul.f32 $1.442695020e+00, v36;
	v4 =	vpop (erf)  }
0x4cb: {  	v24 =	vmul.f32 $1.442695020e+00, v24;
	(erf) = vrcp.f32 v16;
	v16 =	vadd.f32 $1.000000000e+00, v4;
	v21 =	vpop (erf)  }
0x4cc: {  	v17 =	vmul.f32 v17, v6;
	(erf) = vpow2.f32 v29;
	v20 =	vpop (erf)  }
0x4cd: {  	v6 =	vadd.f32 v52, v47;
	v4 =	vadd.f32 v35, v27;
	v27 =	vpop (erf);
	(erf) = vrcp.f32 v16  }
0x4ce: {  	v54 =	vld [tilespmem:s18+$0x40];
	v55 =	vmul.f32 $1.442695020e+00, v53;
	(erf) = vpow2.f32 v26;
	v26 =	vpop (erf)  }
0x4cf: {  	v16 =	vld [tilespmem:s13+$0x40];
	(erf) = vpow2.f32 v24;
	v24 =	vadd.f32 $1.000000000e+00, v26;
	v26 =	vsub.f32 $0.0e+00, v6  }
0x4d0: {  	(erf) = vpow2.f32 v14;
	v14 =	vmul.f32 $1.442695020e+00, v3  }
0x4d1: {  	v56 =	vpop (erf);
	v3 =	vadd.f32 $1.000000000e+00, v19;
	(erf) = vrcp.f32 v24;
	v24 =	vmul.f32 $1.442695020e+00, v26  }
0x4d2: {  	v19 =	vpop (erf);
	(erf) = vpow2.f32 v55  }
0x4d3: {  	[tilespmem:s10+$0x60] =	vst v21;
	v26 =	vpop (erf);
	(erf) = vrcp.f32 v3  }
0x4d4: {  	v17 =	vmul.f32 $1.442695020e+00, v17;
	v58 =	vld [tilespmem:s11+$0x70];
	v3 =	vadd.f32 v16, v54;
	v21 =	vpop (erf);
	(erf) = vpow2.f32 v24  }
0x4d5: {  	v26 =	vadd.f32 $1.000000000e+00, v26;
	v16 =	vmul.f32 v21, v18;
	v18 =	vld [tilespmem:s10+$0x70];
	v24 =	vpop (erf);
	(erf) = vpow2.f32 v14  }
0x4d6: {  	[tilespmem:s10+$0x0] =	vst v42;
	v59 =	vpop (erf);
	(erf) = vpow2.f32 v17;
	v17 =	vadd.f32 $1.000000000e+00, v56  }
0x4d7: {  	v28 =	vld [tilespmem:s11+$0x10];
	v22 =	vsub.f32 $0.0e+00, v2;
	v24 =	vadd.f32 $1.000000000e+00, v24;
	v16 =	vmul.f32 $1.442695020e+00, v16  }
0x4d8: {  	v9 =	vmul.f32 v19, v9;
	v19 =	vld [tilespmem:s10+$0x10];
	v60 =	vpop (erf);
	(erf) = vrcp.f32 v26  }
0x4d9: {  	v22 =	vmul.f32 $1.442695020e+00, v22;
	v26 =	vpop (erf);
	v30 =	vadd.f32 $1.000000000e+00, v60;
	(erf) = vpow2.f32 v16  }
0x4da: {  	v16 =	vmul.f32 v51, v7;
	(erf) = vrcp.f32 v17;
	v17 =	vpop (erf);
	v7 =	vadd.f32 v58, v18  }
0x4db: {  	v18 =	vmul.f32 $1.442695020e+00, v9;
	(erf) = vrcp.f32 v24;
	v24 =	vpop (erf)  }
0x4dc: {  	[tilespmem:s10+$0x20] =	vst v23;
	v16 =	vmul.f32 $1.442695020e+00, v16;
	(erf) = vrcp.f32 v30;
	v61 =	vpop (erf);
	v23 =	vsub.f32 $0.0e+00, v7  }
0x4dd: {  	v9 =	vadd.f32 v28, v19;
	v19 =	vmul.f32 v24, v25;
	(erf) = vpow2.f32 v22;
	v22 =	vpop (erf)  }
0x4de: {  	v27 =	vadd.f32 $1.000000000e+00, v27;
	v11 =	vmul.f32 v22, v11;
	v24 =	vpop (erf)  }
0x4df: {  	v57 =	vsub.f32 $0.0e+00, v4;
	(erf) = vpow2.f32 v16;
	v62 =	vmul.f32 $1.442695020e+00, v19;
	v22 =	vpop (erf)  }
0x4e0: {  	v25 =	vld [tilespmem:s10+$0x30];
	v19 =	vmul.f32 $1.442695020e+00, v23;
	(erf) = vrcp.f32 v27;
	v23 =	vpop (erf)  }
0x4e1: {  	[tilespmem:s0+$0xFFFFFF90] =	vst v20;
	v21 =	vmul.f32 $1.442695020e+00, v57;
	v14 =	vsub.f32 $0.0e+00, v3;
	v27 =	vld [tilespmem:s11+$0x30];
	(erf) = vpow2.f32 v18;
	v18 =	vpop (erf)  }
0x4e2: {  	v16 =	vsub.f32 $0.0e+00, v9;
	[tilespmem:s10+$0xFFFFFFC0] =	vst v22;
	(erf) = vpow2.f32 v62;
	v22 =	vmul.f32 v18, v15;
	v15 =	vld [tilespmem:s10+$0xFFFFFFD0]  }
0x4e3: {  	v14 =	vmul.f32 $1.442695020e+00, v14;
	[tilespmem:s0+$0x10] =	vst v17;
	(erf) = vpow2.f32 v21;
	v21 =	vld [tilespmem:s11+$0xFFFFFFD0]  }
0x4e4: {  	[tilespmem:s0+$0x70] =	vst v61;
	v63 =	vmul.f32 $1.442695020e+00, v16;
	v20 =	vmul.f32 $1.442695020e+00, v11;
	v11 =	vpop (erf)  }
0x4e5: {  	s16 =	simm.s32 $0x1720;
	v17 =	vadd.f32 $1.000000000e+00, v26;
	v16 =	vmul.f32 v59, v12;
	[tilespmem:s0+$0xFFFFFFB0] =	vst v23;
	v18 =	vadd.f32 $1.000000000e+00, v24;
	v12 =	vpop (erf)  }
0x4e6: {  	s14 =	simm.s32 $0x24A0;
	s1 =	simm.s32 $0x10;
	s19 =	simm.s32 $0x56A0;
	[tilespmem:s0+$0x30] =	vst v11;
	(erf) = vpow2.f32 v63;
	v24 =	vmul.f32 v12, v13;
	v23 =	vpop (erf);
	v11 =	vadd.f32 v27, v25  }
.LBB2_11:
0x4e7: {  	v12 =	vld [tilespmem:s14+$0x60];
	s1 =	sadd.s32 $0x8, s1;
	v25 =	vmul.f32 $1.442695020e+00, v22;
	v22 =	vpop (erf);
	(erf) = vpow2.f32 v19  }
0x4e8: {  	v19 =	vld [tilespmem:s19+$0x20];
	p1 =	slt.u32 s1, $0x48;
	v24 =	vmul.f32 $1.442695020e+00, v24;
	v15 =	vadd.f32 v21, v15;
	v21 =	vpop (erf);
	(erf) = vpow2.f32 v20  }
0x4e9: {  	v10 =	vmul.f32 v22, v10;
	v20 =	vld [tilespmem:s19+$0x60];
	v21 =	vadd.f32 $1.000000000e+00, v21;
	(erf) = vrcp.f32 v18;
	v18 =	vpop (erf)  }
0x4ea: {  	v8 =	vmul.f32 v23, v8;
	v22 =	vld [tilespmem:s14+$0xFFFFFF80];
	(erf) = vpow2.f32 v25;
	v13 =	vpop (erf);
	v23 =	vsub.f32 $0.0e+00, v15;
	[tilespmem:s0+$0xFFFFFFF0] =	vst v18  }
0x4eb: {  	v10 =	vmul.f32 $1.442695020e+00, v10;
	v18 =	vld [tilespmem:s19+$0x0];
	v13 =	vmul.f32 v13, v5;
	v5 =	vpop (erf)  }
0x4ec: {  	v8 =	vmul.f32 $1.442695020e+00, v8;
	v25 =	vld [tilespmem:s14+$0x20];
	(erf) = vpow2.f32 v24;
	[tilespmem:s0+$0xFFFFFFD0] =	vst v5  }
0x4ed: {  	v27 =	vmul.f32 $1.442695020e+00, v23;
	v24 =	vld [tilespmem:s14+$0x0];
	(erf) = vpow2.f32 v14;
	v14 =	vpop (erf)  }
0x4ee: {  	v12 =	vadd.f32 v20, v12;
	v20 =	vmul.f32 $1.442695020e+00, v16;
	(erf) = vrcp.f32 v17;
	v17 =	vld [tilespmem:s10+$0x50];
	v16 =	vpop (erf);
	[tilespmem:s0+$0x50] =	vst v14;
	s0 =	smov.u32 s10;
	s10 =	smov.u32 s18;
	s18 =	smov.u32 s14  }
0x4ef: {  	v14 =	vld [tilespmem:s19+$0xFFFFFFE0];
	(erf) = vpow2.f32 v8;
	v8 =	vadd.f32 $1.000000000e+00, v16;
	v16 =	vpop (erf)  }
0x4f0: {  	v23 =	vld [tilespmem:s14+$0xFFFFFFE0];
	v31 =	vsub.f32 $0.0e+00, v12;
	v16 =	vadd.f32 $1.000000000e+00, v16;
	(erf) = vpow2.f32 v27;
	v5 =	vpop (erf)  }
0x4f1: {  	v27 =	vld [tilespmem:s14+$0xFFFFFFC0];
	(erf) = vpow2.f32 v10;
	v10 =	vsub.f32 $0.0e+00, v11;
	v28 =	vadd.f32 $1.000000000e+00, v5;
	v29 =	vpop (erf)  }
0x4f2: {  	v5 =	vadd.f32 v19, v25;
	v30 =	vld [tilespmem:s19+$0xFFFFFFC0];
	v19 =	vmul.f32 $1.442695020e+00, v31;
	[tilespmem:s0+$0x40] =	vst v29;
	v25 =	vpop (erf);
	(erf) = vrcp.f32 v16  }
0x4f3: {  	v16 =	vmul.f32 $1.442695020e+00, v13;
	v26 =	vpop (erf);
	v29 =	vld [tilespmem:s11+$0x50];
	(erf) = vrcp.f32 v28;
	s11 =	smov.u32 s13;
	s13 =	smov.u32 s19  }
0x4f4: {  	v13 =	vadd.f32 v18, v24;
	v6 =	vmul.f32 v25, v6;
	v10 =	vmul.f32 $1.442695020e+00, v10;
	v28 =	vld [tilespmem:s19+$0xFFFFFFA0];
	[tilespmem:s10+$0xFFFFFFE0] =	vst v26  }
0x4f5: {  	v18 =	vsub.f32 $0.0e+00, v5;
	v24 =	vld [tilespmem:s14+$0xFFFFFFA0];
	v25 =	vpop (erf);
	(erf) = vpow2.f32 v16  }
0x4f6: {  	v31 =	vsub.f32 $0.0e+00, v13;
	v6 =	vmul.f32 $1.442695020e+00, v6;
	v26 =	vld [tilespmem:s19+$0xFFFFFF80];
	v32 =	vpop (erf);
	(erf) = vrcp.f32 v8  }
0x4f7: {  	v16 =	vadd.f32 v14, v23;
	v14 =	vmul.f32 $1.442695020e+00, v18;
	v23 =	vld [tilespmem:s11+$0xFFFFFFF0];
	v33 =	vpop (erf);
	(erf) = vrcp.f32 v21  }
0x4f8: {  	v21 =	vadd.f32 v30, v27;
	v27 =	vmul.f32 $1.442695020e+00, v31;
	v30 =	vpop (erf);
	(erf) = vpow2.f32 v10  }
0x4f9: {  	v31 =	vsub.f32 $0.0e+00, v16;
	v18 =	vadd.f32 v29, v17;
	(erf) = vpow2.f32 v19;
	v19 =	vld [tilespmem:s10+$0xFFFFFF90];
	v17 =	vpop (erf)  }
0x4fa: {  	v8 =	vadd.f32 v28, v24;
	v24 =	vsub.f32 $0.0e+00, v21;
	v28 =	vld [tilespmem:s10+$0xFFFFFFF0];
	v29 =	vpop (erf);
	(erf) = vpow2.f32 v20  }
0x4fb: {  	v20 =	vmul.f32 $1.442695020e+00, v31;
	v10 =	vadd.f32 v26, v22;
	[tilespmem:s10+$0xFFFFFFA0] =	vst v30;
	v22 =	vld [tilespmem:s10+$0xFFFFFFB0];
	v26 =	vsub.f32 $0.0e+00, v18;
	v30 =	vpop (erf)  }
0x4fc: {  	v31 =	vsub.f32 $0.0e+00, v8;
	v24 =	vmul.f32 $1.442695020e+00, v24;
	[tilespmem:s10+$0xFFFFFF80] =	vst v29;
	v29 =	vld [tilespmem:s11+$0xFFFFFFB0];
	(erf) = vpow2.f32 v6;
	v6 =	vpop (erf)  }
0x4fd: {  	v34 =	vsub.f32 $0.0e+00, v10;
	(erf) = vpow2.f32 v14;
	v14 =	vld [tilespmem:s11+$0xFFFFFF90];
	v26 =	vmul.f32 $1.442695020e+00, v26  }
0x4fe: {  	v36 =	vadd.f32 $1.000000000e+00, v17;
	v7 =	vmul.f32 v6, v7;
	v31 =	vmul.f32 $1.442695020e+00, v31;
	v35 =	vpop (erf)  }
0x4ff: {  	v34 =	vmul.f32 $1.442695020e+00, v34;
	v23 =	vadd.f32 v23, v28;
	v28 =	vpop (erf);
	(erf) = vpow2.f32 v26  }
0x500: {  	v26 =	vmul.f32 v33, v1;
	v1 =	vmov v21;
	(erf) = vpow2.f32 v27;
	v27 =	vpop (erf)  }
0x501: {  	v21 =	vadd.f32 v29, v22;
	v22 =	vsub.f32 $0.0e+00, v23;
	(erf) = vrcp.f32 v36;
	v17 =	vpop (erf)  }
0x502: {  	v29 =	vld [tilespmem:s19+$0x40];
	v33 =	vpop (erf);
	v6 =	vadd.f32 v14, v19;
	v14 =	vmul.f32 v28, v4;
	v36 =	vadd.f32 $1.000000000e+00, v17  }
0x503: {  	v9 =	vmul.f32 v30, v9;
	v17 =	vld [tilespmem:s14+$0x40];
	v19 =	vadd.f32 $1.000000000e+00, v33;
	(erf) = vpow2.f32 v20;
	[tilespmem:s10+$0x0] =	vst v25;
	v20 =	vpop (erf)  }
0x504: {  	v7 =	vmul.f32 $1.442695020e+00, v7;
	v4 =	vmovc v21;
	v25 =	vsub.f32 $0.0e+00, v6;
	v28 =	vld [tilespmem:s11+$0x10];
	(erf) = vrcp.f32 v36  }
0x505: {  	v22 =	vmul.f32 $1.442695020e+00, v22;
	v21 =	vsub.f32 $0.0e+00, v4;
	(erf) = vpow2.f32 v31;
	[tilespmem:s10+$0x60] =	vst v20;
	v20 =	vpop (erf)  }
0x506: {  	v9 =	vmul.f32 $1.442695020e+00, v9;
	v30 =	vpop (erf);
	(erf) = vrcp.f32 v19;
	v19 =	vld [tilespmem:s11+$0x70];
	[tilespmem:s0+$0xFFFFFF90] =	vst v20  }
0x507: {  	v20 =	vmul.f32 $1.442695020e+00, v26;
	(erf) = vpow2.f32 v34  }
0x508: {  	v26 =	vadd.f32 v29, v17;
	v17 =	vmul.f32 $1.442695020e+00, v25;
	v25 =	vmul.f32 $1.442695020e+00, v21;
	v21 =	vld [tilespmem:s10+$0x70];
	v29 =	vpop (erf)  }
0x509: {  	v31 =	vadd.f32 $1.000000000e+00, v32;
	(erf) = vpow2.f32 v24;
	v24 =	vpop (erf);
	v29 =	vadd.f32 $1.000000000e+00, v29  }
0x50a: {  	v33 =	vmul.f32 $1.442695020e+00, v14;
	v32 =	vsub.f32 $0.0e+00, v26;
	v14 =	vpop (erf);
	(erf) = vpow2.f32 v9  }
0x50b: {  	v9 =	vmul.f32 v14, v15;
	(erf) = vrcp.f32 v29  }
0x50c: {  	v14 =	vmul.f32 $1.442695020e+00, v32;
	v15 =	vpop (erf);
	(erf) = vpow2.f32 v7  }
0x50d: {  	v24 =	vadd.f32 $1.000000000e+00, v24;
	v29 =	vld [tilespmem:s10+$0x10];
	v7 =	vadd.f32 v19, v21;
	(erf) = vrcp.f32 v31;
	v19 =	vpop (erf)  }
0x50e: {  	v21 =	vadd.f32 $1.000000000e+00, v30;
	v30 =	vpop (erf);
	(erf) = vpow2.f32 v17;
	v11 =	vmul.f32 v19, v11  }
0x50f: {  	v32 =	vadd.f32 $1.000000000e+00, v15;
	v17 =	vmul.f32 v27, v2;
	v31 =	vpop (erf);
	(erf) = vpow2.f32 v20  }
0x510: {  	v19 =	vadd.f32 $1.000000000e+00, v30;
	v2 =	vpop (erf);
	v11 =	vmul.f32 $1.442695020e+00, v11;
	(erf) = vpow2.f32 v33  }
0x511: {  	v27 =	vmul.f32 $1.442695020e+00, v9;
	v20 =	vadd.f32 $1.000000000e+00, v2;
	(erf) = vrcp.f32 v32;
	v2 =	vmovc v23  }
0x512: {  	v23 =	vmul.f32 $1.442695020e+00, v17;
	v15 =	vpop (erf);
	v9 =	vadd.f32 v28, v29;
	(erf) = vpow2.f32 v11  }
0x513: {  	v11 =	vsub.f32 $0.0e+00, v7;
	v17 =	vadd.f32 $1.000000000e+00, v15;
	(erf) = vrcp.f32 v24;
	v15 =	vpop (erf)  }
0x514: {  	(erf) = vrcp.f32 v19;
	v24 =	vsub.f32 $0.0e+00, v9;
	[tilespmem:s0+$0x10] =	vst v15;
	v15 =	vpop (erf)  }
0x515: {  	(erf) = vrcp.f32 v20;
	v15 =	vmul.f32 v15, v18;
	v18 =	vpop (erf)  }
0x516: {  	(erf) = vpow2.f32 v22;
	v19 =	vpop (erf);
	[tilespmem:s0+$0x70] =	vst v18  }
0x517: {  	[tilespmem:s10+$0x20] =	vst v35;
	v28 =	vld [tilespmem:s10+$0x30];
	v20 =	vmul.f32 v19, v3;
	v18 =	vpop (erf);
	(erf) = vpow2.f32 v23;
	v3 =	vmov v26  }
0x518: {  	v23 =	vmul.f32 $1.442695020e+00, v15;
	(erf) = vrcp.f32 v21;
	v18 =	vadd.f32 $1.000000000e+00, v18;
	v26 =	vld [tilespmem:s11+$0x30];
	v19 =	vpop (erf)  }
.Ltmp4:
0x519: {  	[tilespmem:s10+$0xFFFFFFC0] =	vst v19;
	v15 =	vld [tilespmem:s10+$0xFFFFFFD0];
	v19 =	vmul.f32 $1.442695020e+00, v11;
	v11 =	vpop (erf);
	(erf) = vpow2.f32 v27;
	(pc) =	sbr.rel @p1 .LBB2_11-.Ltmp4, $4  }
0x51a: {  	v27 =	vmul.f32 $1.442695020e+00, v24;
	v20 =	vmul.f32 $1.442695020e+00, v20;
	v22 =	vpop (erf);
	v21 =	vld [tilespmem:s11+$0xFFFFFFD0];
	[tilespmem:s0+$0xFFFFFFB0] =	vst v11  }
0x51b: {  	v22 =	vmul.f32 v22, v16;
	v11 =	vpop (erf);
	(erf) = vpow2.f32 v23  }
0x51c: {  	v16 =	vmul.f32 v31, v12;
	v12 =	vpop (erf);
	(erf) = vpow2.f32 v25;
	[tilespmem:s0+$0x30] =	vst v11  }
0x51d: {  	s19 =	sadd.s32 $0x100, s19;
	s14 =	sadd.s32 $0x100, s14;
	v24 =	vmul.f32 v12, v13;
	v23 =	vpop (erf);
	v11 =	vadd.f32 v26, v28;
	(erf) = vpow2.f32 v27  }
0x51e: {  	(erf) = vpow2.f32 v19  }
0x51f: {  	v19 =	vpop (erf);
	(erf) = vpow2.f32 v20  }
0x520: {  	v20 =	vpop (erf)  }
0x521: {  	v13 =	vpop (erf)  }
0x522: {  	v22 =	vmul.f32 $1.442695020e+00, v22;
	v25 =	vpop (erf)  }
0x523: {  	v24 =	vmul.f32 $1.442695020e+00, v24;
	v21 =	vadd.f32 v21, v15;
	(erf) = vrcp.f32 v18;
	v12 =	vpop (erf)  }
0x524: {  	v8 =	vmul.f32 v23, v8;
	(erf) = vpow2.f32 v22;
	v15 =	vpop (erf)  }
0x525: {  	v10 =	vmul.f32 v19, v10;
	v19 =	vsub.f32 $0.0e+00, v21;
	(erf) = vpow2.f32 v24;
	v18 =	vpop (erf)  }
0x526: {  	v8 =	vmul.f32 $1.442695020e+00, v8;
	(erf) = vpow2.f32 v14;
	v22 =	vpop (erf)  }
0x527: {  	v19 =	vmul.f32 $1.442695020e+00, v19;
	(erf) = vrcp.f32 v17;
	v14 =	vpop (erf)  }
0x528: {  	v10 =	vmul.f32 $1.442695020e+00, v10;
	(erf) = vpow2.f32 v8;
	v23 =	vpop (erf)  }
0x529: {  	v5 =	vmul.f32 v25, v5;
	v17 =	vld [tilespmem:s10+$0x50];
	v8 =	vadd.f32 $1.000000000e+00, v22;
	(erf) = vpow2.f32 v19;
	[tilespmem:s10+$0x40] =	vst v23  }
0x52a: {  	(erf) = vpow2.f32 v10;
	v10 =	vadd.f32 $1.000000000e+00, v14;
	v14 =	vsub.f32 $0.0e+00, v11;
	v19 =	vld [tilespmem:s11+$0x50]  }
0x52b: {  	v5 =	vmul.f32 $1.442695020e+00, v5;
	(erf) = vrcp.f32 v8  }
0x52c: {  	v8 =	vadd.f32 $1.000000000e+00, v18;
	v18 =	vpop (erf);
	(erf) = vrcp.f32 v10  }
0x52d: {  	v10 =	vadd.f32 $1.000000000e+00, v20;
	v20 =	vpop (erf);
	v6 =	vmul.f32 v18, v6;
	(erf) = vpow2.f32 v5  }
0x52e: {  	v5 =	vmul.f32 $1.442695020e+00, v14;
	v14 =	vpop (erf);
	(erf) = vrcp.f32 v8  }
0x52f: {  	(erf) = vrcp.f32 v10;
	v10 =	vmul.f32 $1.442695020e+00, v16;
	v8 =	vadd.f32 v19, v17;
	v17 =	vpop (erf)  }
0x530: {  	v6 =	vmul.f32 $1.442695020e+00, v6;
	(erf) = vpow2.f32 v5;
	v16 =	vpop (erf)  }
0x531: {  	v18 =	vpop (erf)  }
0x532: {  	v5 =	vsub.f32 $0.0e+00, v8;
	v19 =	vpop (erf)  }
0x533: {  	(erf) = vpow2.f32 v10;
	v10 =	vpop (erf)  }
0x534: {  	v5 =	vmul.f32 $1.442695020e+00, v5;
	(erf) = vpow2.f32 v6;
	v6 =	vpop (erf)  }
0x535: {  	[tilespmem:s18+$0xFFFFFFE0] =	vst v20;
	v20 =	vpop (erf)  }
0x536: {  	(erf) = vpow2.f32 v5;
	v23 =	vpop (erf)  }
0x537: {  	v25 =	vpop (erf)  }
0x538: {  	[tilespmem:s18+$0xFFFFFFA0] =	vst v18;
	v18 =	vpop (erf)  }
0x539: {  	v5 =	vadd.f32 $1.000000000e+00, v19;
	v19 =	vpop (erf)  }
0x53a: {  	v19 =	vadd.f32 $1.000000000e+00, v19  }
0x53b: {  	v6 =	vmul.f32 v6, v9;
	(erf) = vrcp.f32 v5  }
0x53c: {  	v24 =	vld [tilespmem:s18+$0xFFFFFF90];
	[tilespmem:s18+$0xFFFFFF80] =	vst v10;
	(erf) = vrcp.f32 v19  }
0x53d: {  	v28 =	vld [tilespmem:s13+$0xFFFFFF90];
	v29 =	vpop (erf)  }
0x53e: {  	v5 =	vpop (erf)  }
0x53f: {  	v26 =	vld [tilespmem:s18+$0xFFFFFFF0];
	v7 =	vmul.f32 v20, v7;
	v9 =	vmul.f32 $1.442695020e+00, v6;
	v6 =	vpop (erf)  }
0x540: {  	v22 =	vld [tilespmem:s13+$0xFFFFFFF0];
	v19 =	vadd.f32 $1.000000000e+00, v6  }
0x541: {  	v27 =	vld [tilespmem:s18+$0xFFFFFFB0];
	v7 =	vmul.f32 $1.442695020e+00, v7;
	(erf) = vpow2.f32 v9  }
0x542: {  	v17 =	vadd.f32 $1.000000000e+00, v17;
	v10 =	vld [tilespmem:s13+$0xFFFFFFB0];
	v9 =	vadd.f32 v28, v24;
	(erf) = vrcp.f32 v19  }
0x543: {  	v1 =	vmul.f32 v16, v1;
	(erf) = vpow2.f32 v7  }
0x544: {  	[tilespmem:s18+$0x0] =	vst v14;
	v4 =	vmul.f32 v25, v4;
	v25 =	vld [tilespmem:s18+$0x70];
	v14 =	vsub.f32 $0.0e+00, v9;
	v20 =	vpop (erf);
	(erf) = vrcp.f32 v17  }
0x545: {  	v1 =	vmul.f32 $1.442695020e+00, v1;
	v2 =	vmul.f32 v18, v2;
	v6 =	vadd.f32 v22, v26;
	v22 =	vld [tilespmem:s18+$0x10];
	v24 =	vpop (erf)  }
0x546: {  	[tilespmem:s18+$0x60] =	vst v29;
	v14 =	vmul.f32 $1.442695020e+00, v14;
	v7 =	vld [tilespmem:s13+$0x10];
	v11 =	vmul.f32 v24, v11  }
0x547: {  	v10 =	vadd.f32 v10, v27;
	v4 =	vmul.f32 $1.442695020e+00, v4;
	v2 =	vmul.f32 $1.442695020e+00, v2;
	v17 =	vld [tilespmem:s13+$0x70]  }
0x548: {  	v16 =	vsub.f32 $0.0e+00, v6;
	v20 =	vmul.f32 v20, v21;
	(erf) = vpow2.f32 v14  }
0x549: {  	v19 =	vsub.f32 $0.0e+00, v10;
	(erf) = vpow2.f32 v1;
	v1 =	vmul.f32 $1.442695020e+00, v11  }
0x54a: {  	v16 =	vmul.f32 $1.442695020e+00, v16;
	(erf) = vpow2.f32 v4;
	v11 =	vpop (erf)  }
0x54b: {  	v19 =	vmul.f32 $1.442695020e+00, v19;
	v7 =	vadd.f32 v7, v22;
	(erf) = vpow2.f32 v1;
	v4 =	vpop (erf)  }
0x54c: {  	(erf) = vpow2.f32 v16;
	v1 =	vmul.f32 v4, v8;
	v4 =	vadd.f32 v17, v25;
	v14 =	vpop (erf)  }
0x54d: {  	v16 =	vsub.f32 $0.0e+00, v7;
	v8 =	vmul.f32 $1.442695020e+00, v20;
	(erf) = vpow2.f32 v2;
	v17 =	vpop (erf)  }
0x54e: {  	v1 =	vmul.f32 $1.442695020e+00, v1;
	v2 =	vsub.f32 $0.0e+00, v4;
	v3 =	vmul.f32 v17, v3  }
0x54f: {  	(erf) = vpow2.f32 v8;
	v8 =	vmul.f32 $1.442695020e+00, v16  }
0x550: {  	(erf) = vpow2.f32 v1;
	v1 =	vmul.f32 $1.442695020e+00, v2  }
0x551: {  	v3 =	vmul.f32 $1.442695020e+00, v3;
	(erf) = vpow2.f32 v19  }
0x552: {  	v2 =	vpop (erf);
	(erf) = vpow2.f32 v8  }
0x553: {  	v8 =	vpop (erf);
	(erf) = vpow2.f32 v1  }
0x554: {  	v1 =	vpop (erf);
	(erf) = vpow2.f32 v3  }
0x555: {  	v3 =	vpop (erf)  }
0x556: {  	v2 =	vadd.f32 $1.000000000e+00, v2;
	[tilespmem:s18+$0xFFFFFFC0] =	vst v8;
	v8 =	vld [tilespmem:s18+$0xFFFFFFD0];
	v16 =	vpop (erf)  }
0x557: {  	v17 =	vld [tilespmem:s13+$0xFFFFFFD0];
	v18 =	vpop (erf)  }
0x558: {  	v19 =	vpop (erf)  }
0x559: {  	v20 =	vpop (erf)  }
0x55a: {  	[tilespmem:s18+$0x20] =	vst v23;
	(erf) = vrcp.f32 v2;
	v2 =	vpop (erf)  }
0x55b: {  	v23 =	vld [tilespmem:s13+$0x30];
	v22 =	vpop (erf)  }
0x55c: {  	v21 =	vld [tilespmem:s18+$0x30];
	v8 =	vadd.f32 v17, v8;
	v17 =	vpop (erf)  }
0x55d: {  	v25 =	vpop (erf)  }
0x55e: {  	v24 =	vld [tilespmem:s18+$0x50];
	v26 =	vsub.f32 $0.0e+00, v8;
	[tilespmem:s18+$0x40] =	vst v25  }
0x55f: {  	v25 =	vld [tilespmem:s13+$0x50]  }
0x560: {  	v26 =	vmul.f32 $1.442695020e+00, v26  }
0x561: {  	v21 =	vadd.f32 v23, v21;
	v22 =	vadd.f32 $1.000000000e+00, v22  }
0x562: {  	v17 =	vadd.f32 $1.000000000e+00, v17;
	(erf) = vpow2.f32 v26  }
0x563: {  	v23 =	vsub.f32 $0.0e+00, v21;
	(erf) = vrcp.f32 v22  }
0x564: {  	v2 =	vadd.f32 $1.000000000e+00, v2;
	v26 =	vpop (erf);
	(erf) = vrcp.f32 v17;
	v17 =	vadd.f32 v25, v24  }
0x565: {  	v16 =	vadd.f32 $1.000000000e+00, v16;
	v9 =	vmul.f32 v26, v9  }
0x566: {  	v22 =	vmul.f32 $1.442695020e+00, v23;
	(erf) = vrcp.f32 v2;
	v2 =	vsub.f32 $0.0e+00, v17  }
0x567: {  	(erf) = vrcp.f32 v16;
	v9 =	vmul.f32 $1.442695020e+00, v9  }
0x568: {  	(erf) = vpow2.f32 v22;
	v2 =	vmul.f32 $1.442695020e+00, v2;
	_ =	sdelay $0x1  }
0x569: {  	(erf) = vpow2.f32 v9  }
0x56a: {  	(erf) = vpow2.f32 v2  }
0x56b: {  	v2 =	vpop (erf)  }
0x56c: {  	v9 =	vpop (erf)  }
0x56d: {  	v16 =	vpop (erf)  }
0x56e: {  	v2 =	vadd.f32 $1.000000000e+00, v2;
	v22 =	vpop (erf)  }
0x56f: {  	v23 =	vpop (erf)  }
0x570: {  	v24 =	vpop (erf)  }
0x571: {  	v7 =	vmul.f32 v9, v7;
	v24 =	vadd.f32 $1.000000000e+00, v24  }
0x572: {  	(erf) = vrcp.f32 v2;
	v2 =	vpop (erf)  }
0x573: {  	v7 =	vmul.f32 $1.442695020e+00, v7;
	v9 =	vpop (erf);
	(erf) = vrcp.f32 v24  }
0x574: {  	v9 =	vadd.f32 $1.000000000e+00, v9  }
0x575: {  	(erf) = vpow2.f32 v7  }
0x576: {  	(erf) = vrcp.f32 v9;
	_ =	sdelay $0x2  }
0x577: {  	v7 =	vmul.f32 v22, v10  }
0x578: {  	v4 =	vmul.f32 v16, v4  }
0x579: {  	v7 =	vmul.f32 $1.442695020e+00, v7;
	v9 =	vpop (erf)  }
0x57a: {  	[tilespmem:s0+$0xFFFFFFF0] =	vst v13;
	v4 =	vmul.f32 $1.442695020e+00, v4;
	v10 =	vpop (erf)  }
0x57b: {  	[tilespmem:s0+$0xFFFFFFD0] =	vst v12;
	v8 =	vmul.f32 v9, v8;
	v9 =	vmul.f32 v10, v21  }
0x57c: {  	[tilespmem:s0+$0x50] =	vst v15;
	(erf) = vpow2.f32 v4;
	v4 =	vmul.f32 v23, v6;
	v6 =	vpop (erf)  }
0x57d: {  	[tilespmem:s10+$0xFFFFFF90] =	vst v5;
	(erf) = vpow2.f32 v7;
	v7 =	vpop (erf);
	v5 =	vmul.f32 $1.442695020e+00, v9  }
0x57e: {  	[tilespmem:s10+$0x10] =	vst v11;
	v4 =	vmul.f32 $1.442695020e+00, v4;
	v7 =	vmul.f32 v7, v17  }
0x57f: {  	[tilespmem:s10+$0x70] =	vst v14;
	v8 =	vmul.f32 $1.442695020e+00, v8;
	(erf) = vpow2.f32 v5  }
0x580: {  	[tilespmem:s10+$0xFFFFFFB0] =	vst v1;
	v1 =	vmul.f32 $1.442695020e+00, v7;
	(erf) = vpow2.f32 v4  }
0x581: {  	[tilespmem:s10+$0x30] =	vst v3;
	(erf) = vpow2.f32 v8  }
0x582: {  	[tilespmem:s10+$0xFFFFFFF0] =	vst v18;
	(erf) = vpow2.f32 v1  }
0x583: {  	[tilespmem:s10+$0xFFFFFFD0] =	vst v19  }
0x584: {  	[tilespmem:s10+$0x50] =	vst v20  }
0x585: {  	[tilespmem:s18+$0xFFFFFF90] =	vst v2  }
0x586: {  	[tilespmem:s18+$0x10] =	vst v6;
	v1 =	vpop (erf)  }
0x587: {  	[tilespmem:s18+$0x70] =	vst v1;
	v1 =	vpop (erf)  }
0x588: {  	[tilespmem:s18+$0xFFFFFFB0] =	vst v1;
	v1 =	vpop (erf)  }
0x589: {  	[tilespmem:s18+$0x30] =	vst v1;
	v1 =	vpop (erf)  }
0x58a: {  	s20 =	sshll.u32 s28, $0x2;
	[tilespmem:s18+$0xFFFFFFF0] =	vst v1;
	v1 =	vpop (erf)  }
0x58b: {  	s0 =	sand.u32 $0x1FFFFFC0, s20;
	[tilespmem:s18+$0xFFFFFFD0] =	vst v1;
	v1 =	vpop (erf)  }
0x58c: {  	s1 =	simm.s32 $0x2120;
	s0 =	sadd.s32 s8, s0;
	[tilespmem:s18+$0x50] =	vst v1  }
0x58d: {  	[hbm4b:s0+s2] =	stream.linear.scatter [tilespmem:s1], [sflag:$0xB], $0xA00, $0x38;
	[tilespmem:$0xCE40] =	vst v63  }
0x58e: {  	s28 =	simm.s32 $0x280  }
0x58f: {  	[spmem:s22] =	stream.indirect.scatter.add.f32 [tilespmem:s1], [sflag:$0xC], $0x20, s28, s26, $0xb8;
	[tilespmem:$0xCE40] =	vst v63  }
0x590: {  	_ =	swait.ge [sflag:s24], $0xA00  }
0x591: {  	[sflag:s24] =	ssyncset.done $0x0  }
0x592: {  	[sflag:s24] =	ssyncadd.s32 $0xFFFFF600  }
0x593: {  	_ =	swait.ge [sflag:s29], $0xA00  }
0x594: {  	[sflag:s29] =	ssyncset.done $0x0  }
0x595: {  	[sflag:s29] =	ssyncadd.s32 $0xFFFFF600  }
0x596: {  	_ =	swait.ge [sflag:s29], $0xA00  }
0x597: {  	[sflag:s29] =	ssyncset.done $0x0  }
0x598: {  	s0 =	simm.s32 $0x2BA0;
	[sflag:s29] =	ssyncadd.s32 $0xFFFFF600  }
0x599: {  	s30 =	simm.s32 $0x5DA0;
	v1 =	vld [tilespmem:s0+$0x60]  }
0x59a: {  	v2 =	vld [tilespmem:s30+$0x60];
	_ =	sdelay $0x1  }
0x59b: {  	v3 =	vld [tilespmem:s30+$0x20]  }
0x59c: {  	v4 =	vld [tilespmem:s30+$0x0]  }
0x59d: {  	v5 =	vld [tilespmem:s0+$0x20]  }
0x59e: {  	v6 =	vld [tilespmem:s30+$0xFFFFFFE0];
	v1 =	vadd.f32 v2, v1  }
0x59f: {  	v2 =	vld [tilespmem:s0+$0x0]  }
0x5a0: {  	v8 =	vld [tilespmem:s0+$0xFFFFFFE0];
	v7 =	vsub.f32 $0.0e+00, v1;
	_ =	sdelay $0x1  }
0x5a1: {  	v9 =	vld [tilespmem:s30+$0xFFFFFFA0];
	v7 =	vmul.f32 $1.442695020e+00, v7  }
0x5a2: {  	v10 =	vld [tilespmem:s30+$0xFFFFFF80];
	v3 =	vadd.f32 v3, v5  }
0x5a3: {  	v5 =	vld [tilespmem:s0+$0xFFFFFFA0];
	v2 =	vadd.f32 v4, v2;
	(erf) = vpow2.f32 v7  }
0x5a4: {  	v6 =	vadd.f32 v6, v8;
	v4 =	vsub.f32 $0.0e+00, v3;
	v7 =	vld [tilespmem:s0+$0xFFFFFF80]  }
0x5a5: {  	v8 =	vsub.f32 $0.0e+00, v2  }
0x5a6: {  	v11 =	vsub.f32 $0.0e+00, v6;
	v4 =	vmul.f32 $1.442695020e+00, v4  }
0x5a7: {  	v8 =	vmul.f32 $1.442695020e+00, v8  }
0x5a8: {  	v9 =	vadd.f32 v9, v5;
	v5 =	vmul.f32 $1.442695020e+00, v11;
	(erf) = vpow2.f32 v4  }
0x5a9: {  	v4 =	vld [tilespmem:s0+$0xFFFFFFC0];
	v7 =	vadd.f32 v10, v7;
	(erf) = vpow2.f32 v8  }
0x5aa: {  	v10 =	vsub.f32 $0.0e+00, v9;
	v8 =	vld [tilespmem:s30+$0xFFFFFFC0];
	(erf) = vpow2.f32 v5  }
0x5ab: {  	v5 =	vsub.f32 $0.0e+00, v7  }
0x5ac: {  	v10 =	vmul.f32 $1.442695020e+00, v10;
	v11 =	vpop (erf)  }
0x5ad: {  	v5 =	vmul.f32 $1.442695020e+00, v5;
	v11 =	vadd.f32 $1.000000000e+00, v11  }
0x5ae: {  	(erf) = vpow2.f32 v10  }
0x5af: {  	v10 =	vadd.f32 v8, v4;
	(erf) = vrcp.f32 v11  }
0x5b0: {  	(erf) = vpow2.f32 v5  }
0x5b1: {  	v4 =	vsub.f32 $0.0e+00, v10;
	v5 =	vpop (erf)  }
0x5b2: {  	v8 =	vpop (erf)  }
0x5b3: {  	v4 =	vmul.f32 $1.442695020e+00, v4;
	v11 =	vpop (erf)  }
0x5b4: {  	v11 =	vadd.f32 $1.000000000e+00, v11  }
0x5b5: {  	(erf) = vpow2.f32 v4  }
0x5b6: {  	v4 =	vadd.f32 $1.000000000e+00, v8;
	(erf) = vrcp.f32 v11  }
0x5b7: {  	v8 =	vpop (erf)  }
0x5b8: {  	v12 =	vld [tilespmem:s30+$0x40];
	(erf) = vrcp.f32 v4;
	v11 =	vpop (erf)  }
0x5b9: {  	v13 =	vld [tilespmem:s0+$0x40];
	v4 =	vadd.f32 $1.000000000e+00, v8;
	v8 =	vpop (erf)  }
0x5ba: {  	v8 =	vadd.f32 $1.000000000e+00, v8  }
0x5bb: {  	(erf) = vrcp.f32 v4  }
0x5bc: {  	(erf) = vrcp.f32 v8;
	_ =	sdelay $0x1  }
0x5bd: {  	v4 =	vadd.f32 $1.000000000e+00, v5;
	v5 =	vadd.f32 v12, v13;
	v8 =	vpop (erf)  }
0x5be: {  	v12 =	vpop (erf)  }
0x5bf: {  	(erf) = vrcp.f32 v4;
	v4 =	vmul.f32 v12, v6;
	v12 =	vsub.f32 $0.0e+00, v5  }
0x5c0: {  	v6 =	vpop (erf)  }
0x5c1: {  	s11 =	simm.s32 $0x5EA0;
	v2 =	vmul.f32 v6, v2  }
0x5c2: {  	s10 =	simm.s32 $0x2CA0;
	v15 =	vld [tilespmem:s11+$0x60];
	v4 =	vmul.f32 $1.442695020e+00, v4  }
0x5c3: {  	v13 =	vld [tilespmem:s10+$0x60];
	v6 =	vmul.f32 $1.442695020e+00, v12;
	v2 =	vmul.f32 $1.442695020e+00, v2;
	v12 =	vpop (erf)  }
0x5c4: {  	(erf) = vpow2.f32 v4;
	v14 =	vpop (erf);
	v9 =	vmul.f32 v12, v9  }
0x5c5: {  	v4 =	vadd.f32 $1.000000000e+00, v8;
	(erf) = vpow2.f32 v2;
	v7 =	vmul.f32 v14, v7  }
0x5c6: {  	(erf) = vpow2.f32 v6;
	v8 =	vmul.f32 $1.442695020e+00, v9  }
0x5c7: {  	v16 =	vld [tilespmem:s11+$0xFFFFFFC0];
	(erf) = vrcp.f32 v4;
	v7 =	vmul.f32 $1.442695020e+00, v7  }
0x5c8: {  	v18 =	vld [tilespmem:s11+$0xFFFFFFA0];
	(erf) = vpow2.f32 v8;
	v8 =	vadd.f32 v15, v13  }
0x5c9: {  	v12 =	vld [tilespmem:s11+$0x20];
	(erf) = vpow2.f32 v7  }
0x5ca: {  	v6 =	vld [tilespmem:s11+$0x0];
	v9 =	vpop (erf);
	v13 =	vsub.f32 $0.0e+00, v8  }
0x5cb: {  	v14 =	vld [tilespmem:s10+$0x0];
	v3 =	vmul.f32 v9, v3  }
0x5cc: {  	v4 =	vld [tilespmem:s10+$0x20];
	v13 =	vmul.f32 $1.442695020e+00, v13  }
0x5cd: {  	v7 =	vld [tilespmem:s11+$0xFFFFFFE0];
	v3 =	vmul.f32 $1.442695020e+00, v3;
	v17 =	vpop (erf)  }
0x5ce: {  	v9 =	vld [tilespmem:s10+$0xFFFFFFE0];
	v19 =	vpop (erf)  }
0x5cf: {  	v15 =	vld [tilespmem:s10+$0xFFFFFFC0];
	(erf) = vpow2.f32 v3;
	v21 =	vpop (erf)  }
0x5d0: {  	v20 =	vld [tilespmem:s10+$0xFFFFFFA0];
	(erf) = vpow2.f32 v13;
	v13 =	vpop (erf)  }
0x5d1: {  	v2 =	vld [tilespmem:s10+$0xFFFFFF80];
	v22 =	vadd.f32 v6, v14;
	v4 =	vadd.f32 v12, v4;
	v6 =	vpop (erf)  }
0x5d2: {  	v1 =	vmul.f32 v11, v1;
	v12 =	vld [tilespmem:s11+$0xFFFFFF80];
	v14 =	vpop (erf)  }
0x5d3: {  	v11 =	vsub.f32 $0.0e+00, v4;
	v9 =	vadd.f32 v7, v9;
	v7 =	vld [tilespmem:s0+$0xFFFFFF90];
	[tilespmem:s0+$0xFFFFFF80] =	vst v14  }
0x5d4: {  	v1 =	vmul.f32 $1.442695020e+00, v1;
	v23 =	vsub.f32 $0.0e+00, v22;
	v3 =	vadd.f32 v16, v15;
	v16 =	vld [tilespmem:s30+$0xFFFFFF90]  }
0x5d5: {  	v11 =	vmul.f32 $1.442695020e+00, v11;
	v14 =	vsub.f32 $0.0e+00, v9  }
0x5d6: {  	v15 =	vadd.f32 v18, v20;
	v18 =	vmul.f32 $1.442695020e+00, v23;
	(erf) = vpow2.f32 v1  }
0x5d7: {  	(erf) = vpow2.f32 v11;
	v1 =	vmul.f32 $1.442695020e+00, v14  }
0x5d8: {  	v12 =	vadd.f32 v12, v2;
	v2 =	vsub.f32 $0.0e+00, v15;
	(erf) = vpow2.f32 v18  }
0x5d9: {  	v11 =	vsub.f32 $0.0e+00, v3;
	v20 =	vpop (erf);
	(erf) = vpow2.f32 v1;
	v1 =	vadd.f32 v16, v7  }
0x5da: {  	v2 =	vmul.f32 $1.442695020e+00, v2;
	v14 =	vsub.f32 $0.0e+00, v12;
	v18 =	vpop (erf)  }
0x5db: {  	[tilespmem:s0+$0xFFFFFFA0] =	vst v6;
	v6 =	vmul.f32 $1.442695020e+00, v11;
	v7 =	vadd.f32 $1.000000000e+00, v18;
	v11 =	vsub.f32 $0.0e+00, v1  }
0x5dc: {  	[tilespmem:s0+$0xFFFFFFE0] =	vst v17;
	v17 =	vld [tilespmem:s0+$0xFFFFFFB0];
	v14 =	vmul.f32 $1.442695020e+00, v14;
	(erf) = vpow2.f32 v2  }
0x5dd: {  	v2 =	vld [tilespmem:s0+$0xFFFFFFF0];
	(erf) = vrcp.f32 v7;
	v11 =	vmul.f32 $1.442695020e+00, v11  }
0x5de: {  	v16 =	vld [tilespmem:s30+$0xFFFFFFF0];
	v7 =	vmul.f32 v13, v10;
	v10 =	vadd.f32 $1.000000000e+00, v21;
	(erf) = vpow2.f32 v14  }
0x5df: {  	v13 =	vld [tilespmem:s30+$0xFFFFFFB0];
	(erf) = vpow2.f32 v6;
	v6 =	vpop (erf)  }
0x5e0: {  	v14 =	vld [tilespmem:s11+$0x40];
	(erf) = vrcp.f32 v10;
	v18 =	vpop (erf)  }
0x5e1: {  	[tilespmem:s0+$0x0] =	vst v19;
	v7 =	vmul.f32 $1.442695020e+00, v7;
	v10 =	vld [tilespmem:s10+$0x40];
	(erf) = vpow2.f32 v11;
	v11 =	vpop (erf)  }
0x5e2: {  	[tilespmem:s0+$0x60] =	vst v6;
	v6 =	vpop (erf)  }
0x5e3: {  	v19 =	vld [tilespmem:s30+$0x10];
	(erf) = vpow2.f32 v7;
	v7 =	vadd.f32 v16, v2;
	v16 =	vadd.f32 $1.000000000e+00, v6  }
0x5e4: {  	v21 =	vld [tilespmem:s30+$0x70]  }
0x5e5: {  	v2 =	vld [tilespmem:s0+$0x10];
	v6 =	vadd.f32 v13, v17;
	v23 =	vpop (erf)  }
0x5e6: {  	v13 =	vld [tilespmem:s0+$0x70];
	v17 =	vadd.f32 $1.000000000e+00, v11;
	v11 =	vadd.f32 v14, v10;
	v10 =	vpop (erf)  }
0x5e7: {  	v23 =	vadd.f32 $1.000000000e+00, v23;
	(erf) = vrcp.f32 v16;
	v16 =	vpop (erf)  }
0x5e8: {  	v14 =	vsub.f32 $0.0e+00, v6;
	v16 =	vadd.f32 $1.000000000e+00, v16  }
0x5e9: {  	v24 =	vsub.f32 $0.0e+00, v7;
	(erf) = vrcp.f32 v17;
	v25 =	vpop (erf)  }
0x5ea: {  	v26 =	vmul.f32 $1.442695020e+00, v14;
	v14 =	vadd.f32 v19, v2;
	v19 =	vpop (erf);
	(erf) = vrcp.f32 v23  }
0x5eb: {  	v17 =	vmul.f32 $1.442695020e+00, v24;
	v2 =	vadd.f32 v21, v13;
	v13 =	vpop (erf);
	(erf) = vrcp.f32 v16  }
0x5ec: {  	v18 =	vadd.f32 $1.000000000e+00, v18;
	v8 =	vmul.f32 v10, v8;
	v21 =	vsub.f32 $0.0e+00, v14;
	v16 =	vpop (erf)  }
0x5ed: {  	v23 =	vsub.f32 $0.0e+00, v2;
	v5 =	vmul.f32 v19, v5;
	(erf) = vpow2.f32 v17;
	[tilespmem:s0+$0xFFFFFFC0] =	vst v16;
	v16 =	vld [tilespmem:s0+$0xFFFFFFD0]  }
0x5ee: {  	v17 =	vmul.f32 $1.442695020e+00, v21;
	(erf) = vrcp.f32 v18;
	v19 =	vld [tilespmem:s30+$0xFFFFFFD0]  }
0x5ef: {  	v18 =	vmul.f32 $1.442695020e+00, v23;
	(erf) = vpow2.f32 v26  }
0x5f0: {  	v24 =	vsub.f32 $0.0e+00, v11;
	v5 =	vmul.f32 $1.442695020e+00, v5;
	v21 =	vpop (erf);
	(erf) = vpow2.f32 v17  }
0x5f1: {  	v9 =	vmul.f32 v21, v9;
	(erf) = vpow2.f32 v18  }
0x5f2: {  	v24 =	vmul.f32 $1.442695020e+00, v24;
	v13 =	vadd.f32 $1.000000000e+00, v13;
	v17 =	vpop (erf);
	(erf) = vpow2.f32 v5  }
0x5f3: {  	s13 =	simm.s32 $0x5FA0;
	[tilespmem:s0+$0x20] =	vst v20;
	v17 =	vmul.f32 v17, v22;
	v10 =	vmul.f32 $1.442695020e+00, v9;
	v20 =	vpop (erf);
	v9 =	vadd.f32 v19, v16  }
0x5f4: {  	v30 =	vld [tilespmem:s13+$0xFFFFFFC0];
	(erf) = vrcp.f32 v13;
	v13 =	vadd.f32 $1.000000000e+00, v25;
	v16 =	vpop (erf);
	v15 =	vmul.f32 v20, v15  }
0x5f5: {  	v18 =	vld [tilespmem:s0+$0x30];
	v17 =	vmul.f32 $1.442695020e+00, v17;
	v12 =	vmul.f32 v16, v12;
	v16 =	vsub.f32 $0.0e+00, v9  }
0x5f6: {  	v5 =	vld [tilespmem:s30+$0x30];
	(erf) = vpow2.f32 v10;
	v15 =	vmul.f32 $1.442695020e+00, v15  }
0x5f7: {  	s18 =	simm.s32 $0x2DA0;
	v23 =	vld [tilespmem:s13+$0x0];
	v10 =	vpop (erf);
	(erf) = vpow2.f32 v17;
	v16 =	vmul.f32 $1.442695020e+00, v16  }
0x5f8: {  	v21 =	vld [tilespmem:s18+$0x60];
	v22 =	vpop (erf);
	(erf) = vpow2.f32 v24;
	v12 =	vmul.f32 $1.442695020e+00, v12  }
0x5f9: {  	v19 =	vld [tilespmem:s13+$0x20];
	(erf) = vrcp.f32 v13;
	v13 =	vpop (erf)  }
0x5fa: {  	v20 =	vld [tilespmem:s13+$0x60];
	(erf) = vpow2.f32 v15;
	v15 =	vpop (erf)  }
0x5fb: {  	v18 =	vadd.f32 v5, v18;
	v24 =	vld [tilespmem:s18+$0x20];
	(erf) = vpow2.f32 v16;
	v16 =	vpop (erf)  }
0x5fc: {  	v25 =	vld [tilespmem:s0+$0x50];
	v4 =	vmul.f32 v22, v4;
	v15 =	vadd.f32 $1.000000000e+00, v15;
	(erf) = vpow2.f32 v12;
	v12 =	vpop (erf)  }
0x5fd: {  	v8 =	vmul.f32 $1.442695020e+00, v8;
	v10 =	vadd.f32 $1.000000000e+00, v10;
	v22 =	vld [tilespmem:s18+$0x0];
	v5 =	vadd.f32 $1.000000000e+00, v16;
	[tilespmem:s0+$0x40] =	vst v12  }
0x5fe: {  	v4 =	vmul.f32 $1.442695020e+00, v4;
	(erf) = vrcp.f32 v15;
	v15 =	vsub.f32 $0.0e+00, v18;
	v27 =	vld [tilespmem:s30+$0x50]  }
0x5ff: {  	v17 =	vld [tilespmem:s18+$0xFFFFFF80];
	v13 =	vadd.f32 $1.000000000e+00, v13;
	v26 =	vpop (erf);
	v12 =	vadd.f32 v20, v21;
	(erf) = vrcp.f32 v5  }
0x600: {  	v16 =	vld [tilespmem:s13+$0xFFFFFFE0];
	v21 =	vpop (erf);
	v15 =	vmul.f32 $1.442695020e+00, v15;
	v5 =	vadd.f32 v19, v24;
	(erf) = vpow2.f32 v4  }
0x601: {  	v20 =	vld [tilespmem:s18+$0xFFFFFFE0];
	v1 =	vmul.f32 v26, v1;
	v42 =	vpop (erf);
	v43 =	vsub.f32 $0.0e+00, v12;
	(erf) = vrcp.f32 v13  }
0x602: {  	v4 =	vld [tilespmem:s18+$0xFFFFFFC0];
	v19 =	vpop (erf);
	v13 =	vadd.f32 v23, v22;
	v24 =	vsub.f32 $0.0e+00, v5;
	(erf) = vrcp.f32 v10  }
0x603: {  	v23 =	vld [tilespmem:s18+$0xFFFFFFA0];
	v22 =	vpop (erf);
	(erf) = vpow2.f32 v15;
	v15 =	vmul.f32 $1.442695020e+00, v43;
	v25 =	vadd.f32 v27, v25  }
0x604: {  	v31 =	vmul.f32 $1.442695020e+00, v1;
	v10 =	vld [tilespmem:s13+$0xFFFFFFA0];
	v26 =	vpop (erf);
	v44 =	vsub.f32 $0.0e+00, v13;
	v24 =	vmul.f32 $1.442695020e+00, v24  }
0x605: {  	v3 =	vmul.f32 v22, v3;
	v27 =	vld [tilespmem:s13+$0xFFFFFF80];
	v32 =	vpop (erf);
	(erf) = vpow2.f32 v15;
	v34 =	vsub.f32 $0.0e+00, v25  }
0x606: {  	v33 =	vpop (erf);
	v15 =	vadd.f32 v16, v20;
	v16 =	vmul.f32 $1.442695020e+00, v44;
	(erf) = vpow2.f32 v8  }
0x607: {  	v47 =	vld [tilespmem:s10+$0xFFFFFF90];
	v20 =	vpop (erf);
	(erf) = vpow2.f32 v31;
	v45 =	vmul.f32 $1.442695020e+00, v34  }
0x608: {  	v48 =	vld [tilespmem:s10+$0xFFFFFFF0];
	[tilespmem:s10+$0xFFFFFFE0] =	vst v21;
	v1 =	vadd.f32 v30, v4;
	v50 =	vadd.f32 $1.000000000e+00, v32;
	v4 =	vpop (erf);
	(erf) = vpow2.f32 v24  }
0x609: {  	v21 =	vld [tilespmem:s11+$0xFFFFFFF0];
	[tilespmem:s10+$0xFFFFFFA0] =	vst v26;
	v46 =	vsub.f32 $0.0e+00, v15;
	v8 =	vadd.f32 v10, v23;
	v23 =	vpop (erf);
	(erf) = vpow2.f32 v45  }
0x60a: {  	v35 =	vld [tilespmem:s11+$0xFFFFFFB0];
	[tilespmem:s10+$0xFFFFFF80] =	vst v33;
	v14 =	vmul.f32 v20, v14;
	v24 =	vsub.f32 $0.0e+00, v1;
	v10 =	vadd.f32 v27, v17;
	v17 =	vpop (erf)  }
0x60b: {  	v52 =	vld [tilespmem:s11+$0xFFFFFF90];
	v26 =	vmul.f32 $1.442695020e+00, v46;
	v49 =	vsub.f32 $0.0e+00, v8;
	v53 =	vmul.f32 v4, v2;
	v51 =	vpop (erf)  }
0x60c: {  	v27 =	vld [tilespmem:s10+$0xFFFFFFB0];
	v14 =	vmul.f32 $1.442695020e+00, v14;
	v36 =	vsub.f32 $0.0e+00, v10;
	(erf) = vpow2.f32 v16;
	v16 =	vpop (erf)  }
0x60d: {  	v29 =	vmul.f32 $1.442695020e+00, v49;
	(erf) = vrcp.f32 v50;
	v16 =	vadd.f32 $1.000000000e+00, v16  }
0x60e: {  	v2 =	vadd.f32 v21, v48;
	(erf) = vpow2.f32 v26;
	v26 =	vmul.f32 $1.442695020e+00, v36;
	v4 =	vpop (erf)  }
0x60f: {  	v24 =	vmul.f32 $1.442695020e+00, v24;
	(erf) = vrcp.f32 v16;
	v16 =	vadd.f32 $1.000000000e+00, v4;
	v21 =	vpop (erf)  }
0x610: {  	v17 =	vmul.f32 v17, v6;
	(erf) = vpow2.f32 v29;
	v20 =	vpop (erf)  }
0x611: {  	v6 =	vadd.f32 v52, v47;
	v4 =	vadd.f32 v35, v27;
	v27 =	vpop (erf);
	(erf) = vrcp.f32 v16  }
0x612: {  	v54 =	vld [tilespmem:s18+$0x40];
	v55 =	vmul.f32 $1.442695020e+00, v53;
	(erf) = vpow2.f32 v26;
	v26 =	vpop (erf)  }
0x613: {  	v16 =	vld [tilespmem:s13+$0x40];
	(erf) = vpow2.f32 v24;
	v24 =	vadd.f32 $1.000000000e+00, v26;
	v26 =	vsub.f32 $0.0e+00, v6  }
0x614: {  	(erf) = vpow2.f32 v14;
	v14 =	vmul.f32 $1.442695020e+00, v3  }
0x615: {  	v56 =	vpop (erf);
	v3 =	vadd.f32 $1.000000000e+00, v19;
	(erf) = vrcp.f32 v24;
	v24 =	vmul.f32 $1.442695020e+00, v26  }
0x616: {  	v19 =	vpop (erf);
	(erf) = vpow2.f32 v55  }
0x617: {  	[tilespmem:s10+$0x60] =	vst v21;
	v26 =	vpop (erf);
	(erf) = vrcp.f32 v3  }
0x618: {  	v17 =	vmul.f32 $1.442695020e+00, v17;
	v58 =	vld [tilespmem:s11+$0x70];
	v3 =	vadd.f32 v16, v54;
	v21 =	vpop (erf);
	(erf) = vpow2.f32 v24  }
0x619: {  	v26 =	vadd.f32 $1.000000000e+00, v26;
	v16 =	vmul.f32 v21, v18;
	v18 =	vld [tilespmem:s10+$0x70];
	v24 =	vpop (erf);
	(erf) = vpow2.f32 v14  }
0x61a: {  	[tilespmem:s10+$0x0] =	vst v42;
	v59 =	vpop (erf);
	(erf) = vpow2.f32 v17;
	v17 =	vadd.f32 $1.000000000e+00, v56  }
0x61b: {  	v28 =	vld [tilespmem:s11+$0x10];
	v22 =	vsub.f32 $0.0e+00, v2;
	v24 =	vadd.f32 $1.000000000e+00, v24;
	v16 =	vmul.f32 $1.442695020e+00, v16  }
0x61c: {  	v9 =	vmul.f32 v19, v9;
	v19 =	vld [tilespmem:s10+$0x10];
	v60 =	vpop (erf);
	(erf) = vrcp.f32 v26  }
0x61d: {  	v22 =	vmul.f32 $1.442695020e+00, v22;
	v26 =	vpop (erf);
	v30 =	vadd.f32 $1.000000000e+00, v60;
	(erf) = vpow2.f32 v16  }
0x61e: {  	v16 =	vmul.f32 v51, v7;
	(erf) = vrcp.f32 v17;
	v17 =	vpop (erf);
	v7 =	vadd.f32 v58, v18  }
0x61f: {  	v18 =	vmul.f32 $1.442695020e+00, v9;
	(erf) = vrcp.f32 v24;
	v24 =	vpop (erf)  }
0x620: {  	[tilespmem:s10+$0x20] =	vst v23;
	v16 =	vmul.f32 $1.442695020e+00, v16;
	(erf) = vrcp.f32 v30;
	v61 =	vpop (erf);
	v23 =	vsub.f32 $0.0e+00, v7  }
0x621: {  	v9 =	vadd.f32 v28, v19;
	v19 =	vmul.f32 v24, v25;
	(erf) = vpow2.f32 v22;
	v22 =	vpop (erf)  }
0x622: {  	v27 =	vadd.f32 $1.000000000e+00, v27;
	v11 =	vmul.f32 v22, v11;
	v24 =	vpop (erf)  }
0x623: {  	v57 =	vsub.f32 $0.0e+00, v4;
	(erf) = vpow2.f32 v16;
	v62 =	vmul.f32 $1.442695020e+00, v19;
	v22 =	vpop (erf)  }
0x624: {  	v25 =	vld [tilespmem:s10+$0x30];
	v19 =	vmul.f32 $1.442695020e+00, v23;
	(erf) = vrcp.f32 v27;
	v23 =	vpop (erf)  }
0x625: {  	[tilespmem:s0+$0xFFFFFF90] =	vst v20;
	v21 =	vmul.f32 $1.442695020e+00, v57;
	v14 =	vsub.f32 $0.0e+00, v3;
	v27 =	vld [tilespmem:s11+$0x30];
	(erf) = vpow2.f32 v18;
	v18 =	vpop (erf)  }
0x626: {  	v16 =	vsub.f32 $0.0e+00, v9;
	[tilespmem:s10+$0xFFFFFFC0] =	vst v22;
	(erf) = vpow2.f32 v62;
	v22 =	vmul.f32 v18, v15;
	v15 =	vld [tilespmem:s10+$0xFFFFFFD0]  }
0x627: {  	v14 =	vmul.f32 $1.442695020e+00, v14;
	[tilespmem:s0+$0x10] =	vst v17;
	(erf) = vpow2.f32 v21;
	v21 =	vld [tilespmem:s11+$0xFFFFFFD0]  }
0x628: {  	[tilespmem:s0+$0x70] =	vst v61;
	v63 =	vmul.f32 $1.442695020e+00, v16;
	v20 =	vmul.f32 $1.442695020e+00, v11;
	v11 =	vpop (erf)  }
0x629: {  	s17 =	simm.s32 $0x2120;
	v17 =	vadd.f32 $1.000000000e+00, v26;
	v16 =	vmul.f32 v59, v12;
	[tilespmem:s0+$0xFFFFFFB0] =	vst v23;
	v18 =	vadd.f32 $1.000000000e+00, v24;
	v12 =	vpop (erf)  }
0x62a: {  	s14 =	simm.s32 $0x2EA0;
	s19 =	simm.s32 $0x60A0;
	s1 =	simm.s32 $0x10;
	[tilespmem:s0+$0x30] =	vst v11;
	(erf) = vpow2.f32 v63;
	v24 =	vmul.f32 v12, v13;
	v23 =	vpop (erf);
	v11 =	vadd.f32 v27, v25  }
.LBB2_13:
0x62b: {  	v12 =	vld [tilespmem:s14+$0x60];
	s1 =	sadd.s32 $0x8, s1;
	v25 =	vmul.f32 $1.442695020e+00, v22;
	v22 =	vpop (erf);
	(erf) = vpow2.f32 v19  }
0x62c: {  	v19 =	vld [tilespmem:s19+$0x20];
	p1 =	slt.u32 s1, $0x48;
	v24 =	vmul.f32 $1.442695020e+00, v24;
	v15 =	vadd.f32 v21, v15;
	v21 =	vpop (erf);
	(erf) = vpow2.f32 v20  }
0x62d: {  	v10 =	vmul.f32 v22, v10;
	v20 =	vld [tilespmem:s19+$0x60];
	v21 =	vadd.f32 $1.000000000e+00, v21;
	(erf) = vrcp.f32 v18;
	v18 =	vpop (erf)  }
0x62e: {  	v8 =	vmul.f32 v23, v8;
	v22 =	vld [tilespmem:s14+$0xFFFFFF80];
	(erf) = vpow2.f32 v25;
	v13 =	vpop (erf);
	v23 =	vsub.f32 $0.0e+00, v15;
	[tilespmem:s0+$0xFFFFFFF0] =	vst v18  }
0x62f: {  	v10 =	vmul.f32 $1.442695020e+00, v10;
	v18 =	vld [tilespmem:s19+$0x0];
	v13 =	vmul.f32 v13, v5;
	v5 =	vpop (erf)  }
0x630: {  	v8 =	vmul.f32 $1.442695020e+00, v8;
	v25 =	vld [tilespmem:s14+$0x20];
	(erf) = vpow2.f32 v24;
	[tilespmem:s0+$0xFFFFFFD0] =	vst v5  }
0x631: {  	v27 =	vmul.f32 $1.442695020e+00, v23;
	v24 =	vld [tilespmem:s14+$0x0];
	(erf) = vpow2.f32 v14;
	v14 =	vpop (erf)  }
0x632: {  	v12 =	vadd.f32 v20, v12;
	v20 =	vmul.f32 $1.442695020e+00, v16;
	(erf) = vrcp.f32 v17;
	v17 =	vld [tilespmem:s10+$0x50];
	v16 =	vpop (erf);
	[tilespmem:s0+$0x50] =	vst v14;
	s0 =	smov.u32 s10;
	s10 =	smov.u32 s18;
	s18 =	smov.u32 s14  }
0x633: {  	v14 =	vld [tilespmem:s19+$0xFFFFFFE0];
	(erf) = vpow2.f32 v8;
	v8 =	vadd.f32 $1.000000000e+00, v16;
	v16 =	vpop (erf)  }
0x634: {  	v23 =	vld [tilespmem:s14+$0xFFFFFFE0];
	v31 =	vsub.f32 $0.0e+00, v12;
	v16 =	vadd.f32 $1.000000000e+00, v16;
	(erf) = vpow2.f32 v27;
	v5 =	vpop (erf)  }
0x635: {  	v27 =	vld [tilespmem:s14+$0xFFFFFFC0];
	(erf) = vpow2.f32 v10;
	v10 =	vsub.f32 $0.0e+00, v11;
	v28 =	vadd.f32 $1.000000000e+00, v5;
	v29 =	vpop (erf)  }
0x636: {  	v5 =	vadd.f32 v19, v25;
	v30 =	vld [tilespmem:s19+$0xFFFFFFC0];
	v19 =	vmul.f32 $1.442695020e+00, v31;
	[tilespmem:s0+$0x40] =	vst v29;
	v25 =	vpop (erf);
	(erf) = vrcp.f32 v16  }
0x637: {  	v16 =	vmul.f32 $1.442695020e+00, v13;
	v26 =	vpop (erf);
	v29 =	vld [tilespmem:s11+$0x50];
	(erf) = vrcp.f32 v28;
	s11 =	smov.u32 s13;
	s13 =	smov.u32 s19  }
0x638: {  	v13 =	vadd.f32 v18, v24;
	v6 =	vmul.f32 v25, v6;
	v10 =	vmul.f32 $1.442695020e+00, v10;
	v28 =	vld [tilespmem:s19+$0xFFFFFFA0];
	[tilespmem:s10+$0xFFFFFFE0] =	vst v26  }
0x639: {  	v18 =	vsub.f32 $0.0e+00, v5;
	v24 =	vld [tilespmem:s14+$0xFFFFFFA0];
	v25 =	vpop (erf);
	(erf) = vpow2.f32 v16  }
0x63a: {  	v31 =	vsub.f32 $0.0e+00, v13;
	v6 =	vmul.f32 $1.442695020e+00, v6;
	v26 =	vld [tilespmem:s19+$0xFFFFFF80];
	v32 =	vpop (erf);
	(erf) = vrcp.f32 v8  }
0x63b: {  	v16 =	vadd.f32 v14, v23;
	v14 =	vmul.f32 $1.442695020e+00, v18;
	v23 =	vld [tilespmem:s11+$0xFFFFFFF0];
	v33 =	vpop (erf);
	(erf) = vrcp.f32 v21  }
0x63c: {  	v21 =	vadd.f32 v30, v27;
	v27 =	vmul.f32 $1.442695020e+00, v31;
	v30 =	vpop (erf);
	(erf) = vpow2.f32 v10  }
0x63d: {  	v31 =	vsub.f32 $0.0e+00, v16;
	v18 =	vadd.f32 v29, v17;
	(erf) = vpow2.f32 v19;
	v19 =	vld [tilespmem:s10+$0xFFFFFF90];
	v17 =	vpop (erf)  }
0x63e: {  	v8 =	vadd.f32 v28, v24;
	v24 =	vsub.f32 $0.0e+00, v21;
	v28 =	vld [tilespmem:s10+$0xFFFFFFF0];
	v29 =	vpop (erf);
	(erf) = vpow2.f32 v20  }
0x63f: {  	v20 =	vmul.f32 $1.442695020e+00, v31;
	v10 =	vadd.f32 v26, v22;
	[tilespmem:s10+$0xFFFFFFA0] =	vst v30;
	v22 =	vld [tilespmem:s10+$0xFFFFFFB0];
	v26 =	vsub.f32 $0.0e+00, v18;
	v30 =	vpop (erf)  }
0x640: {  	v31 =	vsub.f32 $0.0e+00, v8;
	v24 =	vmul.f32 $1.442695020e+00, v24;
	[tilespmem:s10+$0xFFFFFF80] =	vst v29;
	v29 =	vld [tilespmem:s11+$0xFFFFFFB0];
	(erf) = vpow2.f32 v6;
	v6 =	vpop (erf)  }
0x641: {  	v34 =	vsub.f32 $0.0e+00, v10;
	(erf) = vpow2.f32 v14;
	v14 =	vld [tilespmem:s11+$0xFFFFFF90];
	v26 =	vmul.f32 $1.442695020e+00, v26  }
0x642: {  	v36 =	vadd.f32 $1.000000000e+00, v17;
	v7 =	vmul.f32 v6, v7;
	v31 =	vmul.f32 $1.442695020e+00, v31;
	v35 =	vpop (erf)  }
0x643: {  	v34 =	vmul.f32 $1.442695020e+00, v34;
	v23 =	vadd.f32 v23, v28;
	v28 =	vpop (erf);
	(erf) = vpow2.f32 v26  }
0x644: {  	v26 =	vmul.f32 v33, v1;
	v1 =	vmov v21;
	(erf) = vpow2.f32 v27;
	v27 =	vpop (erf)  }
0x645: {  	v21 =	vadd.f32 v29, v22;
	v22 =	vsub.f32 $0.0e+00, v23;
	(erf) = vrcp.f32 v36;
	v17 =	vpop (erf)  }
0x646: {  	v29 =	vld [tilespmem:s19+$0x40];
	v33 =	vpop (erf);
	v6 =	vadd.f32 v14, v19;
	v14 =	vmul.f32 v28, v4;
	v36 =	vadd.f32 $1.000000000e+00, v17  }
0x647: {  	v9 =	vmul.f32 v30, v9;
	v17 =	vld [tilespmem:s14+$0x40];
	v19 =	vadd.f32 $1.000000000e+00, v33;
	(erf) = vpow2.f32 v20;
	[tilespmem:s10+$0x0] =	vst v25;
	v20 =	vpop (erf)  }
0x648: {  	v7 =	vmul.f32 $1.442695020e+00, v7;
	v4 =	vmovc v21;
	v25 =	vsub.f32 $0.0e+00, v6;
	v28 =	vld [tilespmem:s11+$0x10];
	(erf) = vrcp.f32 v36  }
0x649: {  	v22 =	vmul.f32 $1.442695020e+00, v22;
	v21 =	vsub.f32 $0.0e+00, v4;
	(erf) = vpow2.f32 v31;
	[tilespmem:s10+$0x60] =	vst v20;
	v20 =	vpop (erf)  }
0x64a: {  	v9 =	vmul.f32 $1.442695020e+00, v9;
	v30 =	vpop (erf);
	(erf) = vrcp.f32 v19;
	v19 =	vld [tilespmem:s11+$0x70];
	[tilespmem:s0+$0xFFFFFF90] =	vst v20  }
0x64b: {  	v20 =	vmul.f32 $1.442695020e+00, v26;
	(erf) = vpow2.f32 v34  }
0x64c: {  	v26 =	vadd.f32 v29, v17;
	v17 =	vmul.f32 $1.442695020e+00, v25;
	v25 =	vmul.f32 $1.442695020e+00, v21;
	v21 =	vld [tilespmem:s10+$0x70];
	v29 =	vpop (erf)  }
0x64d: {  	v31 =	vadd.f32 $1.000000000e+00, v32;
	(erf) = vpow2.f32 v24;
	v24 =	vpop (erf);
	v29 =	vadd.f32 $1.000000000e+00, v29  }
0x64e: {  	v33 =	vmul.f32 $1.442695020e+00, v14;
	v32 =	vsub.f32 $0.0e+00, v26;
	v14 =	vpop (erf);
	(erf) = vpow2.f32 v9  }
0x64f: {  	v9 =	vmul.f32 v14, v15;
	(erf) = vrcp.f32 v29  }
0x650: {  	v14 =	vmul.f32 $1.442695020e+00, v32;
	v15 =	vpop (erf);
	(erf) = vpow2.f32 v7  }
0x651: {  	v24 =	vadd.f32 $1.000000000e+00, v24;
	v29 =	vld [tilespmem:s10+$0x10];
	v7 =	vadd.f32 v19, v21;
	(erf) = vrcp.f32 v31;
	v19 =	vpop (erf)  }
0x652: {  	v21 =	vadd.f32 $1.000000000e+00, v30;
	v30 =	vpop (erf);
	(erf) = vpow2.f32 v17;
	v11 =	vmul.f32 v19, v11  }
0x653: {  	v32 =	vadd.f32 $1.000000000e+00, v15;
	v17 =	vmul.f32 v27, v2;
	v31 =	vpop (erf);
	(erf) = vpow2.f32 v20  }
0x654: {  	v19 =	vadd.f32 $1.000000000e+00, v30;
	v2 =	vpop (erf);
	v11 =	vmul.f32 $1.442695020e+00, v11;
	(erf) = vpow2.f32 v33  }
0x655: {  	v27 =	vmul.f32 $1.442695020e+00, v9;
	v20 =	vadd.f32 $1.000000000e+00, v2;
	(erf) = vrcp.f32 v32;
	v2 =	vmovc v23  }
0x656: {  	v23 =	vmul.f32 $1.442695020e+00, v17;
	v15 =	vpop (erf);
	v9 =	vadd.f32 v28, v29;
	(erf) = vpow2.f32 v11  }
0x657: {  	v11 =	vsub.f32 $0.0e+00, v7;
	v17 =	vadd.f32 $1.000000000e+00, v15;
	(erf) = vrcp.f32 v24;
	v15 =	vpop (erf)  }
0x658: {  	(erf) = vrcp.f32 v19;
	v24 =	vsub.f32 $0.0e+00, v9;
	[tilespmem:s0+$0x10] =	vst v15;
	v15 =	vpop (erf)  }
0x659: {  	(erf) = vrcp.f32 v20;
	v15 =	vmul.f32 v15, v18;
	v18 =	vpop (erf)  }
0x65a: {  	(erf) = vpow2.f32 v22;
	v19 =	vpop (erf);
	[tilespmem:s0+$0x70] =	vst v18  }
0x65b: {  	[tilespmem:s10+$0x20] =	vst v35;
	v28 =	vld [tilespmem:s10+$0x30];
	v20 =	vmul.f32 v19, v3;
	v18 =	vpop (erf);
	(erf) = vpow2.f32 v23;
	v3 =	vmov v26  }
0x65c: {  	v23 =	vmul.f32 $1.442695020e+00, v15;
	(erf) = vrcp.f32 v21;
	v18 =	vadd.f32 $1.000000000e+00, v18;
	v26 =	vld [tilespmem:s11+$0x30];
	v19 =	vpop (erf)  }
.Ltmp5:
0x65d: {  	[tilespmem:s10+$0xFFFFFFC0] =	vst v19;
	v15 =	vld [tilespmem:s10+$0xFFFFFFD0];
	v19 =	vmul.f32 $1.442695020e+00, v11;
	v11 =	vpop (erf);
	(erf) = vpow2.f32 v27;
	(pc) =	sbr.rel @p1 .LBB2_13-.Ltmp5, $4  }
0x65e: {  	v27 =	vmul.f32 $1.442695020e+00, v24;
	v20 =	vmul.f32 $1.442695020e+00, v20;
	v22 =	vpop (erf);
	v21 =	vld [tilespmem:s11+$0xFFFFFFD0];
	[tilespmem:s0+$0xFFFFFFB0] =	vst v11  }
0x65f: {  	v22 =	vmul.f32 v22, v16;
	v11 =	vpop (erf);
	(erf) = vpow2.f32 v23  }
0x660: {  	v16 =	vmul.f32 v31, v12;
	v12 =	vpop (erf);
	(erf) = vpow2.f32 v25;
	[tilespmem:s0+$0x30] =	vst v11  }
0x661: {  	s19 =	sadd.s32 $0x100, s19;
	s14 =	sadd.s32 $0x100, s14;
	v24 =	vmul.f32 v12, v13;
	v23 =	vpop (erf);
	v11 =	vadd.f32 v26, v28;
	(erf) = vpow2.f32 v27  }
0x662: {  	(erf) = vpow2.f32 v19  }
0x663: {  	v45 =	vpop (erf);
	(erf) = vpow2.f32 v20  }
0x664: {  	v46 =	vpop (erf)  }
0x665: {  	v13 =	vpop (erf)  }
0x666: {  	v25 =	vpop (erf)  }
0x667: {  	v22 =	vmul.f32 $1.442695020e+00, v22;
	v12 =	vpop (erf)  }
0x668: {  	v24 =	vmul.f32 $1.442695020e+00, v24;
	v21 =	vadd.f32 v21, v15;
	(erf) = vrcp.f32 v18;
	v15 =	vpop (erf)  }
0x669: {  	v8 =	vmul.f32 v23, v8;
	(erf) = vpow2.f32 v22;
	v47 =	vpop (erf)  }
0x66a: {  	v10 =	vmul.f32 v45, v10;
	v48 =	vsub.f32 $0.0e+00, v21;
	(erf) = vpow2.f32 v24;
	v49 =	vpop (erf)  }
0x66b: {  	v8 =	vmul.f32 $1.442695020e+00, v8;
	(erf) = vpow2.f32 v14;
	v50 =	vpop (erf)  }
0x66c: {  	v19 =	vmul.f32 $1.442695020e+00, v48;
	(erf) = vrcp.f32 v17;
	v52 =	vpop (erf)  }
0x66d: {  	v51 =	vld [tilespmem:s10+$0x50];
	v10 =	vmul.f32 $1.442695020e+00, v10;
	(erf) = vpow2.f32 v8;
	[tilespmem:s10+$0x40] =	vst v52  }
0x66e: {  	v5 =	vmul.f32 v25, v5;
	v53 =	vadd.f32 $1.000000000e+00, v49;
	(erf) = vpow2.f32 v19;
	v54 =	vld [tilespmem:s11+$0x50]  }
0x66f: {  	v55 =	vadd.f32 $1.000000000e+00, v50;
	(erf) = vpow2.f32 v10  }
0x670: {  	v5 =	vmul.f32 $1.442695020e+00, v5;
	(erf) = vrcp.f32 v53  }
0x671: {  	v57 =	vsub.f32 $0.0e+00, v11;
	v56 =	vadd.f32 $1.000000000e+00, v47;
	v58 =	vpop (erf);
	(erf) = vrcp.f32 v55  }
0x672: {  	v59 =	vadd.f32 $1.000000000e+00, v46;
	v60 =	vpop (erf);
	(erf) = vpow2.f32 v5  }
0x673: {  	v61 =	vmul.f32 $1.442695020e+00, v57;
	v62 =	vpop (erf);
	(erf) = vrcp.f32 v56;
	v63 =	vadd.f32 v54, v51  }
0x674: {  	v6 =	vmul.f32 v58, v6;
	v32 =	vpop (erf);
	(erf) = vrcp.f32 v59  }
0x675: {  	v33 =	vmul.f32 $1.442695020e+00, v16;
	v34 =	vpop (erf);
	(erf) = vpow2.f32 v61;
	v35 =	vsub.f32 $0.0e+00, v63  }
0x676: {  	v6 =	vmul.f32 $1.442695020e+00, v6;
	v36 =	vpop (erf)  }
0x677: {  	(erf) = vpow2.f32 v33;
	v37 =	vpop (erf);
	v5 =	vmul.f32 $1.442695020e+00, v35  }
0x678: {  	(erf) = vpow2.f32 v6;
	v38 =	vpop (erf)  }
0x679: {  	v39 =	vpop (erf);
	(erf) = vpow2.f32 v5  }
0x67a: {  	v40 =	vpop (erf)  }
0x67b: {  	v42 =	vpop (erf)  }
0x67c: {  	v43 =	vld [tilespmem:s18+$0xFFFFFF90];
	v44 =	vpop (erf)  }
0x67d: {  	v26 =	vld [tilespmem:s18+$0xFFFFFFF0];
	v45 =	vpop (erf)  }
0x67e: {  	v27 =	vld [tilespmem:s18+$0xFFFFFFB0];
	[tilespmem:s18+$0xFFFFFFE0] =	vst v60;
	v46 =	vadd.f32 $1.000000000e+00, v37;
	v47 =	vpop (erf)  }
0x67f: {  	v41 =	vld [tilespmem:s13+$0xFFFFFFF0];
	[tilespmem:s18+$0xFFFFFFA0] =	vst v36;
	v19 =	vadd.f32 $1.000000000e+00, v47  }
0x680: {  	v48 =	vld [tilespmem:s13+$0xFFFFFFB0];
	[tilespmem:s18+$0xFFFFFF80] =	vst v38;
	v6 =	vmul.f32 v39, v9;
	(erf) = vrcp.f32 v46;
	v29 =	vpop (erf)  }
0x681: {  	v28 =	vld [tilespmem:s13+$0xFFFFFF90];
	v5 =	vpop (erf);
	(erf) = vrcp.f32 v19  }
0x682: {  	v9 =	vmul.f32 $1.442695020e+00, v6;
	v49 =	vpop (erf)  }
0x683: {  	v7 =	vmul.f32 v40, v7;
	v50 =	vadd.f32 $1.000000000e+00, v49  }
0x684: {  	v17 =	vadd.f32 $1.000000000e+00, v32;
	v1 =	vmul.f32 v34, v1;
	(erf) = vpow2.f32 v9  }
0x685: {  	v6 =	vadd.f32 v41, v26;
	v7 =	vmul.f32 $1.442695020e+00, v7;
	(erf) = vrcp.f32 v50  }
0x686: {  	v58 =	vld [tilespmem:s18+$0x10];
	[tilespmem:s18+$0x0] =	vst v62;
	v1 =	vmul.f32 $1.442695020e+00, v1;
	v10 =	vadd.f32 v48, v27;
	v51 =	vadd.f32 v28, v43  }
0x687: {  	v54 =	vld [tilespmem:s13+$0x10];
	v4 =	vmul.f32 v44, v4;
	v52 =	vsub.f32 $0.0e+00, v6;
	(erf) = vpow2.f32 v7  }
0x688: {  	v2 =	vmul.f32 v45, v2;
	v53 =	vsub.f32 $0.0e+00, v51;
	(erf) = vrcp.f32 v17  }
0x689: {  	v60 =	vld [tilespmem:s18+$0x70];
	v55 =	vsub.f32 $0.0e+00, v10;
	v4 =	vmul.f32 $1.442695020e+00, v4;
	v16 =	vmul.f32 $1.442695020e+00, v52;
	[tilespmem:s18+$0x60] =	vst v29;
	v57 =	vpop (erf)  }
0x68a: {  	v2 =	vmul.f32 $1.442695020e+00, v2;
	v56 =	vld [tilespmem:s13+$0x70];
	v14 =	vmul.f32 $1.442695020e+00, v53;
	v59 =	vpop (erf)  }
0x68b: {  	v19 =	vmul.f32 $1.442695020e+00, v55;
	v61 =	vmul.f32 v59, v11  }
0x68c: {  	v20 =	vmul.f32 v57, v21;
	v7 =	vadd.f32 v54, v58;
	(erf) = vpow2.f32 v14  }
0x68d: {  	(erf) = vpow2.f32 v1;
	v11 =	vpop (erf);
	v1 =	vmul.f32 $1.442695020e+00, v61  }
0x68e: {  	v27 =	vmul.f32 $1.442695020e+00, v20;
	v28 =	vsub.f32 $0.0e+00, v7;
	(erf) = vpow2.f32 v4;
	v62 =	vpop (erf)  }
0x68f: {  	(erf) = vpow2.f32 v1;
	v1 =	vmul.f32 v62, v63;
	v63 =	vadd.f32 v56, v60  }
0x690: {  	v30 =	vmul.f32 $1.442695020e+00, v28;
	v14 =	vpop (erf);
	(erf) = vpow2.f32 v16  }
0x691: {  	v29 =	vpop (erf);
	(erf) = vpow2.f32 v2;
	v1 =	vmul.f32 $1.442695020e+00, v1;
	v2 =	vsub.f32 $0.0e+00, v63  }
0x692: {  	v3 =	vmul.f32 v29, v3;
	(erf) = vpow2.f32 v27  }
0x693: {  	(erf) = vpow2.f32 v1;
	v1 =	vmul.f32 $1.442695020e+00, v2  }
0x694: {  	(erf) = vpow2.f32 v19  }
0x695: {  	v3 =	vmul.f32 $1.442695020e+00, v3;
	v2 =	vpop (erf);
	(erf) = vpow2.f32 v30  }
0x696: {  	v31 =	vpop (erf);
	(erf) = vpow2.f32 v1  }
0x697: {  	v1 =	vpop (erf);
	(erf) = vpow2.f32 v3  }
0x698: {  	v32 =	vpop (erf)  }
0x699: {  	v2 =	vadd.f32 $1.000000000e+00, v2;
	v34 =	vpop (erf)  }
0x69a: {  	[tilespmem:s18+$0xFFFFFFC0] =	vst v31;
	v3 =	vld [tilespmem:s18+$0xFFFFFFD0];
	v35 =	vpop (erf)  }
0x69b: {  	v33 =	vld [tilespmem:s13+$0xFFFFFFD0];
	v36 =	vpop (erf)  }
0x69c: {  	v37 =	vpop (erf)  }
0x69d: {  	(erf) = vrcp.f32 v2;
	v2 =	vpop (erf)  }
0x69e: {  	v38 =	vld [tilespmem:s18+$0x30];
	[tilespmem:s18+$0x20] =	vst v42;
	v39 =	vpop (erf)  }
0x69f: {  	v40 =	vld [tilespmem:s13+$0x30];
	v41 =	vpop (erf)  }
0x6a0: {  	v3 =	vadd.f32 v33, v3;
	v44 =	vpop (erf)  }
0x6a1: {  	v43 =	vld [tilespmem:s18+$0x50];
	[tilespmem:s18+$0x40] =	vst v44  }
0x6a2: {  	v42 =	vsub.f32 $0.0e+00, v3;
	v26 =	vld [tilespmem:s13+$0x50];
	_ =	sdelay $0x1  }
0x6a3: {  	v21 =	vadd.f32 v40, v38;
	v24 =	vmul.f32 $1.442695020e+00, v42  }
0x6a4: {  	v16 =	vadd.f32 $1.000000000e+00, v39  }
0x6a5: {  	v46 =	vsub.f32 $0.0e+00, v21;
	v45 =	vadd.f32 $1.000000000e+00, v41;
	(erf) = vpow2.f32 v24  }
0x6a6: {  	v2 =	vadd.f32 $1.000000000e+00, v2;
	(erf) = vrcp.f32 v16;
	v47 =	vpop (erf);
	v48 =	vadd.f32 v26, v43  }
0x6a7: {  	v17 =	vadd.f32 $1.000000000e+00, v34;
	(erf) = vrcp.f32 v45;
	v9 =	vmul.f32 v47, v51  }
0x6a8: {  	v16 =	vmul.f32 $1.442695020e+00, v46;
	(erf) = vrcp.f32 v2;
	v2 =	vsub.f32 $0.0e+00, v48  }
0x6a9: {  	(erf) = vrcp.f32 v17;
	v9 =	vmul.f32 $1.442695020e+00, v9  }
0x6aa: {  	(erf) = vpow2.f32 v16;
	v2 =	vmul.f32 $1.442695020e+00, v2;
	_ =	sdelay $0x1  }
0x6ab: {  	(erf) = vpow2.f32 v9  }
0x6ac: {  	(erf) = vpow2.f32 v2  }
0x6ad: {  	v2 =	vpop (erf)  }
0x6ae: {  	v49 =	vpop (erf)  }
0x6af: {  	v50 =	vpop (erf)  }
0x6b0: {  	v2 =	vadd.f32 $1.000000000e+00, v2;
	v51 =	vpop (erf)  }
0x6b1: {  	v52 =	vpop (erf)  }
0x6b2: {  	v53 =	vpop (erf)  }
0x6b3: {  	v7 =	vmul.f32 v49, v7;
	v54 =	vadd.f32 $1.000000000e+00, v53  }
0x6b4: {  	(erf) = vrcp.f32 v2;
	v2 =	vpop (erf)  }
0x6b5: {  	v7 =	vmul.f32 $1.442695020e+00, v7;
	v55 =	vpop (erf);
	(erf) = vrcp.f32 v54  }
0x6b6: {  	v9 =	vadd.f32 $1.000000000e+00, v55  }
0x6b7: {  	(erf) = vpow2.f32 v7  }
0x6b8: {  	(erf) = vrcp.f32 v9;
	_ =	sdelay $0x3  }
0x6b9: {  	v4 =	vmul.f32 v50, v63  }
0x6ba: {  	v56 =	vmul.f32 v51, v10;
	v57 =	vpop (erf)  }
0x6bb: {  	[tilespmem:s0+$0xFFFFFFF0] =	vst v13;
	v4 =	vmul.f32 $1.442695020e+00, v4;
	v60 =	vmul.f32 v52, v6;
	v58 =	vpop (erf)  }
0x6bc: {  	[tilespmem:s0+$0xFFFFFFD0] =	vst v12;
	v7 =	vmul.f32 $1.442695020e+00, v56;
	v59 =	vmul.f32 v58, v21  }
0x6bd: {  	[tilespmem:s0+$0x50] =	vst v15;
	(erf) = vpow2.f32 v4;
	v4 =	vmul.f32 $1.442695020e+00, v60;
	v61 =	vpop (erf)  }
0x6be: {  	[tilespmem:s10+$0xFFFFFF90] =	vst v5;
	v3 =	vmul.f32 v57, v3;
	v63 =	vpop (erf);
	v62 =	vmul.f32 $1.442695020e+00, v59  }
0x6bf: {  	[tilespmem:s10+$0x10] =	vst v11;
	(erf) = vpow2.f32 v7;
	v7 =	vmul.f32 v63, v48  }
0x6c0: {  	[tilespmem:s10+$0x70] =	vst v14;
	v3 =	vmul.f32 $1.442695020e+00, v3;
	(erf) = vpow2.f32 v62  }
0x6c1: {  	[tilespmem:s10+$0xFFFFFFB0] =	vst v1;
	v1 =	vmul.f32 $1.442695020e+00, v7;
	(erf) = vpow2.f32 v4  }
0x6c2: {  	[tilespmem:s10+$0x30] =	vst v32;
	(erf) = vpow2.f32 v3  }
0x6c3: {  	[tilespmem:s10+$0xFFFFFFF0] =	vst v35;
	(erf) = vpow2.f32 v1  }
0x6c4: {  	[tilespmem:s10+$0xFFFFFFD0] =	vst v36  }
0x6c5: {  	[tilespmem:s10+$0x50] =	vst v37  }
0x6c6: {  	[tilespmem:s18+$0xFFFFFF90] =	vst v2  }
0x6c7: {  	[tilespmem:s18+$0x10] =	vst v61;
	v1 =	vpop (erf)  }
0x6c8: {  	[tilespmem:s18+$0x70] =	vst v1;
	v1 =	vpop (erf)  }
0x6c9: {  	[tilespmem:s18+$0xFFFFFFB0] =	vst v1;
	v1 =	vpop (erf)  }
0x6ca: {  	[tilespmem:s18+$0x30] =	vst v1;
	v1 =	vpop (erf)  }
0x6cb: {  	s30 =	sshll.u32 s25, $0x2;
	[tilespmem:s18+$0xFFFFFFF0] =	vst v1;
	v1 =	vpop (erf)  }
0x6cc: {  	s0 =	sand.u32 $0x1FFFFFC0, s30;
	[tilespmem:s18+$0xFFFFFFD0] =	vst v1;
	v1 =	vpop (erf)  }
0x6cd: {  	s0 =	sadd.s32 s8, s0;
	[tilespmem:s18+$0x50] =	vst v1  }
0x6ce: {  	[hbm4b:s0+s2] =	stream.linear.scatter [tilespmem:s23], [sflag:$0xB], $0xA00, $0x38;
	[tilespmem:$0xCE40] =	vst v63  }
0x6cf: {  	_ = 	snop  }
0x6d0: {  	[spmem:s22] =	stream.indirect.scatter.add.f32 [tilespmem:s23], [sflag:$0xC], $0x20, s21, s26, $0xb8;
	[tilespmem:$0xCE40] =	vst v63  }
0x6d1: {  	_ =	swait.ge [sflag:s24], $0xA00  }
0x6d2: {  	[sflag:s24] =	ssyncset.done $0x0  }
0x6d3: {  	[sflag:s24] =	ssyncadd.s32 $0xFFFFF600  }
0x6d4: {  	_ =	swait.ge [sflag:s31], $0xA00  }
0x6d5: {  	[sflag:s31] =	ssyncset.done $0x0  }
0x6d6: {  	[sflag:s31] =	ssyncadd.s32 $0xFFFFF600  }
0x6d7: {  	_ =	swait.ge [sflag:s31], $0xA00  }
0x6d8: {  	[sflag:s31] =	ssyncset.done $0x0  }
0x6d9: {  	[sflag:s31] =	ssyncadd.s32 $0xFFFFF600  }
0x6da: {  	_ =	swait.ge [sflag:s31], $0xA00  }
0x6db: {  	[sflag:s31] =	ssyncset.done $0x0  }
0x6dc: {  	s5 =	sadd.s32 $0x1, s5;
	[sflag:s31] =	ssyncadd.s32 $0xFFFFF600  }
0x6dd: {  	p1 =	sne.s32 s5, $0x19;
	_ =	swait.ge [sflag:s31], $0xA00  }
.Ltmp6:
0x6de: {  	[sflag:s31] =	ssyncset.done $0x0;
	(pc) =	sbr.rel @p1 .LBB2_4-.Ltmp6, $4  }
0x6df: {  	[sflag:s31] =	ssyncadd.s32 $0xFFFFF600  }
0x6e0: {  	_ =	swait.ge [sflag:s31], $0xA00  }
0x6e1: {  	[sflag:s31] =	ssyncset.done $0x0  }
0x6e2: {  	[sflag:s31] =	ssyncadd.s32 $0xFFFFF600  }
0x6e3: {  	[bflag:$0x0] =	sbarrier.arrive $0xFFFF  }
0x6e4: {  	s11 =	simm.s32 $0x6720;
	s19 =	rddreg [dreg:$0x5]  }
0x6e5: {  	[tilespmem:s11], [sflag:$0xC] =	stream.linear.gather [spmem:s19], $0x1900, $0x38;
	[tilespmem:$0xCE40] =	vst v63  }
0x6e6: {  	_ =	swait.ge [sflag:s24], $0x1900  }
0x6e7: {  	[sflag:s24] =	ssyncset.done $0x0  }
0x6e8: {  	s0 =	rddreg [dreg:$0xd];
	[sflag:s24] =	ssyncadd.s32 $0xFFFFE700  }
0x6e9: {  	[hbm4b:s0+s2] =	stream.linear.scatter [tilespmem:s11], [sflag:$0xC], $0x1900, $0x38;
	[tilespmem:$0xCE40] =	vst v63  }
0x6ea: {  	_ =	swait.ge [sflag:s24], $0x1900  }
0x6eb: {  	[sflag:s24] =	ssyncset.done $0x0  }
0x6ec: {  	s20 =	rddreg [dreg:$0x6];
	[sflag:s24] =	ssyncadd.s32 $0xFFFFE700  }
0x6ed: {  	[tilespmem:s11], [sflag:$0xC] =	stream.linear.gather [spmem:s20], $0x1900, $0x38;
	[tilespmem:$0xCE40] =	vst v63  }
0x6ee: {  	_ =	swait.ge [sflag:s24], $0x1900  }
0x6ef: {  	[sflag:s24] =	ssyncset.done $0x0  }
0x6f0: {  	s23 =	rddreg [dreg:$0xe];
	[sflag:s24] =	ssyncadd.s32 $0xFFFFE700  }
0x6f1: {  	[hbm4b:s23+s2] =	stream.linear.scatter [tilespmem:s11], [sflag:$0xC], $0x1900, $0x38;
	[tilespmem:$0xCE40] =	vst v63  }
0x6f2: {  	_ =	swait.ge [sflag:s24], $0x1900  }
0x6f3: {  	[sflag:s24] =	ssyncset.done $0x0  }
0x6f4: {  	s14 =	rddreg [dreg:$0x7];
	[sflag:s24] =	ssyncadd.s32 $0xFFFFE700  }
0x6f5: {  	[tilespmem:s11], [sflag:$0xC] =	stream.linear.gather [spmem:s14], $0x1900, $0x38;
	[tilespmem:$0xCE40] =	vst v63  }
0x6f6: {  	_ =	swait.ge [sflag:s24], $0x1900  }
0x6f7: {  	[sflag:s24] =	ssyncset.done $0x0  }
0x6f8: {  	s25 =	rddreg [dreg:$0xf];
	[sflag:s24] =	ssyncadd.s32 $0xFFFFE700  }
0x6f9: {  	[hbm4b:s25+s2] =	stream.linear.scatter [tilespmem:s11], [sflag:$0xC], $0x1900, $0x38;
	[tilespmem:$0xCE40] =	vst v63  }
0x6fa: {  	_ =	swait.ge [sflag:s24], $0x1900  }
0x6fb: {  	s1 =	simm.s32 @!p0 $0xC;
	[sflag:s24] =	ssyncset.done $0x0  }
0x6fc: {  	s0 =	simm.s32 @!p0 $0x6720;
	s25 =	rddreg [dreg:$0x8];
	[sflag:s24] =	ssyncadd.s32 $0xFFFFE700  }
0x6fd: {  	[tilespmem:s0], [sflag:$0xC] =	stream.linear.gather @!p0 [spmem:s25], $0x1900, $0x38;
	[tilespmem:$0xCE40] =	vst v63  }
0x6fe: {  	_ =	swait.ge @!p0 [sflag:s1], $0x1900  }
0x6ff: {  	[sflag:s1] =	ssyncset.done @!p0 $0x0  }
0x700: {  	s5 =	simm.s32 @!p0 $0x0;
	s10 =	rddreg [dreg:$0x10];
	[sflag:s1] =	ssyncadd.s32 @!p0 $0xFFFFE700  }
0x701: {  	[hbm4b:s10+s5] =	stream.linear.scatter @!p0 [tilespmem:s0], [sflag:$0xC], $0x1900, $0x38;
	[tilespmem:$0xCE40] =	vst v63  }
0x702: {  	_ =	swait.ge @!p0 [sflag:s1], $0x1900  }
0x703: {  	s28 =	rddreg [dreg:$0x12]  }
0x704: {  	s30 =	rddreg [dreg:$0x11];
	s5 =	sadd.s32 $0x1, s28  }
0x705: {  	p1 =	sne.s32 s5, s30  }
.Ltmp7:
0x706: {  	_ = 	snop;
	(pc) =	sbr.rel @p1 .LBB2_1-.Ltmp7, $3  }
0x707: {  	_ =	sdelay $0x1  }
0x708: {  	[sflag:s1] =	ssyncset.done @!p0 $0x0  }
0x709: {  	[sflag:s1] =	ssyncadd.s32 @!p0 $0xFFFFE700  }
0x70a: {  	_ =	sfence.sel $0x180000  }
0x70b: {  	[bflag:$0x0] =	sbarrier.arrive $0xFFFF  }
0x70c: {  	_ =	strace $0x90000047  }
0x70d: {  	s0 =	stileid.u32;
	[bflag:$0x2] =	sbarrier.arrive $0xFFFF  }
0x70e: {  	p0 =	sne.s32 s0, $0x0;
	s0 =	rddreg [dreg:$0x3]  }
0x70f: {  	s0 =	sadd.s32 @!p0 $0x100000, s0  }
0x710: {  	[sflag:s0] =	ssyncadd.tile.s32 @!p0 $0x1;
	_ =	shalt  }
.Lfunc_end2:
_tile_overlayer_lowered:
.L_overlay_start_2:
0x711: {  	(tag) =	ssettag $0x2  }
0x712: {  	s0 =	rddreg [dreg:$0x0];
	s2 =	stileid.u32  }
0x713: {  	s1 =	rddreg [dreg:$0x1];
	p0 =	sne.s32 s2, $0x0  }
0x714: {  	s3 =	rddreg [dreg:$0x2];
	[bflag:$0x3] =	sbarrier.arrive $0xFFFF;
	s2 =	simm.s32 @!p0 $0x1C0C  }
0x715: {  	[timem:s3], [sflag:s2] =	dma.local @!p0 [hbm:s0], s1  }
0x716: {  	s0 =	simm.s32 @!p0 $0xC  }
0x717: {  	_ =	swait.ge @!p0 [sflag:s0], s1  }
0x718: {  	s1 =	ssub.s32 @!p0 $0x0, s1;
	[sflag:s0] =	ssyncset.done @!p0 $0x0  }
0x719: {  	[sflag:s0] =	ssyncadd.s32 @!p0 s1  }
0x71a: {  	[bflag:$0x3] =	sbarrier.arrive $0xFFFF  }
0x71b: {  	_ =	shalt  }

// kernel: kernel.9.cloned.1.call-start
scs
__scs_entry_jumppad:
0x0: {  	(pc) =	sbr.rel $0x88, $3  }
0x1: {  	(tag) =	ssettag $0x0;
	lr =	simm.s32 $0x1  }
0x2: {  	[smem:$0x3F9B] =	sst lr;
	_ =	strace $0xD0000000  }
0x3: {  	_ = 	snop  }
0x4: {  	_ = 	snop  }
0x5: {  	_ = 	snop  }
0x6: {  	_ = 	snop  }
0x7: {  	_ = 	snop  }
__scs_overlays_trampoline_lowered:
0x8: {  	[smem:$0x3FAA] =	sst s0  }
0x9: {  	[smem:$0x3FAB] =	sst s1  }
0xa: {  	[smem:$0x3FAC] =	sst s2  }
0xb: {  	[smem:$0x3FAD] =	sst s3  }
0xc: {  	[smem:$0x3FAE] =	sst s4  }
0xd: {  	[smem:$0x3FAF] =	sst s5  }
0xe: {  	[smem:$0x3FB0] =	sst s6  }
0xf: {  	[smem:$0x3FB1] =	sst s7  }
0x10: {  	[smem:$0x3FB2] =	sst s8  }
0x11: {  	[smem:$0x3FB3] =	sst s9;
	s0 =	simm.s32 @!p0 $0x0  }
0x12: {  	s1 =	sld [smem:$0x3F99];
	s0 =	simm.s32 @p0 $0x1  }
0x13: {  	[smem:$0x3FB4] =	sst s0;
	s0 =	simm.s32 @!p1 $0x0  }
0x14: {  	s2 =	sld [smem:$0x3F98];
	s0 =	simm.s32 @p1 $0x1  }
0x15: {  	[smem:$0x3FB5] =	sst s0;
	s0 =	simm.s32 @!p2 $0x0  }
0x16: {  	s3 =	sld [smem:$0x3FDB];
	s0 =	simm.s32 @p2 $0x1  }
0x17: {  	s4 =	simm.s32 $0x1BF5;
	[smem:$0x3FB7] =	sst s0  }
0x18: {  	s0 =	sld [smem:$0x3F9A];
	_ =	swait.ge [sflag:s4], $0x0  }
0x19: {  	s7 =	sld [smem:$0x3F9B]  }
0x1a: {  	s8 =	sadd.s32 $0xFFFFE003, lr  }
0x1b: {  	s9 =	sadd.s32 $0xFFFFFEF7, lr;
	s5 =	simm.s32 $0xFFFFFFFF;
	p2 =	slt.u32 s8, $0xFFFFF086  }
0x1c: {  	p1 =	slt.u32 s9, $0xF7A;
	s5 =	simm.s32 @!p2 $0x0  }
0x1d: {  	s5 =	simm.s32 @p1 $0x1;
	p0 =	seq.s32 s7, s2  }
0x1e: {  	s7 =	smul.u32 @!p0 $0xF7A, s2;
	p2 =	seq.s32 @!p0 s5, $0x0  }
0x1f: {  	s9 =	smul.u32 $0xF7A, s1;
	s8 =	simm.s32 @!p0 $0x1BF5;
	p2 =	por !p2, p0  }
0x20: {  	[sflag:s8] =	ssyncset.s32 @!p0 $0xFFFFF086;
	s6 =	sadd.s32 @!p0 s3, s7;
	s7 =	simm.s32 @!p0 $0x108  }
0x21: {  	s3 =	sadd.s32 s3, s9;
	s6 =	sadd.s32 @!p0 $0x88, s6;
	s7 =	simm.s32 @p2 $0x1082  }
0x22: {  	[simem:s7], [sflag:s8] =	dma.local @!p0 [hbm:s6], $0xF7A  }
0x23: {  	s9 =	sor.u32 $0xD0000000, s2;
	s6 =	simm.s32 $0x108;
	_ =	swait.ge @!p0 [sflag:s8], $0x0  }
0x24: {  	s3 =	sadd.s32 $0x88, s3;
	s6 =	simm.s32 @!p1 $0x1082;
	[sflag:s4] =	ssyncset.s32 $0xFFFFF086  }
0x25: {  	[simem:s6], [sflag:s4] =	dma.local [hbm:s3], $0xF7A  }
0x26: {  	[smem:$0x3F9B] =	sst s1;
	(tag) =	ssettag s2;
	_ =	strace s9  }
0x27: {  	s1 =	sld [smem:$0x3FAB]  }
0x28: {  	s2 =	sld [smem:$0x3FAC]  }
0x29: {  	s4 =	sld [smem:$0x3FAE]  }
0x2a: {  	p0 =	seq.s32 s5, $0x0;
	s5 =	sld [smem:$0x3FAF]  }
0x2b: {  	s6 =	sld [smem:$0x3FB0]  }
0x2c: {  	s7 =	sld [smem:$0x3FB1]  }
0x2d: {  	s3 =	simm.s32 $0x108;
	s8 =	sld [smem:$0x3FB2]  }
0x2e: {  	s3 =	simm.s32 @!p0 $0x1082;
	s9 =	sld [smem:$0x3FB3]  }
0x2f: {  	lr =	sadd.s32 s0, s3;
	s0 =	sld [smem:$0x3FAA]  }
0x30: {  	s3 =	sld [smem:$0x3FAD]  }
0x31: {  	[smem:$0x3FB6] =	sst s10  }
0x32: {  	s10 =	sld [smem:$0x3FB4];
	_ =	sdelay $0x3  }
0x33: {  	p0 =	seq.s32 s10, $0x1;
	s10 =	sld [smem:$0x3FB6];
	_ =	sdelay $0x3  }
0x34: {  	[smem:$0x3FB6] =	sst s10  }
0x35: {  	s10 =	sld [smem:$0x3FB5];
	_ =	sdelay $0x3  }
0x36: {  	p1 =	seq.s32 s10, $0x1;
	s10 =	sld [smem:$0x3FB6];
	_ =	sdelay $0x3  }
0x37: {  	[smem:$0x3FB6] =	sst s10  }
0x38: {  	s10 =	sld [smem:$0x3FB7]  }
0x39: {  	_ = 	snop;
	(pc) =	sbr.ind lr, $3  }
0x3a: {  	_ = 	snop  }
0x3b: {  	_ = 	snop  }
0x3c: {  	p2 =	seq.s32 s10, $0x1;
	s10 =	sld [smem:$0x3FB6]  }
0x3d: {  	_ =	shalt  }
0x3e: {  	_ =	shalt  }
0x3f: {  	_ =	shalt  }
0x40: {  	_ =	shalt  }
0x41: {  	_ =	shalt  }
0x42: {  	_ =	shalt  }
0x43: {  	_ =	shalt  }
0x44: {  	_ =	shalt  }
0x45: {  	_ =	shalt  }
0x46: {  	_ =	shalt  }
0x47: {  	_ =	shalt  }
0x48: {  	_ =	shalt  }
0x49: {  	_ =	shalt  }
0x4a: {  	_ =	shalt  }
0x4b: {  	_ =	shalt  }
0x4c: {  	_ =	shalt  }
0x4d: {  	_ =	shalt  }
0x4e: {  	_ =	shalt  }
0x4f: {  	_ =	shalt  }
0x50: {  	_ =	shalt  }
0x51: {  	_ =	shalt  }
0x52: {  	_ =	shalt  }
0x53: {  	_ =	shalt  }
0x54: {  	_ =	shalt  }
0x55: {  	_ =	shalt  }
0x56: {  	_ =	shalt  }
0x57: {  	_ =	shalt  }
0x58: {  	_ =	shalt  }
0x59: {  	_ =	shalt  }
0x5a: {  	_ =	shalt  }
0x5b: {  	_ =	shalt  }
0x5c: {  	_ =	shalt  }
0x5d: {  	_ =	shalt  }
0x5e: {  	_ =	shalt  }
0x5f: {  	_ =	shalt  }
0x60: {  	_ =	shalt  }
0x61: {  	_ =	shalt  }
0x62: {  	_ =	shalt  }
0x63: {  	_ =	shalt  }
0x64: {  	_ =	shalt  }
0x65: {  	_ =	shalt  }
0x66: {  	_ =	shalt  }
0x67: {  	_ =	shalt  }
0x68: {  	_ =	shalt  }
0x69: {  	_ =	shalt  }
0x6a: {  	_ =	shalt  }
0x6b: {  	_ =	shalt  }
0x6c: {  	_ =	shalt  }
0x6d: {  	_ =	shalt  }
0x6e: {  	_ =	shalt  }
0x6f: {  	_ =	shalt  }
0x70: {  	_ =	shalt  }
0x71: {  	_ =	shalt  }
0x72: {  	_ =	shalt  }
0x73: {  	_ =	shalt  }
0x74: {  	_ =	shalt  }
0x75: {  	_ =	shalt  }
0x76: {  	_ =	shalt  }
0x77: {  	_ =	shalt  }
0x78: {  	_ =	shalt  }
0x79: {  	_ =	shalt  }
0x7a: {  	_ =	shalt  }
0x7b: {  	_ =	shalt  }
0x7c: {  	_ =	shalt  }
0x7d: {  	_ =	shalt  }
0x7e: {  	_ =	shalt  }
0x7f: {  	_ =	shalt  }
0x80: {  	_ =	shalt  }
0x81: {  	_ =	shalt  }
0x82: {  	_ =	shalt  }
0x83: {  	_ =	shalt  }
0x84: {  	_ =	shalt  }
0x85: {  	_ =	shalt  }
0x86: {  	_ =	shalt  }
0x87: {  	_ =	shalt  }
.Lfunc_end0:
.L_simem_size_0:
called_computation.2_lowered:
.L_overlay_start_0:
0x88: {  	s2 =	sld [smem:$0x3FD9]  }
0x89: {  	s3 =	sld [smem:$0x3FFE];
	_ =	sdelay $0x1  }
0x8a: {  	s1 =	srdreg.scid  }
0x8b: {  	s0 =	sand.u32 $0x1, s1  }
0x8c: {  	s17 =	sshll.u32 s0, $0xA;
	s2 =	sadd.s32 s3, s2  }
0x8d: {  	s2 =	sadd.s32 s2, s17  }
0x8e: {  	[smem:$0x3FC2] =	sst s2  }
0x8f: {  	_ = 	snop  }
0x90: {  	s2 =	sld [smem:$0x3FD0];
	(tm) =	ssettm $0x1  }
0x91: {  	s18 =	sld [smem:$0x3FFB];
	_ =	sdelay $0x3  }
0x92: {  	_ =	strace s18  }
0x93: {  	s3 =	sld [smem:$0x3FFC];
	_ =	sdelay $0x3  }
0x94: {  	_ =	strace s3  }
0x95: {  	s3 =	sld [smem:$0x3FFD];
	_ =	sdelay $0x3  }
0x96: {  	_ =	strace s3  }
0x97: {  	_ =	strace $0x8FFFFFFF  }
0x98: {  	s19 =	sld [smem:$0x3FDB];
	_ =	sdelay $0x1  }
0x99: {  	s4 =	simm.s32 $_scs_section_size  }
0x9a: {  	s5 =	simm.s32 $_size__tile_overlayer_lowered;
	s6 =	simm.s32 $_tile_overlayer_lowered  }
0x9b: {  	s22 =	simm.s32 $0x1BFF;
	s21 =	sshll.u32 s6, $0x1;
	s3 =	sadd.s32 s4, s19  }
0x9c: {  	s7 =	simm.s32 $0x0;
	s20 =	sshll.u32 s5, $0x1;
	s5 =	sadd.s32 s21, s3  }
0x9d: {  	[timem:s7], [sflag:s22] =	dma.local [hbm:s5], s20  }
0x9e: {  	_ =	swait.ge [sflag:s22], s20  }
0x9f: {  	s4 =	ssub.s32 $0x0, s20;
	[sflag:s22] =	ssyncset.done $0x0  }
0xa0: {  	[sflag:s22] =	ssyncadd.s32 s4;
	_ =	sdelay $0x1  }
0xa1: {  	s23 =	simm.s32 $0x1B8B  }
0xa2: {  	_ =	swait.ge [sflag:s23], $0x1  }
0xa3: {  	[sflag:s23] =	ssyncset.done $0x0  }
0xa4: {  	s25 =	simm.s32 $0x1B8E;
	s24 =	sld [smem:$0x3FFE];
	[sflag:s23] =	ssyncadd.s32 $0xFFFFFFFF  }
0xa5: {  	s26 =	simm.s32 $execute0_lowered;
	[smem:$0x3FD2] =	sst s25  }
0xa6: {  	s5 =	sshll.u32 s26, $0x1;
	_ =	strace $0x80000049;
	[dreg:$0x1] =	wrdreg $0xFFFFFFFF  }
0xa7: {  	s28 =	simm.s32 $_size_execute0_lowered;
	s3 =	sadd.s32 s3, s5;
	[dreg:$0x0] =	wrdreg $0x0  }
0xa8: {  	s5 =	sshll.u32 s28, $0x1;
	[dreg:$0x2] =	wrdreg s3  }
0xa9: {  	[dreg:$0x3] =	wrdreg s5  }
0xaa: {  	[dreg:$0x4] =	wrdreg $0xC0  }
0xab: {  	_ =	task [dreg:s7], $0x5FFFF  }
0xac: {  	[dreg:$0x1] =	wrdreg $0xFFFFFFFF  }
0xad: {  	[dreg:$0x0] =	wrdreg $0x60  }
0xae: {  	[dreg:$0x2] =	wrdreg s24  }
0xaf: {  	[dreg:$0x3] =	wrdreg s2  }
0xb0: {  	[dreg:$0x4] =	wrdreg $0x9  }
0xb1: {  	_ =	task.clear_ibuf [dreg:s7], $0x5FFFF;
	_ =	strace $0x90000049  }
0xb2: {  	s29 =	simm.s32 $0x9;
	_ =	strace $0x8000004B  }
0xb3: {  	_ =	swait.ge [sflag:s29], $0x1  }
0xb4: {  	[sflag:s29] =	ssyncadd.s32 $0xFFFFFFFF  }
0xb5: {  	_ =	strace $0x9000004B  }
0xb6: {  	_ =	sfence  }
0xb7: {  	s30 =	sld [smem:$0x0];
	_ =	sdelay $0x2  }
0xb8: {  	s31 =	sshll.u32 s1, $0xD;
	s1 =	sshrl.u32 s1, $0x2  }
0xb9: {  	s3 =	sand.u32 $0x4000, s31;
	s1 =	sadd.s32 s1, s30  }
0xba: {  	s0 =	sor.u32 s3, s0;
	s1 =	sshll.u32 s1, $0x11  }
0xbb: {  	s0 =	sor.u32 s1, s0  }
0xbc: {  	s0 =	sadd.s32 $0x8F2B, s0  }
0xbd: {  	[sflag:s0] =	ssyncadd.remote.s32 $0x1  }
0xbe: {  	_ =	sfence.sel $0xFFFF  }
0xbf: {  	[dreg:$0x0] =	wrdreg $0xFFFFFFFF;
	(pc) =	sbr.abs _section_cstart, $3  }
0xc0: {  	[dreg:$0x1] =	wrdreg $0xFFFFFFFF  }
0xc1: {  	_ =	task.clear_ibuf [dreg:s7], $0x2FFFF;
	_ =	strace $0x9FFFFFFF  }
0xc2: {  	(tm) =	ssettm $0x7FFFFFFF  }
0xc3: {  	_ =	shalt  }
tec
execute0_lowered:
.L_overlay_start_1:
0x0: {  	(tag) =	ssettag $0x1  }
0x1: {  	s0 =	rddreg [dreg:$0x0]  }
0x2: {  	s1 =	rddreg [dreg:$0x1];
	s2 =	srdreg.scid  }
0x3: {  	s3 =	simm.s32 $0x0;
	s5 =	stileid.u32;
	s13 =	simm.s32 $0x50  }
0x4: {  	s17 =	simm.s32 $0x1;
	s20 =	simm.s32 $0x2;
	s28 =	simm.s32 $0x1F90  }
0x5: {  	s30 =	simm.s32 $0x5;
	s31 =	simm.s32 $0x2990;
	s2 =	sand.u32 $0x1, s2  }
0x6: {  	s12 =	simm.s32 $0x7;
	s19 =	simm.s32 $0x8;
	s4 =	sshll.u32 s2, $0x4  }
0x7: {  	[smem:$0x7FF] =	sst s3;
	s2 =	ssub.s32 $0x2, s2;
	s4 =	sor.u32 s5, s4  }
0x8: {  	s6 =	sadd.s32 $0x28800, s0;
	s21 =	sshrl.u32 s2, $0x1;
	s8 =	smul.u32 $0x2710, s4  }
0x9: {  	s7 =	sadd.s32 $0x1000, s0;
	_ =	strace $0x8000004A;
	s22 =	ssub.s32 s2, s21  }
0xa: {  	s5 =	sadd.s32 $0xAE00, s0;
	s0 =	smax.u32 s22, $0x1;
	[dreg:$0x8] =	wrdreg s8  }
0xb: {  	s29 =	simm.s32 $0xB;
	s23 =	sadd.s32 $0x50, s8;
	[dreg:$0x7] =	wrdreg s0  }
0xc: {  	s2 =	simm.s32 $0x6;
	s24 =	sadd.s32 $0xA0, s8;
	[dreg:$0x3] =	wrdreg s23  }
0xd: {  	s4 =	simm.s32 $0x0;
	s25 =	sadd.s32 $0xF0, s8;
	[dreg:$0x4] =	wrdreg s24  }
0xe: {  	s21 =	simm.s32 $0x140;
	s26 =	sadd.s32 $0x140, s8;
	[dreg:$0x5] =	wrdreg s25  }
0xf: {  	s22 =	simm.s32 $0x9;
	[dreg:$0x6] =	wrdreg s26;
	s23 =	simm.s32 $0x3  }
0x10: {  	s24 =	simm.s32 $0x1590;
	s26 =	simm.s32 $0x4;
	s25 =	simm.s32 $0xA  }
.LBB2_1:
0x11: {  	[dreg:$0x9] =	wrdreg s4;
	s0 =	simm.s32 $0x0  }
.LBB2_2:
0x12: {  	s4 =	smul.u32 $0x190, s0  }
0x13: {  	s8 =	rddreg [dreg:$0x8]  }
0x14: {  	s8 =	sadd.s32 s8, s4  }
0x15: {  	s9 =	sshrl.u32 s8, $0x3  }
0x16: {  	s15 =	rddreg [dreg:$0x3];
	s9 =	sadd.s32 s5, s9  }
0x17: {  	[tilespmem:s3], [sflag:$0x1] =	stream.linear.gather [hbm4b:s9+s3], $0x50, $0x38;
	[tilespmem:$0x6590] =	vst v63  }
0x18: {  	s9 =	sadd.s32 s4, s15  }
0x19: {  	s16 =	rddreg [dreg:$0x4];
	s10 =	sshrl.u32 s9, $0x3  }
0x1a: {  	s14 =	sadd.s32 s4, s16;
	s10 =	sadd.s32 s5, s10  }
0x1b: {  	[tilespmem:s13], [sflag:$0x2] =	stream.linear.gather [hbm4b:s10+s3], $0x50, $0x38;
	[tilespmem:$0x6590] =	vst v63  }
0x1c: {  	s18 =	rddreg [dreg:$0x5];
	s10 =	sshrl.u32 s14, $0x3  }
0x1d: {  	s16 =	simm.s32 $0xA0;
	s15 =	sadd.s32 s4, s18;
	s10 =	sadd.s32 s5, s10  }
0x1e: {  	[tilespmem:s16], [sflag:$0x3] =	stream.linear.gather [hbm4b:s10+s3], $0x50, $0x38;
	[tilespmem:$0x6590] =	vst v63  }
0x1f: {  	s11 =	rddreg [dreg:$0x6];
	s10 =	sshrl.u32 s15, $0x3  }
0x20: {  	s18 =	simm.s32 $0xF0;
	s4 =	sadd.s32 s4, s11;
	s10 =	sadd.s32 s5, s10  }
0x21: {  	[tilespmem:s18], [sflag:$0x4] =	stream.linear.gather [hbm4b:s10+s3], $0x50, $0x38;
	[tilespmem:$0x6590] =	vst v63  }
0x22: {  	s10 =	sshrl.u32 s4, $0x3  }
0x23: {  	s10 =	sadd.s32 s5, s10  }
0x24: {  	[tilespmem:s21], [sflag:$0x5] =	stream.linear.gather [hbm4b:s10+s3], $0x50, $0x38;
	[tilespmem:$0x6590] =	vst v63  }
0x25: {  	_ =	swait.ge [sflag:s17], $0x50  }
0x26: {  	s11 =	sshll.u32 s8, $0x2;
	[sflag:s17] =	ssyncset.done $0x0  }
0x27: {  	s8 =	sadd.s32 s6, s11;
	s10 =	simm.s32 $0x190;
	[sflag:s17] =	ssyncadd.s32 $0xFFFFFFB0  }
0x28: {  	[tilespmem:s10], [sflag:$0x6] =	stream.linear.gather [hbm4b:s8+s3], $0xA00, $0x38;
	[tilespmem:$0x6590] =	vst v63  }
0x29: {  	s10 =	simm.s32 $0x3390  }
0x2a: {  	[tilespmem:s10], [sflag:$0x6] =	stream.indirect.gather [hbm4b:s7+s13], $0x20, s3, s13, $0xb8;
	[tilespmem:$0x6590] =	vst v63  }
0x2b: {  	s10 =	sshll.u32 s9, $0x2;
	_ =	swait.ge [sflag:s20], $0x50  }
0x2c: {  	s10 =	sand.u32 $0x1FFFFFC0, s10;
	[sflag:s20] =	ssyncset.done $0x0  }
0x2d: {  	s9 =	simm.s32 $0xB90;
	s8 =	sadd.s32 s6, s10;
	[sflag:s20] =	ssyncadd.s32 $0xFFFFFFB0  }
0x2e: {  	[tilespmem:s9], [sflag:$0x7] =	stream.linear.gather [hbm4b:s8+s3], $0xA00, $0x38;
	[tilespmem:$0x6590] =	vst v63  }
0x2f: {  	s9 =	simm.s32 $0x3D90  }
0x30: {  	[tilespmem:s9], [sflag:$0x7] =	stream.indirect.gather [hbm4b:s7+s13], $0x20, s13, s13, $0xb8;
	[tilespmem:$0x6590] =	vst v63  }
0x31: {  	s9 =	sshll.u32 s14, $0x2;
	_ =	swait.ge [sflag:s23], $0x50  }
0x32: {  	s9 =	sand.u32 $0x1FFFFFC0, s9;
	[sflag:s23] =	ssyncset.done $0x0  }
0x33: {  	s8 =	sadd.s32 s6, s9;
	[sflag:s23] =	ssyncadd.s32 $0xFFFFFFB0  }
0x34: {  	[tilespmem:s24], [sflag:$0x8] =	stream.linear.gather [hbm4b:s8+s3], $0xA00, $0x38;
	[tilespmem:$0x6590] =	vst v63  }
0x35: {  	s14 =	simm.s32 $0x4790  }
0x36: {  	[tilespmem:s14], [sflag:$0x8] =	stream.indirect.gather [hbm4b:s7+s13], $0x20, s16, s13, $0xb8;
	[tilespmem:$0x6590] =	vst v63  }
0x37: {  	s15 =	sshll.u32 s15, $0x2;
	_ =	swait.ge [sflag:s26], $0x50  }
0x38: {  	s8 =	sand.u32 $0x1FFFFFC0, s15;
	[sflag:s26] =	ssyncset.done $0x0  }
0x39: {  	s16 =	sadd.s32 s6, s8;
	[sflag:s26] =	ssyncadd.s32 $0xFFFFFFB0  }
0x3a: {  	[tilespmem:s28], [sflag:$0x9] =	stream.linear.gather [hbm4b:s16+s3], $0xA00, $0x38;
	[tilespmem:$0x6590] =	vst v63  }
0x3b: {  	s15 =	simm.s32 $0x5190  }
0x3c: {  	[tilespmem:s15], [sflag:$0x9] =	stream.indirect.gather [hbm4b:s7+s13], $0x20, s18, s13, $0xb8;
	[tilespmem:$0x6590] =	vst v63  }
0x3d: {  	s4 =	sshll.u32 s4, $0x2;
	_ =	swait.ge [sflag:s30], $0x50  }
0x3e: {  	s4 =	sand.u32 $0x1FFFFFC0, s4;
	[sflag:s30] =	ssyncset.done $0x0  }
0x3f: {  	s16 =	sadd.s32 s6, s4;
	[sflag:s30] =	ssyncadd.s32 $0xFFFFFFB0  }
0x40: {  	[tilespmem:s31], [sflag:$0xA] =	stream.linear.gather [hbm4b:s16+s3], $0xA00, $0x38;
	[tilespmem:$0x6590] =	vst v63  }
0x41: {  	s18 =	simm.s32 $0x5B90  }
0x42: {  	[tilespmem:s18], [sflag:$0xA] =	stream.indirect.gather [hbm4b:s7+s13], $0x20, s21, s13, $0xb8;
	[tilespmem:$0x6590] =	vst v63  }
0x43: {  	_ =	swait.ge [sflag:s2], $0xA00  }
0x44: {  	[sflag:s2] =	ssyncset.done $0x0  }
0x45: {  	[sflag:s2] =	ssyncadd.s32 $0xFFFFF600  }
0x46: {  	_ =	swait.ge [sflag:s2], $0xA00  }
0x47: {  	[sflag:s2] =	ssyncset.done $0x0  }
0x48: {  	s14 =	simm.s32 $0x210;
	[sflag:s2] =	ssyncadd.s32 $0xFFFFF600  }
0x49: {  	s15 =	simm.s32 $0x3410;
	v0 =	vld [tilespmem:s14+$0x60]  }
0x4a: {  	v1 =	vld [tilespmem:s15+$0x60]  }
0x4b: {  	v4 =	vld [tilespmem:s15+$0xFFFFFF80]  }
0x4c: {  	v2 =	vld [tilespmem:s14+$0xFFFFFFA0]  }
0x4d: {  	v3 =	vld [tilespmem:s15+$0xFFFFFFA0]  }
0x4e: {  	v5 =	vld [tilespmem:s14+$0xFFFFFFC0]  }
0x4f: {  	v6 =	vld [tilespmem:s14+$0xFFFFFFE0]  }
0x50: {  	v7 =	vld [tilespmem:s14+$0x70]  }
0x51: {  	v8 =	vld [tilespmem:s14+$0x0]  }
0x52: {  	v9 =	vld [tilespmem:s15+$0x0]  }
0x53: {  	v11 =	vld [tilespmem:s14+$0x20];
	v0 =	vmul.f32 v1, v0  }
0x54: {  	v12 =	vld [tilespmem:s15+$0x20]  }
0x55: {  	[tilespmem:s14+$0x60] =	vst v0;
	v0 =	vld [tilespmem:s15+$0xFFFFFFE0]  }
0x56: {  	v1 =	vld [tilespmem:s15+$0xFFFFFFC0]  }
0x57: {  	v13 =	vld [tilespmem:s14+$0x40]  }
0x58: {  	v63 =	vld [tilespmem:s14+$0xFFFFFFB0];
	v2 =	vmul.f32 v3, v2  }
0x59: {  	v10 =	vld [tilespmem:s15+$0x70]  }
0x5a: {  	[tilespmem:s14+$0xFFFFFFA0] =	vst v2;
	v0 =	vmul.f32 v0, v6;
	v6 =	vld [tilespmem:s14+$0xFFFFFF80]  }
0x5b: {  	v14 =	vld [tilespmem:s15+$0xFFFFFFB0];
	v1 =	vmul.f32 v1, v5  }
0x5c: {  	v5 =	vld [tilespmem:s15+$0x40]  }
0x5d: {  	[tilespmem:s14+$0xFFFFFFC0] =	vst v1;
	v1 =	vmul.f32 v9, v8;
	v8 =	vmul.f32 v12, v11;
	v11 =	vld [tilespmem:s14+$0xFFFFFF90]  }
0x5e: {  	v9 =	vld [tilespmem:s14+$0xFFFFFFD0]  }
0x5f: {  	v3 =	vld [tilespmem:s15+$0xFFFFFFD0];
	[tilespmem:s14+$0xFFFFFFE0] =	vst v0;
	v4 =	vmul.f32 v4, v6  }
0x60: {  	[tilespmem:s14+$0x20] =	vst v8;
	v8 =	vld [tilespmem:s14+$0xFFFFFFF0]  }
0x61: {  	v2 =	vld [tilespmem:s15+$0xFFFFFFF0];
	[tilespmem:s14+$0xFFFFFF80] =	vst v4  }
0x62: {  	[tilespmem:s14+$0x0] =	vst v1;
	v62 =	vld [tilespmem:s15+$0xFFFFFF90]  }
0x63: {  	v7 =	vmul.f32 v10, v7;
	v0 =	vld [tilespmem:s15+$0x10]  }
0x64: {  	v1 =	vld [tilespmem:s15+$0x30]  }
0x65: {  	v5 =	vmul.f32 v5, v13;
	[tilespmem:s14+$0x70] =	vst v7;
	v7 =	vld [tilespmem:s14+$0x50]  }
0x66: {  	v6 =	vld [tilespmem:s14+$0x10]  }
0x67: {  	[tilespmem:s14+$0x40] =	vst v5;
	v5 =	vld [tilespmem:s14+$0x30];
	v11 =	vmul.f32 v62, v11  }
0x68: {  	s16 =	simm.s32 $0x0;
	s18 =	simm.s32 $0x310;
	v10 =	vmul.f32 v14, v63;
	v4 =	vld [tilespmem:s15+$0x50]  }
.LBB2_3:
0x69: {  	v12 =	vld [tilespmem:s18+$0x60];
	[tilespmem:s14+$0xFFFFFF90] =	vst v11;
	v3 =	vmul.f32 v3, v9;
	s15 =	sadd.s32 $0x100, s15  }
0x6a: {  	s16 =	sadd.s32 $0x8, s16;
	v9 =	vld [tilespmem:s15+$0x60];
	[tilespmem:s14+$0xFFFFFFB0] =	vst v10;
	v2 =	vmul.f32 v2, v8  }
0x6b: {  	p0 =	slt.u32 s16, $0x48;
	v8 =	vld [tilespmem:s15+$0xFFFFFF80];
	[tilespmem:s14+$0xFFFFFFD0] =	vst v3;
	v0 =	vmul.f32 v0, v6  }
0x6c: {  	v3 =	vld [tilespmem:s18+$0xFFFFFFA0];
	[tilespmem:s14+$0xFFFFFFF0] =	vst v2;
	v1 =	vmul.f32 v1, v5  }
0x6d: {  	v2 =	vld [tilespmem:s15+$0xFFFFFFA0];
	[tilespmem:s14+$0x10] =	vst v0;
	v0 =	vmul.f32 v4, v7  }
0x6e: {  	v4 =	vld [tilespmem:s18+$0xFFFFFFC0];
	[tilespmem:s14+$0x30] =	vst v1  }
0x6f: {  	v1 =	vld [tilespmem:s15+$0xFFFFFFC0];
	v5 =	vmul.f32 v9, v12;
	[tilespmem:s14+$0x50] =	vst v0;
	s14 =	smov.u32 s18  }
0x70: {  	v0 =	vld [tilespmem:s18+$0xFFFFFFE0]  }
0x71: {  	[tilespmem:s18+$0x60] =	vst v5;
	v5 =	vld [tilespmem:s18+$0x70]  }
0x72: {  	v2 =	vmul.f32 v2, v3;
	v3 =	vld [tilespmem:s15+$0x70]  }
0x73: {  	v6 =	vld [tilespmem:s15+$0xFFFFFFE0]  }
0x74: {  	[tilespmem:s18+$0xFFFFFFA0] =	vst v2;
	v1 =	vmul.f32 v1, v4;
	v2 =	vld [tilespmem:s18+$0x0]  }
0x75: {  	v4 =	vld [tilespmem:s15+$0x0]  }
0x76: {  	[tilespmem:s18+$0xFFFFFFC0] =	vst v1;
	v1 =	vld [tilespmem:s18+$0x20]  }
0x77: {  	v7 =	vld [tilespmem:s15+$0x20];
	v3 =	vmul.f32 v3, v5  }
0x78: {  	v0 =	vmul.f32 v6, v0;
	v5 =	vld [tilespmem:s18+$0x40]  }
0x79: {  	v6 =	vld [tilespmem:s15+$0x40];
	[tilespmem:s18+$0x70] =	vst v3  }
0x7a: {  	v9 =	vld [tilespmem:s18+$0xFFFFFF80];
	[tilespmem:s18+$0xFFFFFFE0] =	vst v0;
	v0 =	vmul.f32 v4, v2  }
0x7b: {  	v10 =	vld [tilespmem:s15+$0xFFFFFFB0]  }
0x7c: {  	v3 =	vld [tilespmem:s15+$0xFFFFFFD0];
	[tilespmem:s18+$0x0] =	vst v0;
	v1 =	vmul.f32 v7, v1  }
0x7d: {  	v2 =	vld [tilespmem:s15+$0xFFFFFFF0]  }
0x7e: {  	v0 =	vld [tilespmem:s15+$0x10];
	[tilespmem:s18+$0x20] =	vst v1;
	v4 =	vmul.f32 v6, v5  }
0x7f: {  	v5 =	vmul.f32 v8, v9;
	v1 =	vld [tilespmem:s15+$0x30]  }
0x80: {  	v7 =	vld [tilespmem:s18+$0xFFFFFF90];
	[tilespmem:s18+$0x40] =	vst v4  }
0x81: {  	[tilespmem:s18+$0xFFFFFF80] =	vst v5;
	v4 =	vld [tilespmem:s15+$0x50]  }
0x82: {  	v5 =	vld [tilespmem:s15+$0xFFFFFF90]  }
0x83: {  	v12 =	vld [tilespmem:s18+$0xFFFFFFB0]  }
.Ltmp0:
0x84: {  	v9 =	vld [tilespmem:s18+$0xFFFFFFD0];
	(pc) =	sbr.rel @p0 .LBB2_3-.Ltmp0, $4  }
0x85: {  	v8 =	vld [tilespmem:s18+$0xFFFFFFF0]  }
0x86: {  	v6 =	vld [tilespmem:s18+$0x10]  }
0x87: {  	v11 =	vmul.f32 v5, v7;
	v5 =	vld [tilespmem:s18+$0x30]  }
0x88: {  	s18 =	sadd.s32 $0x100, s18;
	v10 =	vmul.f32 v10, v12;
	v7 =	vld [tilespmem:s14+$0x50]  }
0x89: {  	[tilespmem:s14+$0xFFFFFF90] =	vst v11;
	v3 =	vmul.f32 v3, v9  }
0x8a: {  	[tilespmem:s14+$0xFFFFFFB0] =	vst v10;
	v2 =	vmul.f32 v2, v8  }
0x8b: {  	[tilespmem:s14+$0xFFFFFFD0] =	vst v3;
	v0 =	vmul.f32 v0, v6  }
0x8c: {  	[tilespmem:s14+$0xFFFFFFF0] =	vst v2;
	v1 =	vmul.f32 v1, v5  }
0x8d: {  	[tilespmem:s14+$0x10] =	vst v0;
	v0 =	vmul.f32 v4, v7  }
0x8e: {  	[tilespmem:s14+$0x30] =	vst v1  }
0x8f: {  	s11 =	sadd.s32 s1, s11;
	s18 =	simm.s32 $0x190;
	[tilespmem:s14+$0x50] =	vst v0  }
0x90: {  	[hbm4b:s11+s3] =	stream.linear.scatter [tilespmem:s18], [sflag:$0xB], $0xA00, $0x38;
	[tilespmem:$0x6590] =	vst v63  }
0x91: {  	_ =	swait.ge [sflag:s12], $0xA00  }
0x92: {  	[sflag:s12] =	ssyncset.done $0x0  }
0x93: {  	[sflag:s12] =	ssyncadd.s32 $0xFFFFF600  }
0x94: {  	_ =	swait.ge [sflag:s12], $0xA00  }
0x95: {  	[sflag:s12] =	ssyncset.done $0x0  }
0x96: {  	s11 =	simm.s32 $0xC10;
	[sflag:s12] =	ssyncadd.s32 $0xFFFFF600  }
0x97: {  	s14 =	simm.s32 $0x3E10;
	v0 =	vld [tilespmem:s11+$0x60]  }
0x98: {  	v1 =	vld [tilespmem:s14+$0x60]  }
0x99: {  	v4 =	vld [tilespmem:s14+$0xFFFFFF80]  }
0x9a: {  	v2 =	vld [tilespmem:s11+$0xFFFFFFA0]  }
0x9b: {  	v3 =	vld [tilespmem:s14+$0xFFFFFFA0]  }
0x9c: {  	v5 =	vld [tilespmem:s11+$0xFFFFFFC0]  }
0x9d: {  	v6 =	vld [tilespmem:s11+$0xFFFFFFE0]  }
0x9e: {  	v7 =	vld [tilespmem:s11+$0x70]  }
0x9f: {  	v8 =	vld [tilespmem:s11+$0x0]  }
0xa0: {  	v9 =	vld [tilespmem:s14+$0x0]  }
0xa1: {  	v11 =	vld [tilespmem:s11+$0x20];
	v0 =	vmul.f32 v1, v0  }
0xa2: {  	v12 =	vld [tilespmem:s14+$0x20]  }
0xa3: {  	[tilespmem:s11+$0x60] =	vst v0;
	v0 =	vld [tilespmem:s14+$0xFFFFFFE0]  }
0xa4: {  	v1 =	vld [tilespmem:s14+$0xFFFFFFC0]  }
0xa5: {  	v13 =	vld [tilespmem:s11+$0x40]  }
0xa6: {  	v63 =	vld [tilespmem:s11+$0xFFFFFFB0];
	v2 =	vmul.f32 v3, v2  }
0xa7: {  	v10 =	vld [tilespmem:s14+$0x70]  }
0xa8: {  	[tilespmem:s11+$0xFFFFFFA0] =	vst v2;
	v0 =	vmul.f32 v0, v6;
	v6 =	vld [tilespmem:s11+$0xFFFFFF80]  }
0xa9: {  	v14 =	vld [tilespmem:s14+$0xFFFFFFB0];
	v1 =	vmul.f32 v1, v5  }
0xaa: {  	v5 =	vld [tilespmem:s14+$0x40]  }
0xab: {  	[tilespmem:s11+$0xFFFFFFC0] =	vst v1;
	v1 =	vmul.f32 v9, v8;
	v8 =	vmul.f32 v12, v11;
	v11 =	vld [tilespmem:s11+$0xFFFFFF90]  }
0xac: {  	v9 =	vld [tilespmem:s11+$0xFFFFFFD0]  }
0xad: {  	v3 =	vld [tilespmem:s14+$0xFFFFFFD0];
	[tilespmem:s11+$0xFFFFFFE0] =	vst v0;
	v4 =	vmul.f32 v4, v6  }
0xae: {  	[tilespmem:s11+$0x20] =	vst v8;
	v8 =	vld [tilespmem:s11+$0xFFFFFFF0]  }
0xaf: {  	v2 =	vld [tilespmem:s14+$0xFFFFFFF0];
	[tilespmem:s11+$0xFFFFFF80] =	vst v4  }
0xb0: {  	[tilespmem:s11+$0x0] =	vst v1;
	v62 =	vld [tilespmem:s14+$0xFFFFFF90]  }
0xb1: {  	v7 =	vmul.f32 v10, v7;
	v0 =	vld [tilespmem:s14+$0x10]  }
0xb2: {  	v1 =	vld [tilespmem:s14+$0x30]  }
0xb3: {  	v5 =	vmul.f32 v5, v13;
	[tilespmem:s11+$0x70] =	vst v7;
	v7 =	vld [tilespmem:s11+$0x50]  }
0xb4: {  	v6 =	vld [tilespmem:s11+$0x10]  }
0xb5: {  	[tilespmem:s11+$0x40] =	vst v5;
	v5 =	vld [tilespmem:s11+$0x30];
	v11 =	vmul.f32 v62, v11  }
0xb6: {  	s15 =	simm.s32 $0x0;
	s16 =	simm.s32 $0xD10;
	v10 =	vmul.f32 v14, v63;
	v4 =	vld [tilespmem:s14+$0x50]  }
.LBB2_5:
0xb7: {  	v12 =	vld [tilespmem:s16+$0x60];
	[tilespmem:s11+$0xFFFFFF90] =	vst v11;
	v3 =	vmul.f32 v3, v9;
	s14 =	sadd.s32 $0x100, s14  }
0xb8: {  	s15 =	sadd.s32 $0x8, s15;
	v9 =	vld [tilespmem:s14+$0x60];
	[tilespmem:s11+$0xFFFFFFB0] =	vst v10;
	v2 =	vmul.f32 v2, v8  }
0xb9: {  	p0 =	slt.u32 s15, $0x48;
	v8 =	vld [tilespmem:s14+$0xFFFFFF80];
	[tilespmem:s11+$0xFFFFFFD0] =	vst v3;
	v0 =	vmul.f32 v0, v6  }
0xba: {  	v3 =	vld [tilespmem:s16+$0xFFFFFFA0];
	[tilespmem:s11+$0xFFFFFFF0] =	vst v2;
	v1 =	vmul.f32 v1, v5  }
0xbb: {  	v2 =	vld [tilespmem:s14+$0xFFFFFFA0];
	[tilespmem:s11+$0x10] =	vst v0;
	v0 =	vmul.f32 v4, v7  }
0xbc: {  	v4 =	vld [tilespmem:s16+$0xFFFFFFC0];
	[tilespmem:s11+$0x30] =	vst v1  }
0xbd: {  	v1 =	vld [tilespmem:s14+$0xFFFFFFC0];
	v5 =	vmul.f32 v9, v12;
	[tilespmem:s11+$0x50] =	vst v0;
	s11 =	smov.u32 s16  }
0xbe: {  	v0 =	vld [tilespmem:s16+$0xFFFFFFE0]  }
0xbf: {  	[tilespmem:s16+$0x60] =	vst v5;
	v5 =	vld [tilespmem:s16+$0x70]  }
0xc0: {  	v2 =	vmul.f32 v2, v3;
	v3 =	vld [tilespmem:s14+$0x70]  }
0xc1: {  	v6 =	vld [tilespmem:s14+$0xFFFFFFE0]  }
0xc2: {  	[tilespmem:s16+$0xFFFFFFA0] =	vst v2;
	v1 =	vmul.f32 v1, v4;
	v2 =	vld [tilespmem:s16+$0x0]  }
0xc3: {  	v4 =	vld [tilespmem:s14+$0x0]  }
0xc4: {  	[tilespmem:s16+$0xFFFFFFC0] =	vst v1;
	v1 =	vld [tilespmem:s16+$0x20]  }
0xc5: {  	v7 =	vld [tilespmem:s14+$0x20];
	v3 =	vmul.f32 v3, v5  }
0xc6: {  	v0 =	vmul.f32 v6, v0;
	v5 =	vld [tilespmem:s16+$0x40]  }
0xc7: {  	v6 =	vld [tilespmem:s14+$0x40];
	[tilespmem:s16+$0x70] =	vst v3  }
0xc8: {  	v9 =	vld [tilespmem:s16+$0xFFFFFF80];
	[tilespmem:s16+$0xFFFFFFE0] =	vst v0;
	v0 =	vmul.f32 v4, v2  }
0xc9: {  	v10 =	vld [tilespmem:s14+$0xFFFFFFB0]  }
0xca: {  	v3 =	vld [tilespmem:s14+$0xFFFFFFD0];
	[tilespmem:s16+$0x0] =	vst v0;
	v1 =	vmul.f32 v7, v1  }
0xcb: {  	v2 =	vld [tilespmem:s14+$0xFFFFFFF0]  }
0xcc: {  	v0 =	vld [tilespmem:s14+$0x10];
	[tilespmem:s16+$0x20] =	vst v1;
	v4 =	vmul.f32 v6, v5  }
0xcd: {  	v5 =	vmul.f32 v8, v9;
	v1 =	vld [tilespmem:s14+$0x30]  }
0xce: {  	v7 =	vld [tilespmem:s16+$0xFFFFFF90];
	[tilespmem:s16+$0x40] =	vst v4  }
0xcf: {  	[tilespmem:s16+$0xFFFFFF80] =	vst v5;
	v4 =	vld [tilespmem:s14+$0x50]  }
0xd0: {  	v5 =	vld [tilespmem:s14+$0xFFFFFF90]  }
0xd1: {  	v12 =	vld [tilespmem:s16+$0xFFFFFFB0]  }
.Ltmp1:
0xd2: {  	v9 =	vld [tilespmem:s16+$0xFFFFFFD0];
	(pc) =	sbr.rel @p0 .LBB2_5-.Ltmp1, $4  }
0xd3: {  	v8 =	vld [tilespmem:s16+$0xFFFFFFF0]  }
0xd4: {  	v6 =	vld [tilespmem:s16+$0x10]  }
0xd5: {  	v11 =	vmul.f32 v5, v7;
	v5 =	vld [tilespmem:s16+$0x30]  }
0xd6: {  	s16 =	sadd.s32 $0x100, s16;
	v10 =	vmul.f32 v10, v12;
	v7 =	vld [tilespmem:s11+$0x50]  }
0xd7: {  	[tilespmem:s11+$0xFFFFFF90] =	vst v11;
	v3 =	vmul.f32 v3, v9  }
0xd8: {  	[tilespmem:s11+$0xFFFFFFB0] =	vst v10;
	v2 =	vmul.f32 v2, v8  }
0xd9: {  	[tilespmem:s11+$0xFFFFFFD0] =	vst v3;
	v0 =	vmul.f32 v0, v6  }
0xda: {  	[tilespmem:s11+$0xFFFFFFF0] =	vst v2;
	v1 =	vmul.f32 v1, v5  }
0xdb: {  	[tilespmem:s11+$0x10] =	vst v0;
	v0 =	vmul.f32 v4, v7  }
0xdc: {  	[tilespmem:s11+$0x30] =	vst v1  }
0xdd: {  	s10 =	sadd.s32 s1, s10;
	s18 =	simm.s32 $0xB90;
	[tilespmem:s11+$0x50] =	vst v0  }
0xde: {  	[hbm4b:s10+s3] =	stream.linear.scatter [tilespmem:s18], [sflag:$0xB], $0xA00, $0x38;
	[tilespmem:$0x6590] =	vst v63  }
0xdf: {  	_ =	swait.ge [sflag:s19], $0xA00  }
0xe0: {  	[sflag:s19] =	ssyncset.done $0x0  }
0xe1: {  	[sflag:s19] =	ssyncadd.s32 $0xFFFFF600  }
0xe2: {  	_ =	swait.ge [sflag:s19], $0xA00  }
0xe3: {  	[sflag:s19] =	ssyncset.done $0x0  }
0xe4: {  	s10 =	simm.s32 $0x1610;
	[sflag:s19] =	ssyncadd.s32 $0xFFFFF600  }
0xe5: {  	s11 =	simm.s32 $0x4810;
	v0 =	vld [tilespmem:s10+$0x60]  }
0xe6: {  	v1 =	vld [tilespmem:s11+$0x60]  }
0xe7: {  	v4 =	vld [tilespmem:s11+$0xFFFFFF80]  }
0xe8: {  	v2 =	vld [tilespmem:s10+$0xFFFFFFA0]  }
0xe9: {  	v3 =	vld [tilespmem:s11+$0xFFFFFFA0]  }
0xea: {  	v5 =	vld [tilespmem:s10+$0xFFFFFFC0]  }
0xeb: {  	v6 =	vld [tilespmem:s10+$0xFFFFFFE0]  }
0xec: {  	v7 =	vld [tilespmem:s10+$0x70]  }
0xed: {  	v8 =	vld [tilespmem:s10+$0x0]  }
0xee: {  	v9 =	vld [tilespmem:s11+$0x0]  }
0xef: {  	v11 =	vld [tilespmem:s10+$0x20];
	v0 =	vmul.f32 v1, v0  }
0xf0: {  	v12 =	vld [tilespmem:s11+$0x20]  }
0xf1: {  	[tilespmem:s10+$0x60] =	vst v0;
	v0 =	vld [tilespmem:s11+$0xFFFFFFE0]  }
0xf2: {  	v1 =	vld [tilespmem:s11+$0xFFFFFFC0]  }
0xf3: {  	v13 =	vld [tilespmem:s10+$0x40]  }
0xf4: {  	v63 =	vld [tilespmem:s10+$0xFFFFFFB0];
	v2 =	vmul.f32 v3, v2  }
0xf5: {  	v10 =	vld [tilespmem:s11+$0x70]  }
0xf6: {  	[tilespmem:s10+$0xFFFFFFA0] =	vst v2;
	v0 =	vmul.f32 v0, v6;
	v6 =	vld [tilespmem:s10+$0xFFFFFF80]  }
0xf7: {  	v14 =	vld [tilespmem:s11+$0xFFFFFFB0];
	v1 =	vmul.f32 v1, v5  }
0xf8: {  	v5 =	vld [tilespmem:s11+$0x40]  }
0xf9: {  	[tilespmem:s10+$0xFFFFFFC0] =	vst v1;
	v1 =	vmul.f32 v9, v8;
	v8 =	vmul.f32 v12, v11;
	v11 =	vld [tilespmem:s10+$0xFFFFFF90]  }
0xfa: {  	v9 =	vld [tilespmem:s10+$0xFFFFFFD0]  }
0xfb: {  	v3 =	vld [tilespmem:s11+$0xFFFFFFD0];
	[tilespmem:s10+$0xFFFFFFE0] =	vst v0;
	v4 =	vmul.f32 v4, v6  }
0xfc: {  	[tilespmem:s10+$0x20] =	vst v8;
	v8 =	vld [tilespmem:s10+$0xFFFFFFF0]  }
0xfd: {  	v2 =	vld [tilespmem:s11+$0xFFFFFFF0];
	[tilespmem:s10+$0xFFFFFF80] =	vst v4  }
0xfe: {  	[tilespmem:s10+$0x0] =	vst v1;
	v62 =	vld [tilespmem:s11+$0xFFFFFF90]  }
0xff: {  	v7 =	vmul.f32 v10, v7;
	v0 =	vld [tilespmem:s11+$0x10]  }
0x100: {  	v1 =	vld [tilespmem:s11+$0x30]  }
0x101: {  	v5 =	vmul.f32 v5, v13;
	[tilespmem:s10+$0x70] =	vst v7;
	v7 =	vld [tilespmem:s10+$0x50]  }
0x102: {  	v6 =	vld [tilespmem:s10+$0x10]  }
0x103: {  	[tilespmem:s10+$0x40] =	vst v5;
	v5 =	vld [tilespmem:s10+$0x30];
	v11 =	vmul.f32 v62, v11  }
0x104: {  	s14 =	simm.s32 $0x0;
	s15 =	simm.s32 $0x1710;
	v10 =	vmul.f32 v14, v63;
	v4 =	vld [tilespmem:s11+$0x50]  }
.LBB2_7:
0x105: {  	v12 =	vld [tilespmem:s15+$0x60];
	[tilespmem:s10+$0xFFFFFF90] =	vst v11;
	v3 =	vmul.f32 v3, v9;
	s11 =	sadd.s32 $0x100, s11  }
0x106: {  	s14 =	sadd.s32 $0x8, s14;
	v9 =	vld [tilespmem:s11+$0x60];
	[tilespmem:s10+$0xFFFFFFB0] =	vst v10;
	v2 =	vmul.f32 v2, v8  }
0x107: {  	p0 =	slt.u32 s14, $0x48;
	v8 =	vld [tilespmem:s11+$0xFFFFFF80];
	[tilespmem:s10+$0xFFFFFFD0] =	vst v3;
	v0 =	vmul.f32 v0, v6  }
0x108: {  	v3 =	vld [tilespmem:s15+$0xFFFFFFA0];
	[tilespmem:s10+$0xFFFFFFF0] =	vst v2;
	v1 =	vmul.f32 v1, v5  }
0x109: {  	v2 =	vld [tilespmem:s11+$0xFFFFFFA0];
	[tilespmem:s10+$0x10] =	vst v0;
	v0 =	vmul.f32 v4, v7  }
0x10a: {  	v4 =	vld [tilespmem:s15+$0xFFFFFFC0];
	[tilespmem:s10+$0x30] =	vst v1  }
0x10b: {  	v1 =	vld [tilespmem:s11+$0xFFFFFFC0];
	v5 =	vmul.f32 v9, v12;
	[tilespmem:s10+$0x50] =	vst v0;
	s10 =	smov.u32 s15  }
0x10c: {  	v0 =	vld [tilespmem:s15+$0xFFFFFFE0]  }
0x10d: {  	[tilespmem:s15+$0x60] =	vst v5;
	v5 =	vld [tilespmem:s15+$0x70]  }
0x10e: {  	v2 =	vmul.f32 v2, v3;
	v3 =	vld [tilespmem:s11+$0x70]  }
0x10f: {  	v6 =	vld [tilespmem:s11+$0xFFFFFFE0]  }
0x110: {  	[tilespmem:s15+$0xFFFFFFA0] =	vst v2;
	v1 =	vmul.f32 v1, v4;
	v2 =	vld [tilespmem:s15+$0x0]  }
0x111: {  	v4 =	vld [tilespmem:s11+$0x0]  }
0x112: {  	[tilespmem:s15+$0xFFFFFFC0] =	vst v1;
	v1 =	vld [tilespmem:s15+$0x20]  }
0x113: {  	v7 =	vld [tilespmem:s11+$0x20];
	v3 =	vmul.f32 v3, v5  }
0x114: {  	v0 =	vmul.f32 v6, v0;
	v5 =	vld [tilespmem:s15+$0x40]  }
0x115: {  	v6 =	vld [tilespmem:s11+$0x40];
	[tilespmem:s15+$0x70] =	vst v3  }
0x116: {  	v9 =	vld [tilespmem:s15+$0xFFFFFF80];
	[tilespmem:s15+$0xFFFFFFE0] =	vst v0;
	v0 =	vmul.f32 v4, v2  }
0x117: {  	v10 =	vld [tilespmem:s11+$0xFFFFFFB0]  }
0x118: {  	v3 =	vld [tilespmem:s11+$0xFFFFFFD0];
	[tilespmem:s15+$0x0] =	vst v0;
	v1 =	vmul.f32 v7, v1  }
0x119: {  	v2 =	vld [tilespmem:s11+$0xFFFFFFF0]  }
0x11a: {  	v0 =	vld [tilespmem:s11+$0x10];
	[tilespmem:s15+$0x20] =	vst v1;
	v4 =	vmul.f32 v6, v5  }
0x11b: {  	v5 =	vmul.f32 v8, v9;
	v1 =	vld [tilespmem:s11+$0x30]  }
0x11c: {  	v7 =	vld [tilespmem:s15+$0xFFFFFF90];
	[tilespmem:s15+$0x40] =	vst v4  }
0x11d: {  	[tilespmem:s15+$0xFFFFFF80] =	vst v5;
	v4 =	vld [tilespmem:s11+$0x50]  }
0x11e: {  	v5 =	vld [tilespmem:s11+$0xFFFFFF90]  }
0x11f: {  	v12 =	vld [tilespmem:s15+$0xFFFFFFB0]  }
.Ltmp2:
0x120: {  	v9 =	vld [tilespmem:s15+$0xFFFFFFD0];
	(pc) =	sbr.rel @p0 .LBB2_7-.Ltmp2, $4  }
0x121: {  	v8 =	vld [tilespmem:s15+$0xFFFFFFF0]  }
0x122: {  	v6 =	vld [tilespmem:s15+$0x10]  }
0x123: {  	v11 =	vmul.f32 v5, v7;
	v5 =	vld [tilespmem:s15+$0x30]  }
0x124: {  	s15 =	sadd.s32 $0x100, s15;
	v10 =	vmul.f32 v10, v12;
	v7 =	vld [tilespmem:s10+$0x50]  }
0x125: {  	[tilespmem:s10+$0xFFFFFF90] =	vst v11;
	v3 =	vmul.f32 v3, v9  }
0x126: {  	[tilespmem:s10+$0xFFFFFFB0] =	vst v10;
	v2 =	vmul.f32 v2, v8  }
0x127: {  	[tilespmem:s10+$0xFFFFFFD0] =	vst v3;
	v0 =	vmul.f32 v0, v6  }
0x128: {  	[tilespmem:s10+$0xFFFFFFF0] =	vst v2;
	v1 =	vmul.f32 v1, v5  }
0x129: {  	[tilespmem:s10+$0x10] =	vst v0;
	v0 =	vmul.f32 v4, v7  }
0x12a: {  	[tilespmem:s10+$0x30] =	vst v1  }
0x12b: {  	s9 =	sadd.s32 s1, s9;
	[tilespmem:s10+$0x50] =	vst v0  }
0x12c: {  	[hbm4b:s9+s3] =	stream.linear.scatter [tilespmem:s24], [sflag:$0xB], $0xA00, $0x38;
	[tilespmem:$0x6590] =	vst v63  }
0x12d: {  	_ =	swait.ge [sflag:s22], $0xA00  }
0x12e: {  	[sflag:s22] =	ssyncset.done $0x0  }
0x12f: {  	[sflag:s22] =	ssyncadd.s32 $0xFFFFF600  }
0x130: {  	_ =	swait.ge [sflag:s22], $0xA00  }
0x131: {  	[sflag:s22] =	ssyncset.done $0x0  }
0x132: {  	s9 =	simm.s32 $0x2010;
	[sflag:s22] =	ssyncadd.s32 $0xFFFFF600  }
0x133: {  	s10 =	simm.s32 $0x5210;
	v0 =	vld [tilespmem:s9+$0x60]  }
0x134: {  	v1 =	vld [tilespmem:s10+$0x60]  }
0x135: {  	v4 =	vld [tilespmem:s10+$0xFFFFFF80]  }
0x136: {  	v2 =	vld [tilespmem:s9+$0xFFFFFFA0]  }
0x137: {  	v3 =	vld [tilespmem:s10+$0xFFFFFFA0]  }
0x138: {  	v5 =	vld [tilespmem:s9+$0xFFFFFFC0]  }
0x139: {  	v6 =	vld [tilespmem:s9+$0xFFFFFFE0]  }
0x13a: {  	v7 =	vld [tilespmem:s9+$0x70]  }
0x13b: {  	v8 =	vld [tilespmem:s9+$0x0]  }
0x13c: {  	v9 =	vld [tilespmem:s10+$0x0]  }
0x13d: {  	v11 =	vld [tilespmem:s9+$0x20];
	v0 =	vmul.f32 v1, v0  }
0x13e: {  	v12 =	vld [tilespmem:s10+$0x20]  }
0x13f: {  	[tilespmem:s9+$0x60] =	vst v0;
	v0 =	vld [tilespmem:s10+$0xFFFFFFE0]  }
0x140: {  	v1 =	vld [tilespmem:s10+$0xFFFFFFC0]  }
0x141: {  	v13 =	vld [tilespmem:s9+$0x40]  }
0x142: {  	v63 =	vld [tilespmem:s9+$0xFFFFFFB0];
	v2 =	vmul.f32 v3, v2  }
0x143: {  	v10 =	vld [tilespmem:s10+$0x70]  }
0x144: {  	[tilespmem:s9+$0xFFFFFFA0] =	vst v2;
	v0 =	vmul.f32 v0, v6;
	v6 =	vld [tilespmem:s9+$0xFFFFFF80]  }
0x145: {  	v14 =	vld [tilespmem:s10+$0xFFFFFFB0];
	v1 =	vmul.f32 v1, v5  }
0x146: {  	v5 =	vld [tilespmem:s10+$0x40]  }
0x147: {  	[tilespmem:s9+$0xFFFFFFC0] =	vst v1;
	v1 =	vmul.f32 v9, v8;
	v8 =	vmul.f32 v12, v11;
	v11 =	vld [tilespmem:s9+$0xFFFFFF90]  }
0x148: {  	v9 =	vld [tilespmem:s9+$0xFFFFFFD0]  }
0x149: {  	v3 =	vld [tilespmem:s10+$0xFFFFFFD0];
	[tilespmem:s9+$0xFFFFFFE0] =	vst v0;
	v4 =	vmul.f32 v4, v6  }
0x14a: {  	[tilespmem:s9+$0x20] =	vst v8;
	v8 =	vld [tilespmem:s9+$0xFFFFFFF0]  }
0x14b: {  	v2 =	vld [tilespmem:s10+$0xFFFFFFF0];
	[tilespmem:s9+$0xFFFFFF80] =	vst v4  }
0x14c: {  	[tilespmem:s9+$0x0] =	vst v1;
	v62 =	vld [tilespmem:s10+$0xFFFFFF90]  }
0x14d: {  	v7 =	vmul.f32 v10, v7;
	v0 =	vld [tilespmem:s10+$0x10]  }
0x14e: {  	v1 =	vld [tilespmem:s10+$0x30]  }
0x14f: {  	v5 =	vmul.f32 v5, v13;
	[tilespmem:s9+$0x70] =	vst v7;
	v7 =	vld [tilespmem:s9+$0x50]  }
0x150: {  	v6 =	vld [tilespmem:s9+$0x10]  }
0x151: {  	[tilespmem:s9+$0x40] =	vst v5;
	v5 =	vld [tilespmem:s9+$0x30];
	v11 =	vmul.f32 v62, v11  }
0x152: {  	s11 =	simm.s32 $0x0;
	s14 =	simm.s32 $0x2110;
	v10 =	vmul.f32 v14, v63;
	v4 =	vld [tilespmem:s10+$0x50]  }
.LBB2_9:
0x153: {  	v12 =	vld [tilespmem:s14+$0x60];
	[tilespmem:s9+$0xFFFFFF90] =	vst v11;
	v3 =	vmul.f32 v3, v9;
	s10 =	sadd.s32 $0x100, s10  }
0x154: {  	s11 =	sadd.s32 $0x8, s11;
	v9 =	vld [tilespmem:s10+$0x60];
	[tilespmem:s9+$0xFFFFFFB0] =	vst v10;
	v2 =	vmul.f32 v2, v8  }
0x155: {  	p0 =	slt.u32 s11, $0x48;
	v8 =	vld [tilespmem:s10+$0xFFFFFF80];
	[tilespmem:s9+$0xFFFFFFD0] =	vst v3;
	v0 =	vmul.f32 v0, v6  }
0x156: {  	v3 =	vld [tilespmem:s14+$0xFFFFFFA0];
	[tilespmem:s9+$0xFFFFFFF0] =	vst v2;
	v1 =	vmul.f32 v1, v5  }
0x157: {  	v2 =	vld [tilespmem:s10+$0xFFFFFFA0];
	[tilespmem:s9+$0x10] =	vst v0;
	v0 =	vmul.f32 v4, v7  }
0x158: {  	v4 =	vld [tilespmem:s14+$0xFFFFFFC0];
	[tilespmem:s9+$0x30] =	vst v1  }
0x159: {  	v1 =	vld [tilespmem:s10+$0xFFFFFFC0];
	v5 =	vmul.f32 v9, v12;
	[tilespmem:s9+$0x50] =	vst v0;
	s9 =	smov.u32 s14  }
0x15a: {  	v0 =	vld [tilespmem:s14+$0xFFFFFFE0]  }
0x15b: {  	[tilespmem:s14+$0x60] =	vst v5;
	v5 =	vld [tilespmem:s14+$0x70]  }
0x15c: {  	v2 =	vmul.f32 v2, v3;
	v3 =	vld [tilespmem:s10+$0x70]  }
0x15d: {  	v6 =	vld [tilespmem:s10+$0xFFFFFFE0]  }
0x15e: {  	[tilespmem:s14+$0xFFFFFFA0] =	vst v2;
	v1 =	vmul.f32 v1, v4;
	v2 =	vld [tilespmem:s14+$0x0]  }
0x15f: {  	v4 =	vld [tilespmem:s10+$0x0]  }
0x160: {  	[tilespmem:s14+$0xFFFFFFC0] =	vst v1;
	v1 =	vld [tilespmem:s14+$0x20]  }
0x161: {  	v7 =	vld [tilespmem:s10+$0x20];
	v3 =	vmul.f32 v3, v5  }
0x162: {  	v0 =	vmul.f32 v6, v0;
	v5 =	vld [tilespmem:s14+$0x40]  }
0x163: {  	v6 =	vld [tilespmem:s10+$0x40];
	[tilespmem:s14+$0x70] =	vst v3  }
0x164: {  	v9 =	vld [tilespmem:s14+$0xFFFFFF80];
	[tilespmem:s14+$0xFFFFFFE0] =	vst v0;
	v0 =	vmul.f32 v4, v2  }
0x165: {  	v10 =	vld [tilespmem:s10+$0xFFFFFFB0]  }
0x166: {  	v3 =	vld [tilespmem:s10+$0xFFFFFFD0];
	[tilespmem:s14+$0x0] =	vst v0;
	v1 =	vmul.f32 v7, v1  }
0x167: {  	v2 =	vld [tilespmem:s10+$0xFFFFFFF0]  }
0x168: {  	v0 =	vld [tilespmem:s10+$0x10];
	[tilespmem:s14+$0x20] =	vst v1;
	v4 =	vmul.f32 v6, v5  }
0x169: {  	v5 =	vmul.f32 v8, v9;
	v1 =	vld [tilespmem:s10+$0x30]  }
0x16a: {  	v7 =	vld [tilespmem:s14+$0xFFFFFF90];
	[tilespmem:s14+$0x40] =	vst v4  }
0x16b: {  	[tilespmem:s14+$0xFFFFFF80] =	vst v5;
	v4 =	vld [tilespmem:s10+$0x50]  }
0x16c: {  	v5 =	vld [tilespmem:s10+$0xFFFFFF90]  }
0x16d: {  	v12 =	vld [tilespmem:s14+$0xFFFFFFB0]  }
.Ltmp3:
0x16e: {  	v9 =	vld [tilespmem:s14+$0xFFFFFFD0];
	(pc) =	sbr.rel @p0 .LBB2_9-.Ltmp3, $4  }
0x16f: {  	v8 =	vld [tilespmem:s14+$0xFFFFFFF0]  }
0x170: {  	v6 =	vld [tilespmem:s14+$0x10]  }
0x171: {  	v11 =	vmul.f32 v5, v7;
	v5 =	vld [tilespmem:s14+$0x30]  }
0x172: {  	s14 =	sadd.s32 $0x100, s14;
	v10 =	vmul.f32 v10, v12;
	v7 =	vld [tilespmem:s9+$0x50]  }
0x173: {  	[tilespmem:s9+$0xFFFFFF90] =	vst v11;
	v3 =	vmul.f32 v3, v9  }
0x174: {  	[tilespmem:s9+$0xFFFFFFB0] =	vst v10;
	v2 =	vmul.f32 v2, v8  }
0x175: {  	[tilespmem:s9+$0xFFFFFFD0] =	vst v3;
	v0 =	vmul.f32 v0, v6  }
0x176: {  	[tilespmem:s9+$0xFFFFFFF0] =	vst v2;
	v1 =	vmul.f32 v1, v5  }
0x177: {  	[tilespmem:s9+$0x10] =	vst v0;
	v0 =	vmul.f32 v4, v7  }
0x178: {  	[tilespmem:s9+$0x30] =	vst v1  }
0x179: {  	s8 =	sadd.s32 s1, s8;
	[tilespmem:s9+$0x50] =	vst v0  }
0x17a: {  	[hbm4b:s8+s3] =	stream.linear.scatter [tilespmem:s28], [sflag:$0xB], $0xA00, $0x38;
	[tilespmem:$0x6590] =	vst v63  }
0x17b: {  	_ =	swait.ge [sflag:s25], $0xA00  }
0x17c: {  	[sflag:s25] =	ssyncset.done $0x0  }
0x17d: {  	[sflag:s25] =	ssyncadd.s32 $0xFFFFF600  }
0x17e: {  	_ =	swait.ge [sflag:s25], $0xA00  }
0x17f: {  	[sflag:s25] =	ssyncset.done $0x0  }
0x180: {  	s8 =	simm.s32 $0x2A10;
	[sflag:s25] =	ssyncadd.s32 $0xFFFFF600  }
0x181: {  	s9 =	simm.s32 $0x5C10;
	v0 =	vld [tilespmem:s8+$0x60]  }
0x182: {  	v1 =	vld [tilespmem:s9+$0x60]  }
0x183: {  	v4 =	vld [tilespmem:s9+$0xFFFFFF80]  }
0x184: {  	v2 =	vld [tilespmem:s8+$0xFFFFFFA0]  }
0x185: {  	v3 =	vld [tilespmem:s9+$0xFFFFFFA0]  }
0x186: {  	v5 =	vld [tilespmem:s8+$0xFFFFFFC0]  }
0x187: {  	v6 =	vld [tilespmem:s8+$0xFFFFFFE0]  }
0x188: {  	v7 =	vld [tilespmem:s8+$0x70]  }
0x189: {  	v8 =	vld [tilespmem:s8+$0x0]  }
0x18a: {  	v9 =	vld [tilespmem:s9+$0x0]  }
0x18b: {  	v11 =	vld [tilespmem:s8+$0x20];
	v0 =	vmul.f32 v1, v0  }
0x18c: {  	v12 =	vld [tilespmem:s9+$0x20]  }
0x18d: {  	[tilespmem:s8+$0x60] =	vst v0;
	v0 =	vld [tilespmem:s9+$0xFFFFFFE0]  }
0x18e: {  	v1 =	vld [tilespmem:s9+$0xFFFFFFC0]  }
0x18f: {  	v13 =	vld [tilespmem:s8+$0x40]  }
0x190: {  	v63 =	vld [tilespmem:s8+$0xFFFFFFB0];
	v2 =	vmul.f32 v3, v2  }
0x191: {  	v10 =	vld [tilespmem:s9+$0x70]  }
0x192: {  	[tilespmem:s8+$0xFFFFFFA0] =	vst v2;
	v0 =	vmul.f32 v0, v6;
	v6 =	vld [tilespmem:s8+$0xFFFFFF80]  }
0x193: {  	v14 =	vld [tilespmem:s9+$0xFFFFFFB0];
	v1 =	vmul.f32 v1, v5  }
0x194: {  	v5 =	vld [tilespmem:s9+$0x40]  }
0x195: {  	[tilespmem:s8+$0xFFFFFFC0] =	vst v1;
	v1 =	vmul.f32 v9, v8;
	v8 =	vmul.f32 v12, v11;
	v11 =	vld [tilespmem:s8+$0xFFFFFF90]  }
0x196: {  	v9 =	vld [tilespmem:s8+$0xFFFFFFD0]  }
0x197: {  	v3 =	vld [tilespmem:s9+$0xFFFFFFD0];
	[tilespmem:s8+$0xFFFFFFE0] =	vst v0;
	v4 =	vmul.f32 v4, v6  }
0x198: {  	[tilespmem:s8+$0x20] =	vst v8;
	v8 =	vld [tilespmem:s8+$0xFFFFFFF0]  }
0x199: {  	v2 =	vld [tilespmem:s9+$0xFFFFFFF0];
	[tilespmem:s8+$0xFFFFFF80] =	vst v4  }
0x19a: {  	[tilespmem:s8+$0x0] =	vst v1;
	v62 =	vld [tilespmem:s9+$0xFFFFFF90]  }
0x19b: {  	v7 =	vmul.f32 v10, v7;
	v0 =	vld [tilespmem:s9+$0x10]  }
0x19c: {  	v1 =	vld [tilespmem:s9+$0x30]  }
0x19d: {  	v5 =	vmul.f32 v5, v13;
	[tilespmem:s8+$0x70] =	vst v7;
	v7 =	vld [tilespmem:s8+$0x50]  }
0x19e: {  	v6 =	vld [tilespmem:s8+$0x10]  }
0x19f: {  	[tilespmem:s8+$0x40] =	vst v5;
	v5 =	vld [tilespmem:s8+$0x30];
	v11 =	vmul.f32 v62, v11  }
0x1a0: {  	s10 =	simm.s32 $0x0;
	s11 =	simm.s32 $0x2B10;
	v10 =	vmul.f32 v14, v63;
	v4 =	vld [tilespmem:s9+$0x50]  }
.LBB2_11:
0x1a1: {  	v12 =	vld [tilespmem:s11+$0x60];
	[tilespmem:s8+$0xFFFFFF90] =	vst v11;
	v3 =	vmul.f32 v3, v9;
	s9 =	sadd.s32 $0x100, s9  }
0x1a2: {  	s10 =	sadd.s32 $0x8, s10;
	v9 =	vld [tilespmem:s9+$0x60];
	[tilespmem:s8+$0xFFFFFFB0] =	vst v10;
	v2 =	vmul.f32 v2, v8  }
0x1a3: {  	p0 =	slt.u32 s10, $0x48;
	v8 =	vld [tilespmem:s9+$0xFFFFFF80];
	[tilespmem:s8+$0xFFFFFFD0] =	vst v3;
	v0 =	vmul.f32 v0, v6  }
0x1a4: {  	v3 =	vld [tilespmem:s11+$0xFFFFFFA0];
	[tilespmem:s8+$0xFFFFFFF0] =	vst v2;
	v1 =	vmul.f32 v1, v5  }
0x1a5: {  	v2 =	vld [tilespmem:s9+$0xFFFFFFA0];
	[tilespmem:s8+$0x10] =	vst v0;
	v0 =	vmul.f32 v4, v7  }
0x1a6: {  	v4 =	vld [tilespmem:s11+$0xFFFFFFC0];
	[tilespmem:s8+$0x30] =	vst v1  }
0x1a7: {  	v1 =	vld [tilespmem:s9+$0xFFFFFFC0];
	v5 =	vmul.f32 v9, v12;
	[tilespmem:s8+$0x50] =	vst v0;
	s8 =	smov.u32 s11  }
0x1a8: {  	v0 =	vld [tilespmem:s11+$0xFFFFFFE0]  }
0x1a9: {  	[tilespmem:s11+$0x60] =	vst v5;
	v5 =	vld [tilespmem:s11+$0x70]  }
0x1aa: {  	v2 =	vmul.f32 v2, v3;
	v3 =	vld [tilespmem:s9+$0x70]  }
0x1ab: {  	v6 =	vld [tilespmem:s9+$0xFFFFFFE0]  }
0x1ac: {  	[tilespmem:s11+$0xFFFFFFA0] =	vst v2;
	v1 =	vmul.f32 v1, v4;
	v2 =	vld [tilespmem:s11+$0x0]  }
0x1ad: {  	v4 =	vld [tilespmem:s9+$0x0]  }
0x1ae: {  	[tilespmem:s11+$0xFFFFFFC0] =	vst v1;
	v1 =	vld [tilespmem:s11+$0x20]  }
0x1af: {  	v7 =	vld [tilespmem:s9+$0x20];
	v3 =	vmul.f32 v3, v5  }
0x1b0: {  	v0 =	vmul.f32 v6, v0;
	v5 =	vld [tilespmem:s11+$0x40]  }
0x1b1: {  	v6 =	vld [tilespmem:s9+$0x40];
	[tilespmem:s11+$0x70] =	vst v3  }
0x1b2: {  	v9 =	vld [tilespmem:s11+$0xFFFFFF80];
	[tilespmem:s11+$0xFFFFFFE0] =	vst v0;
	v0 =	vmul.f32 v4, v2  }
0x1b3: {  	v10 =	vld [tilespmem:s9+$0xFFFFFFB0]  }
0x1b4: {  	v3 =	vld [tilespmem:s9+$0xFFFFFFD0];
	[tilespmem:s11+$0x0] =	vst v0;
	v1 =	vmul.f32 v7, v1  }
0x1b5: {  	v2 =	vld [tilespmem:s9+$0xFFFFFFF0]  }
0x1b6: {  	v0 =	vld [tilespmem:s9+$0x10];
	[tilespmem:s11+$0x20] =	vst v1;
	v4 =	vmul.f32 v6, v5  }
0x1b7: {  	v5 =	vmul.f32 v8, v9;
	v1 =	vld [tilespmem:s9+$0x30]  }
0x1b8: {  	v7 =	vld [tilespmem:s11+$0xFFFFFF90];
	[tilespmem:s11+$0x40] =	vst v4  }
0x1b9: {  	[tilespmem:s11+$0xFFFFFF80] =	vst v5;
	v4 =	vld [tilespmem:s9+$0x50]  }
0x1ba: {  	v5 =	vld [tilespmem:s9+$0xFFFFFF90]  }
0x1bb: {  	v12 =	vld [tilespmem:s11+$0xFFFFFFB0]  }
.Ltmp4:
0x1bc: {  	v9 =	vld [tilespmem:s11+$0xFFFFFFD0];
	(pc) =	sbr.rel @p0 .LBB2_11-.Ltmp4, $4  }
0x1bd: {  	v8 =	vld [tilespmem:s11+$0xFFFFFFF0]  }
0x1be: {  	v6 =	vld [tilespmem:s11+$0x10]  }
0x1bf: {  	v11 =	vmul.f32 v5, v7;
	v5 =	vld [tilespmem:s11+$0x30]  }
0x1c0: {  	s11 =	sadd.s32 $0x100, s11;
	v10 =	vmul.f32 v10, v12;
	v7 =	vld [tilespmem:s8+$0x50]  }
0x1c1: {  	[tilespmem:s8+$0xFFFFFF90] =	vst v11;
	v3 =	vmul.f32 v3, v9  }
0x1c2: {  	[tilespmem:s8+$0xFFFFFFB0] =	vst v10;
	v2 =	vmul.f32 v2, v8  }
0x1c3: {  	[tilespmem:s8+$0xFFFFFFD0] =	vst v3;
	v0 =	vmul.f32 v0, v6  }
0x1c4: {  	[tilespmem:s8+$0xFFFFFFF0] =	vst v2;
	v1 =	vmul.f32 v1, v5  }
0x1c5: {  	[tilespmem:s8+$0x10] =	vst v0;
	v63 =	vmul.f32 v4, v7  }
0x1c6: {  	[tilespmem:s8+$0x30] =	vst v1  }
0x1c7: {  	s4 =	sadd.s32 s1, s4;
	[tilespmem:s8+$0x50] =	vst v63  }
0x1c8: {  	[hbm4b:s4+s3] =	stream.linear.scatter [tilespmem:s31], [sflag:$0xB], $0xA00, $0x38;
	[tilespmem:$0x6590] =	vst v63  }
0x1c9: {  	_ =	swait.ge [sflag:s29], $0xA00  }
0x1ca: {  	[sflag:s29] =	ssyncset.done $0x0  }
0x1cb: {  	[sflag:s29] =	ssyncadd.s32 $0xFFFFF600  }
0x1cc: {  	_ =	swait.ge [sflag:s29], $0xA00  }
0x1cd: {  	[sflag:s29] =	ssyncset.done $0x0  }
0x1ce: {  	[sflag:s29] =	ssyncadd.s32 $0xFFFFF600  }
0x1cf: {  	_ =	swait.ge [sflag:s29], $0xA00  }
0x1d0: {  	[sflag:s29] =	ssyncset.done $0x0  }
0x1d1: {  	s0 =	sadd.s32 $0x1, s0;
	[sflag:s29] =	ssyncadd.s32 $0xFFFFF600  }
0x1d2: {  	p0 =	sne.s32 s0, $0x19;
	_ =	swait.ge [sflag:s29], $0xA00  }
.Ltmp5:
0x1d3: {  	[sflag:s29] =	ssyncset.done $0x0;
	(pc) =	sbr.rel @p0 .LBB2_2-.Ltmp5, $4  }
0x1d4: {  	[sflag:s29] =	ssyncadd.s32 $0xFFFFF600  }
0x1d5: {  	_ =	swait.ge [sflag:s29], $0xA00  }
0x1d6: {  	[sflag:s29] =	ssyncset.done $0x0  }
0x1d7: {  	[sflag:s29] =	ssyncadd.s32 $0xFFFFF600  }
0x1d8: {  	s4 =	rddreg [dreg:$0x9]  }
0x1d9: {  	s0 =	rddreg [dreg:$0x7];
	s4 =	sadd.s32 $0x1, s4  }
0x1da: {  	p0 =	sne.s32 s4, s0  }
.Ltmp6:
0x1db: {  	_ = 	snop;
	(pc) =	sbr.rel @p0 .LBB2_1-.Ltmp6, $1  }
0x1dc: {  	_ =	sdelay $0x3  }
0x1dd: {  	_ =	sfence.sel $0x180000  }
0x1de: {  	[bflag:$0x0] =	sbarrier.arrive $0xFFFF  }
0x1df: {  	_ =	strace $0x9000004A  }
0x1e0: {  	s0 =	stileid.u32;
	[bflag:$0x2] =	sbarrier.arrive $0xFFFF  }
0x1e1: {  	p0 =	sne.s32 s0, $0x0;
	s0 =	rddreg [dreg:$0x2]  }
0x1e2: {  	s0 =	sadd.s32 @!p0 $0x100000, s0  }
0x1e3: {  	[sflag:s0] =	ssyncadd.tile.s32 @!p0 $0x1;
	_ =	shalt  }
.Lfunc_end2:
_tile_overlayer_lowered:
.L_overlay_start_2:
0x1e4: {  	(tag) =	ssettag $0x2  }
0x1e5: {  	s0 =	rddreg [dreg:$0x0];
	s2 =	stileid.u32  }
0x1e6: {  	s1 =	rddreg [dreg:$0x1];
	p0 =	sne.s32 s2, $0x0  }
0x1e7: {  	s3 =	rddreg [dreg:$0x2];
	[bflag:$0x3] =	sbarrier.arrive $0xFFFF;
	s2 =	simm.s32 @!p0 $0x1C0C  }
0x1e8: {  	[timem:s3], [sflag:s2] =	dma.local @!p0 [hbm:s0], s1  }
0x1e9: {  	s0 =	simm.s32 @!p0 $0xC  }
0x1ea: {  	_ =	swait.ge @!p0 [sflag:s0], s1  }
0x1eb: {  	s1 =	ssub.s32 @!p0 $0x0, s1;
	[sflag:s0] =	ssyncset.done @!p0 $0x0  }
0x1ec: {  	[sflag:s0] =	ssyncadd.s32 @!p0 s1  }
0x1ed: {  	[bflag:$0x3] =	sbarrier.arrive $0xFFFF  }
0x1ee: {  	_ =	shalt  }

// kernel: sparse-core-data-format-call.cloned.1.call-start
scs
called_computation_lowered:
.L_overlay_start_0:
0x0: {  	s2 =	sld [smem:$0x3FD9]  }
0x1: {  	s3 =	sld [smem:$0x3FFE];
	_ =	sdelay $0x1  }
0x2: {  	s1 =	srdreg.scid  }
0x3: {  	s0 =	sand.u32 $0x1, s1  }
0x4: {  	s18 =	sshll.u32 s0, $0xA;
	s2 =	sadd.s32 s3, s2  }
0x5: {  	s2 =	sadd.s32 s2, s18  }
0x6: {  	[smem:$0x3FC2] =	sst s2  }
0x7: {  	_ = 	snop  }
0x8: {  	s2 =	sld [smem:$0x3FD0];
	(tm) =	ssettm $0x1  }
0x9: {  	s19 =	sld [smem:$0x3FFB];
	_ =	sdelay $0x3  }
0xa: {  	_ =	strace s19  }
0xb: {  	s3 =	sld [smem:$0x3FFC];
	_ =	sdelay $0x3  }
0xc: {  	_ =	strace s3  }
0xd: {  	s3 =	sld [smem:$0x3FFD];
	_ =	sdelay $0x3  }
0xe: {  	_ =	strace s3  }
0xf: {  	_ =	strace $0x8FFFFFFF  }
0x10: {  	s20 =	sld [smem:$0x3FDB];
	_ =	sdelay $0x1  }
0x11: {  	s4 =	simm.s32 $_scs_section_size  }
0x12: {  	s5 =	simm.s32 $_size__tile_overlayer_lowered;
	s6 =	simm.s32 $_tile_overlayer_lowered  }
0x13: {  	s23 =	simm.s32 $0x1BFF;
	s22 =	sshll.u32 s6, $0x1;
	s3 =	sadd.s32 s4, s20  }
0x14: {  	s7 =	simm.s32 $0x0;
	s21 =	sshll.u32 s5, $0x1;
	s5 =	sadd.s32 s22, s3  }
0x15: {  	[timem:s7], [sflag:s23] =	dma.local [hbm:s5], s21  }
0x16: {  	_ =	swait.ge [sflag:s23], s21  }
0x17: {  	s4 =	ssub.s32 $0x0, s21;
	[sflag:s23] =	ssyncset.done $0x0  }
0x18: {  	[sflag:s23] =	ssyncadd.s32 s4;
	_ =	sdelay $0x1  }
0x19: {  	s24 =	simm.s32 $0x1B8B  }
0x1a: {  	_ =	swait.ge [sflag:s24], $0x1  }
0x1b: {  	[sflag:s24] =	ssyncset.done $0x0  }
0x1c: {  	s26 =	simm.s32 $0x1B8E;
	s25 =	sld [smem:$0x3FFE];
	[sflag:s24] =	ssyncadd.s32 $0xFFFFFFFF  }
0x1d: {  	s27 =	simm.s32 $execute0_lowered;
	[smem:$0x3FD2] =	sst s26  }
0x1e: {  	s5 =	sshll.u32 s27, $0x1;
	_ =	strace $0x8000004C;
	[dreg:$0x1] =	wrdreg $0xFFFFFFFF  }
0x1f: {  	s28 =	simm.s32 $_size_execute0_lowered;
	s3 =	sadd.s32 s3, s5;
	[dreg:$0x0] =	wrdreg $0x0  }
0x20: {  	s5 =	sshll.u32 s28, $0x1;
	[dreg:$0x2] =	wrdreg s3  }
0x21: {  	[dreg:$0x3] =	wrdreg s5  }
0x22: {  	[dreg:$0x4] =	wrdreg $0xC0  }
0x23: {  	_ =	task [dreg:s7], $0x5FFFF  }
0x24: {  	[dreg:$0x1] =	wrdreg $0xFFFFFFFF  }
0x25: {  	[dreg:$0x0] =	wrdreg $0x60  }
0x26: {  	[dreg:$0x2] =	wrdreg s25  }
0x27: {  	[dreg:$0x3] =	wrdreg s2  }
0x28: {  	[dreg:$0x4] =	wrdreg $0x9  }
0x29: {  	_ =	task.clear_ibuf [dreg:s7], $0x5FFFF;
	_ =	strace $0x9000004C  }
0x2a: {  	s29 =	simm.s32 $0x9;
	_ =	strace $0x8000004E  }
0x2b: {  	_ =	swait.ge [sflag:s29], $0x1  }
0x2c: {  	[sflag:s29] =	ssyncadd.s32 $0xFFFFFFFF  }
0x2d: {  	_ =	strace $0x9000004E  }
0x2e: {  	_ =	sfence  }
0x2f: {  	s30 =	sld [smem:$0x0];
	_ =	sdelay $0x2  }
0x30: {  	s31 =	sshll.u32 s1, $0xD;
	s1 =	sshrl.u32 s1, $0x2  }
0x31: {  	s3 =	sand.u32 $0x4000, s31;
	s1 =	sadd.s32 s1, s30  }
0x32: {  	s0 =	sor.u32 s3, s0;
	s1 =	sshll.u32 s1, $0x11  }
0x33: {  	s0 =	sor.u32 s1, s0  }
0x34: {  	s0 =	sadd.s32 $0x8F2B, s0  }
0x35: {  	[sflag:s0] =	ssyncadd.remote.s32 $0x1  }
0x36: {  	_ =	sfence.sel $0xFFFF  }
0x37: {  	[dreg:$0x0] =	wrdreg $0xFFFFFFFF;
	(pc) =	sbr.abs _section_cstart, $3  }
0x38: {  	[dreg:$0x1] =	wrdreg $0xFFFFFFFF  }
0x39: {  	_ =	task.clear_ibuf [dreg:s7], $0x2FFFF;
	_ =	strace $0x9FFFFFFF  }
0x3a: {  	(tm) =	ssettm $0x7FFFFFFF  }
0x3b: {  	_ =	shalt  }
tec
execute0_lowered:
.L_overlay_start_1:
0x0: {  	(tag) =	ssettag $0x1  }
0x1: {  	s0 =	srdreg.scid  }
0x2: {  	s1 =	sshll.u32 s0, $0x4  }
0x3: {  	s4 =	rddreg [dreg:$0x0];
	s0 =	stileid.u32;
	s1 =	sand.u32 $0x10, s1  }
0x4: {  	s2 =	rddreg [dreg:$0x1];
	s7 =	simm.s32 $0x1;
	s1 =	sor.u32 s0, s1  }
0x5: {  	s8 =	simm.s32 $0x2;
	s11 =	simm.s32 $0x0;
	s3 =	sshll.u32 s1, $0x7  }
0x6: {  	s10 =	simm.s32 $0x0;
	s4 =	sadd.s32 $0x1000, s4;
	s6 =	ssub.s32 $0x4E200, s3  }
.Ltmp0:
0x7: {  	s1 =	rddreg [dreg:$0x2];
	s5 =	sand.u32 $0xF80, s6;
	(pc) =	sbr.rel .LBB1_1-.Ltmp0, $4  }
0x8: {  	_ =	strace $0x8000004D;
	s9 =	smov.u32 s3;
	p0 =	sne.s32 s5, $0x0  }
0x9: {  	s6 =	sshrl.u32 s6, $0xC;
	s5 =	simm.s32 $0x1;
	s7 =	simm.s32 @!p0 $0x0  }
0xa: {  	[sflag:s5] =	ssyncpa.u1 $0x0;
	p0 =	por $0x0, $0x0;
	s6 =	sadd.s32 s7, s6  }
0xb: {  	[sflag:s8] =	ssyncpa.u1 $0x0;
	s8 =	simm.s32 $0x271000;
	s7 =	sadd.s32 $0x1, s6  }
.LBB1_4:
0xc: {  	s14 =	sshll.u32 s11, $0x3  }
0xd: {  	s30 =	sand.u32 $0x7F, s11;
	s14 =	sand.u32 $0xFFFFFC00, s14  }
0xe: {  	s11 =	sor.u32 s30, s14  }
0xf: {  	s15 =	smulhi.u32 $0xD1B71759, s11;
	_ =	sdelay $0x1  }
0x10: {  	s14 =	smulhi.u32 $0xD1B71759, s14;
	s15 =	sshrl.u32 s15, $0x12  }
0x11: {  	s15 =	smul.u32 $0x4E200, s15  }
0x12: {  	s14 =	sshrl.u32 s14, $0x12  }
0x13: {  	s14 =	sand.u32 $0x1F, s14;
	s11 =	ssub.s32 s11, s15  }
0x14: {  	s14 =	smul.u32 $0x9C40, s14;
	s15 =	sshrl.u32 s11, $0x3;
	s11 =	sand.u32 $0x7, s11  }
0x15: {  	s15 =	sadd.s32 s2, s15;
	s11 =	sshll.u32 s11, $0x12  }
0x16: {  	[tilespmem:s13+$0x0 ss:$0x81] =	vst.msk $0xffff, v0;
	s31 =	sadd.s32 s14, s15;
	s11 =	sor.u32 $0x400, s11  }
0x17: {  	[hbm4b:s31+s11] =	stream.strided.scatter [tilespmem:s12], [sflag:$0x2], $0x1000, s8, s11, $0x20;
	[tilespmem:$0x4040] =	vst v63  }
.LBB1_5:
0x18: {  	s13 =	sadd.s32 $0x1000, s9  }
0x19: {  	p2 =	sgt.s32 s13, $0x4E1FF  }
0x1a: {  	s13 =	smov.u32 @p2 s3;
	p2 =	sne.s32 s10, s7  }
.Ltmp1:
0x1b: {  	p1 =	slt.u32 s10, $0x2;
	(pc) =	sbr.rel @!p2 .LBB1_6-.Ltmp1, $4  }
0x1c: {  	s12 =	simm.s32 @!p1 $0x2  }
0x1d: {  	s14 =	sadd.s32 $0x1, s10;
	_ =	swait.ge @!p1 [sflag:s12], $0x1000  }
0x1e: {  	s11 =	smov.u32 s9;
	p0 =	por !p0, !p0;
	[sflag:s12] =	ssyncset.done @!p1 $0x0  }
0x1f: {  	s10 =	smov.u32 s14;
	s9 =	smov.u32 s13;
	[sflag:s12] =	ssyncadd.s32 @!p1 $0xFFFFF000  }
.LBB1_1:
0x20: {  	p1 =	sge.u32 s10, s6  }
0x21: {  	s12 =	sand.u32 @!p1 $0x1FFFFFF, s9  }
0x22: {  	s13 =	smulhi.u32 @!p1 $0x1A36E2F, s12;
	_ =	sdelay $0x1  }
0x23: {  	s13 =	sshrl.u32 @!p1 s13, $0xB  }
0x24: {  	s13 =	smul.u32 @!p1 $0x4E200, s13;
	_ =	sdelay $0x1  }
0x25: {  	s31 =	sadd.s32 $0xFFFFFFFF, s10;
	s14 =	sxor.u32 @!p1 $0xFFFFFFFF, s10;
	s12 =	ssub.s32 @!p1 s12, s13  }
0x26: {  	s15 =	simm.s32 @!p1 $0x80;
	s14 =	sshll.u32 @!p1 s14, $0xC;
	s12 =	sshll.u32 @!p1 s12, $0x4  }
0x27: {  	s13 =	sand.u32 @!p1 $0x1000, s14;
	s14 =	simm.s32 @!p1 $0x20;
	s12 =	sadd.s32 @!p1 s4, s12  }
0x28: {  	[tilespmem:s13], [sflag:$0x1] =	stream.strided.gather @!p1 [hbm4b:s12+s14], $0x1000, s15, s14, $0x38;
	[tilespmem:$0x4040] =	vst v63  }
0x29: {  	p1 =	sge.u32 s31, s6  }
.Ltmp2:
0x2a: {  	_ = 	snop;
	(pc) =	sbr.rel @p1 .LBB1_5-.Ltmp2, $1  }
0x2b: {  	_ =	sdelay $0x3  }
0x2c: {  	s12 =	simm.s32 $0x1  }
0x2d: {  	_ =	swait.ge [sflag:s5], $0x1000;
	s12 =	simm.s32 @!p0 $0x0  }
0x2e: {  	[sflag:s5] =	ssyncset.done $0x0;
	s13 =	sshll.u32 s12, $0xC  }
0x2f: {  	[sflag:s5] =	ssyncadd.s32 $0xFFFFF000;
	s16 =	sor.u32 $0x10, s13  }
0x30: {  	s12 =	smul.u32 $0x4080, s12;
	v1 =	vld [tilespmem:s16+$0x0]  }
0x31: {  	s30 =	sand.u32 $0x1, s10;
	v0 =	vld [tilespmem:s16+$0xFFFFFFF0]  }
0x32: {  	s13 =	smul.u32 $0x4080, s30;
	s12 =	sshrl.u32 s12, $0x2  }
0x33: {  	s14 =	sor.u32 $0x2000, s12  }
0x34: {  	s31 =	sshrl.u32 s13, $0x2;
	s13 =	sadd.s32 $0x0, s14  }
0x35: {  	s15 =	simm.s32 $0x4;
	s16 =	sadd.s32 $0x20, s16;
	s12 =	sor.u32 $0x2000, s31;
	[tilespmem:s13+$0x810 ss:$0x81] =	vst.msk $0xffff, v1  }
.LBB1_3:
0x36: {  	v1 =	vld [tilespmem:s16+$0x0];
	p1 =	sne.s32 s15, $0x1FC;
	[tilespmem:s13+$0x0 ss:$0x81] =	vst.msk $0xffff, v0;
	s13 =	smov.u32 s15;
	s15 =	sadd.s32 $0x4, s15  }
.Ltmp3:
0x37: {  	v0 =	vld [tilespmem:s16+$0xFFFFFFF0];
	(pc) =	sbr.rel @p1 .LBB1_3-.Ltmp3, $4  }
0x38: {  	_ = 	snop  }
0x39: {  	s13 =	sshra.s32 s13, $0x2  }
0x3a: {  	s13 =	sadd.s32 s13, s14  }
0x3b: {  	s16 =	sadd.s32 $0x20, s16;
	[tilespmem:s13+$0x810 ss:$0x81] =	vst.msk $0xffff, v1  }
.Ltmp4:
0x3c: {  	_ = 	snop;
	(pc) =	sbr.rel .LBB1_4-.Ltmp4, $1  }
0x3d: {  	_ =	sdelay $0x3  }
.LBB1_6:
0x3e: {  	_ =	sfence.sel $0x180000  }
0x3f: {  	s2 =	simm.s32 $0x1;
	[bflag:$0x0] =	sbarrier.arrive $0xFFFF  }
0x40: {  	s31 =	simm.s32 $0x2;
	[sflag:s2] =	ssyncpa.u1 $0x1  }
0x41: {  	[sflag:s31] =	ssyncpa.u1 $0x1  }
0x42: {  	p0 =	sne.s32 s0, $0x0;
	_ =	strace $0x9000004D  }
0x43: {  	s0 =	sadd.s32 @!p0 $0x100000, s1;
	[bflag:$0x2] =	sbarrier.arrive $0xFFFF  }
0x44: {  	[sflag:s0] =	ssyncadd.tile.s32 @!p0 $0x1;
	_ =	shalt  }
.Lfunc_end1:
_tile_overlayer_lowered:
.L_overlay_start_2:
0x45: {  	(tag) =	ssettag $0x2  }
0x46: {  	s0 =	rddreg [dreg:$0x0];
	s2 =	stileid.u32  }
0x47: {  	s1 =	rddreg [dreg:$0x1];
	p0 =	sne.s32 s2, $0x0  }
0x48: {  	s3 =	rddreg [dreg:$0x2];
	[bflag:$0x3] =	sbarrier.arrive $0xFFFF;
	s2 =	simm.s32 @!p0 $0x1C01  }
0x49: {  	[timem:s3], [sflag:s2] =	dma.local @!p0 [hbm:s0], s1  }
0x4a: {  	s0 =	simm.s32 @!p0 $0x1  }
0x4b: {  	_ =	swait.ge @!p0 [sflag:s0], s1  }
0x4c: {  	s1 =	ssub.s32 @!p0 $0x0, s1;
	[sflag:s0] =	ssyncset.done @!p0 $0x0  }
0x4d: {  	[sflag:s0] =	ssyncadd.s32 @!p0 s1  }
0x4e: {  	[bflag:$0x3] =	sbarrier.arrive $0xFFFF  }
0x4f: {  	_ =	shalt  }

</sc_bundles>
